<compile_context>
chip_gen: v7x
topology: tpu7x:2x2x1
jax: 0.10.2.dev20260603
libtpu: 0.0.44.dev20260713+nightly
codegen_flags: <defaults>
</compile_context>

<pallas_src>
import functools

import jax
import jax.numpy as jnp
import numpy as np
from jax import lax
from jax.experimental import pallas as pl
from jax.experimental.pallas import tpu as pltpu
from jax.experimental.pallas import tpu_sc as plsc

VOCAB_SIZE = 100000
EMBED_DIM = 128
BATCH = 4096
SEQ = 50

NUM_CORES = 2
NUM_SUBCORES = 16
NUM_WORKERS = NUM_CORES * NUM_SUBCORES
BATCH_PER_WORKER = BATCH // NUM_WORKERS
SLOT = BATCH_PER_WORKER
NBUF = 6

SCALE = float(np.float32(np.sqrt(np.float32(EMBED_DIM))))

_mesh = plsc.VectorSubcoreMesh(core_axis_name="c", subcore_axis_name="s")


@functools.partial(
    pl.kernel,
    mesh=_mesh,
    out_type=jax.ShapeDtypeStruct((SEQ, BATCH, EMBED_DIM), jnp.float32),
    scratch_types=[
        pltpu.VMEM((SEQ, BATCH_PER_WORKER), jnp.int32),
        pltpu.VMEM((NBUF * SLOT, EMBED_DIM), jnp.float32),
        [pltpu.SemaphoreType.DMA] * NBUF,
        [pltpu.SemaphoreType.DMA] * NBUF,
    ],
)
def _embed_lookup(x_hbm, tab_hbm, out_hbm, idx_v, rows_v, gsems, ssems):
    wid = lax.axis_index("s") * NUM_CORES + lax.axis_index("c")
    b0 = wid * BATCH_PER_WORKER

    pltpu.sync_copy(x_hbm.at[wid], idx_v)

    def gather_refs(si, slot):
        return tab_hbm.at[idx_v.at[si]], rows_v.at[pl.ds(slot * SLOT, SLOT)]

    def start_gather(si, slot):
        src, dst = gather_refs(si, slot)
        pltpu.async_copy(src, dst, gsems[slot])

    def wait_gather(si, slot):
        src, dst = gather_refs(si, slot)
        pltpu.make_async_copy(src, dst, gsems[slot]).wait()

    def store_refs(si, slot):
        return (
            rows_v.at[pl.ds(slot * SLOT, SLOT)],
            out_hbm.at[si, pl.ds(b0, BATCH_PER_WORKER)],
        )

    def start_store(si, slot):
        src, dst = store_refs(si, slot)
        pltpu.async_copy(src, dst, ssems[slot])

    def wait_store(si, slot):
        src, dst = store_refs(si, slot)
        pltpu.make_async_copy(src, dst, ssems[slot]).wait()

    def scale_slot(slot):
        def row_body(r, _):
            for j in range(EMBED_DIM // 16):
                sl = pl.ds(j * 16, 16)
                rows_v[slot * SLOT + r, sl] = rows_v[slot * SLOT + r, sl] * SCALE
            return _
        lax.fori_loop(0, SLOT, row_body, None, unroll=2)

    def step(si, slot):
        wait_gather(si, slot)
        scale_slot(slot)
        start_store(si, slot)

    for p in range(4):
        start_gather(p, p)
    step(0, 0)
    start_gather(4, 4)
    step(1, 1)
    start_gather(5, 5)

    def body(i, _):
        base = 2 + i * 6
        for s in range(NBUF):
            si = base + s
            slot = (2 + s) % NBUF
            wait_gather(si, slot)
            scale_slot(slot)
            start_store(si, slot)
            drain = (slot + 4) % NBUF
            wait_store(si - 2, drain)
            start_gather(si + 4, drain)
        return _

    lax.fori_loop(0, (SEQ - 8) // NBUF, body, None)

    step(44, 44 % NBUF)
    wait_store(42, 0)
    start_gather(48, 0)
    step(45, 45 % NBUF)
    wait_store(43, 1)
    start_gather(49, 1)
    for si in range(46, 50):
        step(si, si % NBUF)
        wait_store(si - 2, (si - 2) % NBUF)
    wait_store(48, 0)
    wait_store(49, 1)


def kernel(x, input_embedding):
    xprep = x.reshape(NUM_WORKERS, BATCH_PER_WORKER, SEQ).transpose(0, 2, 1)
    out_sm = _embed_lookup(xprep, input_embedding)
    return out_sm.transpose(1, 0, 2)

# --- scband reference (transcript-rebuilt; emitter-appended) ---
"""Pipeline reference for scband-embedder-11364483465610 (READ-ONLY COPY).

The authoritative reference and input builder live on the scoring server;
editing this copy changes nothing except your own understanding.
"""

import jax, jax.numpy as jnp
import numpy as np

VOCAB_SIZE = 100000
EMBED_DIM = 128
BATCH = 4096
SEQ = 50


def setup_inputs(seed: int = 0) -> dict:
    key = jax.random.key(seed)
    k1, k2 = jax.random.split(key)
    x = jax.random.randint(k1, (BATCH, SEQ), 0, VOCAB_SIZE, dtype=jnp.int32)
    # Learned parameter: input embedding table, normal init (stddev=0.01 like flax default)
    input_embedding = jax.random.normal(k2, (VOCAB_SIZE, EMBED_DIM), dtype=jnp.float32) * 0.01
    return {"x": x, "input_embedding": input_embedding}


def reference(x, input_embedding):
    # Faithful translation of Embedder.encode
    out = input_embedding[x,]
    out = out * jnp.sqrt(jnp.float32(EMBED_DIM)).astype(out.dtype)
    return out

if __name__ == "__main__":
    import jax
    _d = setup_inputs()
    print(jax.jit(kernel)(*tuple(_d.values())))

</pallas_src>

<mosaic_0001>
#map = affine_map<(d0, d1) -> (0, 0, 0)>
#map1 = affine_map<(d0, d1) -> (0, 0)>
module attributes {stable_mosaic.version = 14 : i64} {
  func.func @_embed_lookup(%arg0: i32, %arg1: i32, %arg2: memref<32x50x128xi32, #tpu.memory_space<hbm>>, %arg3: memref<100000x128xf32, #tpu.memory_space<hbm>>, %arg4: memref<50x4096x128xf32, #tpu.memory_space<hbm>>, %arg5: memref<50x128xi32, #tpu.memory_space<vmem>>, %arg6: memref<768x128xf32, #tpu.memory_space<vmem>>, %arg7: memref<!tpu.dma_semaphore, #tpu.memory_space<semaphore_mem>>, %arg8: memref<!tpu.dma_semaphore, #tpu.memory_space<semaphore_mem>>, %arg9: memref<!tpu.dma_semaphore, #tpu.memory_space<semaphore_mem>>, %arg10: memref<!tpu.dma_semaphore, #tpu.memory_space<semaphore_mem>>, %arg11: memref<!tpu.dma_semaphore, #tpu.memory_space<semaphore_mem>>, %arg12: memref<!tpu.dma_semaphore, #tpu.memory_space<semaphore_mem>>, %arg13: memref<!tpu.dma_semaphore, #tpu.memory_space<semaphore_mem>>, %arg14: memref<!tpu.dma_semaphore, #tpu.memory_space<semaphore_mem>>, %arg15: memref<!tpu.dma_semaphore, #tpu.memory_space<semaphore_mem>>, %arg16: memref<!tpu.dma_semaphore, #tpu.memory_space<semaphore_mem>>, %arg17: memref<!tpu.dma_semaphore, #tpu.memory_space<semaphore_mem>>, %arg18: memref<!tpu.dma_semaphore, #tpu.memory_space<semaphore_mem>>) attributes {dimension_semantics = [#tpu.dimension_semantics<core_parallel>, #tpu.dimension_semantics<subcore_parallel>], iteration_bounds = array<i64: 2, 16>, scalar_prefetch = 0 : i64, scratch_operands = 14 : i64, tpu.core_type = #tpu.core_type<sc_vector_subcore>, window_params = [{transform_indices = #map}, {transform_indices = #map1}, {transform_indices = #map}]} {
    %mul3A = arith.constant 2 : i32
    %mul3A_0 = arith.muli %arg1, %mul3A : i32
    %add3A = arith.addi %mul3A_0, %arg0 : i32
    %mul3A_1 = arith.constant 128 : i32
    %mul3A_2 = arith.muli %add3A, %mul3A_1 : i32
    "tpu.region"() ({
      %run_scoped3A = tpu.sem_alloc : memref<!tpu.dma_semaphore, #tpu.memory_space<semaphore_mem>>
      %dma_start3A_413 = arith.constant 0 : i32
      %dma_start3A_414 = arith.constant 0 : i32
      %dma_start3A_415 = tpu.memref_slice %arg2[%add3A, %dma_start3A_413, %dma_start3A_414] : memref<32x50x128xi32, #tpu.memory_space<hbm>> -> memref<1x50x128xi32, #tpu.memory_space<hbm>>
      %dma_start3A_416 = tpu.memref_squeeze %dma_start3A_415 : memref<1x50x128xi32, #tpu.memory_space<hbm>> -> memref<50x128xi32, #tpu.memory_space<hbm>>
      %dma_start3A_417 = arith.constant 0 : i32
      %dma_start3A_418 = arith.constant 0 : i32
      %dma_start3A_419 = tpu.memref_slice %arg2[%add3A, %dma_start3A_417, %dma_start3A_418] : memref<32x50x128xi32, #tpu.memory_space<hbm>> -> memref<1x50x128xi32, #tpu.memory_space<hbm>>
      %dma_start3A_420 = tpu.memref_squeeze %dma_start3A_419 : memref<1x50x128xi32, #tpu.memory_space<hbm>> -> memref<50x128xi32, #tpu.memory_space<hbm>>
      tpu.enqueue_dma source(%dma_start3A_420 : memref<50x128xi32, #tpu.memory_space<hbm>>) target(%arg5 : memref<50x128xi32, #tpu.memory_space<vmem>>) target_semaphore(%run_scoped3A : memref<!tpu.dma_semaphore, #tpu.memory_space<semaphore_mem>>)
      %dma_wait3A_421 = arith.constant 0 : i32
      %dma_wait3A_422 = arith.constant 0 : i32
      %dma_wait3A_423 = tpu.memref_slice %arg2[%add3A, %dma_wait3A_421, %dma_wait3A_422] : memref<32x50x128xi32, #tpu.memory_space<hbm>> -> memref<1x50x128xi32, #tpu.memory_space<hbm>>
      %dma_wait3A_424 = tpu.memref_squeeze %dma_wait3A_423 : memref<1x50x128xi32, #tpu.memory_space<hbm>> -> memref<50x128xi32, #tpu.memory_space<hbm>>
      %dma_wait3A_425 = arith.constant 0 : i32
      %dma_wait3A_426 = arith.constant 0 : i32
      %dma_wait3A_427 = tpu.memref_slice %arg2[%add3A, %dma_wait3A_425, %dma_wait3A_426] : memref<32x50x128xi32, #tpu.memory_space<hbm>> -> memref<1x50x128xi32, #tpu.memory_space<hbm>>
      %dma_wait3A_428 = tpu.memref_squeeze %dma_wait3A_427 : memref<1x50x128xi32, #tpu.memory_space<hbm>> -> memref<50x128xi32, #tpu.memory_space<hbm>>
      tpu.wait_dma2 semaphore(%run_scoped3A : memref<!tpu.dma_semaphore, #tpu.memory_space<semaphore_mem>>) src(%dma_wait3A_428 : memref<50x128xi32, #tpu.memory_space<hbm>>) dst(%arg5 : memref<50x128xi32, #tpu.memory_space<vmem>>)
      tpu.yield
    }) : () -> ()
    %dma_start3A = arith.constant 0 : i32
    %dma_start3A_3 = arith.constant 0 : i32
    %dma_start3A_4 = arith.constant 0 : i32
    %dma_start3A_5 = tpu.memref_slice %arg6[%dma_start3A_3, %dma_start3A_4] : memref<768x128xf32, #tpu.memory_space<vmem>> -> memref<128x128xf32, #tpu.memory_space<vmem>>
    %dma_start3A_6 = arith.constant 0 : i32
    %dma_start3A_7 = tpu.memref_slice %arg5[%dma_start3A, %dma_start3A_6] : memref<50x128xi32, #tpu.memory_space<vmem>> -> memref<1x128xi32, #tpu.memory_space<vmem>>
    %dma_start3A_8 = tpu.memref_squeeze %dma_start3A_7 : memref<1x128xi32, #tpu.memory_space<vmem>> -> memref<128xi32, #tpu.memory_space<vmem>>
    %dma_start3A_9 = arith.constant 0 : i32
    %dma_start3A_10 = arith.constant 0 : i32
    %dma_start3A_11 = tpu.memref_slice %arg3[%dma_start3A_9, %dma_start3A_10] : memref<100000x128xf32, #tpu.memory_space<hbm>> -> memref<100000x128xf32, #tpu.memory_space<hbm>>
    tpu.enqueue_indirect_dma source(%dma_start3A_11 : memref<100000x128xf32, #tpu.memory_space<hbm>>) target(%dma_start3A_5 : memref<128x128xf32, #tpu.memory_space<vmem>>) offsets(%dma_start3A_8 : memref<128xi32, #tpu.memory_space<vmem>>) semaphore(%arg7 : memref<!tpu.dma_semaphore, #tpu.memory_space<semaphore_mem>>)
    %dma_start3A_12 = arith.constant 1 : i32
    %dma_start3A_13 = arith.constant 128 : i32
    %dma_start3A_14 = arith.constant 0 : i32
    %dma_start3A_15 = tpu.memref_slice %arg6[%dma_start3A_13, %dma_start3A_14] : memref<768x128xf32, #tpu.memory_space<vmem>> -> memref<128x128xf32, #tpu.memory_space<vmem>>
    %dma_start3A_16 = arith.constant 0 : i32
    %dma_start3A_17 = tpu.memref_slice %arg5[%dma_start3A_12, %dma_start3A_16] : memref<50x128xi32, #tpu.memory_space<vmem>> -> memref<1x128xi32, #tpu.memory_space<vmem>>
    %dma_start3A_18 = tpu.memref_squeeze %dma_start3A_17 : memref<1x128xi32, #tpu.memory_space<vmem>> -> memref<128xi32, #tpu.memory_space<vmem>>
    %dma_start3A_19 = arith.constant 0 : i32
    %dma_start3A_20 = arith.constant 0 : i32
    %dma_start3A_21 = tpu.memref_slice %arg3[%dma_start3A_19, %dma_start3A_20] : memref<100000x128xf32, #tpu.memory_space<hbm>> -> memref<100000x128xf32, #tpu.memory_space<hbm>>
    tpu.enqueue_indirect_dma source(%dma_start3A_21 : memref<100000x128xf32, #tpu.memory_space<hbm>>) target(%dma_start3A_15 : memref<128x128xf32, #tpu.memory_space<vmem>>) offsets(%dma_start3A_18 : memref<128xi32, #tpu.memory_space<vmem>>) semaphore(%arg8 : memref<!tpu.dma_semaphore, #tpu.memory_space<semaphore_mem>>)
    %dma_start3A_22 = arith.constant 2 : i32
    %dma_start3A_23 = arith.constant 256 : i32
    %dma_start3A_24 = arith.constant 0 : i32
    %dma_start3A_25 = tpu.memref_slice %arg6[%dma_start3A_23, %dma_start3A_24] : memref<768x128xf32, #tpu.memory_space<vmem>> -> memref<128x128xf32, #tpu.memory_space<vmem>>
    %dma_start3A_26 = arith.constant 0 : i32
    %dma_start3A_27 = tpu.memref_slice %arg5[%dma_start3A_22, %dma_start3A_26] : memref<50x128xi32, #tpu.memory_space<vmem>> -> memref<1x128xi32, #tpu.memory_space<vmem>>
    %dma_start3A_28 = tpu.memref_squeeze %dma_start3A_27 : memref<1x128xi32, #tpu.memory_space<vmem>> -> memref<128xi32, #tpu.memory_space<vmem>>
    %dma_start3A_29 = arith.constant 0 : i32
    %dma_start3A_30 = arith.constant 0 : i32
    %dma_start3A_31 = tpu.memref_slice %arg3[%dma_start3A_29, %dma_start3A_30] : memref<100000x128xf32, #tpu.memory_space<hbm>> -> memref<100000x128xf32, #tpu.memory_space<hbm>>
    tpu.enqueue_indirect_dma source(%dma_start3A_31 : memref<100000x128xf32, #tpu.memory_space<hbm>>) target(%dma_start3A_25 : memref<128x128xf32, #tpu.memory_space<vmem>>) offsets(%dma_start3A_28 : memref<128xi32, #tpu.memory_space<vmem>>) semaphore(%arg9 : memref<!tpu.dma_semaphore, #tpu.memory_space<semaphore_mem>>)
    %dma_start3A_32 = arith.constant 3 : i32
    %dma_start3A_33 = arith.constant 384 : i32
    %dma_start3A_34 = arith.constant 0 : i32
    %dma_start3A_35 = tpu.memref_slice %arg6[%dma_start3A_33, %dma_start3A_34] : memref<768x128xf32, #tpu.memory_space<vmem>> -> memref<128x128xf32, #tpu.memory_space<vmem>>
    %dma_start3A_36 = arith.constant 0 : i32
    %dma_start3A_37 = tpu.memref_slice %arg5[%dma_start3A_32, %dma_start3A_36] : memref<50x128xi32, #tpu.memory_space<vmem>> -> memref<1x128xi32, #tpu.memory_space<vmem>>
    %dma_start3A_38 = tpu.memref_squeeze %dma_start3A_37 : memref<1x128xi32, #tpu.memory_space<vmem>> -> memref<128xi32, #tpu.memory_space<vmem>>
    %dma_start3A_39 = arith.constant 0 : i32
    %dma_start3A_40 = arith.constant 0 : i32
    %dma_start3A_41 = tpu.memref_slice %arg3[%dma_start3A_39, %dma_start3A_40] : memref<100000x128xf32, #tpu.memory_space<hbm>> -> memref<100000x128xf32, #tpu.memory_space<hbm>>
    tpu.enqueue_indirect_dma source(%dma_start3A_41 : memref<100000x128xf32, #tpu.memory_space<hbm>>) target(%dma_start3A_35 : memref<128x128xf32, #tpu.memory_space<vmem>>) offsets(%dma_start3A_38 : memref<128xi32, #tpu.memory_space<vmem>>) semaphore(%arg10 : memref<!tpu.dma_semaphore, #tpu.memory_space<semaphore_mem>>)
    %dma_wait3A = arith.constant 0 : i32
    %dma_wait3A_42 = arith.constant 0 : i32
    %dma_wait3A_43 = arith.constant 0 : i32
    %dma_wait3A_44 = tpu.memref_slice %arg6[%dma_wait3A_42, %dma_wait3A_43] : memref<768x128xf32, #tpu.memory_space<vmem>> -> memref<128x128xf32, #tpu.memory_space<vmem>>
    %dma_wait3A_45 = arith.constant 0 : i32
    %dma_wait3A_46 = tpu.memref_slice %arg5[%dma_wait3A, %dma_wait3A_45] : memref<50x128xi32, #tpu.memory_space<vmem>> -> memref<1x128xi32, #tpu.memory_space<vmem>>
    %dma_wait3A_47 = tpu.memref_squeeze %dma_wait3A_46 : memref<1x128xi32, #tpu.memory_space<vmem>> -> memref<128xi32, #tpu.memory_space<vmem>>
    %dma_wait3A_48 = arith.constant 0 : i32
    %dma_wait3A_49 = arith.constant 0 : i32
    %dma_wait3A_50 = tpu.memref_slice %arg3[%dma_wait3A_48, %dma_wait3A_49] : memref<100000x128xf32, #tpu.memory_space<hbm>> -> memref<100000x128xf32, #tpu.memory_space<hbm>>
    tpu.wait_indirect_dma semaphore(%arg7 : memref<!tpu.dma_semaphore, #tpu.memory_space<semaphore_mem>>) src(%dma_wait3A_50 : memref<100000x128xf32, #tpu.memory_space<hbm>>) dst(%dma_wait3A_44 : memref<128x128xf32, #tpu.memory_space<vmem>>)
    %scan3A = arith.constant 0 : i32
    %scan3A_51 = arith.constant 128 : i32
    %scan3A_52 = arith.addi %scan3A, %scan3A_51 : i32
    %scan3A_53 = arith.constant 2 : i32
    scf.for %scan3A_413 = %scan3A to %scan3A_52 step %scan3A_53  : i32 {
      %add3A_414 = arith.constant 0 : i32
      %add3A_415 = arith.addi %add3A_414, %scan3A_413 : i32
      %get3A = arith.index_cast %add3A_415 : i32 to index
      %get3A_416 = arith.constant 0 : index
      %get3A_417 = tpu.vector_load %arg6[%get3A, %get3A_416] {strides = array<i32>} : memref<768x128xf32, #tpu.memory_space<vmem>>, vector<1x16xf32>,
      %get3A_418 = vector.shape_cast %get3A_417 : vector<1x16xf32> to vector<16xf32>
      %mul3A_419 = arith.constant 11.3137083 : f32
      %mul3A_420 = vector.broadcast %mul3A_419 : f32 to vector<16xf32>
      %mul3A_421 = arith.mulf %get3A_418, %mul3A_420 : vector<16xf32>
      %add3A_422 = arith.constant 0 : i32
      %add3A_423 = arith.addi %add3A_422, %scan3A_413 : i32
      %swap3A = arith.index_cast %add3A_423 : i32 to index
      %swap3A_424 = arith.constant 0 : index
      %swap3A_425 = tpu.vector_load %arg6[%swap3A, %swap3A_424] {strides = array<i32>} : memref<768x128xf32, #tpu.memory_space<vmem>>, vector<1x16xf32>,
      %swap3A_426 = vector.shape_cast %swap3A_425 : vector<1x16xf32> to vector<16xf32>
      %swap3A_427 = vector.shape_cast %mul3A_421 : vector<16xf32> to vector<1x16xf32>
      tpu.vector_store %arg6[%swap3A, %swap3A_424], %swap3A_427 {strides = array<i32>} : memref<768x128xf32, #tpu.memory_space<vmem>>, vector<1x16xf32>,
      %add3A_428 = arith.constant 0 : i32
      %add3A_429 = arith.addi %add3A_428, %scan3A_413 : i32
      %get3A_430 = arith.index_cast %add3A_429 : i32 to index
      %get3A_431 = arith.constant 16 : index
      %get3A_432 = tpu.vector_load %arg6[%get3A_430, %get3A_431] {strides = array<i32>} : memref<768x128xf32, #tpu.memory_space<vmem>>, vector<1x16xf32>,
      %get3A_433 = vector.shape_cast %get3A_432 : vector<1x16xf32> to vector<16xf32>
      %mul3A_434 = arith.constant 11.3137083 : f32
      %mul3A_435 = vector.broadcast %mul3A_434 : f32 to vector<16xf32>
      %mul3A_436 = arith.mulf %get3A_433, %mul3A_435 : vector<16xf32>
      %add3A_437 = arith.constant 0 : i32
      %add3A_438 = arith.addi %add3A_437, %scan3A_413 : i32
      %swap3A_439 = arith.index_cast %add3A_438 : i32 to index
      %swap3A_440 = arith.constant 16 : index
      %swap3A_441 = tpu.vector_load %arg6[%swap3A_439, %swap3A_440] {strides = array<i32>} : memref<768x128xf32, #tpu.memory_space<vmem>>, vector<1x16xf32>,
      %swap3A_442 = vector.shape_cast %swap3A_441 : vector<1x16xf32> to vector<16xf32>
      %swap3A_443 = vector.shape_cast %mul3A_436 : vector<16xf32> to vector<1x16xf32>
      tpu.vector_store %arg6[%swap3A_439, %swap3A_440], %swap3A_443 {strides = array<i32>} : memref<768x128xf32, #tpu.memory_space<vmem>>, vector<1x16xf32>,
      %add3A_444 = arith.constant 0 : i32
      %add3A_445 = arith.addi %add3A_444, %scan3A_413 : i32
      %get3A_446 = arith.index_cast %add3A_445 : i32 to index
      %get3A_447 = arith.constant 32 : index
      %get3A_448 = tpu.vector_load %arg6[%get3A_446, %get3A_447] {strides = array<i32>} : memref<768x128xf32, #tpu.memory_space<vmem>>, vector<1x16xf32>,
      %get3A_449 = vector.shape_cast %get3A_448 : vector<1x16xf32> to vector<16xf32>
      %mul3A_450 = arith.constant 11.3137083 : f32
      %mul3A_451 = vector.broadcast %mul3A_450 : f32 to vector<16xf32>
      %mul3A_452 = arith.mulf %get3A_449, %mul3A_451 : vector<16xf32>
      %add3A_453 = arith.constant 0 : i32
      %add3A_454 = arith.addi %add3A_453, %scan3A_413 : i32
      %swap3A_455 = arith.index_cast %add3A_454 : i32 to index
      %swap3A_456 = arith.constant 32 : index
      %swap3A_457 = tpu.vector_load %arg6[%swap3A_455, %swap3A_456] {strides = array<i32>} : memref<768x128xf32, #tpu.memory_space<vmem>>, vector<1x16xf32>,
      %swap3A_458 = vector.shape_cast %swap3A_457 : vector<1x16xf32> to vector<16xf32>
      %swap3A_459 = vector.shape_cast %mul3A_452 : vector<16xf32> to vector<1x16xf32>
      tpu.vector_store %arg6[%swap3A_455, %swap3A_456], %swap3A_459 {strides = array<i32>} : memref<768x128xf32, #tpu.memory_space<vmem>>, vector<1x16xf32>,
      %add3A_460 = arith.constant 0 : i32
      %add3A_461 = arith.addi %add3A_460, %scan3A_413 : i32
      %get3A_462 = arith.index_cast %add3A_461 : i32 to index
      %get3A_463 = arith.constant 48 : index
      %get3A_464 = tpu.vector_load %arg6[%get3A_462, %get3A_463] {strides = array<i32>} : memref<768x128xf32, #tpu.memory_space<vmem>>, vector<1x16xf32>,
      %get3A_465 = vector.shape_cast %get3A_464 : vector<1x16xf32> to vector<16xf32>
      %mul3A_466 = arith.constant 11.3137083 : f32
      %mul3A_467 = vector.broadcast %mul3A_466 : f32 to vector<16xf32>
      %mul3A_468 = arith.mulf %get3A_465, %mul3A_467 : vector<16xf32>
      %add3A_469 = arith.constant 0 : i32
      %add3A_470 = arith.addi %add3A_469, %scan3A_413 : i32
      %swap3A_471 = arith.index_cast %add3A_470 : i32 to index
      %swap3A_472 = arith.constant 48 : index
      %swap3A_473 = tpu.vector_load %arg6[%swap3A_471, %swap3A_472] {strides = array<i32>} : memref<768x128xf32, #tpu.memory_space<vmem>>, vector<1x16xf32>,
      %swap3A_474 = vector.shape_cast %swap3A_473 : vector<1x16xf32> to vector<16xf32>
      %swap3A_475 = vector.shape_cast %mul3A_468 : vector<16xf32> to vector<1x16xf32>
      tpu.vector_store %arg6[%swap3A_471, %swap3A_472], %swap3A_475 {strides = array<i32>} : memref<768x128xf32, #tpu.memory_space<vmem>>, vector<1x16xf32>,
      %add3A_476 = arith.constant 0 : i32
      %add3A_477 = arith.addi %add3A_476, %scan3A_413 : i32
      %get3A_478 = arith.index_cast %add3A_477 : i32 to index
      %get3A_479 = arith.constant 64 : index
      %get3A_480 = tpu.vector_load %arg6[%get3A_478, %get3A_479] {strides = array<i32>} : memref<768x128xf32, #tpu.memory_space<vmem>>, vector<1x16xf32>,
      %get3A_481 = vector.shape_cast %get3A_480 : vector<1x16xf32> to vector<16xf32>
      %mul3A_482 = arith.constant 11.3137083 : f32
      %mul3A_483 = vector.broadcast %mul3A_482 : f32 to vector<16xf32>
      %mul3A_484 = arith.mulf %get3A_481, %mul3A_483 : vector<16xf32>
      %add3A_485 = arith.constant 0 : i32
      %add3A_486 = arith.addi %add3A_485, %scan3A_413 : i32
      %swap3A_487 = arith.index_cast %add3A_486 : i32 to index
      %swap3A_488 = arith.constant 64 : index
      %swap3A_489 = tpu.vector_load %arg6[%swap3A_487, %swap3A_488] {strides = array<i32>} : memref<768x128xf32, #tpu.memory_space<vmem>>, vector<1x16xf32>,
      %swap3A_490 = vector.shape_cast %swap3A_489 : vector<1x16xf32> to vector<16xf32>
      %swap3A_491 = vector.shape_cast %mul3A_484 : vector<16xf32> to vector<1x16xf32>
      tpu.vector_store %arg6[%swap3A_487, %swap3A_488], %swap3A_491 {strides = array<i32>} : memref<768x128xf32, #tpu.memory_space<vmem>>, vector<1x16xf32>,
      %add3A_492 = arith.constant 0 : i32
      %add3A_493 = arith.addi %add3A_492, %scan3A_413 : i32
      %get3A_494 = arith.index_cast %add3A_493 : i32 to index
      %get3A_495 = arith.constant 80 : index
      %get3A_496 = tpu.vector_load %arg6[%get3A_494, %get3A_495] {strides = array<i32>} : memref<768x128xf32, #tpu.memory_space<vmem>>, vector<1x16xf32>,
      %get3A_497 = vector.shape_cast %get3A_496 : vector<1x16xf32> to vector<16xf32>
      %mul3A_498 = arith.constant 11.3137083 : f32
      %mul3A_499 = vector.broadcast %mul3A_498 : f32 to vector<16xf32>
      %mul3A_500 = arith.mulf %get3A_497, %mul3A_499 : vector<16xf32>
      %add3A_501 = arith.constant 0 : i32
      %add3A_502 = arith.addi %add3A_501, %scan3A_413 : i32
      %swap3A_503 = arith.index_cast %add3A_502 : i32 to index
      %swap3A_504 = arith.constant 80 : index
      %swap3A_505 = tpu.vector_load %arg6[%swap3A_503, %swap3A_504] {strides = array<i32>} : memref<768x128xf32, #tpu.memory_space<vmem>>, vector<1x16xf32>,
      %swap3A_506 = vector.shape_cast %swap3A_505 : vector<1x16xf32> to vector<16xf32>
      %swap3A_507 = vector.shape_cast %mul3A_500 : vector<16xf32> to vector<1x16xf32>
      tpu.vector_store %arg6[%swap3A_503, %swap3A_504], %swap3A_507 {strides = array<i32>} : memref<768x128xf32, #tpu.memory_space<vmem>>, vector<1x16xf32>,
      %add3A_508 = arith.constant 0 : i32
      %add3A_509 = arith.addi %add3A_508, %scan3A_413 : i32
      %get3A_510 = arith.index_cast %add3A_509 : i32 to index
      %get3A_511 = arith.constant 96 : index
      %get3A_512 = tpu.vector_load %arg6[%get3A_510, %get3A_511] {strides = array<i32>} : memref<768x128xf32, #tpu.memory_space<vmem>>, vector<1x16xf32>,
      %get3A_513 = vector.shape_cast %get3A_512 : vector<1x16xf32> to vector<16xf32>
      %mul3A_514 = arith.constant 11.3137083 : f32
      %mul3A_515 = vector.broadcast %mul3A_514 : f32 to vector<16xf32>
      %mul3A_516 = arith.mulf %get3A_513, %mul3A_515 : vector<16xf32>
      %add3A_517 = arith.constant 0 : i32
      %add3A_518 = arith.addi %add3A_517, %scan3A_413 : i32
      %swap3A_519 = arith.index_cast %add3A_518 : i32 to index
      %swap3A_520 = arith.constant 96 : index
      %swap3A_521 = tpu.vector_load %arg6[%swap3A_519, %swap3A_520] {strides = array<i32>} : memref<768x128xf32, #tpu.memory_space<vmem>>, vector<1x16xf32>,
      %swap3A_522 = vector.shape_cast %swap3A_521 : vector<1x16xf32> to vector<16xf32>
      %swap3A_523 = vector.shape_cast %mul3A_516 : vector<16xf32> to vector<1x16xf32>
      tpu.vector_store %arg6[%swap3A_519, %swap3A_520], %swap3A_523 {strides = array<i32>} : memref<768x128xf32, #tpu.memory_space<vmem>>, vector<1x16xf32>,
      %add3A_524 = arith.constant 0 : i32
      %add3A_525 = arith.addi %add3A_524, %scan3A_413 : i32
      %get3A_526 = arith.index_cast %add3A_525 : i32 to index
      %get3A_527 = arith.constant 112 : index
      %get3A_528 = tpu.vector_load %arg6[%get3A_526, %get3A_527] {strides = array<i32>} : memref<768x128xf32, #tpu.memory_space<vmem>>, vector<1x16xf32>,
      %get3A_529 = vector.shape_cast %get3A_528 : vector<1x16xf32> to vector<16xf32>
      %mul3A_530 = arith.constant 11.3137083 : f32
      %mul3A_531 = vector.broadcast %mul3A_530 : f32 to vector<16xf32>
      %mul3A_532 = arith.mulf %get3A_529, %mul3A_531 : vector<16xf32>
      %add3A_533 = arith.constant 0 : i32
      %add3A_534 = arith.addi %add3A_533, %scan3A_413 : i32
      %swap3A_535 = arith.index_cast %add3A_534 : i32 to index
      %swap3A_536 = arith.constant 112 : index
      %swap3A_537 = tpu.vector_load %arg6[%swap3A_535, %swap3A_536] {strides = array<i32>} : memref<768x128xf32, #tpu.memory_space<vmem>>, vector<1x16xf32>,
      %swap3A_538 = vector.shape_cast %swap3A_537 : vector<1x16xf32> to vector<16xf32>
      %swap3A_539 = vector.shape_cast %mul3A_532 : vector<16xf32> to vector<1x16xf32>
      tpu.vector_store %arg6[%swap3A_535, %swap3A_536], %swap3A_539 {strides = array<i32>} : memref<768x128xf32, #tpu.memory_space<vmem>>, vector<1x16xf32>,
      %scan3A_540 = arith.constant 1 : i32
      %scan3A_541 = arith.addi %scan3A_413, %scan3A_540 : i32
      %add3A_542 = arith.constant 0 : i32
      %add3A_543 = arith.addi %add3A_542, %scan3A_541 : i32
      %get3A_544 = arith.index_cast %add3A_543 : i32 to index
      %get3A_545 = arith.constant 0 : index
      %get3A_546 = tpu.vector_load %arg6[%get3A_544, %get3A_545] {strides = array<i32>} : memref<768x128xf32, #tpu.memory_space<vmem>>, vector<1x16xf32>,
      %get3A_547 = vector.shape_cast %get3A_546 : vector<1x16xf32> to vector<16xf32>
      %mul3A_548 = arith.constant 11.3137083 : f32
      %mul3A_549 = vector.broadcast %mul3A_548 : f32 to vector<16xf32>
      %mul3A_550 = arith.mulf %get3A_547, %mul3A_549 : vector<16xf32>
      %add3A_551 = arith.constant 0 : i32
      %add3A_552 = arith.addi %add3A_551, %scan3A_541 : i32
      %swap3A_553 = arith.index_cast %add3A_552 : i32 to index
      %swap3A_554 = arith.constant 0 : index
      %swap3A_555 = tpu.vector_load %arg6[%swap3A_553, %swap3A_554] {strides = array<i32>} : memref<768x128xf32, #tpu.memory_space<vmem>>, vector<1x16xf32>,
      %swap3A_556 = vector.shape_cast %swap3A_555 : vector<1x16xf32> to vector<16xf32>
      %swap3A_557 = vector.shape_cast %mul3A_550 : vector<16xf32> to vector<1x16xf32>
      tpu.vector_store %arg6[%swap3A_553, %swap3A_554], %swap3A_557 {strides = array<i32>} : memref<768x128xf32, #tpu.memory_space<vmem>>, vector<1x16xf32>,
      %add3A_558 = arith.constant 0 : i32
      %add3A_559 = arith.addi %add3A_558, %scan3A_541 : i32
      %get3A_560 = arith.index_cast %add3A_559 : i32 to index
      %get3A_561 = arith.constant 16 : index
      %get3A_562 = tpu.vector_load %arg6[%get3A_560, %get3A_561] {strides = array<i32>} : memref<768x128xf32, #tpu.memory_space<vmem>>, vector<1x16xf32>,
      %get3A_563 = vector.shape_cast %get3A_562 : vector<1x16xf32> to vector<16xf32>
      %mul3A_564 = arith.constant 11.3137083 : f32
      %mul3A_565 = vector.broadcast %mul3A_564 : f32 to vector<16xf32>
      %mul3A_566 = arith.mulf %get3A_563, %mul3A_565 : vector<16xf32>
      %add3A_567 = arith.constant 0 : i32
      %add3A_568 = arith.addi %add3A_567, %scan3A_541 : i32
      %swap3A_569 = arith.index_cast %add3A_568 : i32 to index
      %swap3A_570 = arith.constant 16 : index
      %swap3A_571 = tpu.vector_load %arg6[%swap3A_569, %swap3A_570] {strides = array<i32>} : memref<768x128xf32, #tpu.memory_space<vmem>>, vector<1x16xf32>,
      %swap3A_572 = vector.shape_cast %swap3A_571 : vector<1x16xf32> to vector<16xf32>
      %swap3A_573 = vector.shape_cast %mul3A_566 : vector<16xf32> to vector<1x16xf32>
      tpu.vector_store %arg6[%swap3A_569, %swap3A_570], %swap3A_573 {strides = array<i32>} : memref<768x128xf32, #tpu.memory_space<vmem>>, vector<1x16xf32>,
      %add3A_574 = arith.constant 0 : i32
      %add3A_575 = arith.addi %add3A_574, %scan3A_541 : i32
      %get3A_576 = arith.index_cast %add3A_575 : i32 to index
      %get3A_577 = arith.constant 32 : index
      %get3A_578 = tpu.vector_load %arg6[%get3A_576, %get3A_577] {strides = array<i32>} : memref<768x128xf32, #tpu.memory_space<vmem>>, vector<1x16xf32>,
      %get3A_579 = vector.shape_cast %get3A_578 : vector<1x16xf32> to vector<16xf32>
      %mul3A_580 = arith.constant 11.3137083 : f32
      %mul3A_581 = vector.broadcast %mul3A_580 : f32 to vector<16xf32>
      %mul3A_582 = arith.mulf %get3A_579, %mul3A_581 : vector<16xf32>
      %add3A_583 = arith.constant 0 : i32
      %add3A_584 = arith.addi %add3A_583, %scan3A_541 : i32
      %swap3A_585 = arith.index_cast %add3A_584 : i32 to index
      %swap3A_586 = arith.constant 32 : index
      %swap3A_587 = tpu.vector_load %arg6[%swap3A_585, %swap3A_586] {strides = array<i32>} : memref<768x128xf32, #tpu.memory_space<vmem>>, vector<1x16xf32>,
      %swap3A_588 = vector.shape_cast %swap3A_587 : vector<1x16xf32> to vector<16xf32>
      %swap3A_589 = vector.shape_cast %mul3A_582 : vector<16xf32> to vector<1x16xf32>
      tpu.vector_store %arg6[%swap3A_585, %swap3A_586], %swap3A_589 {strides = array<i32>} : memref<768x128xf32, #tpu.memory_space<vmem>>, vector<1x16xf32>,
      %add3A_590 = arith.constant 0 : i32
      %add3A_591 = arith.addi %add3A_590, %scan3A_541 : i32
      %get3A_592 = arith.index_cast %add3A_591 : i32 to index
      %get3A_593 = arith.constant 48 : index
      %get3A_594 = tpu.vector_load %arg6[%get3A_592, %get3A_593] {strides = array<i32>} : memref<768x128xf32, #tpu.memory_space<vmem>>, vector<1x16xf32>,
      %get3A_595 = vector.shape_cast %get3A_594 : vector<1x16xf32> to vector<16xf32>
      %mul3A_596 = arith.constant 11.3137083 : f32
      %mul3A_597 = vector.broadcast %mul3A_596 : f32 to vector<16xf32>
      %mul3A_598 = arith.mulf %get3A_595, %mul3A_597 : vector<16xf32>
      %add3A_599 = arith.constant 0 : i32
      %add3A_600 = arith.addi %add3A_599, %scan3A_541 : i32
      %swap3A_601 = arith.index_cast %add3A_600 : i32 to index
      %swap3A_602 = arith.constant 48 : index
      %swap3A_603 = tpu.vector_load %arg6[%swap3A_601, %swap3A_602] {strides = array<i32>} : memref<768x128xf32, #tpu.memory_space<vmem>>, vector<1x16xf32>,
      %swap3A_604 = vector.shape_cast %swap3A_603 : vector<1x16xf32> to vector<16xf32>
      %swap3A_605 = vector.shape_cast %mul3A_598 : vector<16xf32> to vector<1x16xf32>
      tpu.vector_store %arg6[%swap3A_601, %swap3A_602], %swap3A_605 {strides = array<i32>} : memref<768x128xf32, #tpu.memory_space<vmem>>, vector<1x16xf32>,
      %add3A_606 = arith.constant 0 : i32
      %add3A_607 = arith.addi %add3A_606, %scan3A_541 : i32
      %get3A_608 = arith.index_cast %add3A_607 : i32 to index
      %get3A_609 = arith.constant 64 : index
      %get3A_610 = tpu.vector_load %arg6[%get3A_608, %get3A_609] {strides = array<i32>} : memref<768x128xf32, #tpu.memory_space<vmem>>, vector<1x16xf32>,
      %get3A_611 = vector.shape_cast %get3A_610 : vector<1x16xf32> to vector<16xf32>
      %mul3A_612 = arith.constant 11.3137083 : f32
      %mul3A_613 = vector.broadcast %mul3A_612 : f32 to vector<16xf32>
      %mul3A_614 = arith.mulf %get3A_611, %mul3A_613 : vector<16xf32>
      %add3A_615 = arith.constant 0 : i32
      %add3A_616 = arith.addi %add3A_615, %scan3A_541 : i32
      %swap3A_617 = arith.index_cast %add3A_616 : i32 to index
      %swap3A_618 = arith.constant 64 : index
      %swap3A_619 = tpu.vector_load %arg6[%swap3A_617, %swap3A_618] {strides = array<i32>} : memref<768x128xf32, #tpu.memory_space<vmem>>, vector<1x16xf32>,
      %swap3A_620 = vector.shape_cast %swap3A_619 : vector<1x16xf32> to vector<16xf32>
      %swap3A_621 = vector.shape_cast %mul3A_614 : vector<16xf32> to vector<1x16xf32>
      tpu.vector_store %arg6[%swap3A_617, %swap3A_618], %swap3A_621 {strides = array<i32>} : memref<768x128xf32, #tpu.memory_space<vmem>>, vector<1x16xf32>,
      %add3A_622 = arith.constant 0 : i32
      %add3A_623 = arith.addi %add3A_622, %scan3A_541 : i32
      %get3A_624 = arith.index_cast %add3A_623 : i32 to index
      %get3A_625 = arith.constant 80 : index
      %get3A_626 = tpu.vector_load %arg6[%get3A_624, %get3A_625] {strides = array<i32>} : memref<768x128xf32, #tpu.memory_space<vmem>>, vector<1x16xf32>,
      %get3A_627 = vector.shape_cast %get3A_626 : vector<1x16xf32> to vector<16xf32>
      %mul3A_628 = arith.constant 11.3137083 : f32
      %mul3A_629 = vector.broadcast %mul3A_628 : f32 to vector<16xf32>
      %mul3A_630 = arith.mulf %get3A_627, %mul3A_629 : vector<16xf32>
      %add3A_631 = arith.constant 0 : i32
      %add3A_632 = arith.addi %add3A_631, %scan3A_541 : i32
      %swap3A_633 = arith.index_cast %add3A_632 : i32 to index
      %swap3A_634 = arith.constant 80 : index
      %swap3A_635 = tpu.vector_load %arg6[%swap3A_633, %swap3A_634] {strides = array<i32>} : memref<768x128xf32, #tpu.memory_space<vmem>>, vector<1x16xf32>,
      %swap3A_636 = vector.shape_cast %swap3A_635 : vector<1x16xf32> to vector<16xf32>
      %swap3A_637 = vector.shape_cast %mul3A_630 : vector<16xf32> to vector<1x16xf32>
      tpu.vector_store %arg6[%swap3A_633, %swap3A_634], %swap3A_637 {strides = array<i32>} : memref<768x128xf32, #tpu.memory_space<vmem>>, vector<1x16xf32>,
      %add3A_638 = arith.constant 0 : i32
      %add3A_639 = arith.addi %add3A_638, %scan3A_541 : i32
      %get3A_640 = arith.index_cast %add3A_639 : i32 to index
      %get3A_641 = arith.constant 96 : index
      %get3A_642 = tpu.vector_load %arg6[%get3A_640, %get3A_641] {strides = array<i32>} : memref<768x128xf32, #tpu.memory_space<vmem>>, vector<1x16xf32>,
      %get3A_643 = vector.shape_cast %get3A_642 : vector<1x16xf32> to vector<16xf32>
      %mul3A_644 = arith.constant 11.3137083 : f32
      %mul3A_645 = vector.broadcast %mul3A_644 : f32 to vector<16xf32>
      %mul3A_646 = arith.mulf %get3A_643, %mul3A_645 : vector<16xf32>
      %add3A_647 = arith.constant 0 : i32
      %add3A_648 = arith.addi %add3A_647, %scan3A_541 : i32
      %swap3A_649 = arith.index_cast %add3A_648 : i32 to index
      %swap3A_650 = arith.constant 96 : index
      %swap3A_651 = tpu.vector_load %arg6[%swap3A_649, %swap3A_650] {strides = array<i32>} : memref<768x128xf32, #tpu.memory_space<vmem>>, vector<1x16xf32>,
      %swap3A_652 = vector.shape_cast %swap3A_651 : vector<1x16xf32> to vector<16xf32>
      %swap3A_653 = vector.shape_cast %mul3A_646 : vector<16xf32> to vector<1x16xf32>
      tpu.vector_store %arg6[%swap3A_649, %swap3A_650], %swap3A_653 {strides = array<i32>} : memref<768x128xf32, #tpu.memory_space<vmem>>, vector<1x16xf32>,
      %add3A_654 = arith.constant 0 : i32
      %add3A_655 = arith.addi %add3A_654, %scan3A_541 : i32
      %get3A_656 = arith.index_cast %add3A_655 : i32 to index
      %get3A_657 = arith.constant 112 : index
      %get3A_658 = tpu.vector_load %arg6[%get3A_656, %get3A_657] {strides = array<i32>} : memref<768x128xf32, #tpu.memory_space<vmem>>, vector<1x16xf32>,
      %get3A_659 = vector.shape_cast %get3A_658 : vector<1x16xf32> to vector<16xf32>
      %mul3A_660 = arith.constant 11.3137083 : f32
      %mul3A_661 = vector.broadcast %mul3A_660 : f32 to vector<16xf32>
      %mul3A_662 = arith.mulf %get3A_659, %mul3A_661 : vector<16xf32>
      %add3A_663 = arith.constant 0 : i32
      %add3A_664 = arith.addi %add3A_663, %scan3A_541 : i32
      %swap3A_665 = arith.index_cast %add3A_664 : i32 to index
      %swap3A_666 = arith.constant 112 : index
      %swap3A_667 = tpu.vector_load %arg6[%swap3A_665, %swap3A_666] {strides = array<i32>} : memref<768x128xf32, #tpu.memory_space<vmem>>, vector<1x16xf32>,
      %swap3A_668 = vector.shape_cast %swap3A_667 : vector<1x16xf32> to vector<16xf32>
      %swap3A_669 = vector.shape_cast %mul3A_662 : vector<16xf32> to vector<1x16xf32>
      tpu.vector_store %arg6[%swap3A_665, %swap3A_666], %swap3A_669 {strides = array<i32>} : memref<768x128xf32, #tpu.memory_space<vmem>>, vector<1x16xf32>,
    }
    %scan3A_54 = arith.constant 128 : i32
    %dma_start3A_55 = arith.constant 0 : i32
    %dma_start3A_56 = arith.constant 0 : i32
    %dma_start3A_57 = arith.constant 0 : i32
    %dma_start3A_58 = tpu.memref_slice %arg6[%dma_start3A_56, %dma_start3A_57] : memref<768x128xf32, #tpu.memory_space<vmem>> -> memref<128x128xf32, #tpu.memory_space<vmem>>
    %dma_start3A_59 = arith.constant 0 : i32
    %dma_start3A_60 = tpu.memref_slice %arg4[%dma_start3A_55, %mul3A_2, %dma_start3A_59] : memref<50x4096x128xf32, #tpu.memory_space<hbm>> -> memref<1x128x128xf32, #tpu.memory_space<hbm>>
    %dma_start3A_61 = tpu.memref_squeeze %dma_start3A_60 : memref<1x128x128xf32, #tpu.memory_space<hbm>> -> memref<128x128xf32, #tpu.memory_space<hbm>>
    %dma_start3A_62 = arith.constant 0 : i32
    %dma_start3A_63 = tpu.memref_slice %arg4[%dma_start3A_55, %mul3A_2, %dma_start3A_62] : memref<50x4096x128xf32, #tpu.memory_space<hbm>> -> memref<1x128x128xf32, #tpu.memory_space<hbm>>
    %dma_start3A_64 = tpu.memref_squeeze %dma_start3A_63 : memref<1x128x128xf32, #tpu.memory_space<hbm>> -> memref<128x128xf32, #tpu.memory_space<hbm>>
    %dma_start3A_65 = arith.constant 0 : i32
    %dma_start3A_66 = arith.constant 0 : i32
    %dma_start3A_67 = tpu.memref_slice %arg6[%dma_start3A_65, %dma_start3A_66] : memref<768x128xf32, #tpu.memory_space<vmem>> -> memref<128x128xf32, #tpu.memory_space<vmem>>
    tpu.enqueue_dma source(%dma_start3A_67 : memref<128x128xf32, #tpu.memory_space<vmem>>) target(%dma_start3A_64 : memref<128x128xf32, #tpu.memory_space<hbm>>) target_semaphore(%arg13 : memref<!tpu.dma_semaphore, #tpu.memory_space<semaphore_mem>>)
    %dma_start3A_68 = arith.constant 4 : i32
    %dma_start3A_69 = arith.constant 512 : i32
    %dma_start3A_70 = arith.constant 0 : i32
    %dma_start3A_71 = tpu.memref_slice %arg6[%dma_start3A_69, %dma_start3A_70] : memref<768x128xf32, #tpu.memory_space<vmem>> -> memref<128x128xf32, #tpu.memory_space<vmem>>
    %dma_start3A_72 = arith.constant 0 : i32
    %dma_start3A_73 = tpu.memref_slice %arg5[%dma_start3A_68, %dma_start3A_72] : memref<50x128xi32, #tpu.memory_space<vmem>> -> memref<1x128xi32, #tpu.memory_space<vmem>>
    %dma_start3A_74 = tpu.memref_squeeze %dma_start3A_73 : memref<1x128xi32, #tpu.memory_space<vmem>> -> memref<128xi32, #tpu.memory_space<vmem>>
    %dma_start3A_75 = arith.constant 0 : i32
    %dma_start3A_76 = arith.constant 0 : i32
    %dma_start3A_77 = tpu.memref_slice %arg3[%dma_start3A_75, %dma_start3A_76] : memref<100000x128xf32, #tpu.memory_space<hbm>> -> memref<100000x128xf32, #tpu.memory_space<hbm>>
    tpu.enqueue_indirect_dma source(%dma_start3A_77 : memref<100000x128xf32, #tpu.memory_space<hbm>>) target(%dma_start3A_71 : memref<128x128xf32, #tpu.memory_space<vmem>>) offsets(%dma_start3A_74 : memref<128xi32, #tpu.memory_space<vmem>>) semaphore(%arg11 : memref<!tpu.dma_semaphore, #tpu.memory_space<semaphore_mem>>)
    %dma_wait3A_78 = arith.constant 1 : i32
    %dma_wait3A_79 = arith.constant 128 : i32
    %dma_wait3A_80 = arith.constant 0 : i32
    %dma_wait3A_81 = tpu.memref_slice %arg6[%dma_wait3A_79, %dma_wait3A_80] : memref<768x128xf32, #tpu.memory_space<vmem>> -> memref<128x128xf32, #tpu.memory_space<vmem>>
    %dma_wait3A_82 = arith.constant 0 : i32
    %dma_wait3A_83 = tpu.memref_slice %arg5[%dma_wait3A_78, %dma_wait3A_82] : memref<50x128xi32, #tpu.memory_space<vmem>> -> memref<1x128xi32, #tpu.memory_space<vmem>>
    %dma_wait3A_84 = tpu.memref_squeeze %dma_wait3A_83 : memref<1x128xi32, #tpu.memory_space<vmem>> -> memref<128xi32, #tpu.memory_space<vmem>>
    %dma_wait3A_85 = arith.constant 0 : i32
    %dma_wait3A_86 = arith.constant 0 : i32
    %dma_wait3A_87 = tpu.memref_slice %arg3[%dma_wait3A_85, %dma_wait3A_86] : memref<100000x128xf32, #tpu.memory_space<hbm>> -> memref<100000x128xf32, #tpu.memory_space<hbm>>
    tpu.wait_indirect_dma semaphore(%arg8 : memref<!tpu.dma_semaphore, #tpu.memory_space<semaphore_mem>>) src(%dma_wait3A_87 : memref<100000x128xf32, #tpu.memory_space<hbm>>) dst(%dma_wait3A_81 : memref<128x128xf32, #tpu.memory_space<vmem>>)
    %scan3A_88 = arith.constant 0 : i32
    %scan3A_89 = arith.constant 128 : i32
    %scan3A_90 = arith.addi %scan3A_88, %scan3A_89 : i32
    %scan3A_91 = arith.constant 2 : i32
    scf.for %scan3A_413 = %scan3A_88 to %scan3A_90 step %scan3A_91  : i32 {
      %add3A_414 = arith.constant 128 : i32
      %add3A_415 = arith.addi %add3A_414, %scan3A_413 : i32
      %get3A = arith.index_cast %add3A_415 : i32 to index
      %get3A_416 = arith.constant 0 : index
      %get3A_417 = tpu.vector_load %arg6[%get3A, %get3A_416] {strides = array<i32>} : memref<768x128xf32, #tpu.memory_space<vmem>>, vector<1x16xf32>,
      %get3A_418 = vector.shape_cast %get3A_417 : vector<1x16xf32> to vector<16xf32>
      %mul3A_419 = arith.constant 11.3137083 : f32
      %mul3A_420 = vector.broadcast %mul3A_419 : f32 to vector<16xf32>
      %mul3A_421 = arith.mulf %get3A_418, %mul3A_420 : vector<16xf32>
      %add3A_422 = arith.constant 128 : i32
      %add3A_423 = arith.addi %add3A_422, %scan3A_413 : i32
      %swap3A = arith.index_cast %add3A_423 : i32 to index
      %swap3A_424 = arith.constant 0 : index
      %swap3A_425 = tpu.vector_load %arg6[%swap3A, %swap3A_424] {strides = array<i32>} : memref<768x128xf32, #tpu.memory_space<vmem>>, vector<1x16xf32>,
      %swap3A_426 = vector.shape_cast %swap3A_425 : vector<1x16xf32> to vector<16xf32>
      %swap3A_427 = vector.shape_cast %mul3A_421 : vector<16xf32> to vector<1x16xf32>
      tpu.vector_store %arg6[%swap3A, %swap3A_424], %swap3A_427 {strides = array<i32>} : memref<768x128xf32, #tpu.memory_space<vmem>>, vector<1x16xf32>,
      %add3A_428 = arith.constant 128 : i32
      %add3A_429 = arith.addi %add3A_428, %scan3A_413 : i32
      %get3A_430 = arith.index_cast %add3A_429 : i32 to index
      %get3A_431 = arith.constant 16 : index
      %get3A_432 = tpu.vector_load %arg6[%get3A_430, %get3A_431] {strides = array<i32>} : memref<768x128xf32, #tpu.memory_space<vmem>>, vector<1x16xf32>,
      %get3A_433 = vector.shape_cast %get3A_432 : vector<1x16xf32> to vector<16xf32>
      %mul3A_434 = arith.constant 11.3137083 : f32
      %mul3A_435 = vector.broadcast %mul3A_434 : f32 to vector<16xf32>
      %mul3A_436 = arith.mulf %get3A_433, %mul3A_435 : vector<16xf32>
      %add3A_437 = arith.constant 128 : i32
      %add3A_438 = arith.addi %add3A_437, %scan3A_413 : i32
      %swap3A_439 = arith.index_cast %add3A_438 : i32 to index
      %swap3A_440 = arith.constant 16 : index
      %swap3A_441 = tpu.vector_load %arg6[%swap3A_439, %swap3A_440] {strides = array<i32>} : memref<768x128xf32, #tpu.memory_space<vmem>>, vector<1x16xf32>,
      %swap3A_442 = vector.shape_cast %swap3A_441 : vector<1x16xf32> to vector<16xf32>
      %swap3A_443 = vector.shape_cast %mul3A_436 : vector<16xf32> to vector<1x16xf32>
      tpu.vector_store %arg6[%swap3A_439, %swap3A_440], %swap3A_443 {strides = array<i32>} : memref<768x128xf32, #tpu.memory_space<vmem>>, vector<1x16xf32>,
      %add3A_444 = arith.constant 128 : i32
      %add3A_445 = arith.addi %add3A_444, %scan3A_413 : i32
      %get3A_446 = arith.index_cast %add3A_445 : i32 to index
      %get3A_447 = arith.constant 32 : index
      %get3A_448 = tpu.vector_load %arg6[%get3A_446, %get3A_447] {strides = array<i32>} : memref<768x128xf32, #tpu.memory_space<vmem>>, vector<1x16xf32>,
      %get3A_449 = vector.shape_cast %get3A_448 : vector<1x16xf32> to vector<16xf32>
      %mul3A_450 = arith.constant 11.3137083 : f32
      %mul3A_451 = vector.broadcast %mul3A_450 : f32 to vector<16xf32>
      %mul3A_452 = arith.mulf %get3A_449, %mul3A_451 : vector<16xf32>
      %add3A_453 = arith.constant 128 : i32
      %add3A_454 = arith.addi %add3A_453, %scan3A_413 : i32
      %swap3A_455 = arith.index_cast %add3A_454 : i32 to index
      %swap3A_456 = arith.constant 32 : index
      %swap3A_457 = tpu.vector_load %arg6[%swap3A_455, %swap3A_456] {strides = array<i32>} : memref<768x128xf32, #tpu.memory_space<vmem>>, vector<1x16xf32>,
      %swap3A_458 = vector.shape_cast %swap3A_457 : vector<1x16xf32> to vector<16xf32>
      %swap3A_459 = vector.shape_cast %mul3A_452 : vector<16xf32> to vector<1x16xf32>
      tpu.vector_store %arg6[%swap3A_455, %swap3A_456], %swap3A_459 {strides = array<i32>} : memref<768x128xf32, #tpu.memory_space<vmem>>, vector<1x16xf32>,
      %add3A_460 = arith.constant 128 : i32
      %add3A_461 = arith.addi %add3A_460, %scan3A_413 : i32
      %get3A_462 = arith.index_cast %add3A_461 : i32 to index
      %get3A_463 = arith.constant 48 : index
      %get3A_464 = tpu.vector_load %arg6[%get3A_462, %get3A_463] {strides = array<i32>} : memref<768x128xf32, #tpu.memory_space<vmem>>, vector<1x16xf32>,
      %get3A_465 = vector.shape_cast %get3A_464 : vector<1x16xf32> to vector<16xf32>
      %mul3A_466 = arith.constant 11.3137083 : f32
      %mul3A_467 = vector.broadcast %mul3A_466 : f32 to vector<16xf32>
      %mul3A_468 = arith.mulf %get3A_465, %mul3A_467 : vector<16xf32>
      %add3A_469 = arith.constant 128 : i32
      %add3A_470 = arith.addi %add3A_469, %scan3A_413 : i32
      %swap3A_471 = arith.index_cast %add3A_470 : i32 to index
      %swap3A_472 = arith.constant 48 : index
      %swap3A_473 = tpu.vector_load %arg6[%swap3A_471, %swap3A_472] {strides = array<i32>} : memref<768x128xf32, #tpu.memory_space<vmem>>, vector<1x16xf32>,
      %swap3A_474 = vector.shape_cast %swap3A_473 : vector<1x16xf32> to vector<16xf32>
      %swap3A_475 = vector.shape_cast %mul3A_468 : vector<16xf32> to vector<1x16xf32>
      tpu.vector_store %arg6[%swap3A_471, %swap3A_472], %swap3A_475 {strides = array<i32>} : memref<768x128xf32, #tpu.memory_space<vmem>>, vector<1x16xf32>,
      %add3A_476 = arith.constant 128 : i32
      %add3A_477 = arith.addi %add3A_476, %scan3A_413 : i32
      %get3A_478 = arith.index_cast %add3A_477 : i32 to index
      %get3A_479 = arith.constant 64 : index
      %get3A_480 = tpu.vector_load %arg6[%get3A_478, %get3A_479] {strides = array<i32>} : memref<768x128xf32, #tpu.memory_space<vmem>>, vector<1x16xf32>,
      %get3A_481 = vector.shape_cast %get3A_480 : vector<1x16xf32> to vector<16xf32>
      %mul3A_482 = arith.constant 11.3137083 : f32
      %mul3A_483 = vector.broadcast %mul3A_482 : f32 to vector<16xf32>
      %mul3A_484 = arith.mulf %get3A_481, %mul3A_483 : vector<16xf32>
      %add3A_485 = arith.constant 128 : i32
      %add3A_486 = arith.addi %add3A_485, %scan3A_413 : i32
      %swap3A_487 = arith.index_cast %add3A_486 : i32 to index
      %swap3A_488 = arith.constant 64 : index
      %swap3A_489 = tpu.vector_load %arg6[%swap3A_487, %swap3A_488] {strides = array<i32>} : memref<768x128xf32, #tpu.memory_space<vmem>>, vector<1x16xf32>,
      %swap3A_490 = vector.shape_cast %swap3A_489 : vector<1x16xf32> to vector<16xf32>
      %swap3A_491 = vector.shape_cast %mul3A_484 : vector<16xf32> to vector<1x16xf32>
      tpu.vector_store %arg6[%swap3A_487, %swap3A_488], %swap3A_491 {strides = array<i32>} : memref<768x128xf32, #tpu.memory_space<vmem>>, vector<1x16xf32>,
      %add3A_492 = arith.constant 128 : i32
      %add3A_493 = arith.addi %add3A_492, %scan3A_413 : i32
      %get3A_494 = arith.index_cast %add3A_493 : i32 to index
      %get3A_495 = arith.constant 80 : index
      %get3A_496 = tpu.vector_load %arg6[%get3A_494, %get3A_495] {strides = array<i32>} : memref<768x128xf32, #tpu.memory_space<vmem>>, vector<1x16xf32>,
      %get3A_497 = vector.shape_cast %get3A_496 : vector<1x16xf32> to vector<16xf32>
      %mul3A_498 = arith.constant 11.3137083 : f32
      %mul3A_499 = vector.broadcast %mul3A_498 : f32 to vector<16xf32>
      %mul3A_500 = arith.mulf %get3A_497, %mul3A_499 : vector<16xf32>
      %add3A_501 = arith.constant 128 : i32
      %add3A_502 = arith.addi %add3A_501, %scan3A_413 : i32
      %swap3A_503 = arith.index_cast %add3A_502 : i32 to index
      %swap3A_504 = arith.constant 80 : index
      %swap3A_505 = tpu.vector_load %arg6[%swap3A_503, %swap3A_504] {strides = array<i32>} : memref<768x128xf32, #tpu.memory_space<vmem>>, vector<1x16xf32>,
      %swap3A_506 = vector.shape_cast %swap3A_505 : vector<1x16xf32> to vector<16xf32>
      %swap3A_507 = vector.shape_cast %mul3A_500 : vector<16xf32> to vector<1x16xf32>
      tpu.vector_store %arg6[%swap3A_503, %swap3A_504], %swap3A_507 {strides = array<i32>} : memref<768x128xf32, #tpu.memory_space<vmem>>, vector<1x16xf32>,
      %add3A_508 = arith.constant 128 : i32
      %add3A_509 = arith.addi %add3A_508, %scan3A_413 : i32
      %get3A_510 = arith.index_cast %add3A_509 : i32 to index
      %get3A_511 = arith.constant 96 : index
      %get3A_512 = tpu.vector_load %arg6[%get3A_510, %get3A_511] {strides = array<i32>} : memref<768x128xf32, #tpu.memory_space<vmem>>, vector<1x16xf32>,
      %get3A_513 = vector.shape_cast %get3A_512 : vector<1x16xf32> to vector<16xf32>
      %mul3A_514 = arith.constant 11.3137083 : f32
      %mul3A_515 = vector.broadcast %mul3A_514 : f32 to vector<16xf32>
      %mul3A_516 = arith.mulf %get3A_513, %mul3A_515 : vector<16xf32>
      %add3A_517 = arith.constant 128 : i32
      %add3A_518 = arith.addi %add3A_517, %scan3A_413 : i32
      %swap3A_519 = arith.index_cast %add3A_518 : i32 to index
      %swap3A_520 = arith.constant 96 : index
      %swap3A_521 = tpu.vector_load %arg6[%swap3A_519, %swap3A_520] {strides = array<i32>} : memref<768x128xf32, #tpu.memory_space<vmem>>, vector<1x16xf32>,
      %swap3A_522 = vector.shape_cast %swap3A_521 : vector<1x16xf32> to vector<16xf32>
      %swap3A_523 = vector.shape_cast %mul3A_516 : vector<16xf32> to vector<1x16xf32>
      tpu.vector_store %arg6[%swap3A_519, %swap3A_520], %swap3A_523 {strides = array<i32>} : memref<768x128xf32, #tpu.memory_space<vmem>>, vector<1x16xf32>,
      %add3A_524 = arith.constant 128 : i32
      %add3A_525 = arith.addi %add3A_524, %scan3A_413 : i32
      %get3A_526 = arith.index_cast %add3A_525 : i32 to index
      %get3A_527 = arith.constant 112 : index
      %get3A_528 = tpu.vector_load %arg6[%get3A_526, %get3A_527] {strides = array<i32>} : memref<768x128xf32, #tpu.memory_space<vmem>>, vector<1x16xf32>,
      %get3A_529 = vector.shape_cast %get3A_528 : vector<1x16xf32> to vector<16xf32>
      %mul3A_530 = arith.constant 11.3137083 : f32
      %mul3A_531 = vector.broadcast %mul3A_530 : f32 to vector<16xf32>
      %mul3A_532 = arith.mulf %get3A_529, %mul3A_531 : vector<16xf32>
      %add3A_533 = arith.constant 128 : i32
      %add3A_534 = arith.addi %add3A_533, %scan3A_413 : i32
      %swap3A_535 = arith.index_cast %add3A_534 : i32 to index
      %swap3A_536 = arith.constant 112 : index
      %swap3A_537 = tpu.vector_load %arg6[%swap3A_535, %swap3A_536] {strides = array<i32>} : memref<768x128xf32, #tpu.memory_space<vmem>>, vector<1x16xf32>,
      %swap3A_538 = vector.shape_cast %swap3A_537 : vector<1x16xf32> to vector<16xf32>
      %swap3A_539 = vector.shape_cast %mul3A_532 : vector<16xf32> to vector<1x16xf32>
      tpu.vector_store %arg6[%swap3A_535, %swap3A_536], %swap3A_539 {strides = array<i32>} : memref<768x128xf32, #tpu.memory_space<vmem>>, vector<1x16xf32>,
      %scan3A_540 = arith.constant 1 : i32
      %scan3A_541 = arith.addi %scan3A_413, %scan3A_540 : i32
      %add3A_542 = arith.constant 128 : i32
      %add3A_543 = arith.addi %add3A_542, %scan3A_541 : i32
      %get3A_544 = arith.index_cast %add3A_543 : i32 to index
      %get3A_545 = arith.constant 0 : index
      %get3A_546 = tpu.vector_load %arg6[%get3A_544, %get3A_545] {strides = array<i32>} : memref<768x128xf32, #tpu.memory_space<vmem>>, vector<1x16xf32>,
      %get3A_547 = vector.shape_cast %get3A_546 : vector<1x16xf32> to vector<16xf32>
      %mul3A_548 = arith.constant 11.3137083 : f32
      %mul3A_549 = vector.broadcast %mul3A_548 : f32 to vector<16xf32>
      %mul3A_550 = arith.mulf %get3A_547, %mul3A_549 : vector<16xf32>
      %add3A_551 = arith.constant 128 : i32
      %add3A_552 = arith.addi %add3A_551, %scan3A_541 : i32
      %swap3A_553 = arith.index_cast %add3A_552 : i32 to index
      %swap3A_554 = arith.constant 0 : index
      %swap3A_555 = tpu.vector_load %arg6[%swap3A_553, %swap3A_554] {strides = array<i32>} : memref<768x128xf32, #tpu.memory_space<vmem>>, vector<1x16xf32>,
      %swap3A_556 = vector.shape_cast %swap3A_555 : vector<1x16xf32> to vector<16xf32>
      %swap3A_557 = vector.shape_cast %mul3A_550 : vector<16xf32> to vector<1x16xf32>
      tpu.vector_store %arg6[%swap3A_553, %swap3A_554], %swap3A_557 {strides = array<i32>} : memref<768x128xf32, #tpu.memory_space<vmem>>, vector<1x16xf32>,
      %add3A_558 = arith.constant 128 : i32
      %add3A_559 = arith.addi %add3A_558, %scan3A_541 : i32
      %get3A_560 = arith.index_cast %add3A_559 : i32 to index
      %get3A_561 = arith.constant 16 : index
      %get3A_562 = tpu.vector_load %arg6[%get3A_560, %get3A_561] {strides = array<i32>} : memref<768x128xf32, #tpu.memory_space<vmem>>, vector<1x16xf32>,
      %get3A_563 = vector.shape_cast %get3A_562 : vector<1x16xf32> to vector<16xf32>
      %mul3A_564 = arith.constant 11.3137083 : f32
      %mul3A_565 = vector.broadcast %mul3A_564 : f32 to vector<16xf32>
      %mul3A_566 = arith.mulf %get3A_563, %mul3A_565 : vector<16xf32>
      %add3A_567 = arith.constant 128 : i32
      %add3A_568 = arith.addi %add3A_567, %scan3A_541 : i32
      %swap3A_569 = arith.index_cast %add3A_568 : i32 to index
      %swap3A_570 = arith.constant 16 : index
      %swap3A_571 = tpu.vector_load %arg6[%swap3A_569, %swap3A_570] {strides = array<i32>} : memref<768x128xf32, #tpu.memory_space<vmem>>, vector<1x16xf32>,
      %swap3A_572 = vector.shape_cast %swap3A_571 : vector<1x16xf32> to vector<16xf32>
      %swap3A_573 = vector.shape_cast %mul3A_566 : vector<16xf32> to vector<1x16xf32>
      tpu.vector_store %arg6[%swap3A_569, %swap3A_570], %swap3A_573 {strides = array<i32>} : memref<768x128xf32, #tpu.memory_space<vmem>>, vector<1x16xf32>,
      %add3A_574 = arith.constant 128 : i32
      %add3A_575 = arith.addi %add3A_574, %scan3A_541 : i32
      %get3A_576 = arith.index_cast %add3A_575 : i32 to index
      %get3A_577 = arith.constant 32 : index
      %get3A_578 = tpu.vector_load %arg6[%get3A_576, %get3A_577] {strides = array<i32>} : memref<768x128xf32, #tpu.memory_space<vmem>>, vector<1x16xf32>,
      %get3A_579 = vector.shape_cast %get3A_578 : vector<1x16xf32> to vector<16xf32>
      %mul3A_580 = arith.constant 11.3137083 : f32
      %mul3A_581 = vector.broadcast %mul3A_580 : f32 to vector<16xf32>
      %mul3A_582 = arith.mulf %get3A_579, %mul3A_581 : vector<16xf32>
      %add3A_583 = arith.constant 128 : i32
      %add3A_584 = arith.addi %add3A_583, %scan3A_541 : i32
      %swap3A_585 = arith.index_cast %add3A_584 : i32 to index
      %swap3A_586 = arith.constant 32 : index
      %swap3A_587 = tpu.vector_load %arg6[%swap3A_585, %swap3A_586] {strides = array<i32>} : memref<768x128xf32, #tpu.memory_space<vmem>>, vector<1x16xf32>,
      %swap3A_588 = vector.shape_cast %swap3A_587 : vector<1x16xf32> to vector<16xf32>
      %swap3A_589 = vector.shape_cast %mul3A_582 : vector<16xf32> to vector<1x16xf32>
      tpu.vector_store %arg6[%swap3A_585, %swap3A_586], %swap3A_589 {strides = array<i32>} : memref<768x128xf32, #tpu.memory_space<vmem>>, vector<1x16xf32>,
      %add3A_590 = arith.constant 128 : i32
      %add3A_591 = arith.addi %add3A_590, %scan3A_541 : i32
      %get3A_592 = arith.index_cast %add3A_591 : i32 to index
      %get3A_593 = arith.constant 48 : index
      %get3A_594 = tpu.vector_load %arg6[%get3A_592, %get3A_593] {strides = array<i32>} : memref<768x128xf32, #tpu.memory_space<vmem>>, vector<1x16xf32>,
      %get3A_595 = vector.shape_cast %get3A_594 : vector<1x16xf32> to vector<16xf32>
      %mul3A_596 = arith.constant 11.3137083 : f32
      %mul3A_597 = vector.broadcast %mul3A_596 : f32 to vector<16xf32>
      %mul3A_598 = arith.mulf %get3A_595, %mul3A_597 : vector<16xf32>
      %add3A_599 = arith.constant 128 : i32
      %add3A_600 = arith.addi %add3A_599, %scan3A_541 : i32
      %swap3A_601 = arith.index_cast %add3A_600 : i32 to index
      %swap3A_602 = arith.constant 48 : index
      %swap3A_603 = tpu.vector_load %arg6[%swap3A_601, %swap3A_602] {strides = array<i32>} : memref<768x128xf32, #tpu.memory_space<vmem>>, vector<1x16xf32>,
      %swap3A_604 = vector.shape_cast %swap3A_603 : vector<1x16xf32> to vector<16xf32>
      %swap3A_605 = vector.shape_cast %mul3A_598 : vector<16xf32> to vector<1x16xf32>
      tpu.vector_store %arg6[%swap3A_601, %swap3A_602], %swap3A_605 {strides = array<i32>} : memref<768x128xf32, #tpu.memory_space<vmem>>, vector<1x16xf32>,
      %add3A_606 = arith.constant 128 : i32
      %add3A_607 = arith.addi %add3A_606, %scan3A_541 : i32
      %get3A_608 = arith.index_cast %add3A_607 : i32 to index
      %get3A_609 = arith.constant 64 : index
      %get3A_610 = tpu.vector_load %arg6[%get3A_608, %get3A_609] {strides = array<i32>} : memref<768x128xf32, #tpu.memory_space<vmem>>, vector<1x16xf32>,
      %get3A_611 = vector.shape_cast %get3A_610 : vector<1x16xf32> to vector<16xf32>
      %mul3A_612 = arith.constant 11.3137083 : f32
      %mul3A_613 = vector.broadcast %mul3A_612 : f32 to vector<16xf32>
      %mul3A_614 = arith.mulf %get3A_611, %mul3A_613 : vector<16xf32>
      %add3A_615 = arith.constant 128 : i32
      %add3A_616 = arith.addi %add3A_615, %scan3A_541 : i32
      %swap3A_617 = arith.index_cast %add3A_616 : i32 to index
      %swap3A_618 = arith.constant 64 : index
      %swap3A_619 = tpu.vector_load %arg6[%swap3A_617, %swap3A_618] {strides = array<i32>} : memref<768x128xf32, #tpu.memory_space<vmem>>, vector<1x16xf32>,
      %swap3A_620 = vector.shape_cast %swap3A_619 : vector<1x16xf32> to vector<16xf32>
      %swap3A_621 = vector.shape_cast %mul3A_614 : vector<16xf32> to vector<1x16xf32>
      tpu.vector_store %arg6[%swap3A_617, %swap3A_618], %swap3A_621 {strides = array<i32>} : memref<768x128xf32, #tpu.memory_space<vmem>>, vector<1x16xf32>,
      %add3A_622 = arith.constant 128 : i32
      %add3A_623 = arith.addi %add3A_622, %scan3A_541 : i32
      %get3A_624 = arith.index_cast %add3A_623 : i32 to index
      %get3A_625 = arith.constant 80 : index
      %get3A_626 = tpu.vector_load %arg6[%get3A_624, %get3A_625] {strides = array<i32>} : memref<768x128xf32, #tpu.memory_space<vmem>>, vector<1x16xf32>,
      %get3A_627 = vector.shape_cast %get3A_626 : vector<1x16xf32> to vector<16xf32>
      %mul3A_628 = arith.constant 11.3137083 : f32
      %mul3A_629 = vector.broadcast %mul3A_628 : f32 to vector<16xf32>
      %mul3A_630 = arith.mulf %get3A_627, %mul3A_629 : vector<16xf32>
      %add3A_631 = arith.constant 128 : i32
      %add3A_632 = arith.addi %add3A_631, %scan3A_541 : i32
      %swap3A_633 = arith.index_cast %add3A_632 : i32 to index
      %swap3A_634 = arith.constant 80 : index
      %swap3A_635 = tpu.vector_load %arg6[%swap3A_633, %swap3A_634] {strides = array<i32>} : memref<768x128xf32, #tpu.memory_space<vmem>>, vector<1x16xf32>,
      %swap3A_636 = vector.shape_cast %swap3A_635 : vector<1x16xf32> to vector<16xf32>
      %swap3A_637 = vector.shape_cast %mul3A_630 : vector<16xf32> to vector<1x16xf32>
      tpu.vector_store %arg6[%swap3A_633, %swap3A_634], %swap3A_637 {strides = array<i32>} : memref<768x128xf32, #tpu.memory_space<vmem>>, vector<1x16xf32>,
      %add3A_638 = arith.constant 128 : i32
      %add3A_639 = arith.addi %add3A_638, %scan3A_541 : i32
      %get3A_640 = arith.index_cast %add3A_639 : i32 to index
      %get3A_641 = arith.constant 96 : index
      %get3A_642 = tpu.vector_load %arg6[%get3A_640, %get3A_641] {strides = array<i32>} : memref<768x128xf32, #tpu.memory_space<vmem>>, vector<1x16xf32>,
      %get3A_643 = vector.shape_cast %get3A_642 : vector<1x16xf32> to vector<16xf32>
      %mul3A_644 = arith.constant 11.3137083 : f32
      %mul3A_645 = vector.broadcast %mul3A_644 : f32 to vector<16xf32>
      %mul3A_646 = arith.mulf %get3A_643, %mul3A_645 : vector<16xf32>
      %add3A_647 = arith.constant 128 : i32
      %add3A_648 = arith.addi %add3A_647, %scan3A_541 : i32
      %swap3A_649 = arith.index_cast %add3A_648 : i32 to index
      %swap3A_650 = arith.constant 96 : index
      %swap3A_651 = tpu.vector_load %arg6[%swap3A_649, %swap3A_650] {strides = array<i32>} : memref<768x128xf32, #tpu.memory_space<vmem>>, vector<1x16xf32>,
      %swap3A_652 = vector.shape_cast %swap3A_651 : vector<1x16xf32> to vector<16xf32>
      %swap3A_653 = vector.shape_cast %mul3A_646 : vector<16xf32> to vector<1x16xf32>
      tpu.vector_store %arg6[%swap3A_649, %swap3A_650], %swap3A_653 {strides = array<i32>} : memref<768x128xf32, #tpu.memory_space<vmem>>, vector<1x16xf32>,
      %add3A_654 = arith.constant 128 : i32
      %add3A_655 = arith.addi %add3A_654, %scan3A_541 : i32
      %get3A_656 = arith.index_cast %add3A_655 : i32 to index
      %get3A_657 = arith.constant 112 : index
      %get3A_658 = tpu.vector_load %arg6[%get3A_656, %get3A_657] {strides = array<i32>} : memref<768x128xf32, #tpu.memory_space<vmem>>, vector<1x16xf32>,
      %get3A_659 = vector.shape_cast %get3A_658 : vector<1x16xf32> to vector<16xf32>
      %mul3A_660 = arith.constant 11.3137083 : f32
      %mul3A_661 = vector.broadcast %mul3A_660 : f32 to vector<16xf32>
      %mul3A_662 = arith.mulf %get3A_659, %mul3A_661 : vector<16xf32>
      %add3A_663 = arith.constant 128 : i32
      %add3A_664 = arith.addi %add3A_663, %scan3A_541 : i32
      %swap3A_665 = arith.index_cast %add3A_664 : i32 to index
      %swap3A_666 = arith.constant 112 : index
      %swap3A_667 = tpu.vector_load %arg6[%swap3A_665, %swap3A_666] {strides = array<i32>} : memref<768x128xf32, #tpu.memory_space<vmem>>, vector<1x16xf32>,
      %swap3A_668 = vector.shape_cast %swap3A_667 : vector<1x16xf32> to vector<16xf32>
      %swap3A_669 = vector.shape_cast %mul3A_662 : vector<16xf32> to vector<1x16xf32>
      tpu.vector_store %arg6[%swap3A_665, %swap3A_666], %swap3A_669 {strides = array<i32>} : memref<768x128xf32, #tpu.memory_space<vmem>>, vector<1x16xf32>,
    }
    %scan3A_92 = arith.constant 128 : i32
    %dma_start3A_93 = arith.constant 1 : i32
    %dma_start3A_94 = arith.constant 128 : i32
    %dma_start3A_95 = arith.constant 0 : i32
    %dma_start3A_96 = tpu.memref_slice %arg6[%dma_start3A_94, %dma_start3A_95] : memref<768x128xf32, #tpu.memory_space<vmem>> -> memref<128x128xf32, #tpu.memory_space<vmem>>
    %dma_start3A_97 = arith.constant 0 : i32
    %dma_start3A_98 = tpu.memref_slice %arg4[%dma_start3A_93, %mul3A_2, %dma_start3A_97] : memref<50x4096x128xf32, #tpu.memory_space<hbm>> -> memref<1x128x128xf32, #tpu.memory_space<hbm>>
    %dma_start3A_99 = tpu.memref_squeeze %dma_start3A_98 : memref<1x128x128xf32, #tpu.memory_space<hbm>> -> memref<128x128xf32, #tpu.memory_space<hbm>>
    %dma_start3A_100 = arith.constant 0 : i32
    %dma_start3A_101 = tpu.memref_slice %arg4[%dma_start3A_93, %mul3A_2, %dma_start3A_100] : memref<50x4096x128xf32, #tpu.memory_space<hbm>> -> memref<1x128x128xf32, #tpu.memory_space<hbm>>
    %dma_start3A_102 = tpu.memref_squeeze %dma_start3A_101 : memref<1x128x128xf32, #tpu.memory_space<hbm>> -> memref<128x128xf32, #tpu.memory_space<hbm>>
    %dma_start3A_103 = arith.constant 128 : i32
    %dma_start3A_104 = arith.constant 0 : i32
    %dma_start3A_105 = tpu.memref_slice %arg6[%dma_start3A_103, %dma_start3A_104] : memref<768x128xf32, #tpu.memory_space<vmem>> -> memref<128x128xf32, #tpu.memory_space<vmem>>
    tpu.enqueue_dma source(%dma_start3A_105 : memref<128x128xf32, #tpu.memory_space<vmem>>) target(%dma_start3A_102 : memref<128x128xf32, #tpu.memory_space<hbm>>) target_semaphore(%arg14 : memref<!tpu.dma_semaphore, #tpu.memory_space<semaphore_mem>>)
    %dma_start3A_106 = arith.constant 5 : i32
    %dma_start3A_107 = arith.constant 640 : i32
    %dma_start3A_108 = arith.constant 0 : i32
    %dma_start3A_109 = tpu.memref_slice %arg6[%dma_start3A_107, %dma_start3A_108] : memref<768x128xf32, #tpu.memory_space<vmem>> -> memref<128x128xf32, #tpu.memory_space<vmem>>
    %dma_start3A_110 = arith.constant 0 : i32
    %dma_start3A_111 = tpu.memref_slice %arg5[%dma_start3A_106, %dma_start3A_110] : memref<50x128xi32, #tpu.memory_space<vmem>> -> memref<1x128xi32, #tpu.memory_space<vmem>>
    %dma_start3A_112 = tpu.memref_squeeze %dma_start3A_111 : memref<1x128xi32, #tpu.memory_space<vmem>> -> memref<128xi32, #tpu.memory_space<vmem>>
    %dma_start3A_113 = arith.constant 0 : i32
    %dma_start3A_114 = arith.constant 0 : i32
    %dma_start3A_115 = tpu.memref_slice %arg3[%dma_start3A_113, %dma_start3A_114] : memref<100000x128xf32, #tpu.memory_space<hbm>> -> memref<100000x128xf32, #tpu.memory_space<hbm>>
    tpu.enqueue_indirect_dma source(%dma_start3A_115 : memref<100000x128xf32, #tpu.memory_space<hbm>>) target(%dma_start3A_109 : memref<128x128xf32, #tpu.memory_space<vmem>>) offsets(%dma_start3A_112 : memref<128xi32, #tpu.memory_space<vmem>>) semaphore(%arg12 : memref<!tpu.dma_semaphore, #tpu.memory_space<semaphore_mem>>)
    %scan3A_116 = arith.constant 0 : i32
    %scan3A_117 = arith.constant 7 : i32
    %scan3A_118 = arith.addi %scan3A_116, %scan3A_117 : i32
    %scan3A_119 = arith.constant 1 : i32
    scf.for %scan3A_413 = %scan3A_116 to %scan3A_118 step %scan3A_119  : i32 {
      %mul3A_414 = arith.constant 6 : i32
      %mul3A_415 = arith.muli %scan3A_413, %mul3A_414 : i32
      %add3A_416 = arith.constant 2 : i32
      %add3A_417 = arith.addi %add3A_416, %mul3A_415 : i32
      %add3A_418 = arith.constant 0 : i32
      %add3A_419 = arith.addi %add3A_417, %add3A_418 : i32
      %dma_wait3A_420 = arith.constant 256 : i32
      %dma_wait3A_421 = arith.constant 0 : i32
      %dma_wait3A_422 = tpu.memref_slice %arg6[%dma_wait3A_420, %dma_wait3A_421] : memref<768x128xf32, #tpu.memory_space<vmem>> -> memref<128x128xf32, #tpu.memory_space<vmem>>
      %dma_wait3A_423 = arith.constant 0 : i32
      %dma_wait3A_424 = tpu.memref_slice %arg5[%add3A_419, %dma_wait3A_423] : memref<50x128xi32, #tpu.memory_space<vmem>> -> memref<1x128xi32, #tpu.memory_space<vmem>>
      %dma_wait3A_425 = tpu.memref_squeeze %dma_wait3A_424 : memref<1x128xi32, #tpu.memory_space<vmem>> -> memref<128xi32, #tpu.memory_space<vmem>>
      %dma_wait3A_426 = arith.constant 0 : i32
      %dma_wait3A_427 = arith.constant 0 : i32
      %dma_wait3A_428 = tpu.memref_slice %arg3[%dma_wait3A_426, %dma_wait3A_427] : memref<100000x128xf32, #tpu.memory_space<hbm>> -> memref<100000x128xf32, #tpu.memory_space<hbm>>
      tpu.wait_indirect_dma semaphore(%arg9 : memref<!tpu.dma_semaphore, #tpu.memory_space<semaphore_mem>>) src(%dma_wait3A_428 : memref<100000x128xf32, #tpu.memory_space<hbm>>) dst(%dma_wait3A_422 : memref<128x128xf32, #tpu.memory_space<vmem>>)
      %scan3A_429 = arith.constant 0 : i32
      %scan3A_430 = arith.constant 128 : i32
      %scan3A_431 = arith.addi %scan3A_429, %scan3A_430 : i32
      %scan3A_432 = arith.constant 2 : i32
      scf.for %scan3A_735 = %scan3A_429 to %scan3A_431 step %scan3A_432  : i32 {
        %add3A_736 = arith.constant 256 : i32
        %add3A_737 = arith.addi %add3A_736, %scan3A_735 : i32
        %get3A = arith.index_cast %add3A_737 : i32 to index
        %get3A_738 = arith.constant 0 : index
        %get3A_739 = tpu.vector_load %arg6[%get3A, %get3A_738] {strides = array<i32>} : memref<768x128xf32, #tpu.memory_space<vmem>>, vector<1x16xf32>,
        %get3A_740 = vector.shape_cast %get3A_739 : vector<1x16xf32> to vector<16xf32>
        %mul3A_741 = arith.constant 11.3137083 : f32
        %mul3A_742 = vector.broadcast %mul3A_741 : f32 to vector<16xf32>
        %mul3A_743 = arith.mulf %get3A_740, %mul3A_742 : vector<16xf32>
        %add3A_744 = arith.constant 256 : i32
        %add3A_745 = arith.addi %add3A_744, %scan3A_735 : i32
        %swap3A = arith.index_cast %add3A_745 : i32 to index
        %swap3A_746 = arith.constant 0 : index
        %swap3A_747 = tpu.vector_load %arg6[%swap3A, %swap3A_746] {strides = array<i32>} : memref<768x128xf32, #tpu.memory_space<vmem>>, vector<1x16xf32>,
        %swap3A_748 = vector.shape_cast %swap3A_747 : vector<1x16xf32> to vector<16xf32>
        %swap3A_749 = vector.shape_cast %mul3A_743 : vector<16xf32> to vector<1x16xf32>
        tpu.vector_store %arg6[%swap3A, %swap3A_746], %swap3A_749 {strides = array<i32>} : memref<768x128xf32, #tpu.memory_space<vmem>>, vector<1x16xf32>,
        %add3A_750 = arith.constant 256 : i32
        %add3A_751 = arith.addi %add3A_750, %scan3A_735 : i32
        %get3A_752 = arith.index_cast %add3A_751 : i32 to index
        %get3A_753 = arith.constant 16 : index
        %get3A_754 = tpu.vector_load %arg6[%get3A_752, %get3A_753] {strides = array<i32>} : memref<768x128xf32, #tpu.memory_space<vmem>>, vector<1x16xf32>,
        %get3A_755 = vector.shape_cast %get3A_754 : vector<1x16xf32> to vector<16xf32>
        %mul3A_756 = arith.constant 11.3137083 : f32
        %mul3A_757 = vector.broadcast %mul3A_756 : f32 to vector<16xf32>
        %mul3A_758 = arith.mulf %get3A_755, %mul3A_757 : vector<16xf32>
        %add3A_759 = arith.constant 256 : i32
        %add3A_760 = arith.addi %add3A_759, %scan3A_735 : i32
        %swap3A_761 = arith.index_cast %add3A_760 : i32 to index
        %swap3A_762 = arith.constant 16 : index
        %swap3A_763 = tpu.vector_load %arg6[%swap3A_761, %swap3A_762] {strides = array<i32>} : memref<768x128xf32, #tpu.memory_space<vmem>>, vector<1x16xf32>,
        %swap3A_764 = vector.shape_cast %swap3A_763 : vector<1x16xf32> to vector<16xf32>
        %swap3A_765 = vector.shape_cast %mul3A_758 : vector<16xf32> to vector<1x16xf32>
        tpu.vector_store %arg6[%swap3A_761, %swap3A_762], %swap3A_765 {strides = array<i32>} : memref<768x128xf32, #tpu.memory_space<vmem>>, vector<1x16xf32>,
        %add3A_766 = arith.constant 256 : i32
        %add3A_767 = arith.addi %add3A_766, %scan3A_735 : i32
        %get3A_768 = arith.index_cast %add3A_767 : i32 to index
        %get3A_769 = arith.constant 32 : index
        %get3A_770 = tpu.vector_load %arg6[%get3A_768, %get3A_769] {strides = array<i32>} : memref<768x128xf32, #tpu.memory_space<vmem>>, vector<1x16xf32>,
        %get3A_771 = vector.shape_cast %get3A_770 : vector<1x16xf32> to vector<16xf32>
        %mul3A_772 = arith.constant 11.3137083 : f32
        %mul3A_773 = vector.broadcast %mul3A_772 : f32 to vector<16xf32>
        %mul3A_774 = arith.mulf %get3A_771, %mul3A_773 : vector<16xf32>
        %add3A_775 = arith.constant 256 : i32
        %add3A_776 = arith.addi %add3A_775, %scan3A_735 : i32
        %swap3A_777 = arith.index_cast %add3A_776 : i32 to index
        %swap3A_778 = arith.constant 32 : index
        %swap3A_779 = tpu.vector_load %arg6[%swap3A_777, %swap3A_778] {strides = array<i32>} : memref<768x128xf32, #tpu.memory_space<vmem>>, vector<1x16xf32>,
        %swap3A_780 = vector.shape_cast %swap3A_779 : vector<1x16xf32> to vector<16xf32>
        %swap3A_781 = vector.shape_cast %mul3A_774 : vector<16xf32> to vector<1x16xf32>
        tpu.vector_store %arg6[%swap3A_777, %swap3A_778], %swap3A_781 {strides = array<i32>} : memref<768x128xf32, #tpu.memory_space<vmem>>, vector<1x16xf32>,
        %add3A_782 = arith.constant 256 : i32
        %add3A_783 = arith.addi %add3A_782, %scan3A_735 : i32
        %get3A_784 = arith.index_cast %add3A_783 : i32 to index
        %get3A_785 = arith.constant 48 : index
        %get3A_786 = tpu.vector_load %arg6[%get3A_784, %get3A_785] {strides = array<i32>} : memref<768x128xf32, #tpu.memory_space<vmem>>, vector<1x16xf32>,
        %get3A_787 = vector.shape_cast %get3A_786 : vector<1x16xf32> to vector<16xf32>
        %mul3A_788 = arith.constant 11.3137083 : f32
        %mul3A_789 = vector.broadcast %mul3A_788 : f32 to vector<16xf32>
        %mul3A_790 = arith.mulf %get3A_787, %mul3A_789 : vector<16xf32>
        %add3A_791 = arith.constant 256 : i32
        %add3A_792 = arith.addi %add3A_791, %scan3A_735 : i32
        %swap3A_793 = arith.index_cast %add3A_792 : i32 to index
        %swap3A_794 = arith.constant 48 : index
        %swap3A_795 = tpu.vector_load %arg6[%swap3A_793, %swap3A_794] {strides = array<i32>} : memref<768x128xf32, #tpu.memory_space<vmem>>, vector<1x16xf32>,
        %swap3A_796 = vector.shape_cast %swap3A_795 : vector<1x16xf32> to vector<16xf32>
        %swap3A_797 = vector.shape_cast %mul3A_790 : vector<16xf32> to vector<1x16xf32>
        tpu.vector_store %arg6[%swap3A_793, %swap3A_794], %swap3A_797 {strides = array<i32>} : memref<768x128xf32, #tpu.memory_space<vmem>>, vector<1x16xf32>,
        %add3A_798 = arith.constant 256 : i32
        %add3A_799 = arith.addi %add3A_798, %scan3A_735 : i32
        %get3A_800 = arith.index_cast %add3A_799 : i32 to index
        %get3A_801 = arith.constant 64 : index
        %get3A_802 = tpu.vector_load %arg6[%get3A_800, %get3A_801] {strides = array<i32>} : memref<768x128xf32, #tpu.memory_space<vmem>>, vector<1x16xf32>,
        %get3A_803 = vector.shape_cast %get3A_802 : vector<1x16xf32> to vector<16xf32>
        %mul3A_804 = arith.constant 11.3137083 : f32
        %mul3A_805 = vector.broadcast %mul3A_804 : f32 to vector<16xf32>
        %mul3A_806 = arith.mulf %get3A_803, %mul3A_805 : vector<16xf32>
        %add3A_807 = arith.constant 256 : i32
        %add3A_808 = arith.addi %add3A_807, %scan3A_735 : i32
        %swap3A_809 = arith.index_cast %add3A_808 : i32 to index
        %swap3A_810 = arith.constant 64 : index
        %swap3A_811 = tpu.vector_load %arg6[%swap3A_809, %swap3A_810] {strides = array<i32>} : memref<768x128xf32, #tpu.memory_space<vmem>>, vector<1x16xf32>,
        %swap3A_812 = vector.shape_cast %swap3A_811 : vector<1x16xf32> to vector<16xf32>
        %swap3A_813 = vector.shape_cast %mul3A_806 : vector<16xf32> to vector<1x16xf32>
        tpu.vector_store %arg6[%swap3A_809, %swap3A_810], %swap3A_813 {strides = array<i32>} : memref<768x128xf32, #tpu.memory_space<vmem>>, vector<1x16xf32>,
        %add3A_814 = arith.constant 256 : i32
        %add3A_815 = arith.addi %add3A_814, %scan3A_735 : i32
        %get3A_816 = arith.index_cast %add3A_815 : i32 to index
        %get3A_817 = arith.constant 80 : index
        %get3A_818 = tpu.vector_load %arg6[%get3A_816, %get3A_817] {strides = array<i32>} : memref<768x128xf32, #tpu.memory_space<vmem>>, vector<1x16xf32>,
        %get3A_819 = vector.shape_cast %get3A_818 : vector<1x16xf32> to vector<16xf32>
        %mul3A_820 = arith.constant 11.3137083 : f32
        %mul3A_821 = vector.broadcast %mul3A_820 : f32 to vector<16xf32>
        %mul3A_822 = arith.mulf %get3A_819, %mul3A_821 : vector<16xf32>
        %add3A_823 = arith.constant 256 : i32
        %add3A_824 = arith.addi %add3A_823, %scan3A_735 : i32
        %swap3A_825 = arith.index_cast %add3A_824 : i32 to index
        %swap3A_826 = arith.constant 80 : index
        %swap3A_827 = tpu.vector_load %arg6[%swap3A_825, %swap3A_826] {strides = array<i32>} : memref<768x128xf32, #tpu.memory_space<vmem>>, vector<1x16xf32>,
        %swap3A_828 = vector.shape_cast %swap3A_827 : vector<1x16xf32> to vector<16xf32>
        %swap3A_829 = vector.shape_cast %mul3A_822 : vector<16xf32> to vector<1x16xf32>
        tpu.vector_store %arg6[%swap3A_825, %swap3A_826], %swap3A_829 {strides = array<i32>} : memref<768x128xf32, #tpu.memory_space<vmem>>, vector<1x16xf32>,
        %add3A_830 = arith.constant 256 : i32
        %add3A_831 = arith.addi %add3A_830, %scan3A_735 : i32
        %get3A_832 = arith.index_cast %add3A_831 : i32 to index
        %get3A_833 = arith.constant 96 : index
        %get3A_834 = tpu.vector_load %arg6[%get3A_832, %get3A_833] {strides = array<i32>} : memref<768x128xf32, #tpu.memory_space<vmem>>, vector<1x16xf32>,
        %get3A_835 = vector.shape_cast %get3A_834 : vector<1x16xf32> to vector<16xf32>
        %mul3A_836 = arith.constant 11.3137083 : f32
        %mul3A_837 = vector.broadcast %mul3A_836 : f32 to vector<16xf32>
        %mul3A_838 = arith.mulf %get3A_835, %mul3A_837 : vector<16xf32>
        %add3A_839 = arith.constant 256 : i32
        %add3A_840 = arith.addi %add3A_839, %scan3A_735 : i32
        %swap3A_841 = arith.index_cast %add3A_840 : i32 to index
        %swap3A_842 = arith.constant 96 : index
        %swap3A_843 = tpu.vector_load %arg6[%swap3A_841, %swap3A_842] {strides = array<i32>} : memref<768x128xf32, #tpu.memory_space<vmem>>, vector<1x16xf32>,
        %swap3A_844 = vector.shape_cast %swap3A_843 : vector<1x16xf32> to vector<16xf32>
        %swap3A_845 = vector.shape_cast %mul3A_838 : vector<16xf32> to vector<1x16xf32>
        tpu.vector_store %arg6[%swap3A_841, %swap3A_842], %swap3A_845 {strides = array<i32>} : memref<768x128xf32, #tpu.memory_space<vmem>>, vector<1x16xf32>,
        %add3A_846 = arith.constant 256 : i32
        %add3A_847 = arith.addi %add3A_846, %scan3A_735 : i32
        %get3A_848 = arith.index_cast %add3A_847 : i32 to index
        %get3A_849 = arith.constant 112 : index
        %get3A_850 = tpu.vector_load %arg6[%get3A_848, %get3A_849] {strides = array<i32>} : memref<768x128xf32, #tpu.memory_space<vmem>>, vector<1x16xf32>,
        %get3A_851 = vector.shape_cast %get3A_850 : vector<1x16xf32> to vector<16xf32>
        %mul3A_852 = arith.constant 11.3137083 : f32
        %mul3A_853 = vector.broadcast %mul3A_852 : f32 to vector<16xf32>
        %mul3A_854 = arith.mulf %get3A_851, %mul3A_853 : vector<16xf32>
        %add3A_855 = arith.constant 256 : i32
        %add3A_856 = arith.addi %add3A_855, %scan3A_735 : i32
        %swap3A_857 = arith.index_cast %add3A_856 : i32 to index
        %swap3A_858 = arith.constant 112 : index
        %swap3A_859 = tpu.vector_load %arg6[%swap3A_857, %swap3A_858] {strides = array<i32>} : memref<768x128xf32, #tpu.memory_space<vmem>>, vector<1x16xf32>,
        %swap3A_860 = vector.shape_cast %swap3A_859 : vector<1x16xf32> to vector<16xf32>
        %swap3A_861 = vector.shape_cast %mul3A_854 : vector<16xf32> to vector<1x16xf32>
        tpu.vector_store %arg6[%swap3A_857, %swap3A_858], %swap3A_861 {strides = array<i32>} : memref<768x128xf32, #tpu.memory_space<vmem>>, vector<1x16xf32>,
        %scan3A_862 = arith.constant 1 : i32
        %scan3A_863 = arith.addi %scan3A_735, %scan3A_862 : i32
        %add3A_864 = arith.constant 256 : i32
        %add3A_865 = arith.addi %add3A_864, %scan3A_863 : i32
        %get3A_866 = arith.index_cast %add3A_865 : i32 to index
        %get3A_867 = arith.constant 0 : index
        %get3A_868 = tpu.vector_load %arg6[%get3A_866, %get3A_867] {strides = array<i32>} : memref<768x128xf32, #tpu.memory_space<vmem>>, vector<1x16xf32>,
        %get3A_869 = vector.shape_cast %get3A_868 : vector<1x16xf32> to vector<16xf32>
        %mul3A_870 = arith.constant 11.3137083 : f32
        %mul3A_871 = vector.broadcast %mul3A_870 : f32 to vector<16xf32>
        %mul3A_872 = arith.mulf %get3A_869, %mul3A_871 : vector<16xf32>
        %add3A_873 = arith.constant 256 : i32
        %add3A_874 = arith.addi %add3A_873, %scan3A_863 : i32
        %swap3A_875 = arith.index_cast %add3A_874 : i32 to index
        %swap3A_876 = arith.constant 0 : index
        %swap3A_877 = tpu.vector_load %arg6[%swap3A_875, %swap3A_876] {strides = array<i32>} : memref<768x128xf32, #tpu.memory_space<vmem>>, vector<1x16xf32>,
        %swap3A_878 = vector.shape_cast %swap3A_877 : vector<1x16xf32> to vector<16xf32>
        %swap3A_879 = vector.shape_cast %mul3A_872 : vector<16xf32> to vector<1x16xf32>
        tpu.vector_store %arg6[%swap3A_875, %swap3A_876], %swap3A_879 {strides = array<i32>} : memref<768x128xf32, #tpu.memory_space<vmem>>, vector<1x16xf32>,
        %add3A_880 = arith.constant 256 : i32
        %add3A_881 = arith.addi %add3A_880, %scan3A_863 : i32
        %get3A_882 = arith.index_cast %add3A_881 : i32 to index
        %get3A_883 = arith.constant 16 : index
        %get3A_884 = tpu.vector_load %arg6[%get3A_882, %get3A_883] {strides = array<i32>} : memref<768x128xf32, #tpu.memory_space<vmem>>, vector<1x16xf32>,
        %get3A_885 = vector.shape_cast %get3A_884 : vector<1x16xf32> to vector<16xf32>
        %mul3A_886 = arith.constant 11.3137083 : f32
        %mul3A_887 = vector.broadcast %mul3A_886 : f32 to vector<16xf32>
        %mul3A_888 = arith.mulf %get3A_885, %mul3A_887 : vector<16xf32>
        %add3A_889 = arith.constant 256 : i32
        %add3A_890 = arith.addi %add3A_889, %scan3A_863 : i32
        %swap3A_891 = arith.index_cast %add3A_890 : i32 to index
        %swap3A_892 = arith.constant 16 : index
        %swap3A_893 = tpu.vector_load %arg6[%swap3A_891, %swap3A_892] {strides = array<i32>} : memref<768x128xf32, #tpu.memory_space<vmem>>, vector<1x16xf32>,
        %swap3A_894 = vector.shape_cast %swap3A_893 : vector<1x16xf32> to vector<16xf32>
        %swap3A_895 = vector.shape_cast %mul3A_888 : vector<16xf32> to vector<1x16xf32>
        tpu.vector_store %arg6[%swap3A_891, %swap3A_892], %swap3A_895 {strides = array<i32>} : memref<768x128xf32, #tpu.memory_space<vmem>>, vector<1x16xf32>,
        %add3A_896 = arith.constant 256 : i32
        %add3A_897 = arith.addi %add3A_896, %scan3A_863 : i32
        %get3A_898 = arith.index_cast %add3A_897 : i32 to index
        %get3A_899 = arith.constant 32 : index
        %get3A_900 = tpu.vector_load %arg6[%get3A_898, %get3A_899] {strides = array<i32>} : memref<768x128xf32, #tpu.memory_space<vmem>>, vector<1x16xf32>,
        %get3A_901 = vector.shape_cast %get3A_900 : vector<1x16xf32> to vector<16xf32>
        %mul3A_902 = arith.constant 11.3137083 : f32
        %mul3A_903 = vector.broadcast %mul3A_902 : f32 to vector<16xf32>
        %mul3A_904 = arith.mulf %get3A_901, %mul3A_903 : vector<16xf32>
        %add3A_905 = arith.constant 256 : i32
        %add3A_906 = arith.addi %add3A_905, %scan3A_863 : i32
        %swap3A_907 = arith.index_cast %add3A_906 : i32 to index
        %swap3A_908 = arith.constant 32 : index
        %swap3A_909 = tpu.vector_load %arg6[%swap3A_907, %swap3A_908] {strides = array<i32>} : memref<768x128xf32, #tpu.memory_space<vmem>>, vector<1x16xf32>,
        %swap3A_910 = vector.shape_cast %swap3A_909 : vector<1x16xf32> to vector<16xf32>
        %swap3A_911 = vector.shape_cast %mul3A_904 : vector<16xf32> to vector<1x16xf32>
        tpu.vector_store %arg6[%swap3A_907, %swap3A_908], %swap3A_911 {strides = array<i32>} : memref<768x128xf32, #tpu.memory_space<vmem>>, vector<1x16xf32>,
        %add3A_912 = arith.constant 256 : i32
        %add3A_913 = arith.addi %add3A_912, %scan3A_863 : i32
        %get3A_914 = arith.index_cast %add3A_913 : i32 to index
        %get3A_915 = arith.constant 48 : index
        %get3A_916 = tpu.vector_load %arg6[%get3A_914, %get3A_915] {strides = array<i32>} : memref<768x128xf32, #tpu.memory_space<vmem>>, vector<1x16xf32>,
        %get3A_917 = vector.shape_cast %get3A_916 : vector<1x16xf32> to vector<16xf32>
        %mul3A_918 = arith.constant 11.3137083 : f32
        %mul3A_919 = vector.broadcast %mul3A_918 : f32 to vector<16xf32>
        %mul3A_920 = arith.mulf %get3A_917, %mul3A_919 : vector<16xf32>
        %add3A_921 = arith.constant 256 : i32
        %add3A_922 = arith.addi %add3A_921, %scan3A_863 : i32
        %swap3A_923 = arith.index_cast %add3A_922 : i32 to index
        %swap3A_924 = arith.constant 48 : index
        %swap3A_925 = tpu.vector_load %arg6[%swap3A_923, %swap3A_924] {strides = array<i32>} : memref<768x128xf32, #tpu.memory_space<vmem>>, vector<1x16xf32>,
        %swap3A_926 = vector.shape_cast %swap3A_925 : vector<1x16xf32> to vector<16xf32>
        %swap3A_927 = vector.shape_cast %mul3A_920 : vector<16xf32> to vector<1x16xf32>
        tpu.vector_store %arg6[%swap3A_923, %swap3A_924], %swap3A_927 {strides = array<i32>} : memref<768x128xf32, #tpu.memory_space<vmem>>, vector<1x16xf32>,
        %add3A_928 = arith.constant 256 : i32
        %add3A_929 = arith.addi %add3A_928, %scan3A_863 : i32
        %get3A_930 = arith.index_cast %add3A_929 : i32 to index
        %get3A_931 = arith.constant 64 : index
        %get3A_932 = tpu.vector_load %arg6[%get3A_930, %get3A_931] {strides = array<i32>} : memref<768x128xf32, #tpu.memory_space<vmem>>, vector<1x16xf32>,
        %get3A_933 = vector.shape_cast %get3A_932 : vector<1x16xf32> to vector<16xf32>
        %mul3A_934 = arith.constant 11.3137083 : f32
        %mul3A_935 = vector.broadcast %mul3A_934 : f32 to vector<16xf32>
        %mul3A_936 = arith.mulf %get3A_933, %mul3A_935 : vector<16xf32>
        %add3A_937 = arith.constant 256 : i32
        %add3A_938 = arith.addi %add3A_937, %scan3A_863 : i32
        %swap3A_939 = arith.index_cast %add3A_938 : i32 to index
        %swap3A_940 = arith.constant 64 : index
        %swap3A_941 = tpu.vector_load %arg6[%swap3A_939, %swap3A_940] {strides = array<i32>} : memref<768x128xf32, #tpu.memory_space<vmem>>, vector<1x16xf32>,
        %swap3A_942 = vector.shape_cast %swap3A_941 : vector<1x16xf32> to vector<16xf32>
        %swap3A_943 = vector.shape_cast %mul3A_936 : vector<16xf32> to vector<1x16xf32>
        tpu.vector_store %arg6[%swap3A_939, %swap3A_940], %swap3A_943 {strides = array<i32>} : memref<768x128xf32, #tpu.memory_space<vmem>>, vector<1x16xf32>,
        %add3A_944 = arith.constant 256 : i32
        %add3A_945 = arith.addi %add3A_944, %scan3A_863 : i32
        %get3A_946 = arith.index_cast %add3A_945 : i32 to index
        %get3A_947 = arith.constant 80 : index
        %get3A_948 = tpu.vector_load %arg6[%get3A_946, %get3A_947] {strides = array<i32>} : memref<768x128xf32, #tpu.memory_space<vmem>>, vector<1x16xf32>,
        %get3A_949 = vector.shape_cast %get3A_948 : vector<1x16xf32> to vector<16xf32>
        %mul3A_950 = arith.constant 11.3137083 : f32
        %mul3A_951 = vector.broadcast %mul3A_950 : f32 to vector<16xf32>
        %mul3A_952 = arith.mulf %get3A_949, %mul3A_951 : vector<16xf32>
        %add3A_953 = arith.constant 256 : i32
        %add3A_954 = arith.addi %add3A_953, %scan3A_863 : i32
        %swap3A_955 = arith.index_cast %add3A_954 : i32 to index
        %swap3A_956 = arith.constant 80 : index
        %swap3A_957 = tpu.vector_load %arg6[%swap3A_955, %swap3A_956] {strides = array<i32>} : memref<768x128xf32, #tpu.memory_space<vmem>>, vector<1x16xf32>,
        %swap3A_958 = vector.shape_cast %swap3A_957 : vector<1x16xf32> to vector<16xf32>
        %swap3A_959 = vector.shape_cast %mul3A_952 : vector<16xf32> to vector<1x16xf32>
        tpu.vector_store %arg6[%swap3A_955, %swap3A_956], %swap3A_959 {strides = array<i32>} : memref<768x128xf32, #tpu.memory_space<vmem>>, vector<1x16xf32>,
        %add3A_960 = arith.constant 256 : i32
        %add3A_961 = arith.addi %add3A_960, %scan3A_863 : i32
        %get3A_962 = arith.index_cast %add3A_961 : i32 to index
        %get3A_963 = arith.constant 96 : index
        %get3A_964 = tpu.vector_load %arg6[%get3A_962, %get3A_963] {strides = array<i32>} : memref<768x128xf32, #tpu.memory_space<vmem>>, vector<1x16xf32>,
        %get3A_965 = vector.shape_cast %get3A_964 : vector<1x16xf32> to vector<16xf32>
        %mul3A_966 = arith.constant 11.3137083 : f32
        %mul3A_967 = vector.broadcast %mul3A_966 : f32 to vector<16xf32>
        %mul3A_968 = arith.mulf %get3A_965, %mul3A_967 : vector<16xf32>
        %add3A_969 = arith.constant 256 : i32
        %add3A_970 = arith.addi %add3A_969, %scan3A_863 : i32
        %swap3A_971 = arith.index_cast %add3A_970 : i32 to index
        %swap3A_972 = arith.constant 96 : index
        %swap3A_973 = tpu.vector_load %arg6[%swap3A_971, %swap3A_972] {strides = array<i32>} : memref<768x128xf32, #tpu.memory_space<vmem>>, vector<1x16xf32>,
        %swap3A_974 = vector.shape_cast %swap3A_973 : vector<1x16xf32> to vector<16xf32>
        %swap3A_975 = vector.shape_cast %mul3A_968 : vector<16xf32> to vector<1x16xf32>
        tpu.vector_store %arg6[%swap3A_971, %swap3A_972], %swap3A_975 {strides = array<i32>} : memref<768x128xf32, #tpu.memory_space<vmem>>, vector<1x16xf32>,
        %add3A_976 = arith.constant 256 : i32
        %add3A_977 = arith.addi %add3A_976, %scan3A_863 : i32
        %get3A_978 = arith.index_cast %add3A_977 : i32 to index
        %get3A_979 = arith.constant 112 : index
        %get3A_980 = tpu.vector_load %arg6[%get3A_978, %get3A_979] {strides = array<i32>} : memref<768x128xf32, #tpu.memory_space<vmem>>, vector<1x16xf32>,
        %get3A_981 = vector.shape_cast %get3A_980 : vector<1x16xf32> to vector<16xf32>
        %mul3A_982 = arith.constant 11.3137083 : f32
        %mul3A_983 = vector.broadcast %mul3A_982 : f32 to vector<16xf32>
        %mul3A_984 = arith.mulf %get3A_981, %mul3A_983 : vector<16xf32>
        %add3A_985 = arith.constant 256 : i32
        %add3A_986 = arith.addi %add3A_985, %scan3A_863 : i32
        %swap3A_987 = arith.index_cast %add3A_986 : i32 to index
        %swap3A_988 = arith.constant 112 : index
        %swap3A_989 = tpu.vector_load %arg6[%swap3A_987, %swap3A_988] {strides = array<i32>} : memref<768x128xf32, #tpu.memory_space<vmem>>, vector<1x16xf32>,
        %swap3A_990 = vector.shape_cast %swap3A_989 : vector<1x16xf32> to vector<16xf32>
        %swap3A_991 = vector.shape_cast %mul3A_984 : vector<16xf32> to vector<1x16xf32>
        tpu.vector_store %arg6[%swap3A_987, %swap3A_988], %swap3A_991 {strides = array<i32>} : memref<768x128xf32, #tpu.memory_space<vmem>>, vector<1x16xf32>,
      }
      %scan3A_433 = arith.constant 128 : i32
      %dma_start3A_434 = arith.constant 256 : i32
      %dma_start3A_435 = arith.constant 0 : i32
      %dma_start3A_436 = tpu.memref_slice %arg6[%dma_start3A_434, %dma_start3A_435] : memref<768x128xf32, #tpu.memory_space<vmem>> -> memref<128x128xf32, #tpu.memory_space<vmem>>
      %dma_start3A_437 = arith.constant 0 : i32
      %dma_start3A_438 = tpu.memref_slice %arg4[%add3A_419, %mul3A_2, %dma_start3A_437] : memref<50x4096x128xf32, #tpu.memory_space<hbm>> -> memref<1x128x128xf32, #tpu.memory_space<hbm>>
      %dma_start3A_439 = tpu.memref_squeeze %dma_start3A_438 : memref<1x128x128xf32, #tpu.memory_space<hbm>> -> memref<128x128xf32, #tpu.memory_space<hbm>>
      %dma_start3A_440 = arith.constant 0 : i32
      %dma_start3A_441 = tpu.memref_slice %arg4[%add3A_419, %mul3A_2, %dma_start3A_440] : memref<50x4096x128xf32, #tpu.memory_space<hbm>> -> memref<1x128x128xf32, #tpu.memory_space<hbm>>
      %dma_start3A_442 = tpu.memref_squeeze %dma_start3A_441 : memref<1x128x128xf32, #tpu.memory_space<hbm>> -> memref<128x128xf32, #tpu.memory_space<hbm>>
      %dma_start3A_443 = arith.constant 256 : i32
      %dma_start3A_444 = arith.constant 0 : i32
      %dma_start3A_445 = tpu.memref_slice %arg6[%dma_start3A_443, %dma_start3A_444] : memref<768x128xf32, #tpu.memory_space<vmem>> -> memref<128x128xf32, #tpu.memory_space<vmem>>
      tpu.enqueue_dma source(%dma_start3A_445 : memref<128x128xf32, #tpu.memory_space<vmem>>) target(%dma_start3A_442 : memref<128x128xf32, #tpu.memory_space<hbm>>) target_semaphore(%arg15 : memref<!tpu.dma_semaphore, #tpu.memory_space<semaphore_mem>>)
      %sub3A = arith.constant 2 : i32
      %sub3A_446 = arith.subi %add3A_419, %sub3A : i32
      %dma_wait3A_447 = arith.constant 0 : i32
      %dma_wait3A_448 = arith.constant 0 : i32
      %dma_wait3A_449 = tpu.memref_slice %arg6[%dma_wait3A_447, %dma_wait3A_448] : memref<768x128xf32, #tpu.memory_space<vmem>> -> memref<128x128xf32, #tpu.memory_space<vmem>>
      %dma_wait3A_450 = arith.constant 0 : i32
      %dma_wait3A_451 = tpu.memref_slice %arg4[%sub3A_446, %mul3A_2, %dma_wait3A_450] : memref<50x4096x128xf32, #tpu.memory_space<hbm>> -> memref<1x128x128xf32, #tpu.memory_space<hbm>>
      %dma_wait3A_452 = tpu.memref_squeeze %dma_wait3A_451 : memref<1x128x128xf32, #tpu.memory_space<hbm>> -> memref<128x128xf32, #tpu.memory_space<hbm>>
      %dma_wait3A_453 = arith.constant 0 : i32
      %dma_wait3A_454 = tpu.memref_slice %arg4[%sub3A_446, %mul3A_2, %dma_wait3A_453] : memref<50x4096x128xf32, #tpu.memory_space<hbm>> -> memref<1x128x128xf32, #tpu.memory_space<hbm>>
      %dma_wait3A_455 = tpu.memref_squeeze %dma_wait3A_454 : memref<1x128x128xf32, #tpu.memory_space<hbm>> -> memref<128x128xf32, #tpu.memory_space<hbm>>
      %dma_wait3A_456 = arith.constant 0 : i32
      %dma_wait3A_457 = arith.constant 0 : i32
      %dma_wait3A_458 = tpu.memref_slice %arg6[%dma_wait3A_456, %dma_wait3A_457] : memref<768x128xf32, #tpu.memory_space<vmem>> -> memref<128x128xf32, #tpu.memory_space<vmem>>
      tpu.wait_dma2 semaphore(%arg13 : memref<!tpu.dma_semaphore, #tpu.memory_space<semaphore_mem>>) src(%dma_wait3A_458 : memref<128x128xf32, #tpu.memory_space<vmem>>) dst(%dma_wait3A_455 : memref<128x128xf32, #tpu.memory_space<hbm>>)
      %add3A_459 = arith.constant 4 : i32
      %add3A_460 = arith.addi %add3A_419, %add3A_459 : i32
      %dma_start3A_461 = arith.constant 0 : i32
      %dma_start3A_462 = arith.constant 0 : i32
      %dma_start3A_463 = tpu.memref_slice %arg6[%dma_start3A_461, %dma_start3A_462] : memref<768x128xf32, #tpu.memory_space<vmem>> -> memref<128x128xf32, #tpu.memory_space<vmem>>
      %dma_start3A_464 = arith.constant 0 : i32
      %dma_start3A_465 = tpu.memref_slice %arg5[%add3A_460, %dma_start3A_464] : memref<50x128xi32, #tpu.memory_space<vmem>> -> memref<1x128xi32, #tpu.memory_space<vmem>>
      %dma_start3A_466 = tpu.memref_squeeze %dma_start3A_465 : memref<1x128xi32, #tpu.memory_space<vmem>> -> memref<128xi32, #tpu.memory_space<vmem>>
      %dma_start3A_467 = arith.constant 0 : i32
      %dma_start3A_468 = arith.constant 0 : i32
      %dma_start3A_469 = tpu.memref_slice %arg3[%dma_start3A_467, %dma_start3A_468] : memref<100000x128xf32, #tpu.memory_space<hbm>> -> memref<100000x128xf32, #tpu.memory_space<hbm>>
      tpu.enqueue_indirect_dma source(%dma_start3A_469 : memref<100000x128xf32, #tpu.memory_space<hbm>>) target(%dma_start3A_463 : memref<128x128xf32, #tpu.memory_space<vmem>>) offsets(%dma_start3A_466 : memref<128xi32, #tpu.memory_space<vmem>>) semaphore(%arg7 : memref<!tpu.dma_semaphore, #tpu.memory_space<semaphore_mem>>)
      %add3A_470 = arith.constant 1 : i32
      %add3A_471 = arith.addi %add3A_417, %add3A_470 : i32
      %dma_wait3A_472 = arith.constant 384 : i32
      %dma_wait3A_473 = arith.constant 0 : i32
      %dma_wait3A_474 = tpu.memref_slice %arg6[%dma_wait3A_472, %dma_wait3A_473] : memref<768x128xf32, #tpu.memory_space<vmem>> -> memref<128x128xf32, #tpu.memory_space<vmem>>
      %dma_wait3A_475 = arith.constant 0 : i32
      %dma_wait3A_476 = tpu.memref_slice %arg5[%add3A_471, %dma_wait3A_475] : memref<50x128xi32, #tpu.memory_space<vmem>> -> memref<1x128xi32, #tpu.memory_space<vmem>>
      %dma_wait3A_477 = tpu.memref_squeeze %dma_wait3A_476 : memref<1x128xi32, #tpu.memory_space<vmem>> -> memref<128xi32, #tpu.memory_space<vmem>>
      %dma_wait3A_478 = arith.constant 0 : i32
      %dma_wait3A_479 = arith.constant 0 : i32
      %dma_wait3A_480 = tpu.memref_slice %arg3[%dma_wait3A_478, %dma_wait3A_479] : memref<100000x128xf32, #tpu.memory_space<hbm>> -> memref<100000x128xf32, #tpu.memory_space<hbm>>
      tpu.wait_indirect_dma semaphore(%arg10 : memref<!tpu.dma_semaphore, #tpu.memory_space<semaphore_mem>>) src(%dma_wait3A_480 : memref<100000x128xf32, #tpu.memory_space<hbm>>) dst(%dma_wait3A_474 : memref<128x128xf32, #tpu.memory_space<vmem>>)
      %scan3A_481 = arith.constant 0 : i32
      %scan3A_482 = arith.constant 128 : i32
      %scan3A_483 = arith.addi %scan3A_481, %scan3A_482 : i32
      %scan3A_484 = arith.constant 2 : i32
      scf.for %scan3A_735 = %scan3A_481 to %scan3A_483 step %scan3A_484  : i32 {
        %add3A_736 = arith.constant 384 : i32
        %add3A_737 = arith.addi %add3A_736, %scan3A_735 : i32
        %get3A = arith.index_cast %add3A_737 : i32 to index
        %get3A_738 = arith.constant 0 : index
        %get3A_739 = tpu.vector_load %arg6[%get3A, %get3A_738] {strides = array<i32>} : memref<768x128xf32, #tpu.memory_space<vmem>>, vector<1x16xf32>,
        %get3A_740 = vector.shape_cast %get3A_739 : vector<1x16xf32> to vector<16xf32>
        %mul3A_741 = arith.constant 11.3137083 : f32
        %mul3A_742 = vector.broadcast %mul3A_741 : f32 to vector<16xf32>
        %mul3A_743 = arith.mulf %get3A_740, %mul3A_742 : vector<16xf32>
        %add3A_744 = arith.constant 384 : i32
        %add3A_745 = arith.addi %add3A_744, %scan3A_735 : i32
        %swap3A = arith.index_cast %add3A_745 : i32 to index
        %swap3A_746 = arith.constant 0 : index
        %swap3A_747 = tpu.vector_load %arg6[%swap3A, %swap3A_746] {strides = array<i32>} : memref<768x128xf32, #tpu.memory_space<vmem>>, vector<1x16xf32>,
        %swap3A_748 = vector.shape_cast %swap3A_747 : vector<1x16xf32> to vector<16xf32>
        %swap3A_749 = vector.shape_cast %mul3A_743 : vector<16xf32> to vector<1x16xf32>
        tpu.vector_store %arg6[%swap3A, %swap3A_746], %swap3A_749 {strides = array<i32>} : memref<768x128xf32, #tpu.memory_space<vmem>>, vector<1x16xf32>,
        %add3A_750 = arith.constant 384 : i32
        %add3A_751 = arith.addi %add3A_750, %scan3A_735 : i32
        %get3A_752 = arith.index_cast %add3A_751 : i32 to index
        %get3A_753 = arith.constant 16 : index
        %get3A_754 = tpu.vector_load %arg6[%get3A_752, %get3A_753] {strides = array<i32>} : memref<768x128xf32, #tpu.memory_space<vmem>>, vector<1x16xf32>,
        %get3A_755 = vector.shape_cast %get3A_754 : vector<1x16xf32> to vector<16xf32>
        %mul3A_756 = arith.constant 11.3137083 : f32
        %mul3A_757 = vector.broadcast %mul3A_756 : f32 to vector<16xf32>
        %mul3A_758 = arith.mulf %get3A_755, %mul3A_757 : vector<16xf32>
        %add3A_759 = arith.constant 384 : i32
        %add3A_760 = arith.addi %add3A_759, %scan3A_735 : i32
        %swap3A_761 = arith.index_cast %add3A_760 : i32 to index
        %swap3A_762 = arith.constant 16 : index
        %swap3A_763 = tpu.vector_load %arg6[%swap3A_761, %swap3A_762] {strides = array<i32>} : memref<768x128xf32, #tpu.memory_space<vmem>>, vector<1x16xf32>,
        %swap3A_764 = vector.shape_cast %swap3A_763 : vector<1x16xf32> to vector<16xf32>
        %swap3A_765 = vector.shape_cast %mul3A_758 : vector<16xf32> to vector<1x16xf32>
        tpu.vector_store %arg6[%swap3A_761, %swap3A_762], %swap3A_765 {strides = array<i32>} : memref<768x128xf32, #tpu.memory_space<vmem>>, vector<1x16xf32>,
        %add3A_766 = arith.constant 384 : i32
        %add3A_767 = arith.addi %add3A_766, %scan3A_735 : i32
        %get3A_768 = arith.index_cast %add3A_767 : i32 to index
        %get3A_769 = arith.constant 32 : index
        %get3A_770 = tpu.vector_load %arg6[%get3A_768, %get3A_769] {strides = array<i32>} : memref<768x128xf32, #tpu.memory_space<vmem>>, vector<1x16xf32>,
        %get3A_771 = vector.shape_cast %get3A_770 : vector<1x16xf32> to vector<16xf32>
        %mul3A_772 = arith.constant 11.3137083 : f32
        %mul3A_773 = vector.broadcast %mul3A_772 : f32 to vector<16xf32>
        %mul3A_774 = arith.mulf %get3A_771, %mul3A_773 : vector<16xf32>
        %add3A_775 = arith.constant 384 : i32
        %add3A_776 = arith.addi %add3A_775, %scan3A_735 : i32
        %swap3A_777 = arith.index_cast %add3A_776 : i32 to index
        %swap3A_778 = arith.constant 32 : index
        %swap3A_779 = tpu.vector_load %arg6[%swap3A_777, %swap3A_778] {strides = array<i32>} : memref<768x128xf32, #tpu.memory_space<vmem>>, vector<1x16xf32>,
        %swap3A_780 = vector.shape_cast %swap3A_779 : vector<1x16xf32> to vector<16xf32>
        %swap3A_781 = vector.shape_cast %mul3A_774 : vector<16xf32> to vector<1x16xf32>
        tpu.vector_store %arg6[%swap3A_777, %swap3A_778], %swap3A_781 {strides = array<i32>} : memref<768x128xf32, #tpu.memory_space<vmem>>, vector<1x16xf32>,
        %add3A_782 = arith.constant 384 : i32
        %add3A_783 = arith.addi %add3A_782, %scan3A_735 : i32
        %get3A_784 = arith.index_cast %add3A_783 : i32 to index
        %get3A_785 = arith.constant 48 : index
        %get3A_786 = tpu.vector_load %arg6[%get3A_784, %get3A_785] {strides = array<i32>} : memref<768x128xf32, #tpu.memory_space<vmem>>, vector<1x16xf32>,
        %get3A_787 = vector.shape_cast %get3A_786 : vector<1x16xf32> to vector<16xf32>
        %mul3A_788 = arith.constant 11.3137083 : f32
        %mul3A_789 = vector.broadcast %mul3A_788 : f32 to vector<16xf32>
        %mul3A_790 = arith.mulf %get3A_787, %mul3A_789 : vector<16xf32>
        %add3A_791 = arith.constant 384 : i32
        %add3A_792 = arith.addi %add3A_791, %scan3A_735 : i32
        %swap3A_793 = arith.index_cast %add3A_792 : i32 to index
        %swap3A_794 = arith.constant 48 : index
        %swap3A_795 = tpu.vector_load %arg6[%swap3A_793, %swap3A_794] {strides = array<i32>} : memref<768x128xf32, #tpu.memory_space<vmem>>, vector<1x16xf32>,
        %swap3A_796 = vector.shape_cast %swap3A_795 : vector<1x16xf32> to vector<16xf32>
        %swap3A_797 = vector.shape_cast %mul3A_790 : vector<16xf32> to vector<1x16xf32>
        tpu.vector_store %arg6[%swap3A_793, %swap3A_794], %swap3A_797 {strides = array<i32>} : memref<768x128xf32, #tpu.memory_space<vmem>>, vector<1x16xf32>,
        %add3A_798 = arith.constant 384 : i32
        %add3A_799 = arith.addi %add3A_798, %scan3A_735 : i32
        %get3A_800 = arith.index_cast %add3A_799 : i32 to index
        %get3A_801 = arith.constant 64 : index
        %get3A_802 = tpu.vector_load %arg6[%get3A_800, %get3A_801] {strides = array<i32>} : memref<768x128xf32, #tpu.memory_space<vmem>>, vector<1x16xf32>,
        %get3A_803 = vector.shape_cast %get3A_802 : vector<1x16xf32> to vector<16xf32>
        %mul3A_804 = arith.constant 11.3137083 : f32
        %mul3A_805 = vector.broadcast %mul3A_804 : f32 to vector<16xf32>
        %mul3A_806 = arith.mulf %get3A_803, %mul3A_805 : vector<16xf32>
        %add3A_807 = arith.constant 384 : i32
        %add3A_808 = arith.addi %add3A_807, %scan3A_735 : i32
        %swap3A_809 = arith.index_cast %add3A_808 : i32 to index
        %swap3A_810 = arith.constant 64 : index
        %swap3A_811 = tpu.vector_load %arg6[%swap3A_809, %swap3A_810] {strides = array<i32>} : memref<768x128xf32, #tpu.memory_space<vmem>>, vector<1x16xf32>,
        %swap3A_812 = vector.shape_cast %swap3A_811 : vector<1x16xf32> to vector<16xf32>
        %swap3A_813 = vector.shape_cast %mul3A_806 : vector<16xf32> to vector<1x16xf32>
        tpu.vector_store %arg6[%swap3A_809, %swap3A_810], %swap3A_813 {strides = array<i32>} : memref<768x128xf32, #tpu.memory_space<vmem>>, vector<1x16xf32>,
        %add3A_814 = arith.constant 384 : i32
        %add3A_815 = arith.addi %add3A_814, %scan3A_735 : i32
        %get3A_816 = arith.index_cast %add3A_815 : i32 to index
        %get3A_817 = arith.constant 80 : index
        %get3A_818 = tpu.vector_load %arg6[%get3A_816, %get3A_817] {strides = array<i32>} : memref<768x128xf32, #tpu.memory_space<vmem>>, vector<1x16xf32>,
        %get3A_819 = vector.shape_cast %get3A_818 : vector<1x16xf32> to vector<16xf32>
        %mul3A_820 = arith.constant 11.3137083 : f32
        %mul3A_821 = vector.broadcast %mul3A_820 : f32 to vector<16xf32>
        %mul3A_822 = arith.mulf %get3A_819, %mul3A_821 : vector<16xf32>
        %add3A_823 = arith.constant 384 : i32
        %add3A_824 = arith.addi %add3A_823, %scan3A_735 : i32
        %swap3A_825 = arith.index_cast %add3A_824 : i32 to index
        %swap3A_826 = arith.constant 80 : index
        %swap3A_827 = tpu.vector_load %arg6[%swap3A_825, %swap3A_826] {strides = array<i32>} : memref<768x128xf32, #tpu.memory_space<vmem>>, vector<1x16xf32>,
        %swap3A_828 = vector.shape_cast %swap3A_827 : vector<1x16xf32> to vector<16xf32>
        %swap3A_829 = vector.shape_cast %mul3A_822 : vector<16xf32> to vector<1x16xf32>
        tpu.vector_store %arg6[%swap3A_825, %swap3A_826], %swap3A_829 {strides = array<i32>} : memref<768x128xf32, #tpu.memory_space<vmem>>, vector<1x16xf32>,
        %add3A_830 = arith.constant 384 : i32
        %add3A_831 = arith.addi %add3A_830, %scan3A_735 : i32
        %get3A_832 = arith.index_cast %add3A_831 : i32 to index
        %get3A_833 = arith.constant 96 : index
        %get3A_834 = tpu.vector_load %arg6[%get3A_832, %get3A_833] {strides = array<i32>} : memref<768x128xf32, #tpu.memory_space<vmem>>, vector<1x16xf32>,
        %get3A_835 = vector.shape_cast %get3A_834 : vector<1x16xf32> to vector<16xf32>
        %mul3A_836 = arith.constant 11.3137083 : f32
        %mul3A_837 = vector.broadcast %mul3A_836 : f32 to vector<16xf32>
        %mul3A_838 = arith.mulf %get3A_835, %mul3A_837 : vector<16xf32>
        %add3A_839 = arith.constant 384 : i32
        %add3A_840 = arith.addi %add3A_839, %scan3A_735 : i32
        %swap3A_841 = arith.index_cast %add3A_840 : i32 to index
        %swap3A_842 = arith.constant 96 : index
        %swap3A_843 = tpu.vector_load %arg6[%swap3A_841, %swap3A_842] {strides = array<i32>} : memref<768x128xf32, #tpu.memory_space<vmem>>, vector<1x16xf32>,
        %swap3A_844 = vector.shape_cast %swap3A_843 : vector<1x16xf32> to vector<16xf32>
        %swap3A_845 = vector.shape_cast %mul3A_838 : vector<16xf32> to vector<1x16xf32>
        tpu.vector_store %arg6[%swap3A_841, %swap3A_842], %swap3A_845 {strides = array<i32>} : memref<768x128xf32, #tpu.memory_space<vmem>>, vector<1x16xf32>,
        %add3A_846 = arith.constant 384 : i32
        %add3A_847 = arith.addi %add3A_846, %scan3A_735 : i32
        %get3A_848 = arith.index_cast %add3A_847 : i32 to index
        %get3A_849 = arith.constant 112 : index
        %get3A_850 = tpu.vector_load %arg6[%get3A_848, %get3A_849] {strides = array<i32>} : memref<768x128xf32, #tpu.memory_space<vmem>>, vector<1x16xf32>,
        %get3A_851 = vector.shape_cast %get3A_850 : vector<1x16xf32> to vector<16xf32>
        %mul3A_852 = arith.constant 11.3137083 : f32
        %mul3A_853 = vector.broadcast %mul3A_852 : f32 to vector<16xf32>
        %mul3A_854 = arith.mulf %get3A_851, %mul3A_853 : vector<16xf32>
        %add3A_855 = arith.constant 384 : i32
        %add3A_856 = arith.addi %add3A_855, %scan3A_735 : i32
        %swap3A_857 = arith.index_cast %add3A_856 : i32 to index
        %swap3A_858 = arith.constant 112 : index
        %swap3A_859 = tpu.vector_load %arg6[%swap3A_857, %swap3A_858] {strides = array<i32>} : memref<768x128xf32, #tpu.memory_space<vmem>>, vector<1x16xf32>,
        %swap3A_860 = vector.shape_cast %swap3A_859 : vector<1x16xf32> to vector<16xf32>
        %swap3A_861 = vector.shape_cast %mul3A_854 : vector<16xf32> to vector<1x16xf32>
        tpu.vector_store %arg6[%swap3A_857, %swap3A_858], %swap3A_861 {strides = array<i32>} : memref<768x128xf32, #tpu.memory_space<vmem>>, vector<1x16xf32>,
        %scan3A_862 = arith.constant 1 : i32
        %scan3A_863 = arith.addi %scan3A_735, %scan3A_862 : i32
        %add3A_864 = arith.constant 384 : i32
        %add3A_865 = arith.addi %add3A_864, %scan3A_863 : i32
        %get3A_866 = arith.index_cast %add3A_865 : i32 to index
        %get3A_867 = arith.constant 0 : index
        %get3A_868 = tpu.vector_load %arg6[%get3A_866, %get3A_867] {strides = array<i32>} : memref<768x128xf32, #tpu.memory_space<vmem>>, vector<1x16xf32>,
        %get3A_869 = vector.shape_cast %get3A_868 : vector<1x16xf32> to vector<16xf32>
        %mul3A_870 = arith.constant 11.3137083 : f32
        %mul3A_871 = vector.broadcast %mul3A_870 : f32 to vector<16xf32>
        %mul3A_872 = arith.mulf %get3A_869, %mul3A_871 : vector<16xf32>
        %add3A_873 = arith.constant 384 : i32
        %add3A_874 = arith.addi %add3A_873, %scan3A_863 : i32
        %swap3A_875 = arith.index_cast %add3A_874 : i32 to index
        %swap3A_876 = arith.constant 0 : index
        %swap3A_877 = tpu.vector_load %arg6[%swap3A_875, %swap3A_876] {strides = array<i32>} : memref<768x128xf32, #tpu.memory_space<vmem>>, vector<1x16xf32>,
        %swap3A_878 = vector.shape_cast %swap3A_877 : vector<1x16xf32> to vector<16xf32>
        %swap3A_879 = vector.shape_cast %mul3A_872 : vector<16xf32> to vector<1x16xf32>
        tpu.vector_store %arg6[%swap3A_875, %swap3A_876], %swap3A_879 {strides = array<i32>} : memref<768x128xf32, #tpu.memory_space<vmem>>, vector<1x16xf32>,
        %add3A_880 = arith.constant 384 : i32
        %add3A_881 = arith.addi %add3A_880, %scan3A_863 : i32
        %get3A_882 = arith.index_cast %add3A_881 : i32 to index
        %get3A_883 = arith.constant 16 : index
        %get3A_884 = tpu.vector_load %arg6[%get3A_882, %get3A_883] {strides = array<i32>} : memref<768x128xf32, #tpu.memory_space<vmem>>, vector<1x16xf32>,
        %get3A_885 = vector.shape_cast %get3A_884 : vector<1x16xf32> to vector<16xf32>
        %mul3A_886 = arith.constant 11.3137083 : f32
        %mul3A_887 = vector.broadcast %mul3A_886 : f32 to vector<16xf32>
        %mul3A_888 = arith.mulf %get3A_885, %mul3A_887 : vector<16xf32>
        %add3A_889 = arith.constant 384 : i32
        %add3A_890 = arith.addi %add3A_889, %scan3A_863 : i32
        %swap3A_891 = arith.index_cast %add3A_890 : i32 to index
        %swap3A_892 = arith.constant 16 : index
        %swap3A_893 = tpu.vector_load %arg6[%swap3A_891, %swap3A_892] {strides = array<i32>} : memref<768x128xf32, #tpu.memory_space<vmem>>, vector<1x16xf32>,
        %swap3A_894 = vector.shape_cast %swap3A_893 : vector<1x16xf32> to vector<16xf32>
        %swap3A_895 = vector.shape_cast %mul3A_888 : vector<16xf32> to vector<1x16xf32>
        tpu.vector_store %arg6[%swap3A_891, %swap3A_892], %swap3A_895 {strides = array<i32>} : memref<768x128xf32, #tpu.memory_space<vmem>>, vector<1x16xf32>,
        %add3A_896 = arith.constant 384 : i32
        %add3A_897 = arith.addi %add3A_896, %scan3A_863 : i32
        %get3A_898 = arith.index_cast %add3A_897 : i32 to index
        %get3A_899 = arith.constant 32 : index
        %get3A_900 = tpu.vector_load %arg6[%get3A_898, %get3A_899] {strides = array<i32>} : memref<768x128xf32, #tpu.memory_space<vmem>>, vector<1x16xf32>,
        %get3A_901 = vector.shape_cast %get3A_900 : vector<1x16xf32> to vector<16xf32>
        %mul3A_902 = arith.constant 11.3137083 : f32
        %mul3A_903 = vector.broadcast %mul3A_902 : f32 to vector<16xf32>
        %mul3A_904 = arith.mulf %get3A_901, %mul3A_903 : vector<16xf32>
        %add3A_905 = arith.constant 384 : i32
        %add3A_906 = arith.addi %add3A_905, %scan3A_863 : i32
        %swap3A_907 = arith.index_cast %add3A_906 : i32 to index
        %swap3A_908 = arith.constant 32 : index
        %swap3A_909 = tpu.vector_load %arg6[%swap3A_907, %swap3A_908] {strides = array<i32>} : memref<768x128xf32, #tpu.memory_space<vmem>>, vector<1x16xf32>,
        %swap3A_910 = vector.shape_cast %swap3A_909 : vector<1x16xf32> to vector<16xf32>
        %swap3A_911 = vector.shape_cast %mul3A_904 : vector<16xf32> to vector<1x16xf32>
        tpu.vector_store %arg6[%swap3A_907, %swap3A_908], %swap3A_911 {strides = array<i32>} : memref<768x128xf32, #tpu.memory_space<vmem>>, vector<1x16xf32>,
        %add3A_912 = arith.constant 384 : i32
        %add3A_913 = arith.addi %add3A_912, %scan3A_863 : i32
        %get3A_914 = arith.index_cast %add3A_913 : i32 to index
        %get3A_915 = arith.constant 48 : index
        %get3A_916 = tpu.vector_load %arg6[%get3A_914, %get3A_915] {strides = array<i32>} : memref<768x128xf32, #tpu.memory_space<vmem>>, vector<1x16xf32>,
        %get3A_917 = vector.shape_cast %get3A_916 : vector<1x16xf32> to vector<16xf32>
        %mul3A_918 = arith.constant 11.3137083 : f32
        %mul3A_919 = vector.broadcast %mul3A_918 : f32 to vector<16xf32>
        %mul3A_920 = arith.mulf %get3A_917, %mul3A_919 : vector<16xf32>
        %add3A_921 = arith.constant 384 : i32
        %add3A_922 = arith.addi %add3A_921, %scan3A_863 : i32
        %swap3A_923 = arith.index_cast %add3A_922 : i32 to index
        %swap3A_924 = arith.constant 48 : index
        %swap3A_925 = tpu.vector_load %arg6[%swap3A_923, %swap3A_924] {strides = array<i32>} : memref<768x128xf32, #tpu.memory_space<vmem>>, vector<1x16xf32>,
        %swap3A_926 = vector.shape_cast %swap3A_925 : vector<1x16xf32> to vector<16xf32>
        %swap3A_927 = vector.shape_cast %mul3A_920 : vector<16xf32> to vector<1x16xf32>
        tpu.vector_store %arg6[%swap3A_923, %swap3A_924], %swap3A_927 {strides = array<i32>} : memref<768x128xf32, #tpu.memory_space<vmem>>, vector<1x16xf32>,
        %add3A_928 = arith.constant 384 : i32
        %add3A_929 = arith.addi %add3A_928, %scan3A_863 : i32
        %get3A_930 = arith.index_cast %add3A_929 : i32 to index
        %get3A_931 = arith.constant 64 : index
        %get3A_932 = tpu.vector_load %arg6[%get3A_930, %get3A_931] {strides = array<i32>} : memref<768x128xf32, #tpu.memory_space<vmem>>, vector<1x16xf32>,
        %get3A_933 = vector.shape_cast %get3A_932 : vector<1x16xf32> to vector<16xf32>
        %mul3A_934 = arith.constant 11.3137083 : f32
        %mul3A_935 = vector.broadcast %mul3A_934 : f32 to vector<16xf32>
        %mul3A_936 = arith.mulf %get3A_933, %mul3A_935 : vector<16xf32>
        %add3A_937 = arith.constant 384 : i32
        %add3A_938 = arith.addi %add3A_937, %scan3A_863 : i32
        %swap3A_939 = arith.index_cast %add3A_938 : i32 to index
        %swap3A_940 = arith.constant 64 : index
        %swap3A_941 = tpu.vector_load %arg6[%swap3A_939, %swap3A_940] {strides = array<i32>} : memref<768x128xf32, #tpu.memory_space<vmem>>, vector<1x16xf32>,
        %swap3A_942 = vector.shape_cast %swap3A_941 : vector<1x16xf32> to vector<16xf32>
        %swap3A_943 = vector.shape_cast %mul3A_936 : vector<16xf32> to vector<1x16xf32>
        tpu.vector_store %arg6[%swap3A_939, %swap3A_940], %swap3A_943 {strides = array<i32>} : memref<768x128xf32, #tpu.memory_space<vmem>>, vector<1x16xf32>,
        %add3A_944 = arith.constant 384 : i32
        %add3A_945 = arith.addi %add3A_944, %scan3A_863 : i32
        %get3A_946 = arith.index_cast %add3A_945 : i32 to index
        %get3A_947 = arith.constant 80 : index
        %get3A_948 = tpu.vector_load %arg6[%get3A_946, %get3A_947] {strides = array<i32>} : memref<768x128xf32, #tpu.memory_space<vmem>>, vector<1x16xf32>,
        %get3A_949 = vector.shape_cast %get3A_948 : vector<1x16xf32> to vector<16xf32>
        %mul3A_950 = arith.constant 11.3137083 : f32
        %mul3A_951 = vector.broadcast %mul3A_950 : f32 to vector<16xf32>
        %mul3A_952 = arith.mulf %get3A_949, %mul3A_951 : vector<16xf32>
        %add3A_953 = arith.constant 384 : i32
        %add3A_954 = arith.addi %add3A_953, %scan3A_863 : i32
        %swap3A_955 = arith.index_cast %add3A_954 : i32 to index
        %swap3A_956 = arith.constant 80 : index
        %swap3A_957 = tpu.vector_load %arg6[%swap3A_955, %swap3A_956] {strides = array<i32>} : memref<768x128xf32, #tpu.memory_space<vmem>>, vector<1x16xf32>,
        %swap3A_958 = vector.shape_cast %swap3A_957 : vector<1x16xf32> to vector<16xf32>
        %swap3A_959 = vector.shape_cast %mul3A_952 : vector<16xf32> to vector<1x16xf32>
        tpu.vector_store %arg6[%swap3A_955, %swap3A_956], %swap3A_959 {strides = array<i32>} : memref<768x128xf32, #tpu.memory_space<vmem>>, vector<1x16xf32>,
        %add3A_960 = arith.constant 384 : i32
        %add3A_961 = arith.addi %add3A_960, %scan3A_863 : i32
        %get3A_962 = arith.index_cast %add3A_961 : i32 to index
        %get3A_963 = arith.constant 96 : index
        %get3A_964 = tpu.vector_load %arg6[%get3A_962, %get3A_963] {strides = array<i32>} : memref<768x128xf32, #tpu.memory_space<vmem>>, vector<1x16xf32>,
        %get3A_965 = vector.shape_cast %get3A_964 : vector<1x16xf32> to vector<16xf32>
        %mul3A_966 = arith.constant 11.3137083 : f32
        %mul3A_967 = vector.broadcast %mul3A_966 : f32 to vector<16xf32>
        %mul3A_968 = arith.mulf %get3A_965, %mul3A_967 : vector<16xf32>
        %add3A_969 = arith.constant 384 : i32
        %add3A_970 = arith.addi %add3A_969, %scan3A_863 : i32
        %swap3A_971 = arith.index_cast %add3A_970 : i32 to index
        %swap3A_972 = arith.constant 96 : index
        %swap3A_973 = tpu.vector_load %arg6[%swap3A_971, %swap3A_972] {strides = array<i32>} : memref<768x128xf32, #tpu.memory_space<vmem>>, vector<1x16xf32>,
        %swap3A_974 = vector.shape_cast %swap3A_973 : vector<1x16xf32> to vector<16xf32>
        %swap3A_975 = vector.shape_cast %mul3A_968 : vector<16xf32> to vector<1x16xf32>
        tpu.vector_store %arg6[%swap3A_971, %swap3A_972], %swap3A_975 {strides = array<i32>} : memref<768x128xf32, #tpu.memory_space<vmem>>, vector<1x16xf32>,
        %add3A_976 = arith.constant 384 : i32
        %add3A_977 = arith.addi %add3A_976, %scan3A_863 : i32
        %get3A_978 = arith.index_cast %add3A_977 : i32 to index
        %get3A_979 = arith.constant 112 : index
        %get3A_980 = tpu.vector_load %arg6[%get3A_978, %get3A_979] {strides = array<i32>} : memref<768x128xf32, #tpu.memory_space<vmem>>, vector<1x16xf32>,
        %get3A_981 = vector.shape_cast %get3A_980 : vector<1x16xf32> to vector<16xf32>
        %mul3A_982 = arith.constant 11.3137083 : f32
        %mul3A_983 = vector.broadcast %mul3A_982 : f32 to vector<16xf32>
        %mul3A_984 = arith.mulf %get3A_981, %mul3A_983 : vector<16xf32>
        %add3A_985 = arith.constant 384 : i32
        %add3A_986 = arith.addi %add3A_985, %scan3A_863 : i32
        %swap3A_987 = arith.index_cast %add3A_986 : i32 to index
        %swap3A_988 = arith.constant 112 : index
        %swap3A_989 = tpu.vector_load %arg6[%swap3A_987, %swap3A_988] {strides = array<i32>} : memref<768x128xf32, #tpu.memory_space<vmem>>, vector<1x16xf32>,
        %swap3A_990 = vector.shape_cast %swap3A_989 : vector<1x16xf32> to vector<16xf32>
        %swap3A_991 = vector.shape_cast %mul3A_984 : vector<16xf32> to vector<1x16xf32>
        tpu.vector_store %arg6[%swap3A_987, %swap3A_988], %swap3A_991 {strides = array<i32>} : memref<768x128xf32, #tpu.memory_space<vmem>>, vector<1x16xf32>,
      }
      %scan3A_485 = arith.constant 128 : i32
      %dma_start3A_486 = arith.constant 384 : i32
      %dma_start3A_487 = arith.constant 0 : i32
      %dma_start3A_488 = tpu.memref_slice %arg6[%dma_start3A_486, %dma_start3A_487] : memref<768x128xf32, #tpu.memory_space<vmem>> -> memref<128x128xf32, #tpu.memory_space<vmem>>
      %dma_start3A_489 = arith.constant 0 : i32
      %dma_start3A_490 = tpu.memref_slice %arg4[%add3A_471, %mul3A_2, %dma_start3A_489] : memref<50x4096x128xf32, #tpu.memory_space<hbm>> -> memref<1x128x128xf32, #tpu.memory_space<hbm>>
      %dma_start3A_491 = tpu.memref_squeeze %dma_start3A_490 : memref<1x128x128xf32, #tpu.memory_space<hbm>> -> memref<128x128xf32, #tpu.memory_space<hbm>>
      %dma_start3A_492 = arith.constant 0 : i32
      %dma_start3A_493 = tpu.memref_slice %arg4[%add3A_471, %mul3A_2, %dma_start3A_492] : memref<50x4096x128xf32, #tpu.memory_space<hbm>> -> memref<1x128x128xf32, #tpu.memory_space<hbm>>
      %dma_start3A_494 = tpu.memref_squeeze %dma_start3A_493 : memref<1x128x128xf32, #tpu.memory_space<hbm>> -> memref<128x128xf32, #tpu.memory_space<hbm>>
      %dma_start3A_495 = arith.constant 384 : i32
      %dma_start3A_496 = arith.constant 0 : i32
      %dma_start3A_497 = tpu.memref_slice %arg6[%dma_start3A_495, %dma_start3A_496] : memref<768x128xf32, #tpu.memory_space<vmem>> -> memref<128x128xf32, #tpu.memory_space<vmem>>
      tpu.enqueue_dma source(%dma_start3A_497 : memref<128x128xf32, #tpu.memory_space<vmem>>) target(%dma_start3A_494 : memref<128x128xf32, #tpu.memory_space<hbm>>) target_semaphore(%arg16 : memref<!tpu.dma_semaphore, #tpu.memory_space<semaphore_mem>>)
      %sub3A_498 = arith.constant 2 : i32
      %sub3A_499 = arith.subi %add3A_471, %sub3A_498 : i32
      %dma_wait3A_500 = arith.constant 128 : i32
      %dma_wait3A_501 = arith.constant 0 : i32
      %dma_wait3A_502 = tpu.memref_slice %arg6[%dma_wait3A_500, %dma_wait3A_501] : memref<768x128xf32, #tpu.memory_space<vmem>> -> memref<128x128xf32, #tpu.memory_space<vmem>>
      %dma_wait3A_503 = arith.constant 0 : i32
      %dma_wait3A_504 = tpu.memref_slice %arg4[%sub3A_499, %mul3A_2, %dma_wait3A_503] : memref<50x4096x128xf32, #tpu.memory_space<hbm>> -> memref<1x128x128xf32, #tpu.memory_space<hbm>>
      %dma_wait3A_505 = tpu.memref_squeeze %dma_wait3A_504 : memref<1x128x128xf32, #tpu.memory_space<hbm>> -> memref<128x128xf32, #tpu.memory_space<hbm>>
      %dma_wait3A_506 = arith.constant 0 : i32
      %dma_wait3A_507 = tpu.memref_slice %arg4[%sub3A_499, %mul3A_2, %dma_wait3A_506] : memref<50x4096x128xf32, #tpu.memory_space<hbm>> -> memref<1x128x128xf32, #tpu.memory_space<hbm>>
      %dma_wait3A_508 = tpu.memref_squeeze %dma_wait3A_507 : memref<1x128x128xf32, #tpu.memory_space<hbm>> -> memref<128x128xf32, #tpu.memory_space<hbm>>
      %dma_wait3A_509 = arith.constant 128 : i32
      %dma_wait3A_510 = arith.constant 0 : i32
      %dma_wait3A_511 = tpu.memref_slice %arg6[%dma_wait3A_509, %dma_wait3A_510] : memref<768x128xf32, #tpu.memory_space<vmem>> -> memref<128x128xf32, #tpu.memory_space<vmem>>
      tpu.wait_dma2 semaphore(%arg14 : memref<!tpu.dma_semaphore, #tpu.memory_space<semaphore_mem>>) src(%dma_wait3A_511 : memref<128x128xf32, #tpu.memory_space<vmem>>) dst(%dma_wait3A_508 : memref<128x128xf32, #tpu.memory_space<hbm>>)
      %add3A_512 = arith.constant 4 : i32
      %add3A_513 = arith.addi %add3A_471, %add3A_512 : i32
      %dma_start3A_514 = arith.constant 128 : i32
      %dma_start3A_515 = arith.constant 0 : i32
      %dma_start3A_516 = tpu.memref_slice %arg6[%dma_start3A_514, %dma_start3A_515] : memref<768x128xf32, #tpu.memory_space<vmem>> -> memref<128x128xf32, #tpu.memory_space<vmem>>
      %dma_start3A_517 = arith.constant 0 : i32
      %dma_start3A_518 = tpu.memref_slice %arg5[%add3A_513, %dma_start3A_517] : memref<50x128xi32, #tpu.memory_space<vmem>> -> memref<1x128xi32, #tpu.memory_space<vmem>>
      %dma_start3A_519 = tpu.memref_squeeze %dma_start3A_518 : memref<1x128xi32, #tpu.memory_space<vmem>> -> memref<128xi32, #tpu.memory_space<vmem>>
      %dma_start3A_520 = arith.constant 0 : i32
      %dma_start3A_521 = arith.constant 0 : i32
      %dma_start3A_522 = tpu.memref_slice %arg3[%dma_start3A_520, %dma_start3A_521] : memref<100000x128xf32, #tpu.memory_space<hbm>> -> memref<100000x128xf32, #tpu.memory_space<hbm>>
      tpu.enqueue_indirect_dma source(%dma_start3A_522 : memref<100000x128xf32, #tpu.memory_space<hbm>>) target(%dma_start3A_516 : memref<128x128xf32, #tpu.memory_space<vmem>>) offsets(%dma_start3A_519 : memref<128xi32, #tpu.memory_space<vmem>>) semaphore(%arg8 : memref<!tpu.dma_semaphore, #tpu.memory_space<semaphore_mem>>)
      %add3A_523 = arith.constant 2 : i32
      %add3A_524 = arith.addi %add3A_417, %add3A_523 : i32
      %dma_wait3A_525 = arith.constant 512 : i32
      %dma_wait3A_526 = arith.constant 0 : i32
      %dma_wait3A_527 = tpu.memref_slice %arg6[%dma_wait3A_525, %dma_wait3A_526] : memref<768x128xf32, #tpu.memory_space<vmem>> -> memref<128x128xf32, #tpu.memory_space<vmem>>
      %dma_wait3A_528 = arith.constant 0 : i32
      %dma_wait3A_529 = tpu.memref_slice %arg5[%add3A_524, %dma_wait3A_528] : memref<50x128xi32, #tpu.memory_space<vmem>> -> memref<1x128xi32, #tpu.memory_space<vmem>>
      %dma_wait3A_530 = tpu.memref_squeeze %dma_wait3A_529 : memref<1x128xi32, #tpu.memory_space<vmem>> -> memref<128xi32, #tpu.memory_space<vmem>>
      %dma_wait3A_531 = arith.constant 0 : i32
      %dma_wait3A_532 = arith.constant 0 : i32
      %dma_wait3A_533 = tpu.memref_slice %arg3[%dma_wait3A_531, %dma_wait3A_532] : memref<100000x128xf32, #tpu.memory_space<hbm>> -> memref<100000x128xf32, #tpu.memory_space<hbm>>
      tpu.wait_indirect_dma semaphore(%arg11 : memref<!tpu.dma_semaphore, #tpu.memory_space<semaphore_mem>>) src(%dma_wait3A_533 : memref<100000x128xf32, #tpu.memory_space<hbm>>) dst(%dma_wait3A_527 : memref<128x128xf32, #tpu.memory_space<vmem>>)
      %scan3A_534 = arith.constant 0 : i32
      %scan3A_535 = arith.constant 128 : i32
      %scan3A_536 = arith.addi %scan3A_534, %scan3A_535 : i32
      %scan3A_537 = arith.constant 2 : i32
      scf.for %scan3A_735 = %scan3A_534 to %scan3A_536 step %scan3A_537  : i32 {
        %add3A_736 = arith.constant 512 : i32
        %add3A_737 = arith.addi %add3A_736, %scan3A_735 : i32
        %get3A = arith.index_cast %add3A_737 : i32 to index
        %get3A_738 = arith.constant 0 : index
        %get3A_739 = tpu.vector_load %arg6[%get3A, %get3A_738] {strides = array<i32>} : memref<768x128xf32, #tpu.memory_space<vmem>>, vector<1x16xf32>,
        %get3A_740 = vector.shape_cast %get3A_739 : vector<1x16xf32> to vector<16xf32>
        %mul3A_741 = arith.constant 11.3137083 : f32
        %mul3A_742 = vector.broadcast %mul3A_741 : f32 to vector<16xf32>
        %mul3A_743 = arith.mulf %get3A_740, %mul3A_742 : vector<16xf32>
        %add3A_744 = arith.constant 512 : i32
        %add3A_745 = arith.addi %add3A_744, %scan3A_735 : i32
        %swap3A = arith.index_cast %add3A_745 : i32 to index
        %swap3A_746 = arith.constant 0 : index
        %swap3A_747 = tpu.vector_load %arg6[%swap3A, %swap3A_746] {strides = array<i32>} : memref<768x128xf32, #tpu.memory_space<vmem>>, vector<1x16xf32>,
        %swap3A_748 = vector.shape_cast %swap3A_747 : vector<1x16xf32> to vector<16xf32>
        %swap3A_749 = vector.shape_cast %mul3A_743 : vector<16xf32> to vector<1x16xf32>
        tpu.vector_store %arg6[%swap3A, %swap3A_746], %swap3A_749 {strides = array<i32>} : memref<768x128xf32, #tpu.memory_space<vmem>>, vector<1x16xf32>,
        %add3A_750 = arith.constant 512 : i32
        %add3A_751 = arith.addi %add3A_750, %scan3A_735 : i32
        %get3A_752 = arith.index_cast %add3A_751 : i32 to index
        %get3A_753 = arith.constant 16 : index
        %get3A_754 = tpu.vector_load %arg6[%get3A_752, %get3A_753] {strides = array<i32>} : memref<768x128xf32, #tpu.memory_space<vmem>>, vector<1x16xf32>,
        %get3A_755 = vector.shape_cast %get3A_754 : vector<1x16xf32> to vector<16xf32>
        %mul3A_756 = arith.constant 11.3137083 : f32
        %mul3A_757 = vector.broadcast %mul3A_756 : f32 to vector<16xf32>
        %mul3A_758 = arith.mulf %get3A_755, %mul3A_757 : vector<16xf32>
        %add3A_759 = arith.constant 512 : i32
        %add3A_760 = arith.addi %add3A_759, %scan3A_735 : i32
        %swap3A_761 = arith.index_cast %add3A_760 : i32 to index
        %swap3A_762 = arith.constant 16 : index
        %swap3A_763 = tpu.vector_load %arg6[%swap3A_761, %swap3A_762] {strides = array<i32>} : memref<768x128xf32, #tpu.memory_space<vmem>>, vector<1x16xf32>,
        %swap3A_764 = vector.shape_cast %swap3A_763 : vector<1x16xf32> to vector<16xf32>
        %swap3A_765 = vector.shape_cast %mul3A_758 : vector<16xf32> to vector<1x16xf32>
        tpu.vector_store %arg6[%swap3A_761, %swap3A_762], %swap3A_765 {strides = array<i32>} : memref<768x128xf32, #tpu.memory_space<vmem>>, vector<1x16xf32>,
        %add3A_766 = arith.constant 512 : i32
        %add3A_767 = arith.addi %add3A_766, %scan3A_735 : i32
        %get3A_768 = arith.index_cast %add3A_767 : i32 to index
        %get3A_769 = arith.constant 32 : index
        %get3A_770 = tpu.vector_load %arg6[%get3A_768, %get3A_769] {strides = array<i32>} : memref<768x128xf32, #tpu.memory_space<vmem>>, vector<1x16xf32>,
        %get3A_771 = vector.shape_cast %get3A_770 : vector<1x16xf32> to vector<16xf32>
        %mul3A_772 = arith.constant 11.3137083 : f32
        %mul3A_773 = vector.broadcast %mul3A_772 : f32 to vector<16xf32>
        %mul3A_774 = arith.mulf %get3A_771, %mul3A_773 : vector<16xf32>
        %add3A_775 = arith.constant 512 : i32
        %add3A_776 = arith.addi %add3A_775, %scan3A_735 : i32
        %swap3A_777 = arith.index_cast %add3A_776 : i32 to index
        %swap3A_778 = arith.constant 32 : index
        %swap3A_779 = tpu.vector_load %arg6[%swap3A_777, %swap3A_778] {strides = array<i32>} : memref<768x128xf32, #tpu.memory_space<vmem>>, vector<1x16xf32>,
        %swap3A_780 = vector.shape_cast %swap3A_779 : vector<1x16xf32> to vector<16xf32>
        %swap3A_781 = vector.shape_cast %mul3A_774 : vector<16xf32> to vector<1x16xf32>
        tpu.vector_store %arg6[%swap3A_777, %swap3A_778], %swap3A_781 {strides = array<i32>} : memref<768x128xf32, #tpu.memory_space<vmem>>, vector<1x16xf32>,
        %add3A_782 = arith.constant 512 : i32
        %add3A_783 = arith.addi %add3A_782, %scan3A_735 : i32
        %get3A_784 = arith.index_cast %add3A_783 : i32 to index
        %get3A_785 = arith.constant 48 : index
        %get3A_786 = tpu.vector_load %arg6[%get3A_784, %get3A_785] {strides = array<i32>} : memref<768x128xf32, #tpu.memory_space<vmem>>, vector<1x16xf32>,
        %get3A_787 = vector.shape_cast %get3A_786 : vector<1x16xf32> to vector<16xf32>
        %mul3A_788 = arith.constant 11.3137083 : f32
        %mul3A_789 = vector.broadcast %mul3A_788 : f32 to vector<16xf32>
        %mul3A_790 = arith.mulf %get3A_787, %mul3A_789 : vector<16xf32>
        %add3A_791 = arith.constant 512 : i32
        %add3A_792 = arith.addi %add3A_791, %scan3A_735 : i32
        %swap3A_793 = arith.index_cast %add3A_792 : i32 to index
        %swap3A_794 = arith.constant 48 : index
        %swap3A_795 = tpu.vector_load %arg6[%swap3A_793, %swap3A_794] {strides = array<i32>} : memref<768x128xf32, #tpu.memory_space<vmem>>, vector<1x16xf32>,
        %swap3A_796 = vector.shape_cast %swap3A_795 : vector<1x16xf32> to vector<16xf32>
        %swap3A_797 = vector.shape_cast %mul3A_790 : vector<16xf32> to vector<1x16xf32>
        tpu.vector_store %arg6[%swap3A_793, %swap3A_794], %swap3A_797 {strides = array<i32>} : memref<768x128xf32, #tpu.memory_space<vmem>>, vector<1x16xf32>,
        %add3A_798 = arith.constant 512 : i32
        %add3A_799 = arith.addi %add3A_798, %scan3A_735 : i32
        %get3A_800 = arith.index_cast %add3A_799 : i32 to index
        %get3A_801 = arith.constant 64 : index
        %get3A_802 = tpu.vector_load %arg6[%get3A_800, %get3A_801] {strides = array<i32>} : memref<768x128xf32, #tpu.memory_space<vmem>>, vector<1x16xf32>,
        %get3A_803 = vector.shape_cast %get3A_802 : vector<1x16xf32> to vector<16xf32>
        %mul3A_804 = arith.constant 11.3137083 : f32
        %mul3A_805 = vector.broadcast %mul3A_804 : f32 to vector<16xf32>
        %mul3A_806 = arith.mulf %get3A_803, %mul3A_805 : vector<16xf32>
        %add3A_807 = arith.constant 512 : i32
        %add3A_808 = arith.addi %add3A_807, %scan3A_735 : i32
        %swap3A_809 = arith.index_cast %add3A_808 : i32 to index
        %swap3A_810 = arith.constant 64 : index
        %swap3A_811 = tpu.vector_load %arg6[%swap3A_809, %swap3A_810] {strides = array<i32>} : memref<768x128xf32, #tpu.memory_space<vmem>>, vector<1x16xf32>,
        %swap3A_812 = vector.shape_cast %swap3A_811 : vector<1x16xf32> to vector<16xf32>
        %swap3A_813 = vector.shape_cast %mul3A_806 : vector<16xf32> to vector<1x16xf32>
        tpu.vector_store %arg6[%swap3A_809, %swap3A_810], %swap3A_813 {strides = array<i32>} : memref<768x128xf32, #tpu.memory_space<vmem>>, vector<1x16xf32>,
        %add3A_814 = arith.constant 512 : i32
        %add3A_815 = arith.addi %add3A_814, %scan3A_735 : i32
        %get3A_816 = arith.index_cast %add3A_815 : i32 to index
        %get3A_817 = arith.constant 80 : index
        %get3A_818 = tpu.vector_load %arg6[%get3A_816, %get3A_817] {strides = array<i32>} : memref<768x128xf32, #tpu.memory_space<vmem>>, vector<1x16xf32>,
        %get3A_819 = vector.shape_cast %get3A_818 : vector<1x16xf32> to vector<16xf32>
        %mul3A_820 = arith.constant 11.3137083 : f32
        %mul3A_821 = vector.broadcast %mul3A_820 : f32 to vector<16xf32>
        %mul3A_822 = arith.mulf %get3A_819, %mul3A_821 : vector<16xf32>
        %add3A_823 = arith.constant 512 : i32
        %add3A_824 = arith.addi %add3A_823, %scan3A_735 : i32
        %swap3A_825 = arith.index_cast %add3A_824 : i32 to index
        %swap3A_826 = arith.constant 80 : index
        %swap3A_827 = tpu.vector_load %arg6[%swap3A_825, %swap3A_826] {strides = array<i32>} : memref<768x128xf32, #tpu.memory_space<vmem>>, vector<1x16xf32>,
        %swap3A_828 = vector.shape_cast %swap3A_827 : vector<1x16xf32> to vector<16xf32>
        %swap3A_829 = vector.shape_cast %mul3A_822 : vector<16xf32> to vector<1x16xf32>
        tpu.vector_store %arg6[%swap3A_825, %swap3A_826], %swap3A_829 {strides = array<i32>} : memref<768x128xf32, #tpu.memory_space<vmem>>, vector<1x16xf32>,
        %add3A_830 = arith.constant 512 : i32
        %add3A_831 = arith.addi %add3A_830, %scan3A_735 : i32
        %get3A_832 = arith.index_cast %add3A_831 : i32 to index
        %get3A_833 = arith.constant 96 : index
        %get3A_834 = tpu.vector_load %arg6[%get3A_832, %get3A_833] {strides = array<i32>} : memref<768x128xf32, #tpu.memory_space<vmem>>, vector<1x16xf32>,
        %get3A_835 = vector.shape_cast %get3A_834 : vector<1x16xf32> to vector<16xf32>
        %mul3A_836 = arith.constant 11.3137083 : f32
        %mul3A_837 = vector.broadcast %mul3A_836 : f32 to vector<16xf32>
        %mul3A_838 = arith.mulf %get3A_835, %mul3A_837 : vector<16xf32>
        %add3A_839 = arith.constant 512 : i32
        %add3A_840 = arith.addi %add3A_839, %scan3A_735 : i32
        %swap3A_841 = arith.index_cast %add3A_840 : i32 to index
        %swap3A_842 = arith.constant 96 : index
        %swap3A_843 = tpu.vector_load %arg6[%swap3A_841, %swap3A_842] {strides = array<i32>} : memref<768x128xf32, #tpu.memory_space<vmem>>, vector<1x16xf32>,
        %swap3A_844 = vector.shape_cast %swap3A_843 : vector<1x16xf32> to vector<16xf32>
        %swap3A_845 = vector.shape_cast %mul3A_838 : vector<16xf32> to vector<1x16xf32>
        tpu.vector_store %arg6[%swap3A_841, %swap3A_842], %swap3A_845 {strides = array<i32>} : memref<768x128xf32, #tpu.memory_space<vmem>>, vector<1x16xf32>,
        %add3A_846 = arith.constant 512 : i32
        %add3A_847 = arith.addi %add3A_846, %scan3A_735 : i32
        %get3A_848 = arith.index_cast %add3A_847 : i32 to index
        %get3A_849 = arith.constant 112 : index
        %get3A_850 = tpu.vector_load %arg6[%get3A_848, %get3A_849] {strides = array<i32>} : memref<768x128xf32, #tpu.memory_space<vmem>>, vector<1x16xf32>,
        %get3A_851 = vector.shape_cast %get3A_850 : vector<1x16xf32> to vector<16xf32>
        %mul3A_852 = arith.constant 11.3137083 : f32
        %mul3A_853 = vector.broadcast %mul3A_852 : f32 to vector<16xf32>
        %mul3A_854 = arith.mulf %get3A_851, %mul3A_853 : vector<16xf32>
        %add3A_855 = arith.constant 512 : i32
        %add3A_856 = arith.addi %add3A_855, %scan3A_735 : i32
        %swap3A_857 = arith.index_cast %add3A_856 : i32 to index
        %swap3A_858 = arith.constant 112 : index
        %swap3A_859 = tpu.vector_load %arg6[%swap3A_857, %swap3A_858] {strides = array<i32>} : memref<768x128xf32, #tpu.memory_space<vmem>>, vector<1x16xf32>,
        %swap3A_860 = vector.shape_cast %swap3A_859 : vector<1x16xf32> to vector<16xf32>
        %swap3A_861 = vector.shape_cast %mul3A_854 : vector<16xf32> to vector<1x16xf32>
        tpu.vector_store %arg6[%swap3A_857, %swap3A_858], %swap3A_861 {strides = array<i32>} : memref<768x128xf32, #tpu.memory_space<vmem>>, vector<1x16xf32>,
        %scan3A_862 = arith.constant 1 : i32
        %scan3A_863 = arith.addi %scan3A_735, %scan3A_862 : i32
        %add3A_864 = arith.constant 512 : i32
        %add3A_865 = arith.addi %add3A_864, %scan3A_863 : i32
        %get3A_866 = arith.index_cast %add3A_865 : i32 to index
        %get3A_867 = arith.constant 0 : index
        %get3A_868 = tpu.vector_load %arg6[%get3A_866, %get3A_867] {strides = array<i32>} : memref<768x128xf32, #tpu.memory_space<vmem>>, vector<1x16xf32>,
        %get3A_869 = vector.shape_cast %get3A_868 : vector<1x16xf32> to vector<16xf32>
        %mul3A_870 = arith.constant 11.3137083 : f32
        %mul3A_871 = vector.broadcast %mul3A_870 : f32 to vector<16xf32>
        %mul3A_872 = arith.mulf %get3A_869, %mul3A_871 : vector<16xf32>
        %add3A_873 = arith.constant 512 : i32
        %add3A_874 = arith.addi %add3A_873, %scan3A_863 : i32
        %swap3A_875 = arith.index_cast %add3A_874 : i32 to index
        %swap3A_876 = arith.constant 0 : index
        %swap3A_877 = tpu.vector_load %arg6[%swap3A_875, %swap3A_876] {strides = array<i32>} : memref<768x128xf32, #tpu.memory_space<vmem>>, vector<1x16xf32>,
        %swap3A_878 = vector.shape_cast %swap3A_877 : vector<1x16xf32> to vector<16xf32>
        %swap3A_879 = vector.shape_cast %mul3A_872 : vector<16xf32> to vector<1x16xf32>
        tpu.vector_store %arg6[%swap3A_875, %swap3A_876], %swap3A_879 {strides = array<i32>} : memref<768x128xf32, #tpu.memory_space<vmem>>, vector<1x16xf32>,
        %add3A_880 = arith.constant 512 : i32
        %add3A_881 = arith.addi %add3A_880, %scan3A_863 : i32
        %get3A_882 = arith.index_cast %add3A_881 : i32 to index
        %get3A_883 = arith.constant 16 : index
        %get3A_884 = tpu.vector_load %arg6[%get3A_882, %get3A_883] {strides = array<i32>} : memref<768x128xf32, #tpu.memory_space<vmem>>, vector<1x16xf32>,
        %get3A_885 = vector.shape_cast %get3A_884 : vector<1x16xf32> to vector<16xf32>
        %mul3A_886 = arith.constant 11.3137083 : f32
        %mul3A_887 = vector.broadcast %mul3A_886 : f32 to vector<16xf32>
        %mul3A_888 = arith.mulf %get3A_885, %mul3A_887 : vector<16xf32>
        %add3A_889 = arith.constant 512 : i32
        %add3A_890 = arith.addi %add3A_889, %scan3A_863 : i32
        %swap3A_891 = arith.index_cast %add3A_890 : i32 to index
        %swap3A_892 = arith.constant 16 : index
        %swap3A_893 = tpu.vector_load %arg6[%swap3A_891, %swap3A_892] {strides = array<i32>} : memref<768x128xf32, #tpu.memory_space<vmem>>, vector<1x16xf32>,
        %swap3A_894 = vector.shape_cast %swap3A_893 : vector<1x16xf32> to vector<16xf32>
        %swap3A_895 = vector.shape_cast %mul3A_888 : vector<16xf32> to vector<1x16xf32>
        tpu.vector_store %arg6[%swap3A_891, %swap3A_892], %swap3A_895 {strides = array<i32>} : memref<768x128xf32, #tpu.memory_space<vmem>>, vector<1x16xf32>,
        %add3A_896 = arith.constant 512 : i32
        %add3A_897 = arith.addi %add3A_896, %scan3A_863 : i32
        %get3A_898 = arith.index_cast %add3A_897 : i32 to index
        %get3A_899 = arith.constant 32 : index
        %get3A_900 = tpu.vector_load %arg6[%get3A_898, %get3A_899] {strides = array<i32>} : memref<768x128xf32, #tpu.memory_space<vmem>>, vector<1x16xf32>,
        %get3A_901 = vector.shape_cast %get3A_900 : vector<1x16xf32> to vector<16xf32>
        %mul3A_902 = arith.constant 11.3137083 : f32
        %mul3A_903 = vector.broadcast %mul3A_902 : f32 to vector<16xf32>
        %mul3A_904 = arith.mulf %get3A_901, %mul3A_903 : vector<16xf32>
        %add3A_905 = arith.constant 512 : i32
        %add3A_906 = arith.addi %add3A_905, %scan3A_863 : i32
        %swap3A_907 = arith.index_cast %add3A_906 : i32 to index
        %swap3A_908 = arith.constant 32 : index
        %swap3A_909 = tpu.vector_load %arg6[%swap3A_907, %swap3A_908] {strides = array<i32>} : memref<768x128xf32, #tpu.memory_space<vmem>>, vector<1x16xf32>,
        %swap3A_910 = vector.shape_cast %swap3A_909 : vector<1x16xf32> to vector<16xf32>
        %swap3A_911 = vector.shape_cast %mul3A_904 : vector<16xf32> to vector<1x16xf32>
        tpu.vector_store %arg6[%swap3A_907, %swap3A_908], %swap3A_911 {strides = array<i32>} : memref<768x128xf32, #tpu.memory_space<vmem>>, vector<1x16xf32>,
        %add3A_912 = arith.constant 512 : i32
        %add3A_913 = arith.addi %add3A_912, %scan3A_863 : i32
        %get3A_914 = arith.index_cast %add3A_913 : i32 to index
        %get3A_915 = arith.constant 48 : index
        %get3A_916 = tpu.vector_load %arg6[%get3A_914, %get3A_915] {strides = array<i32>} : memref<768x128xf32, #tpu.memory_space<vmem>>, vector<1x16xf32>,
        %get3A_917 = vector.shape_cast %get3A_916 : vector<1x16xf32> to vector<16xf32>
        %mul3A_918 = arith.constant 11.3137083 : f32
        %mul3A_919 = vector.broadcast %mul3A_918 : f32 to vector<16xf32>
        %mul3A_920 = arith.mulf %get3A_917, %mul3A_919 : vector<16xf32>
        %add3A_921 = arith.constant 512 : i32
        %add3A_922 = arith.addi %add3A_921, %scan3A_863 : i32
        %swap3A_923 = arith.index_cast %add3A_922 : i32 to index
        %swap3A_924 = arith.constant 48 : index
        %swap3A_925 = tpu.vector_load %arg6[%swap3A_923, %swap3A_924] {strides = array<i32>} : memref<768x128xf32, #tpu.memory_space<vmem>>, vector<1x16xf32>,
        %swap3A_926 = vector.shape_cast %swap3A_925 : vector<1x16xf32> to vector<16xf32>
        %swap3A_927 = vector.shape_cast %mul3A_920 : vector<16xf32> to vector<1x16xf32>
        tpu.vector_store %arg6[%swap3A_923, %swap3A_924], %swap3A_927 {strides = array<i32>} : memref<768x128xf32, #tpu.memory_space<vmem>>, vector<1x16xf32>,
        %add3A_928 = arith.constant 512 : i32
        %add3A_929 = arith.addi %add3A_928, %scan3A_863 : i32
        %get3A_930 = arith.index_cast %add3A_929 : i32 to index
        %get3A_931 = arith.constant 64 : index
        %get3A_932 = tpu.vector_load %arg6[%get3A_930, %get3A_931] {strides = array<i32>} : memref<768x128xf32, #tpu.memory_space<vmem>>, vector<1x16xf32>,
        %get3A_933 = vector.shape_cast %get3A_932 : vector<1x16xf32> to vector<16xf32>
        %mul3A_934 = arith.constant 11.3137083 : f32
        %mul3A_935 = vector.broadcast %mul3A_934 : f32 to vector<16xf32>
        %mul3A_936 = arith.mulf %get3A_933, %mul3A_935 : vector<16xf32>
        %add3A_937 = arith.constant 512 : i32
        %add3A_938 = arith.addi %add3A_937, %scan3A_863 : i32
        %swap3A_939 = arith.index_cast %add3A_938 : i32 to index
        %swap3A_940 = arith.constant 64 : index
        %swap3A_941 = tpu.vector_load %arg6[%swap3A_939, %swap3A_940] {strides = array<i32>} : memref<768x128xf32, #tpu.memory_space<vmem>>, vector<1x16xf32>,
        %swap3A_942 = vector.shape_cast %swap3A_941 : vector<1x16xf32> to vector<16xf32>
        %swap3A_943 = vector.shape_cast %mul3A_936 : vector<16xf32> to vector<1x16xf32>
        tpu.vector_store %arg6[%swap3A_939, %swap3A_940], %swap3A_943 {strides = array<i32>} : memref<768x128xf32, #tpu.memory_space<vmem>>, vector<1x16xf32>,
        %add3A_944 = arith.constant 512 : i32
        %add3A_945 = arith.addi %add3A_944, %scan3A_863 : i32
        %get3A_946 = arith.index_cast %add3A_945 : i32 to index
        %get3A_947 = arith.constant 80 : index
        %get3A_948 = tpu.vector_load %arg6[%get3A_946, %get3A_947] {strides = array<i32>} : memref<768x128xf32, #tpu.memory_space<vmem>>, vector<1x16xf32>,
        %get3A_949 = vector.shape_cast %get3A_948 : vector<1x16xf32> to vector<16xf32>
        %mul3A_950 = arith.constant 11.3137083 : f32
        %mul3A_951 = vector.broadcast %mul3A_950 : f32 to vector<16xf32>
        %mul3A_952 = arith.mulf %get3A_949, %mul3A_951 : vector<16xf32>
        %add3A_953 = arith.constant 512 : i32
        %add3A_954 = arith.addi %add3A_953, %scan3A_863 : i32
        %swap3A_955 = arith.index_cast %add3A_954 : i32 to index
        %swap3A_956 = arith.constant 80 : index
        %swap3A_957 = tpu.vector_load %arg6[%swap3A_955, %swap3A_956] {strides = array<i32>} : memref<768x128xf32, #tpu.memory_space<vmem>>, vector<1x16xf32>,
        %swap3A_958 = vector.shape_cast %swap3A_957 : vector<1x16xf32> to vector<16xf32>
        %swap3A_959 = vector.shape_cast %mul3A_952 : vector<16xf32> to vector<1x16xf32>
        tpu.vector_store %arg6[%swap3A_955, %swap3A_956], %swap3A_959 {strides = array<i32>} : memref<768x128xf32, #tpu.memory_space<vmem>>, vector<1x16xf32>,
        %add3A_960 = arith.constant 512 : i32
        %add3A_961 = arith.addi %add3A_960, %scan3A_863 : i32
        %get3A_962 = arith.index_cast %add3A_961 : i32 to index
        %get3A_963 = arith.constant 96 : index
        %get3A_964 = tpu.vector_load %arg6[%get3A_962, %get3A_963] {strides = array<i32>} : memref<768x128xf32, #tpu.memory_space<vmem>>, vector<1x16xf32>,
        %get3A_965 = vector.shape_cast %get3A_964 : vector<1x16xf32> to vector<16xf32>
        %mul3A_966 = arith.constant 11.3137083 : f32
        %mul3A_967 = vector.broadcast %mul3A_966 : f32 to vector<16xf32>
        %mul3A_968 = arith.mulf %get3A_965, %mul3A_967 : vector<16xf32>
        %add3A_969 = arith.constant 512 : i32
        %add3A_970 = arith.addi %add3A_969, %scan3A_863 : i32
        %swap3A_971 = arith.index_cast %add3A_970 : i32 to index
        %swap3A_972 = arith.constant 96 : index
        %swap3A_973 = tpu.vector_load %arg6[%swap3A_971, %swap3A_972] {strides = array<i32>} : memref<768x128xf32, #tpu.memory_space<vmem>>, vector<1x16xf32>,
        %swap3A_974 = vector.shape_cast %swap3A_973 : vector<1x16xf32> to vector<16xf32>
        %swap3A_975 = vector.shape_cast %mul3A_968 : vector<16xf32> to vector<1x16xf32>
        tpu.vector_store %arg6[%swap3A_971, %swap3A_972], %swap3A_975 {strides = array<i32>} : memref<768x128xf32, #tpu.memory_space<vmem>>, vector<1x16xf32>,
        %add3A_976 = arith.constant 512 : i32
        %add3A_977 = arith.addi %add3A_976, %scan3A_863 : i32
        %get3A_978 = arith.index_cast %add3A_977 : i32 to index
        %get3A_979 = arith.constant 112 : index
        %get3A_980 = tpu.vector_load %arg6[%get3A_978, %get3A_979] {strides = array<i32>} : memref<768x128xf32, #tpu.memory_space<vmem>>, vector<1x16xf32>,
        %get3A_981 = vector.shape_cast %get3A_980 : vector<1x16xf32> to vector<16xf32>
        %mul3A_982 = arith.constant 11.3137083 : f32
        %mul3A_983 = vector.broadcast %mul3A_982 : f32 to vector<16xf32>
        %mul3A_984 = arith.mulf %get3A_981, %mul3A_983 : vector<16xf32>
        %add3A_985 = arith.constant 512 : i32
        %add3A_986 = arith.addi %add3A_985, %scan3A_863 : i32
        %swap3A_987 = arith.index_cast %add3A_986 : i32 to index
        %swap3A_988 = arith.constant 112 : index
        %swap3A_989 = tpu.vector_load %arg6[%swap3A_987, %swap3A_988] {strides = array<i32>} : memref<768x128xf32, #tpu.memory_space<vmem>>, vector<1x16xf32>,
        %swap3A_990 = vector.shape_cast %swap3A_989 : vector<1x16xf32> to vector<16xf32>
        %swap3A_991 = vector.shape_cast %mul3A_984 : vector<16xf32> to vector<1x16xf32>
        tpu.vector_store %arg6[%swap3A_987, %swap3A_988], %swap3A_991 {strides = array<i32>} : memref<768x128xf32, #tpu.memory_space<vmem>>, vector<1x16xf32>,
      }
      %scan3A_538 = arith.constant 128 : i32
      %dma_start3A_539 = arith.constant 512 : i32
      %dma_start3A_540 = arith.constant 0 : i32
      %dma_start3A_541 = tpu.memref_slice %arg6[%dma_start3A_539, %dma_start3A_540] : memref<768x128xf32, #tpu.memory_space<vmem>> -> memref<128x128xf32, #tpu.memory_space<vmem>>
      %dma_start3A_542 = arith.constant 0 : i32
      %dma_start3A_543 = tpu.memref_slice %arg4[%add3A_524, %mul3A_2, %dma_start3A_542] : memref<50x4096x128xf32, #tpu.memory_space<hbm>> -> memref<1x128x128xf32, #tpu.memory_space<hbm>>
      %dma_start3A_544 = tpu.memref_squeeze %dma_start3A_543 : memref<1x128x128xf32, #tpu.memory_space<hbm>> -> memref<128x128xf32, #tpu.memory_space<hbm>>
      %dma_start3A_545 = arith.constant 0 : i32
      %dma_start3A_546 = tpu.memref_slice %arg4[%add3A_524, %mul3A_2, %dma_start3A_545] : memref<50x4096x128xf32, #tpu.memory_space<hbm>> -> memref<1x128x128xf32, #tpu.memory_space<hbm>>
      %dma_start3A_547 = tpu.memref_squeeze %dma_start3A_546 : memref<1x128x128xf32, #tpu.memory_space<hbm>> -> memref<128x128xf32, #tpu.memory_space<hbm>>
      %dma_start3A_548 = arith.constant 512 : i32
      %dma_start3A_549 = arith.constant 0 : i32
      %dma_start3A_550 = tpu.memref_slice %arg6[%dma_start3A_548, %dma_start3A_549] : memref<768x128xf32, #tpu.memory_space<vmem>> -> memref<128x128xf32, #tpu.memory_space<vmem>>
      tpu.enqueue_dma source(%dma_start3A_550 : memref<128x128xf32, #tpu.memory_space<vmem>>) target(%dma_start3A_547 : memref<128x128xf32, #tpu.memory_space<hbm>>) target_semaphore(%arg17 : memref<!tpu.dma_semaphore, #tpu.memory_space<semaphore_mem>>)
      %sub3A_551 = arith.constant 2 : i32
      %sub3A_552 = arith.subi %add3A_524, %sub3A_551 : i32
      %dma_wait3A_553 = arith.constant 256 : i32
      %dma_wait3A_554 = arith.constant 0 : i32
      %dma_wait3A_555 = tpu.memref_slice %arg6[%dma_wait3A_553, %dma_wait3A_554] : memref<768x128xf32, #tpu.memory_space<vmem>> -> memref<128x128xf32, #tpu.memory_space<vmem>>
      %dma_wait3A_556 = arith.constant 0 : i32
      %dma_wait3A_557 = tpu.memref_slice %arg4[%sub3A_552, %mul3A_2, %dma_wait3A_556] : memref<50x4096x128xf32, #tpu.memory_space<hbm>> -> memref<1x128x128xf32, #tpu.memory_space<hbm>>
      %dma_wait3A_558 = tpu.memref_squeeze %dma_wait3A_557 : memref<1x128x128xf32, #tpu.memory_space<hbm>> -> memref<128x128xf32, #tpu.memory_space<hbm>>
      %dma_wait3A_559 = arith.constant 0 : i32
      %dma_wait3A_560 = tpu.memref_slice %arg4[%sub3A_552, %mul3A_2, %dma_wait3A_559] : memref<50x4096x128xf32, #tpu.memory_space<hbm>> -> memref<1x128x128xf32, #tpu.memory_space<hbm>>
      %dma_wait3A_561 = tpu.memref_squeeze %dma_wait3A_560 : memref<1x128x128xf32, #tpu.memory_space<hbm>> -> memref<128x128xf32, #tpu.memory_space<hbm>>
      %dma_wait3A_562 = arith.constant 256 : i32
      %dma_wait3A_563 = arith.constant 0 : i32
      %dma_wait3A_564 = tpu.memref_slice %arg6[%dma_wait3A_562, %dma_wait3A_563] : memref<768x128xf32, #tpu.memory_space<vmem>> -> memref<128x128xf32, #tpu.memory_space<vmem>>
      tpu.wait_dma2 semaphore(%arg15 : memref<!tpu.dma_semaphore, #tpu.memory_space<semaphore_mem>>) src(%dma_wait3A_564 : memref<128x128xf32, #tpu.memory_space<vmem>>) dst(%dma_wait3A_561 : memref<128x128xf32, #tpu.memory_space<hbm>>)
      %add3A_565 = arith.constant 4 : i32
      %add3A_566 = arith.addi %add3A_524, %add3A_565 : i32
      %dma_start3A_567 = arith.constant 256 : i32
      %dma_start3A_568 = arith.constant 0 : i32
      %dma_start3A_569 = tpu.memref_slice %arg6[%dma_start3A_567, %dma_start3A_568] : memref<768x128xf32, #tpu.memory_space<vmem>> -> memref<128x128xf32, #tpu.memory_space<vmem>>
      %dma_start3A_570 = arith.constant 0 : i32
      %dma_start3A_571 = tpu.memref_slice %arg5[%add3A_566, %dma_start3A_570] : memref<50x128xi32, #tpu.memory_space<vmem>> -> memref<1x128xi32, #tpu.memory_space<vmem>>
      %dma_start3A_572 = tpu.memref_squeeze %dma_start3A_571 : memref<1x128xi32, #tpu.memory_space<vmem>> -> memref<128xi32, #tpu.memory_space<vmem>>
      %dma_start3A_573 = arith.constant 0 : i32
      %dma_start3A_574 = arith.constant 0 : i32
      %dma_start3A_575 = tpu.memref_slice %arg3[%dma_start3A_573, %dma_start3A_574] : memref<100000x128xf32, #tpu.memory_space<hbm>> -> memref<100000x128xf32, #tpu.memory_space<hbm>>
      tpu.enqueue_indirect_dma source(%dma_start3A_575 : memref<100000x128xf32, #tpu.memory_space<hbm>>) target(%dma_start3A_569 : memref<128x128xf32, #tpu.memory_space<vmem>>) offsets(%dma_start3A_572 : memref<128xi32, #tpu.memory_space<vmem>>) semaphore(%arg9 : memref<!tpu.dma_semaphore, #tpu.memory_space<semaphore_mem>>)
      %add3A_576 = arith.constant 3 : i32
      %add3A_577 = arith.addi %add3A_417, %add3A_576 : i32
      %dma_wait3A_578 = arith.constant 640 : i32
      %dma_wait3A_579 = arith.constant 0 : i32
      %dma_wait3A_580 = tpu.memref_slice %arg6[%dma_wait3A_578, %dma_wait3A_579] : memref<768x128xf32, #tpu.memory_space<vmem>> -> memref<128x128xf32, #tpu.memory_space<vmem>>
      %dma_wait3A_581 = arith.constant 0 : i32
      %dma_wait3A_582 = tpu.memref_slice %arg5[%add3A_577, %dma_wait3A_581] : memref<50x128xi32, #tpu.memory_space<vmem>> -> memref<1x128xi32, #tpu.memory_space<vmem>>
      %dma_wait3A_583 = tpu.memref_squeeze %dma_wait3A_582 : memref<1x128xi32, #tpu.memory_space<vmem>> -> memref<128xi32, #tpu.memory_space<vmem>>
      %dma_wait3A_584 = arith.constant 0 : i32
      %dma_wait3A_585 = arith.constant 0 : i32
      %dma_wait3A_586 = tpu.memref_slice %arg3[%dma_wait3A_584, %dma_wait3A_585] : memref<100000x128xf32, #tpu.memory_space<hbm>> -> memref<100000x128xf32, #tpu.memory_space<hbm>>
      tpu.wait_indirect_dma semaphore(%arg12 : memref<!tpu.dma_semaphore, #tpu.memory_space<semaphore_mem>>) src(%dma_wait3A_586 : memref<100000x128xf32, #tpu.memory_space<hbm>>) dst(%dma_wait3A_580 : memref<128x128xf32, #tpu.memory_space<vmem>>)
      %scan3A_587 = arith.constant 0 : i32
      %scan3A_588 = arith.constant 128 : i32
      %scan3A_589 = arith.addi %scan3A_587, %scan3A_588 : i32
      %scan3A_590 = arith.constant 2 : i32
      scf.for %scan3A_735 = %scan3A_587 to %scan3A_589 step %scan3A_590  : i32 {
        %add3A_736 = arith.constant 640 : i32
        %add3A_737 = arith.addi %add3A_736, %scan3A_735 : i32
        %get3A = arith.index_cast %add3A_737 : i32 to index
        %get3A_738 = arith.constant 0 : index
        %get3A_739 = tpu.vector_load %arg6[%get3A, %get3A_738] {strides = array<i32>} : memref<768x128xf32, #tpu.memory_space<vmem>>, vector<1x16xf32>,
        %get3A_740 = vector.shape_cast %get3A_739 : vector<1x16xf32> to vector<16xf32>
        %mul3A_741 = arith.constant 11.3137083 : f32
        %mul3A_742 = vector.broadcast %mul3A_741 : f32 to vector<16xf32>
        %mul3A_743 = arith.mulf %get3A_740, %mul3A_742 : vector<16xf32>
        %add3A_744 = arith.constant 640 : i32
        %add3A_745 = arith.addi %add3A_744, %scan3A_735 : i32
        %swap3A = arith.index_cast %add3A_745 : i32 to index
        %swap3A_746 = arith.constant 0 : index
        %swap3A_747 = tpu.vector_load %arg6[%swap3A, %swap3A_746] {strides = array<i32>} : memref<768x128xf32, #tpu.memory_space<vmem>>, vector<1x16xf32>,
        %swap3A_748 = vector.shape_cast %swap3A_747 : vector<1x16xf32> to vector<16xf32>
        %swap3A_749 = vector.shape_cast %mul3A_743 : vector<16xf32> to vector<1x16xf32>
        tpu.vector_store %arg6[%swap3A, %swap3A_746], %swap3A_749 {strides = array<i32>} : memref<768x128xf32, #tpu.memory_space<vmem>>, vector<1x16xf32>,
        %add3A_750 = arith.constant 640 : i32
        %add3A_751 = arith.addi %add3A_750, %scan3A_735 : i32
        %get3A_752 = arith.index_cast %add3A_751 : i32 to index
        %get3A_753 = arith.constant 16 : index
        %get3A_754 = tpu.vector_load %arg6[%get3A_752, %get3A_753] {strides = array<i32>} : memref<768x128xf32, #tpu.memory_space<vmem>>, vector<1x16xf32>,
        %get3A_755 = vector.shape_cast %get3A_754 : vector<1x16xf32> to vector<16xf32>
        %mul3A_756 = arith.constant 11.3137083 : f32
        %mul3A_757 = vector.broadcast %mul3A_756 : f32 to vector<16xf32>
        %mul3A_758 = arith.mulf %get3A_755, %mul3A_757 : vector<16xf32>
        %add3A_759 = arith.constant 640 : i32
        %add3A_760 = arith.addi %add3A_759, %scan3A_735 : i32
        %swap3A_761 = arith.index_cast %add3A_760 : i32 to index
        %swap3A_762 = arith.constant 16 : index
        %swap3A_763 = tpu.vector_load %arg6[%swap3A_761, %swap3A_762] {strides = array<i32>} : memref<768x128xf32, #tpu.memory_space<vmem>>, vector<1x16xf32>,
        %swap3A_764 = vector.shape_cast %swap3A_763 : vector<1x16xf32> to vector<16xf32>
        %swap3A_765 = vector.shape_cast %mul3A_758 : vector<16xf32> to vector<1x16xf32>
        tpu.vector_store %arg6[%swap3A_761, %swap3A_762], %swap3A_765 {strides = array<i32>} : memref<768x128xf32, #tpu.memory_space<vmem>>, vector<1x16xf32>,
        %add3A_766 = arith.constant 640 : i32
        %add3A_767 = arith.addi %add3A_766, %scan3A_735 : i32
        %get3A_768 = arith.index_cast %add3A_767 : i32 to index
        %get3A_769 = arith.constant 32 : index
        %get3A_770 = tpu.vector_load %arg6[%get3A_768, %get3A_769] {strides = array<i32>} : memref<768x128xf32, #tpu.memory_space<vmem>>, vector<1x16xf32>,
        %get3A_771 = vector.shape_cast %get3A_770 : vector<1x16xf32> to vector<16xf32>
        %mul3A_772 = arith.constant 11.3137083 : f32
        %mul3A_773 = vector.broadcast %mul3A_772 : f32 to vector<16xf32>
        %mul3A_774 = arith.mulf %get3A_771, %mul3A_773 : vector<16xf32>
        %add3A_775 = arith.constant 640 : i32
        %add3A_776 = arith.addi %add3A_775, %scan3A_735 : i32
        %swap3A_777 = arith.index_cast %add3A_776 : i32 to index
        %swap3A_778 = arith.constant 32 : index
        %swap3A_779 = tpu.vector_load %arg6[%swap3A_777, %swap3A_778] {strides = array<i32>} : memref<768x128xf32, #tpu.memory_space<vmem>>, vector<1x16xf32>,
        %swap3A_780 = vector.shape_cast %swap3A_779 : vector<1x16xf32> to vector<16xf32>
        %swap3A_781 = vector.shape_cast %mul3A_774 : vector<16xf32> to vector<1x16xf32>
        tpu.vector_store %arg6[%swap3A_777, %swap3A_778], %swap3A_781 {strides = array<i32>} : memref<768x128xf32, #tpu.memory_space<vmem>>, vector<1x16xf32>,
        %add3A_782 = arith.constant 640 : i32
        %add3A_783 = arith.addi %add3A_782, %scan3A_735 : i32
        %get3A_784 = arith.index_cast %add3A_783 : i32 to index
        %get3A_785 = arith.constant 48 : index
        %get3A_786 = tpu.vector_load %arg6[%get3A_784, %get3A_785] {strides = array<i32>} : memref<768x128xf32, #tpu.memory_space<vmem>>, vector<1x16xf32>,
        %get3A_787 = vector.shape_cast %get3A_786 : vector<1x16xf32> to vector<16xf32>
        %mul3A_788 = arith.constant 11.3137083 : f32
        %mul3A_789 = vector.broadcast %mul3A_788 : f32 to vector<16xf32>
        %mul3A_790 = arith.mulf %get3A_787, %mul3A_789 : vector<16xf32>
        %add3A_791 = arith.constant 640 : i32
        %add3A_792 = arith.addi %add3A_791, %scan3A_735 : i32
        %swap3A_793 = arith.index_cast %add3A_792 : i32 to index
        %swap3A_794 = arith.constant 48 : index
        %swap3A_795 = tpu.vector_load %arg6[%swap3A_793, %swap3A_794] {strides = array<i32>} : memref<768x128xf32, #tpu.memory_space<vmem>>, vector<1x16xf32>,
        %swap3A_796 = vector.shape_cast %swap3A_795 : vector<1x16xf32> to vector<16xf32>
        %swap3A_797 = vector.shape_cast %mul3A_790 : vector<16xf32> to vector<1x16xf32>
        tpu.vector_store %arg6[%swap3A_793, %swap3A_794], %swap3A_797 {strides = array<i32>} : memref<768x128xf32, #tpu.memory_space<vmem>>, vector<1x16xf32>,
        %add3A_798 = arith.constant 640 : i32
        %add3A_799 = arith.addi %add3A_798, %scan3A_735 : i32
        %get3A_800 = arith.index_cast %add3A_799 : i32 to index
        %get3A_801 = arith.constant 64 : index
        %get3A_802 = tpu.vector_load %arg6[%get3A_800, %get3A_801] {strides = array<i32>} : memref<768x128xf32, #tpu.memory_space<vmem>>, vector<1x16xf32>,
        %get3A_803 = vector.shape_cast %get3A_802 : vector<1x16xf32> to vector<16xf32>
        %mul3A_804 = arith.constant 11.3137083 : f32
        %mul3A_805 = vector.broadcast %mul3A_804 : f32 to vector<16xf32>
        %mul3A_806 = arith.mulf %get3A_803, %mul3A_805 : vector<16xf32>
        %add3A_807 = arith.constant 640 : i32
        %add3A_808 = arith.addi %add3A_807, %scan3A_735 : i32
        %swap3A_809 = arith.index_cast %add3A_808 : i32 to index
        %swap3A_810 = arith.constant 64 : index
        %swap3A_811 = tpu.vector_load %arg6[%swap3A_809, %swap3A_810] {strides = array<i32>} : memref<768x128xf32, #tpu.memory_space<vmem>>, vector<1x16xf32>,
        %swap3A_812 = vector.shape_cast %swap3A_811 : vector<1x16xf32> to vector<16xf32>
        %swap3A_813 = vector.shape_cast %mul3A_806 : vector<16xf32> to vector<1x16xf32>
        tpu.vector_store %arg6[%swap3A_809, %swap3A_810], %swap3A_813 {strides = array<i32>} : memref<768x128xf32, #tpu.memory_space<vmem>>, vector<1x16xf32>,
        %add3A_814 = arith.constant 640 : i32
        %add3A_815 = arith.addi %add3A_814, %scan3A_735 : i32
        %get3A_816 = arith.index_cast %add3A_815 : i32 to index
        %get3A_817 = arith.constant 80 : index
        %get3A_818 = tpu.vector_load %arg6[%get3A_816, %get3A_817] {strides = array<i32>} : memref<768x128xf32, #tpu.memory_space<vmem>>, vector<1x16xf32>,
        %get3A_819 = vector.shape_cast %get3A_818 : vector<1x16xf32> to vector<16xf32>
        %mul3A_820 = arith.constant 11.3137083 : f32
        %mul3A_821 = vector.broadcast %mul3A_820 : f32 to vector<16xf32>
        %mul3A_822 = arith.mulf %get3A_819, %mul3A_821 : vector<16xf32>
        %add3A_823 = arith.constant 640 : i32
        %add3A_824 = arith.addi %add3A_823, %scan3A_735 : i32
        %swap3A_825 = arith.index_cast %add3A_824 : i32 to index
        %swap3A_826 = arith.constant 80 : index
        %swap3A_827 = tpu.vector_load %arg6[%swap3A_825, %swap3A_826] {strides = array<i32>} : memref<768x128xf32, #tpu.memory_space<vmem>>, vector<1x16xf32>,
        %swap3A_828 = vector.shape_cast %swap3A_827 : vector<1x16xf32> to vector<16xf32>
        %swap3A_829 = vector.shape_cast %mul3A_822 : vector<16xf32> to vector<1x16xf32>
        tpu.vector_store %arg6[%swap3A_825, %swap3A_826], %swap3A_829 {strides = array<i32>} : memref<768x128xf32, #tpu.memory_space<vmem>>, vector<1x16xf32>,
        %add3A_830 = arith.constant 640 : i32
        %add3A_831 = arith.addi %add3A_830, %scan3A_735 : i32
        %get3A_832 = arith.index_cast %add3A_831 : i32 to index
        %get3A_833 = arith.constant 96 : index
        %get3A_834 = tpu.vector_load %arg6[%get3A_832, %get3A_833] {strides = array<i32>} : memref<768x128xf32, #tpu.memory_space<vmem>>, vector<1x16xf32>,
        %get3A_835 = vector.shape_cast %get3A_834 : vector<1x16xf32> to vector<16xf32>
        %mul3A_836 = arith.constant 11.3137083 : f32
        %mul3A_837 = vector.broadcast %mul3A_836 : f32 to vector<16xf32>
        %mul3A_838 = arith.mulf %get3A_835, %mul3A_837 : vector<16xf32>
        %add3A_839 = arith.constant 640 : i32
        %add3A_840 = arith.addi %add3A_839, %scan3A_735 : i32
        %swap3A_841 = arith.index_cast %add3A_840 : i32 to index
        %swap3A_842 = arith.constant 96 : index
        %swap3A_843 = tpu.vector_load %arg6[%swap3A_841, %swap3A_842] {strides = array<i32>} : memref<768x128xf32, #tpu.memory_space<vmem>>, vector<1x16xf32>,
        %swap3A_844 = vector.shape_cast %swap3A_843 : vector<1x16xf32> to vector<16xf32>
        %swap3A_845 = vector.shape_cast %mul3A_838 : vector<16xf32> to vector<1x16xf32>
        tpu.vector_store %arg6[%swap3A_841, %swap3A_842], %swap3A_845 {strides = array<i32>} : memref<768x128xf32, #tpu.memory_space<vmem>>, vector<1x16xf32>,
        %add3A_846 = arith.constant 640 : i32
        %add3A_847 = arith.addi %add3A_846, %scan3A_735 : i32
        %get3A_848 = arith.index_cast %add3A_847 : i32 to index
        %get3A_849 = arith.constant 112 : index
        %get3A_850 = tpu.vector_load %arg6[%get3A_848, %get3A_849] {strides = array<i32>} : memref<768x128xf32, #tpu.memory_space<vmem>>, vector<1x16xf32>,
        %get3A_851 = vector.shape_cast %get3A_850 : vector<1x16xf32> to vector<16xf32>
        %mul3A_852 = arith.constant 11.3137083 : f32
        %mul3A_853 = vector.broadcast %mul3A_852 : f32 to vector<16xf32>
        %mul3A_854 = arith.mulf %get3A_851, %mul3A_853 : vector<16xf32>
        %add3A_855 = arith.constant 640 : i32
        %add3A_856 = arith.addi %add3A_855, %scan3A_735 : i32
        %swap3A_857 = arith.index_cast %add3A_856 : i32 to index
        %swap3A_858 = arith.constant 112 : index
        %swap3A_859 = tpu.vector_load %arg6[%swap3A_857, %swap3A_858] {strides = array<i32>} : memref<768x128xf32, #tpu.memory_space<vmem>>, vector<1x16xf32>,
        %swap3A_860 = vector.shape_cast %swap3A_859 : vector<1x16xf32> to vector<16xf32>
        %swap3A_861 = vector.shape_cast %mul3A_854 : vector<16xf32> to vector<1x16xf32>
        tpu.vector_store %arg6[%swap3A_857, %swap3A_858], %swap3A_861 {strides = array<i32>} : memref<768x128xf32, #tpu.memory_space<vmem>>, vector<1x16xf32>,
        %scan3A_862 = arith.constant 1 : i32
        %scan3A_863 = arith.addi %scan3A_735, %scan3A_862 : i32
        %add3A_864 = arith.constant 640 : i32
        %add3A_865 = arith.addi %add3A_864, %scan3A_863 : i32
        %get3A_866 = arith.index_cast %add3A_865 : i32 to index
        %get3A_867 = arith.constant 0 : index
        %get3A_868 = tpu.vector_load %arg6[%get3A_866, %get3A_867] {strides = array<i32>} : memref<768x128xf32, #tpu.memory_space<vmem>>, vector<1x16xf32>,
        %get3A_869 = vector.shape_cast %get3A_868 : vector<1x16xf32> to vector<16xf32>
        %mul3A_870 = arith.constant 11.3137083 : f32
        %mul3A_871 = vector.broadcast %mul3A_870 : f32 to vector<16xf32>
        %mul3A_872 = arith.mulf %get3A_869, %mul3A_871 : vector<16xf32>
        %add3A_873 = arith.constant 640 : i32
        %add3A_874 = arith.addi %add3A_873, %scan3A_863 : i32
        %swap3A_875 = arith.index_cast %add3A_874 : i32 to index
        %swap3A_876 = arith.constant 0 : index
        %swap3A_877 = tpu.vector_load %arg6[%swap3A_875, %swap3A_876] {strides = array<i32>} : memref<768x128xf32, #tpu.memory_space<vmem>>, vector<1x16xf32>,
        %swap3A_878 = vector.shape_cast %swap3A_877 : vector<1x16xf32> to vector<16xf32>
        %swap3A_879 = vector.shape_cast %mul3A_872 : vector<16xf32> to vector<1x16xf32>
        tpu.vector_store %arg6[%swap3A_875, %swap3A_876], %swap3A_879 {strides = array<i32>} : memref<768x128xf32, #tpu.memory_space<vmem>>, vector<1x16xf32>,
        %add3A_880 = arith.constant 640 : i32
        %add3A_881 = arith.addi %add3A_880, %scan3A_863 : i32
        %get3A_882 = arith.index_cast %add3A_881 : i32 to index
        %get3A_883 = arith.constant 16 : index
        %get3A_884 = tpu.vector_load %arg6[%get3A_882, %get3A_883] {strides = array<i32>} : memref<768x128xf32, #tpu.memory_space<vmem>>, vector<1x16xf32>,
        %get3A_885 = vector.shape_cast %get3A_884 : vector<1x16xf32> to vector<16xf32>
        %mul3A_886 = arith.constant 11.3137083 : f32
        %mul3A_887 = vector.broadcast %mul3A_886 : f32 to vector<16xf32>
        %mul3A_888 = arith.mulf %get3A_885, %mul3A_887 : vector<16xf32>
        %add3A_889 = arith.constant 640 : i32
        %add3A_890 = arith.addi %add3A_889, %scan3A_863 : i32
        %swap3A_891 = arith.index_cast %add3A_890 : i32 to index
        %swap3A_892 = arith.constant 16 : index
        %swap3A_893 = tpu.vector_load %arg6[%swap3A_891, %swap3A_892] {strides = array<i32>} : memref<768x128xf32, #tpu.memory_space<vmem>>, vector<1x16xf32>,
        %swap3A_894 = vector.shape_cast %swap3A_893 : vector<1x16xf32> to vector<16xf32>
        %swap3A_895 = vector.shape_cast %mul3A_888 : vector<16xf32> to vector<1x16xf32>
        tpu.vector_store %arg6[%swap3A_891, %swap3A_892], %swap3A_895 {strides = array<i32>} : memref<768x128xf32, #tpu.memory_space<vmem>>, vector<1x16xf32>,
        %add3A_896 = arith.constant 640 : i32
        %add3A_897 = arith.addi %add3A_896, %scan3A_863 : i32
        %get3A_898 = arith.index_cast %add3A_897 : i32 to index
        %get3A_899 = arith.constant 32 : index
        %get3A_900 = tpu.vector_load %arg6[%get3A_898, %get3A_899] {strides = array<i32>} : memref<768x128xf32, #tpu.memory_space<vmem>>, vector<1x16xf32>,
        %get3A_901 = vector.shape_cast %get3A_900 : vector<1x16xf32> to vector<16xf32>
        %mul3A_902 = arith.constant 11.3137083 : f32
        %mul3A_903 = vector.broadcast %mul3A_902 : f32 to vector<16xf32>
        %mul3A_904 = arith.mulf %get3A_901, %mul3A_903 : vector<16xf32>
        %add3A_905 = arith.constant 640 : i32
        %add3A_906 = arith.addi %add3A_905, %scan3A_863 : i32
        %swap3A_907 = arith.index_cast %add3A_906 : i32 to index
        %swap3A_908 = arith.constant 32 : index
        %swap3A_909 = tpu.vector_load %arg6[%swap3A_907, %swap3A_908] {strides = array<i32>} : memref<768x128xf32, #tpu.memory_space<vmem>>, vector<1x16xf32>,
        %swap3A_910 = vector.shape_cast %swap3A_909 : vector<1x16xf32> to vector<16xf32>
        %swap3A_911 = vector.shape_cast %mul3A_904 : vector<16xf32> to vector<1x16xf32>
        tpu.vector_store %arg6[%swap3A_907, %swap3A_908], %swap3A_911 {strides = array<i32>} : memref<768x128xf32, #tpu.memory_space<vmem>>, vector<1x16xf32>,
        %add3A_912 = arith.constant 640 : i32
        %add3A_913 = arith.addi %add3A_912, %scan3A_863 : i32
        %get3A_914 = arith.index_cast %add3A_913 : i32 to index
        %get3A_915 = arith.constant 48 : index
        %get3A_916 = tpu.vector_load %arg6[%get3A_914, %get3A_915] {strides = array<i32>} : memref<768x128xf32, #tpu.memory_space<vmem>>, vector<1x16xf32>,
        %get3A_917 = vector.shape_cast %get3A_916 : vector<1x16xf32> to vector<16xf32>
        %mul3A_918 = arith.constant 11.3137083 : f32
        %mul3A_919 = vector.broadcast %mul3A_918 : f32 to vector<16xf32>
        %mul3A_920 = arith.mulf %get3A_917, %mul3A_919 : vector<16xf32>
        %add3A_921 = arith.constant 640 : i32
        %add3A_922 = arith.addi %add3A_921, %scan3A_863 : i32
        %swap3A_923 = arith.index_cast %add3A_922 : i32 to index
        %swap3A_924 = arith.constant 48 : index
        %swap3A_925 = tpu.vector_load %arg6[%swap3A_923, %swap3A_924] {strides = array<i32>} : memref<768x128xf32, #tpu.memory_space<vmem>>, vector<1x16xf32>,
        %swap3A_926 = vector.shape_cast %swap3A_925 : vector<1x16xf32> to vector<16xf32>
        %swap3A_927 = vector.shape_cast %mul3A_920 : vector<16xf32> to vector<1x16xf32>
        tpu.vector_store %arg6[%swap3A_923, %swap3A_924], %swap3A_927 {strides = array<i32>} : memref<768x128xf32, #tpu.memory_space<vmem>>, vector<1x16xf32>,
        %add3A_928 = arith.constant 640 : i32
        %add3A_929 = arith.addi %add3A_928, %scan3A_863 : i32
        %get3A_930 = arith.index_cast %add3A_929 : i32 to index
        %get3A_931 = arith.constant 64 : index
        %get3A_932 = tpu.vector_load %arg6[%get3A_930, %get3A_931] {strides = array<i32>} : memref<768x128xf32, #tpu.memory_space<vmem>>, vector<1x16xf32>,
        %get3A_933 = vector.shape_cast %get3A_932 : vector<1x16xf32> to vector<16xf32>
        %mul3A_934 = arith.constant 11.3137083 : f32
        %mul3A_935 = vector.broadcast %mul3A_934 : f32 to vector<16xf32>
        %mul3A_936 = arith.mulf %get3A_933, %mul3A_935 : vector<16xf32>
        %add3A_937 = arith.constant 640 : i32
        %add3A_938 = arith.addi %add3A_937, %scan3A_863 : i32
        %swap3A_939 = arith.index_cast %add3A_938 : i32 to index
        %swap3A_940 = arith.constant 64 : index
        %swap3A_941 = tpu.vector_load %arg6[%swap3A_939, %swap3A_940] {strides = array<i32>} : memref<768x128xf32, #tpu.memory_space<vmem>>, vector<1x16xf32>,
        %swap3A_942 = vector.shape_cast %swap3A_941 : vector<1x16xf32> to vector<16xf32>
        %swap3A_943 = vector.shape_cast %mul3A_936 : vector<16xf32> to vector<1x16xf32>
        tpu.vector_store %arg6[%swap3A_939, %swap3A_940], %swap3A_943 {strides = array<i32>} : memref<768x128xf32, #tpu.memory_space<vmem>>, vector<1x16xf32>,
        %add3A_944 = arith.constant 640 : i32
        %add3A_945 = arith.addi %add3A_944, %scan3A_863 : i32
        %get3A_946 = arith.index_cast %add3A_945 : i32 to index
        %get3A_947 = arith.constant 80 : index
        %get3A_948 = tpu.vector_load %arg6[%get3A_946, %get3A_947] {strides = array<i32>} : memref<768x128xf32, #tpu.memory_space<vmem>>, vector<1x16xf32>,
        %get3A_949 = vector.shape_cast %get3A_948 : vector<1x16xf32> to vector<16xf32>
        %mul3A_950 = arith.constant 11.3137083 : f32
        %mul3A_951 = vector.broadcast %mul3A_950 : f32 to vector<16xf32>
        %mul3A_952 = arith.mulf %get3A_949, %mul3A_951 : vector<16xf32>
        %add3A_953 = arith.constant 640 : i32
        %add3A_954 = arith.addi %add3A_953, %scan3A_863 : i32
        %swap3A_955 = arith.index_cast %add3A_954 : i32 to index
        %swap3A_956 = arith.constant 80 : index
        %swap3A_957 = tpu.vector_load %arg6[%swap3A_955, %swap3A_956] {strides = array<i32>} : memref<768x128xf32, #tpu.memory_space<vmem>>, vector<1x16xf32>,
        %swap3A_958 = vector.shape_cast %swap3A_957 : vector<1x16xf32> to vector<16xf32>
        %swap3A_959 = vector.shape_cast %mul3A_952 : vector<16xf32> to vector<1x16xf32>
        tpu.vector_store %arg6[%swap3A_955, %swap3A_956], %swap3A_959 {strides = array<i32>} : memref<768x128xf32, #tpu.memory_space<vmem>>, vector<1x16xf32>,
        %add3A_960 = arith.constant 640 : i32
        %add3A_961 = arith.addi %add3A_960, %scan3A_863 : i32
        %get3A_962 = arith.index_cast %add3A_961 : i32 to index
        %get3A_963 = arith.constant 96 : index
        %get3A_964 = tpu.vector_load %arg6[%get3A_962, %get3A_963] {strides = array<i32>} : memref<768x128xf32, #tpu.memory_space<vmem>>, vector<1x16xf32>,
        %get3A_965 = vector.shape_cast %get3A_964 : vector<1x16xf32> to vector<16xf32>
        %mul3A_966 = arith.constant 11.3137083 : f32
        %mul3A_967 = vector.broadcast %mul3A_966 : f32 to vector<16xf32>
        %mul3A_968 = arith.mulf %get3A_965, %mul3A_967 : vector<16xf32>
        %add3A_969 = arith.constant 640 : i32
        %add3A_970 = arith.addi %add3A_969, %scan3A_863 : i32
        %swap3A_971 = arith.index_cast %add3A_970 : i32 to index
        %swap3A_972 = arith.constant 96 : index
        %swap3A_973 = tpu.vector_load %arg6[%swap3A_971, %swap3A_972] {strides = array<i32>} : memref<768x128xf32, #tpu.memory_space<vmem>>, vector<1x16xf32>,
        %swap3A_974 = vector.shape_cast %swap3A_973 : vector<1x16xf32> to vector<16xf32>
        %swap3A_975 = vector.shape_cast %mul3A_968 : vector<16xf32> to vector<1x16xf32>
        tpu.vector_store %arg6[%swap3A_971, %swap3A_972], %swap3A_975 {strides = array<i32>} : memref<768x128xf32, #tpu.memory_space<vmem>>, vector<1x16xf32>,
        %add3A_976 = arith.constant 640 : i32
        %add3A_977 = arith.addi %add3A_976, %scan3A_863 : i32
        %get3A_978 = arith.index_cast %add3A_977 : i32 to index
        %get3A_979 = arith.constant 112 : index
        %get3A_980 = tpu.vector_load %arg6[%get3A_978, %get3A_979] {strides = array<i32>} : memref<768x128xf32, #tpu.memory_space<vmem>>, vector<1x16xf32>,
        %get3A_981 = vector.shape_cast %get3A_980 : vector<1x16xf32> to vector<16xf32>
        %mul3A_982 = arith.constant 11.3137083 : f32
        %mul3A_983 = vector.broadcast %mul3A_982 : f32 to vector<16xf32>
        %mul3A_984 = arith.mulf %get3A_981, %mul3A_983 : vector<16xf32>
        %add3A_985 = arith.constant 640 : i32
        %add3A_986 = arith.addi %add3A_985, %scan3A_863 : i32
        %swap3A_987 = arith.index_cast %add3A_986 : i32 to index
        %swap3A_988 = arith.constant 112 : index
        %swap3A_989 = tpu.vector_load %arg6[%swap3A_987, %swap3A_988] {strides = array<i32>} : memref<768x128xf32, #tpu.memory_space<vmem>>, vector<1x16xf32>,
        %swap3A_990 = vector.shape_cast %swap3A_989 : vector<1x16xf32> to vector<16xf32>
        %swap3A_991 = vector.shape_cast %mul3A_984 : vector<16xf32> to vector<1x16xf32>
        tpu.vector_store %arg6[%swap3A_987, %swap3A_988], %swap3A_991 {strides = array<i32>} : memref<768x128xf32, #tpu.memory_space<vmem>>, vector<1x16xf32>,
      }
      %scan3A_591 = arith.constant 128 : i32
      %dma_start3A_592 = arith.constant 640 : i32
      %dma_start3A_593 = arith.constant 0 : i32
      %dma_start3A_594 = tpu.memref_slice %arg6[%dma_start3A_592, %dma_start3A_593] : memref<768x128xf32, #tpu.memory_space<vmem>> -> memref<128x128xf32, #tpu.memory_space<vmem>>
      %dma_start3A_595 = arith.constant 0 : i32
      %dma_start3A_596 = tpu.memref_slice %arg4[%add3A_577, %mul3A_2, %dma_start3A_595] : memref<50x4096x128xf32, #tpu.memory_space<hbm>> -> memref<1x128x128xf32, #tpu.memory_space<hbm>>
      %dma_start3A_597 = tpu.memref_squeeze %dma_start3A_596 : memref<1x128x128xf32, #tpu.memory_space<hbm>> -> memref<128x128xf32, #tpu.memory_space<hbm>>
      %dma_start3A_598 = arith.constant 0 : i32
      %dma_start3A_599 = tpu.memref_slice %arg4[%add3A_577, %mul3A_2, %dma_start3A_598] : memref<50x4096x128xf32, #tpu.memory_space<hbm>> -> memref<1x128x128xf32, #tpu.memory_space<hbm>>
      %dma_start3A_600 = tpu.memref_squeeze %dma_start3A_599 : memref<1x128x128xf32, #tpu.memory_space<hbm>> -> memref<128x128xf32, #tpu.memory_space<hbm>>
      %dma_start3A_601 = arith.constant 640 : i32
      %dma_start3A_602 = arith.constant 0 : i32
      %dma_start3A_603 = tpu.memref_slice %arg6[%dma_start3A_601, %dma_start3A_602] : memref<768x128xf32, #tpu.memory_space<vmem>> -> memref<128x128xf32, #tpu.memory_space<vmem>>
      tpu.enqueue_dma source(%dma_start3A_603 : memref<128x128xf32, #tpu.memory_space<vmem>>) target(%dma_start3A_600 : memref<128x128xf32, #tpu.memory_space<hbm>>) target_semaphore(%arg18 : memref<!tpu.dma_semaphore, #tpu.memory_space<semaphore_mem>>)
      %sub3A_604 = arith.constant 2 : i32
      %sub3A_605 = arith.subi %add3A_577, %sub3A_604 : i32
      %dma_wait3A_606 = arith.constant 384 : i32
      %dma_wait3A_607 = arith.constant 0 : i32
      %dma_wait3A_608 = tpu.memref_slice %arg6[%dma_wait3A_606, %dma_wait3A_607] : memref<768x128xf32, #tpu.memory_space<vmem>> -> memref<128x128xf32, #tpu.memory_space<vmem>>
      %dma_wait3A_609 = arith.constant 0 : i32
      %dma_wait3A_610 = tpu.memref_slice %arg4[%sub3A_605, %mul3A_2, %dma_wait3A_609] : memref<50x4096x128xf32, #tpu.memory_space<hbm>> -> memref<1x128x128xf32, #tpu.memory_space<hbm>>
      %dma_wait3A_611 = tpu.memref_squeeze %dma_wait3A_610 : memref<1x128x128xf32, #tpu.memory_space<hbm>> -> memref<128x128xf32, #tpu.memory_space<hbm>>
      %dma_wait3A_612 = arith.constant 0 : i32
      %dma_wait3A_613 = tpu.memref_slice %arg4[%sub3A_605, %mul3A_2, %dma_wait3A_612] : memref<50x4096x128xf32, #tpu.memory_space<hbm>> -> memref<1x128x128xf32, #tpu.memory_space<hbm>>
      %dma_wait3A_614 = tpu.memref_squeeze %dma_wait3A_613 : memref<1x128x128xf32, #tpu.memory_space<hbm>> -> memref<128x128xf32, #tpu.memory_space<hbm>>
      %dma_wait3A_615 = arith.constant 384 : i32
      %dma_wait3A_616 = arith.constant 0 : i32
      %dma_wait3A_617 = tpu.memref_slice %arg6[%dma_wait3A_615, %dma_wait3A_616] : memref<768x128xf32, #tpu.memory_space<vmem>> -> memref<128x128xf32, #tpu.memory_space<vmem>>
      tpu.wait_dma2 semaphore(%arg16 : memref<!tpu.dma_semaphore, #tpu.memory_space<semaphore_mem>>) src(%dma_wait3A_617 : memref<128x128xf32, #tpu.memory_space<vmem>>) dst(%dma_wait3A_614 : memref<128x128xf32, #tpu.memory_space<hbm>>)
      %add3A_618 = arith.constant 4 : i32
      %add3A_619 = arith.addi %add3A_577, %add3A_618 : i32
      %dma_start3A_620 = arith.constant 384 : i32
      %dma_start3A_621 = arith.constant 0 : i32
      %dma_start3A_622 = tpu.memref_slice %arg6[%dma_start3A_620, %dma_start3A_621] : memref<768x128xf32, #tpu.memory_space<vmem>> -> memref<128x128xf32, #tpu.memory_space<vmem>>
      %dma_start3A_623 = arith.constant 0 : i32
      %dma_start3A_624 = tpu.memref_slice %arg5[%add3A_619, %dma_start3A_623] : memref<50x128xi32, #tpu.memory_space<vmem>> -> memref<1x128xi32, #tpu.memory_space<vmem>>
      %dma_start3A_625 = tpu.memref_squeeze %dma_start3A_624 : memref<1x128xi32, #tpu.memory_space<vmem>> -> memref<128xi32, #tpu.memory_space<vmem>>
      %dma_start3A_626 = arith.constant 0 : i32
      %dma_start3A_627 = arith.constant 0 : i32
      %dma_start3A_628 = tpu.memref_slice %arg3[%dma_start3A_626, %dma_start3A_627] : memref<100000x128xf32, #tpu.memory_space<hbm>> -> memref<100000x128xf32, #tpu.memory_space<hbm>>
      tpu.enqueue_indirect_dma source(%dma_start3A_628 : memref<100000x128xf32, #tpu.memory_space<hbm>>) target(%dma_start3A_622 : memref<128x128xf32, #tpu.memory_space<vmem>>) offsets(%dma_start3A_625 : memref<128xi32, #tpu.memory_space<vmem>>) semaphore(%arg10 : memref<!tpu.dma_semaphore, #tpu.memory_space<semaphore_mem>>)
      %add3A_629 = arith.constant 4 : i32
      %add3A_630 = arith.addi %add3A_417, %add3A_629 : i32
      %dma_wait3A_631 = arith.constant 0 : i32
      %dma_wait3A_632 = arith.constant 0 : i32
      %dma_wait3A_633 = tpu.memref_slice %arg6[%dma_wait3A_631, %dma_wait3A_632] : memref<768x128xf32, #tpu.memory_space<vmem>> -> memref<128x128xf32, #tpu.memory_space<vmem>>
      %dma_wait3A_634 = arith.constant 0 : i32
      %dma_wait3A_635 = tpu.memref_slice %arg5[%add3A_630, %dma_wait3A_634] : memref<50x128xi32, #tpu.memory_space<vmem>> -> memref<1x128xi32, #tpu.memory_space<vmem>>
      %dma_wait3A_636 = tpu.memref_squeeze %dma_wait3A_635 : memref<1x128xi32, #tpu.memory_space<vmem>> -> memref<128xi32, #tpu.memory_space<vmem>>
      %dma_wait3A_637 = arith.constant 0 : i32
      %dma_wait3A_638 = arith.constant 0 : i32
      %dma_wait3A_639 = tpu.memref_slice %arg3[%dma_wait3A_637, %dma_wait3A_638] : memref<100000x128xf32, #tpu.memory_space<hbm>> -> memref<100000x128xf32, #tpu.memory_space<hbm>>
      tpu.wait_indirect_dma semaphore(%arg7 : memref<!tpu.dma_semaphore, #tpu.memory_space<semaphore_mem>>) src(%dma_wait3A_639 : memref<100000x128xf32, #tpu.memory_space<hbm>>) dst(%dma_wait3A_633 : memref<128x128xf32, #tpu.memory_space<vmem>>)
      %scan3A_640 = arith.constant 0 : i32
      %scan3A_641 = arith.constant 128 : i32
      %scan3A_642 = arith.addi %scan3A_640, %scan3A_641 : i32
      %scan3A_643 = arith.constant 2 : i32
      scf.for %scan3A_735 = %scan3A_640 to %scan3A_642 step %scan3A_643  : i32 {
        %add3A_736 = arith.constant 0 : i32
        %add3A_737 = arith.addi %add3A_736, %scan3A_735 : i32
        %get3A = arith.index_cast %add3A_737 : i32 to index
        %get3A_738 = arith.constant 0 : index
        %get3A_739 = tpu.vector_load %arg6[%get3A, %get3A_738] {strides = array<i32>} : memref<768x128xf32, #tpu.memory_space<vmem>>, vector<1x16xf32>,
        %get3A_740 = vector.shape_cast %get3A_739 : vector<1x16xf32> to vector<16xf32>
        %mul3A_741 = arith.constant 11.3137083 : f32
        %mul3A_742 = vector.broadcast %mul3A_741 : f32 to vector<16xf32>
        %mul3A_743 = arith.mulf %get3A_740, %mul3A_742 : vector<16xf32>
        %add3A_744 = arith.constant 0 : i32
        %add3A_745 = arith.addi %add3A_744, %scan3A_735 : i32
        %swap3A = arith.index_cast %add3A_745 : i32 to index
        %swap3A_746 = arith.constant 0 : index
        %swap3A_747 = tpu.vector_load %arg6[%swap3A, %swap3A_746] {strides = array<i32>} : memref<768x128xf32, #tpu.memory_space<vmem>>, vector<1x16xf32>,
        %swap3A_748 = vector.shape_cast %swap3A_747 : vector<1x16xf32> to vector<16xf32>
        %swap3A_749 = vector.shape_cast %mul3A_743 : vector<16xf32> to vector<1x16xf32>
        tpu.vector_store %arg6[%swap3A, %swap3A_746], %swap3A_749 {strides = array<i32>} : memref<768x128xf32, #tpu.memory_space<vmem>>, vector<1x16xf32>,
        %add3A_750 = arith.constant 0 : i32
        %add3A_751 = arith.addi %add3A_750, %scan3A_735 : i32
        %get3A_752 = arith.index_cast %add3A_751 : i32 to index
        %get3A_753 = arith.constant 16 : index
        %get3A_754 = tpu.vector_load %arg6[%get3A_752, %get3A_753] {strides = array<i32>} : memref<768x128xf32, #tpu.memory_space<vmem>>, vector<1x16xf32>,
        %get3A_755 = vector.shape_cast %get3A_754 : vector<1x16xf32> to vector<16xf32>
        %mul3A_756 = arith.constant 11.3137083 : f32
        %mul3A_757 = vector.broadcast %mul3A_756 : f32 to vector<16xf32>
        %mul3A_758 = arith.mulf %get3A_755, %mul3A_757 : vector<16xf32>
        %add3A_759 = arith.constant 0 : i32
        %add3A_760 = arith.addi %add3A_759, %scan3A_735 : i32
        %swap3A_761 = arith.index_cast %add3A_760 : i32 to index
        %swap3A_762 = arith.constant 16 : index
        %swap3A_763 = tpu.vector_load %arg6[%swap3A_761, %swap3A_762] {strides = array<i32>} : memref<768x128xf32, #tpu.memory_space<vmem>>, vector<1x16xf32>,
        %swap3A_764 = vector.shape_cast %swap3A_763 : vector<1x16xf32> to vector<16xf32>
        %swap3A_765 = vector.shape_cast %mul3A_758 : vector<16xf32> to vector<1x16xf32>
        tpu.vector_store %arg6[%swap3A_761, %swap3A_762], %swap3A_765 {strides = array<i32>} : memref<768x128xf32, #tpu.memory_space<vmem>>, vector<1x16xf32>,
        %add3A_766 = arith.constant 0 : i32
        %add3A_767 = arith.addi %add3A_766, %scan3A_735 : i32
        %get3A_768 = arith.index_cast %add3A_767 : i32 to index
        %get3A_769 = arith.constant 32 : index
        %get3A_770 = tpu.vector_load %arg6[%get3A_768, %get3A_769] {strides = array<i32>} : memref<768x128xf32, #tpu.memory_space<vmem>>, vector<1x16xf32>,
        %get3A_771 = vector.shape_cast %get3A_770 : vector<1x16xf32> to vector<16xf32>
        %mul3A_772 = arith.constant 11.3137083 : f32
        %mul3A_773 = vector.broadcast %mul3A_772 : f32 to vector<16xf32>
        %mul3A_774 = arith.mulf %get3A_771, %mul3A_773 : vector<16xf32>
        %add3A_775 = arith.constant 0 : i32
        %add3A_776 = arith.addi %add3A_775, %scan3A_735 : i32
        %swap3A_777 = arith.index_cast %add3A_776 : i32 to index
        %swap3A_778 = arith.constant 32 : index
        %swap3A_779 = tpu.vector_load %arg6[%swap3A_777, %swap3A_778] {strides = array<i32>} : memref<768x128xf32, #tpu.memory_space<vmem>>, vector<1x16xf32>,
        %swap3A_780 = vector.shape_cast %swap3A_779 : vector<1x16xf32> to vector<16xf32>
        %swap3A_781 = vector.shape_cast %mul3A_774 : vector<16xf32> to vector<1x16xf32>
        tpu.vector_store %arg6[%swap3A_777, %swap3A_778], %swap3A_781 {strides = array<i32>} : memref<768x128xf32, #tpu.memory_space<vmem>>, vector<1x16xf32>,
        %add3A_782 = arith.constant 0 : i32
        %add3A_783 = arith.addi %add3A_782, %scan3A_735 : i32
        %get3A_784 = arith.index_cast %add3A_783 : i32 to index
        %get3A_785 = arith.constant 48 : index
        %get3A_786 = tpu.vector_load %arg6[%get3A_784, %get3A_785] {strides = array<i32>} : memref<768x128xf32, #tpu.memory_space<vmem>>, vector<1x16xf32>,
        %get3A_787 = vector.shape_cast %get3A_786 : vector<1x16xf32> to vector<16xf32>
        %mul3A_788 = arith.constant 11.3137083 : f32
        %mul3A_789 = vector.broadcast %mul3A_788 : f32 to vector<16xf32>
        %mul3A_790 = arith.mulf %get3A_787, %mul3A_789 : vector<16xf32>
        %add3A_791 = arith.constant 0 : i32
        %add3A_792 = arith.addi %add3A_791, %scan3A_735 : i32
        %swap3A_793 = arith.index_cast %add3A_792 : i32 to index
        %swap3A_794 = arith.constant 48 : index
        %swap3A_795 = tpu.vector_load %arg6[%swap3A_793, %swap3A_794] {strides = array<i32>} : memref<768x128xf32, #tpu.memory_space<vmem>>, vector<1x16xf32>,
        %swap3A_796 = vector.shape_cast %swap3A_795 : vector<1x16xf32> to vector<16xf32>
        %swap3A_797 = vector.shape_cast %mul3A_790 : vector<16xf32> to vector<1x16xf32>
        tpu.vector_store %arg6[%swap3A_793, %swap3A_794], %swap3A_797 {strides = array<i32>} : memref<768x128xf32, #tpu.memory_space<vmem>>, vector<1x16xf32>,
        %add3A_798 = arith.constant 0 : i32
        %add3A_799 = arith.addi %add3A_798, %scan3A_735 : i32
        %get3A_800 = arith.index_cast %add3A_799 : i32 to index
        %get3A_801 = arith.constant 64 : index
        %get3A_802 = tpu.vector_load %arg6[%get3A_800, %get3A_801] {strides = array<i32>} : memref<768x128xf32, #tpu.memory_space<vmem>>, vector<1x16xf32>,
        %get3A_803 = vector.shape_cast %get3A_802 : vector<1x16xf32> to vector<16xf32>
        %mul3A_804 = arith.constant 11.3137083 : f32
        %mul3A_805 = vector.broadcast %mul3A_804 : f32 to vector<16xf32>
        %mul3A_806 = arith.mulf %get3A_803, %mul3A_805 : vector<16xf32>
        %add3A_807 = arith.constant 0 : i32
        %add3A_808 = arith.addi %add3A_807, %scan3A_735 : i32
        %swap3A_809 = arith.index_cast %add3A_808 : i32 to index
        %swap3A_810 = arith.constant 64 : index
        %swap3A_811 = tpu.vector_load %arg6[%swap3A_809, %swap3A_810] {strides = array<i32>} : memref<768x128xf32, #tpu.memory_space<vmem>>, vector<1x16xf32>,
        %swap3A_812 = vector.shape_cast %swap3A_811 : vector<1x16xf32> to vector<16xf32>
        %swap3A_813 = vector.shape_cast %mul3A_806 : vector<16xf32> to vector<1x16xf32>
        tpu.vector_store %arg6[%swap3A_809, %swap3A_810], %swap3A_813 {strides = array<i32>} : memref<768x128xf32, #tpu.memory_space<vmem>>, vector<1x16xf32>,
        %add3A_814 = arith.constant 0 : i32
        %add3A_815 = arith.addi %add3A_814, %scan3A_735 : i32
        %get3A_816 = arith.index_cast %add3A_815 : i32 to index
        %get3A_817 = arith.constant 80 : index
        %get3A_818 = tpu.vector_load %arg6[%get3A_816, %get3A_817] {strides = array<i32>} : memref<768x128xf32, #tpu.memory_space<vmem>>, vector<1x16xf32>,
        %get3A_819 = vector.shape_cast %get3A_818 : vector<1x16xf32> to vector<16xf32>
        %mul3A_820 = arith.constant 11.3137083 : f32
        %mul3A_821 = vector.broadcast %mul3A_820 : f32 to vector<16xf32>
        %mul3A_822 = arith.mulf %get3A_819, %mul3A_821 : vector<16xf32>
        %add3A_823 = arith.constant 0 : i32
        %add3A_824 = arith.addi %add3A_823, %scan3A_735 : i32
        %swap3A_825 = arith.index_cast %add3A_824 : i32 to index
        %swap3A_826 = arith.constant 80 : index
        %swap3A_827 = tpu.vector_load %arg6[%swap3A_825, %swap3A_826] {strides = array<i32>} : memref<768x128xf32, #tpu.memory_space<vmem>>, vector<1x16xf32>,
        %swap3A_828 = vector.shape_cast %swap3A_827 : vector<1x16xf32> to vector<16xf32>
        %swap3A_829 = vector.shape_cast %mul3A_822 : vector<16xf32> to vector<1x16xf32>
        tpu.vector_store %arg6[%swap3A_825, %swap3A_826], %swap3A_829 {strides = array<i32>} : memref<768x128xf32, #tpu.memory_space<vmem>>, vector<1x16xf32>,
        %add3A_830 = arith.constant 0 : i32
        %add3A_831 = arith.addi %add3A_830, %scan3A_735 : i32
        %get3A_832 = arith.index_cast %add3A_831 : i32 to index
        %get3A_833 = arith.constant 96 : index
        %get3A_834 = tpu.vector_load %arg6[%get3A_832, %get3A_833] {strides = array<i32>} : memref<768x128xf32, #tpu.memory_space<vmem>>, vector<1x16xf32>,
        %get3A_835 = vector.shape_cast %get3A_834 : vector<1x16xf32> to vector<16xf32>
        %mul3A_836 = arith.constant 11.3137083 : f32
        %mul3A_837 = vector.broadcast %mul3A_836 : f32 to vector<16xf32>
        %mul3A_838 = arith.mulf %get3A_835, %mul3A_837 : vector<16xf32>
        %add3A_839 = arith.constant 0 : i32
        %add3A_840 = arith.addi %add3A_839, %scan3A_735 : i32
        %swap3A_841 = arith.index_cast %add3A_840 : i32 to index
        %swap3A_842 = arith.constant 96 : index
        %swap3A_843 = tpu.vector_load %arg6[%swap3A_841, %swap3A_842] {strides = array<i32>} : memref<768x128xf32, #tpu.memory_space<vmem>>, vector<1x16xf32>,
        %swap3A_844 = vector.shape_cast %swap3A_843 : vector<1x16xf32> to vector<16xf32>
        %swap3A_845 = vector.shape_cast %mul3A_838 : vector<16xf32> to vector<1x16xf32>
        tpu.vector_store %arg6[%swap3A_841, %swap3A_842], %swap3A_845 {strides = array<i32>} : memref<768x128xf32, #tpu.memory_space<vmem>>, vector<1x16xf32>,
        %add3A_846 = arith.constant 0 : i32
        %add3A_847 = arith.addi %add3A_846, %scan3A_735 : i32
        %get3A_848 = arith.index_cast %add3A_847 : i32 to index
        %get3A_849 = arith.constant 112 : index
        %get3A_850 = tpu.vector_load %arg6[%get3A_848, %get3A_849] {strides = array<i32>} : memref<768x128xf32, #tpu.memory_space<vmem>>, vector<1x16xf32>,
        %get3A_851 = vector.shape_cast %get3A_850 : vector<1x16xf32> to vector<16xf32>
        %mul3A_852 = arith.constant 11.3137083 : f32
        %mul3A_853 = vector.broadcast %mul3A_852 : f32 to vector<16xf32>
        %mul3A_854 = arith.mulf %get3A_851, %mul3A_853 : vector<16xf32>
        %add3A_855 = arith.constant 0 : i32
        %add3A_856 = arith.addi %add3A_855, %scan3A_735 : i32
        %swap3A_857 = arith.index_cast %add3A_856 : i32 to index
        %swap3A_858 = arith.constant 112 : index
        %swap3A_859 = tpu.vector_load %arg6[%swap3A_857, %swap3A_858] {strides = array<i32>} : memref<768x128xf32, #tpu.memory_space<vmem>>, vector<1x16xf32>,
        %swap3A_860 = vector.shape_cast %swap3A_859 : vector<1x16xf32> to vector<16xf32>
        %swap3A_861 = vector.shape_cast %mul3A_854 : vector<16xf32> to vector<1x16xf32>
        tpu.vector_store %arg6[%swap3A_857, %swap3A_858], %swap3A_861 {strides = array<i32>} : memref<768x128xf32, #tpu.memory_space<vmem>>, vector<1x16xf32>,
        %scan3A_862 = arith.constant 1 : i32
        %scan3A_863 = arith.addi %scan3A_735, %scan3A_862 : i32
        %add3A_864 = arith.constant 0 : i32
        %add3A_865 = arith.addi %add3A_864, %scan3A_863 : i32
        %get3A_866 = arith.index_cast %add3A_865 : i32 to index
        %get3A_867 = arith.constant 0 : index
        %get3A_868 = tpu.vector_load %arg6[%get3A_866, %get3A_867] {strides = array<i32>} : memref<768x128xf32, #tpu.memory_space<vmem>>, vector<1x16xf32>,
        %get3A_869 = vector.shape_cast %get3A_868 : vector<1x16xf32> to vector<16xf32>
        %mul3A_870 = arith.constant 11.3137083 : f32
        %mul3A_871 = vector.broadcast %mul3A_870 : f32 to vector<16xf32>
        %mul3A_872 = arith.mulf %get3A_869, %mul3A_871 : vector<16xf32>
        %add3A_873 = arith.constant 0 : i32
        %add3A_874 = arith.addi %add3A_873, %scan3A_863 : i32
        %swap3A_875 = arith.index_cast %add3A_874 : i32 to index
        %swap3A_876 = arith.constant 0 : index
        %swap3A_877 = tpu.vector_load %arg6[%swap3A_875, %swap3A_876] {strides = array<i32>} : memref<768x128xf32, #tpu.memory_space<vmem>>, vector<1x16xf32>,
        %swap3A_878 = vector.shape_cast %swap3A_877 : vector<1x16xf32> to vector<16xf32>
        %swap3A_879 = vector.shape_cast %mul3A_872 : vector<16xf32> to vector<1x16xf32>
        tpu.vector_store %arg6[%swap3A_875, %swap3A_876], %swap3A_879 {strides = array<i32>} : memref<768x128xf32, #tpu.memory_space<vmem>>, vector<1x16xf32>,
        %add3A_880 = arith.constant 0 : i32
        %add3A_881 = arith.addi %add3A_880, %scan3A_863 : i32
        %get3A_882 = arith.index_cast %add3A_881 : i32 to index
        %get3A_883 = arith.constant 16 : index
        %get3A_884 = tpu.vector_load %arg6[%get3A_882, %get3A_883] {strides = array<i32>} : memref<768x128xf32, #tpu.memory_space<vmem>>, vector<1x16xf32>,
        %get3A_885 = vector.shape_cast %get3A_884 : vector<1x16xf32> to vector<16xf32>
        %mul3A_886 = arith.constant 11.3137083 : f32
        %mul3A_887 = vector.broadcast %mul3A_886 : f32 to vector<16xf32>
        %mul3A_888 = arith.mulf %get3A_885, %mul3A_887 : vector<16xf32>
        %add3A_889 = arith.constant 0 : i32
        %add3A_890 = arith.addi %add3A_889, %scan3A_863 : i32
        %swap3A_891 = arith.index_cast %add3A_890 : i32 to index
        %swap3A_892 = arith.constant 16 : index
        %swap3A_893 = tpu.vector_load %arg6[%swap3A_891, %swap3A_892] {strides = array<i32>} : memref<768x128xf32, #tpu.memory_space<vmem>>, vector<1x16xf32>,
        %swap3A_894 = vector.shape_cast %swap3A_893 : vector<1x16xf32> to vector<16xf32>
        %swap3A_895 = vector.shape_cast %mul3A_888 : vector<16xf32> to vector<1x16xf32>
        tpu.vector_store %arg6[%swap3A_891, %swap3A_892], %swap3A_895 {strides = array<i32>} : memref<768x128xf32, #tpu.memory_space<vmem>>, vector<1x16xf32>,
        %add3A_896 = arith.constant 0 : i32
        %add3A_897 = arith.addi %add3A_896, %scan3A_863 : i32
        %get3A_898 = arith.index_cast %add3A_897 : i32 to index
        %get3A_899 = arith.constant 32 : index
        %get3A_900 = tpu.vector_load %arg6[%get3A_898, %get3A_899] {strides = array<i32>} : memref<768x128xf32, #tpu.memory_space<vmem>>, vector<1x16xf32>,
        %get3A_901 = vector.shape_cast %get3A_900 : vector<1x16xf32> to vector<16xf32>
        %mul3A_902 = arith.constant 11.3137083 : f32
        %mul3A_903 = vector.broadcast %mul3A_902 : f32 to vector<16xf32>
        %mul3A_904 = arith.mulf %get3A_901, %mul3A_903 : vector<16xf32>
        %add3A_905 = arith.constant 0 : i32
        %add3A_906 = arith.addi %add3A_905, %scan3A_863 : i32
        %swap3A_907 = arith.index_cast %add3A_906 : i32 to index
        %swap3A_908 = arith.constant 32 : index
        %swap3A_909 = tpu.vector_load %arg6[%swap3A_907, %swap3A_908] {strides = array<i32>} : memref<768x128xf32, #tpu.memory_space<vmem>>, vector<1x16xf32>,
        %swap3A_910 = vector.shape_cast %swap3A_909 : vector<1x16xf32> to vector<16xf32>
        %swap3A_911 = vector.shape_cast %mul3A_904 : vector<16xf32> to vector<1x16xf32>
        tpu.vector_store %arg6[%swap3A_907, %swap3A_908], %swap3A_911 {strides = array<i32>} : memref<768x128xf32, #tpu.memory_space<vmem>>, vector<1x16xf32>,
        %add3A_912 = arith.constant 0 : i32
        %add3A_913 = arith.addi %add3A_912, %scan3A_863 : i32
        %get3A_914 = arith.index_cast %add3A_913 : i32 to index
        %get3A_915 = arith.constant 48 : index
        %get3A_916 = tpu.vector_load %arg6[%get3A_914, %get3A_915] {strides = array<i32>} : memref<768x128xf32, #tpu.memory_space<vmem>>, vector<1x16xf32>,
        %get3A_917 = vector.shape_cast %get3A_916 : vector<1x16xf32> to vector<16xf32>
        %mul3A_918 = arith.constant 11.3137083 : f32
        %mul3A_919 = vector.broadcast %mul3A_918 : f32 to vector<16xf32>
        %mul3A_920 = arith.mulf %get3A_917, %mul3A_919 : vector<16xf32>
        %add3A_921 = arith.constant 0 : i32
        %add3A_922 = arith.addi %add3A_921, %scan3A_863 : i32
        %swap3A_923 = arith.index_cast %add3A_922 : i32 to index
        %swap3A_924 = arith.constant 48 : index
        %swap3A_925 = tpu.vector_load %arg6[%swap3A_923, %swap3A_924] {strides = array<i32>} : memref<768x128xf32, #tpu.memory_space<vmem>>, vector<1x16xf32>,
        %swap3A_926 = vector.shape_cast %swap3A_925 : vector<1x16xf32> to vector<16xf32>
        %swap3A_927 = vector.shape_cast %mul3A_920 : vector<16xf32> to vector<1x16xf32>
        tpu.vector_store %arg6[%swap3A_923, %swap3A_924], %swap3A_927 {strides = array<i32>} : memref<768x128xf32, #tpu.memory_space<vmem>>, vector<1x16xf32>,
        %add3A_928 = arith.constant 0 : i32
        %add3A_929 = arith.addi %add3A_928, %scan3A_863 : i32
        %get3A_930 = arith.index_cast %add3A_929 : i32 to index
        %get3A_931 = arith.constant 64 : index
        %get3A_932 = tpu.vector_load %arg6[%get3A_930, %get3A_931] {strides = array<i32>} : memref<768x128xf32, #tpu.memory_space<vmem>>, vector<1x16xf32>,
        %get3A_933 = vector.shape_cast %get3A_932 : vector<1x16xf32> to vector<16xf32>
        %mul3A_934 = arith.constant 11.3137083 : f32
        %mul3A_935 = vector.broadcast %mul3A_934 : f32 to vector<16xf32>
        %mul3A_936 = arith.mulf %get3A_933, %mul3A_935 : vector<16xf32>
        %add3A_937 = arith.constant 0 : i32
        %add3A_938 = arith.addi %add3A_937, %scan3A_863 : i32
        %swap3A_939 = arith.index_cast %add3A_938 : i32 to index
        %swap3A_940 = arith.constant 64 : index
        %swap3A_941 = tpu.vector_load %arg6[%swap3A_939, %swap3A_940] {strides = array<i32>} : memref<768x128xf32, #tpu.memory_space<vmem>>, vector<1x16xf32>,
        %swap3A_942 = vector.shape_cast %swap3A_941 : vector<1x16xf32> to vector<16xf32>
        %swap3A_943 = vector.shape_cast %mul3A_936 : vector<16xf32> to vector<1x16xf32>
        tpu.vector_store %arg6[%swap3A_939, %swap3A_940], %swap3A_943 {strides = array<i32>} : memref<768x128xf32, #tpu.memory_space<vmem>>, vector<1x16xf32>,
        %add3A_944 = arith.constant 0 : i32
        %add3A_945 = arith.addi %add3A_944, %scan3A_863 : i32
        %get3A_946 = arith.index_cast %add3A_945 : i32 to index
        %get3A_947 = arith.constant 80 : index
        %get3A_948 = tpu.vector_load %arg6[%get3A_946, %get3A_947] {strides = array<i32>} : memref<768x128xf32, #tpu.memory_space<vmem>>, vector<1x16xf32>,
        %get3A_949 = vector.shape_cast %get3A_948 : vector<1x16xf32> to vector<16xf32>
        %mul3A_950 = arith.constant 11.3137083 : f32
        %mul3A_951 = vector.broadcast %mul3A_950 : f32 to vector<16xf32>
        %mul3A_952 = arith.mulf %get3A_949, %mul3A_951 : vector<16xf32>
        %add3A_953 = arith.constant 0 : i32
        %add3A_954 = arith.addi %add3A_953, %scan3A_863 : i32
        %swap3A_955 = arith.index_cast %add3A_954 : i32 to index
        %swap3A_956 = arith.constant 80 : index
        %swap3A_957 = tpu.vector_load %arg6[%swap3A_955, %swap3A_956] {strides = array<i32>} : memref<768x128xf32, #tpu.memory_space<vmem>>, vector<1x16xf32>,
        %swap3A_958 = vector.shape_cast %swap3A_957 : vector<1x16xf32> to vector<16xf32>
        %swap3A_959 = vector.shape_cast %mul3A_952 : vector<16xf32> to vector<1x16xf32>
        tpu.vector_store %arg6[%swap3A_955, %swap3A_956], %swap3A_959 {strides = array<i32>} : memref<768x128xf32, #tpu.memory_space<vmem>>, vector<1x16xf32>,
        %add3A_960 = arith.constant 0 : i32
        %add3A_961 = arith.addi %add3A_960, %scan3A_863 : i32
        %get3A_962 = arith.index_cast %add3A_961 : i32 to index
        %get3A_963 = arith.constant 96 : index
        %get3A_964 = tpu.vector_load %arg6[%get3A_962, %get3A_963] {strides = array<i32>} : memref<768x128xf32, #tpu.memory_space<vmem>>, vector<1x16xf32>,
        %get3A_965 = vector.shape_cast %get3A_964 : vector<1x16xf32> to vector<16xf32>
        %mul3A_966 = arith.constant 11.3137083 : f32
        %mul3A_967 = vector.broadcast %mul3A_966 : f32 to vector<16xf32>
        %mul3A_968 = arith.mulf %get3A_965, %mul3A_967 : vector<16xf32>
        %add3A_969 = arith.constant 0 : i32
        %add3A_970 = arith.addi %add3A_969, %scan3A_863 : i32
        %swap3A_971 = arith.index_cast %add3A_970 : i32 to index
        %swap3A_972 = arith.constant 96 : index
        %swap3A_973 = tpu.vector_load %arg6[%swap3A_971, %swap3A_972] {strides = array<i32>} : memref<768x128xf32, #tpu.memory_space<vmem>>, vector<1x16xf32>,
        %swap3A_974 = vector.shape_cast %swap3A_973 : vector<1x16xf32> to vector<16xf32>
        %swap3A_975 = vector.shape_cast %mul3A_968 : vector<16xf32> to vector<1x16xf32>
        tpu.vector_store %arg6[%swap3A_971, %swap3A_972], %swap3A_975 {strides = array<i32>} : memref<768x128xf32, #tpu.memory_space<vmem>>, vector<1x16xf32>,
        %add3A_976 = arith.constant 0 : i32
        %add3A_977 = arith.addi %add3A_976, %scan3A_863 : i32
        %get3A_978 = arith.index_cast %add3A_977 : i32 to index
        %get3A_979 = arith.constant 112 : index
        %get3A_980 = tpu.vector_load %arg6[%get3A_978, %get3A_979] {strides = array<i32>} : memref<768x128xf32, #tpu.memory_space<vmem>>, vector<1x16xf32>,
        %get3A_981 = vector.shape_cast %get3A_980 : vector<1x16xf32> to vector<16xf32>
        %mul3A_982 = arith.constant 11.3137083 : f32
        %mul3A_983 = vector.broadcast %mul3A_982 : f32 to vector<16xf32>
        %mul3A_984 = arith.mulf %get3A_981, %mul3A_983 : vector<16xf32>
        %add3A_985 = arith.constant 0 : i32
        %add3A_986 = arith.addi %add3A_985, %scan3A_863 : i32
        %swap3A_987 = arith.index_cast %add3A_986 : i32 to index
        %swap3A_988 = arith.constant 112 : index
        %swap3A_989 = tpu.vector_load %arg6[%swap3A_987, %swap3A_988] {strides = array<i32>} : memref<768x128xf32, #tpu.memory_space<vmem>>, vector<1x16xf32>,
        %swap3A_990 = vector.shape_cast %swap3A_989 : vector<1x16xf32> to vector<16xf32>
        %swap3A_991 = vector.shape_cast %mul3A_984 : vector<16xf32> to vector<1x16xf32>
        tpu.vector_store %arg6[%swap3A_987, %swap3A_988], %swap3A_991 {strides = array<i32>} : memref<768x128xf32, #tpu.memory_space<vmem>>, vector<1x16xf32>,
      }
      %scan3A_644 = arith.constant 128 : i32
      %dma_start3A_645 = arith.constant 0 : i32
      %dma_start3A_646 = arith.constant 0 : i32
      %dma_start3A_647 = tpu.memref_slice %arg6[%dma_start3A_645, %dma_start3A_646] : memref<768x128xf32, #tpu.memory_space<vmem>> -> memref<128x128xf32, #tpu.memory_space<vmem>>
      %dma_start3A_648 = arith.constant 0 : i32
      %dma_start3A_649 = tpu.memref_slice %arg4[%add3A_630, %mul3A_2, %dma_start3A_648] : memref<50x4096x128xf32, #tpu.memory_space<hbm>> -> memref<1x128x128xf32, #tpu.memory_space<hbm>>
      %dma_start3A_650 = tpu.memref_squeeze %dma_start3A_649 : memref<1x128x128xf32, #tpu.memory_space<hbm>> -> memref<128x128xf32, #tpu.memory_space<hbm>>
      %dma_start3A_651 = arith.constant 0 : i32
      %dma_start3A_652 = tpu.memref_slice %arg4[%add3A_630, %mul3A_2, %dma_start3A_651] : memref<50x4096x128xf32, #tpu.memory_space<hbm>> -> memref<1x128x128xf32, #tpu.memory_space<hbm>>
      %dma_start3A_653 = tpu.memref_squeeze %dma_start3A_652 : memref<1x128x128xf32, #tpu.memory_space<hbm>> -> memref<128x128xf32, #tpu.memory_space<hbm>>
      %dma_start3A_654 = arith.constant 0 : i32
      %dma_start3A_655 = arith.constant 0 : i32
      %dma_start3A_656 = tpu.memref_slice %arg6[%dma_start3A_654, %dma_start3A_655] : memref<768x128xf32, #tpu.memory_space<vmem>> -> memref<128x128xf32, #tpu.memory_space<vmem>>
      tpu.enqueue_dma source(%dma_start3A_656 : memref<128x128xf32, #tpu.memory_space<vmem>>) target(%dma_start3A_653 : memref<128x128xf32, #tpu.memory_space<hbm>>) target_semaphore(%arg13 : memref<!tpu.dma_semaphore, #tpu.memory_space<semaphore_mem>>)
      %sub3A_657 = arith.constant 2 : i32
      %sub3A_658 = arith.subi %add3A_630, %sub3A_657 : i32
      %dma_wait3A_659 = arith.constant 512 : i32
      %dma_wait3A_660 = arith.constant 0 : i32
      %dma_wait3A_661 = tpu.memref_slice %arg6[%dma_wait3A_659, %dma_wait3A_660] : memref<768x128xf32, #tpu.memory_space<vmem>> -> memref<128x128xf32, #tpu.memory_space<vmem>>
      %dma_wait3A_662 = arith.constant 0 : i32
      %dma_wait3A_663 = tpu.memref_slice %arg4[%sub3A_658, %mul3A_2, %dma_wait3A_662] : memref<50x4096x128xf32, #tpu.memory_space<hbm>> -> memref<1x128x128xf32, #tpu.memory_space<hbm>>
      %dma_wait3A_664 = tpu.memref_squeeze %dma_wait3A_663 : memref<1x128x128xf32, #tpu.memory_space<hbm>> -> memref<128x128xf32, #tpu.memory_space<hbm>>
      %dma_wait3A_665 = arith.constant 0 : i32
      %dma_wait3A_666 = tpu.memref_slice %arg4[%sub3A_658, %mul3A_2, %dma_wait3A_665] : memref<50x4096x128xf32, #tpu.memory_space<hbm>> -> memref<1x128x128xf32, #tpu.memory_space<hbm>>
      %dma_wait3A_667 = tpu.memref_squeeze %dma_wait3A_666 : memref<1x128x128xf32, #tpu.memory_space<hbm>> -> memref<128x128xf32, #tpu.memory_space<hbm>>
      %dma_wait3A_668 = arith.constant 512 : i32
      %dma_wait3A_669 = arith.constant 0 : i32
      %dma_wait3A_670 = tpu.memref_slice %arg6[%dma_wait3A_668, %dma_wait3A_669] : memref<768x128xf32, #tpu.memory_space<vmem>> -> memref<128x128xf32, #tpu.memory_space<vmem>>
      tpu.wait_dma2 semaphore(%arg17 : memref<!tpu.dma_semaphore, #tpu.memory_space<semaphore_mem>>) src(%dma_wait3A_670 : memref<128x128xf32, #tpu.memory_space<vmem>>) dst(%dma_wait3A_667 : memref<128x128xf32, #tpu.memory_space<hbm>>)
      %add3A_671 = arith.constant 4 : i32
      %add3A_672 = arith.addi %add3A_630, %add3A_671 : i32
      %dma_start3A_673 = arith.constant 512 : i32
      %dma_start3A_674 = arith.constant 0 : i32
      %dma_start3A_675 = tpu.memref_slice %arg6[%dma_start3A_673, %dma_start3A_674] : memref<768x128xf32, #tpu.memory_space<vmem>> -> memref<128x128xf32, #tpu.memory_space<vmem>>
      %dma_start3A_676 = arith.constant 0 : i32
      %dma_start3A_677 = tpu.memref_slice %arg5[%add3A_672, %dma_start3A_676] : memref<50x128xi32, #tpu.memory_space<vmem>> -> memref<1x128xi32, #tpu.memory_space<vmem>>
      %dma_start3A_678 = tpu.memref_squeeze %dma_start3A_677 : memref<1x128xi32, #tpu.memory_space<vmem>> -> memref<128xi32, #tpu.memory_space<vmem>>
      %dma_start3A_679 = arith.constant 0 : i32
      %dma_start3A_680 = arith.constant 0 : i32
      %dma_start3A_681 = tpu.memref_slice %arg3[%dma_start3A_679, %dma_start3A_680] : memref<100000x128xf32, #tpu.memory_space<hbm>> -> memref<100000x128xf32, #tpu.memory_space<hbm>>
      tpu.enqueue_indirect_dma source(%dma_start3A_681 : memref<100000x128xf32, #tpu.memory_space<hbm>>) target(%dma_start3A_675 : memref<128x128xf32, #tpu.memory_space<vmem>>) offsets(%dma_start3A_678 : memref<128xi32, #tpu.memory_space<vmem>>) semaphore(%arg11 : memref<!tpu.dma_semaphore, #tpu.memory_space<semaphore_mem>>)
      %add3A_682 = arith.constant 5 : i32
      %add3A_683 = arith.addi %add3A_417, %add3A_682 : i32
      %dma_wait3A_684 = arith.constant 128 : i32
      %dma_wait3A_685 = arith.constant 0 : i32
      %dma_wait3A_686 = tpu.memref_slice %arg6[%dma_wait3A_684, %dma_wait3A_685] : memref<768x128xf32, #tpu.memory_space<vmem>> -> memref<128x128xf32, #tpu.memory_space<vmem>>
      %dma_wait3A_687 = arith.constant 0 : i32
      %dma_wait3A_688 = tpu.memref_slice %arg5[%add3A_683, %dma_wait3A_687] : memref<50x128xi32, #tpu.memory_space<vmem>> -> memref<1x128xi32, #tpu.memory_space<vmem>>
      %dma_wait3A_689 = tpu.memref_squeeze %dma_wait3A_688 : memref<1x128xi32, #tpu.memory_space<vmem>> -> memref<128xi32, #tpu.memory_space<vmem>>
      %dma_wait3A_690 = arith.constant 0 : i32
      %dma_wait3A_691 = arith.constant 0 : i32
      %dma_wait3A_692 = tpu.memref_slice %arg3[%dma_wait3A_690, %dma_wait3A_691] : memref<100000x128xf32, #tpu.memory_space<hbm>> -> memref<100000x128xf32, #tpu.memory_space<hbm>>
      tpu.wait_indirect_dma semaphore(%arg8 : memref<!tpu.dma_semaphore, #tpu.memory_space<semaphore_mem>>) src(%dma_wait3A_692 : memref<100000x128xf32, #tpu.memory_space<hbm>>) dst(%dma_wait3A_686 : memref<128x128xf32, #tpu.memory_space<vmem>>)
      %scan3A_693 = arith.constant 0 : i32
      %scan3A_694 = arith.constant 128 : i32
      %scan3A_695 = arith.addi %scan3A_693, %scan3A_694 : i32
      %scan3A_696 = arith.constant 2 : i32
      scf.for %scan3A_735 = %scan3A_693 to %scan3A_695 step %scan3A_696  : i32 {
        %add3A_736 = arith.constant 128 : i32
        %add3A_737 = arith.addi %add3A_736, %scan3A_735 : i32
        %get3A = arith.index_cast %add3A_737 : i32 to index
        %get3A_738 = arith.constant 0 : index
        %get3A_739 = tpu.vector_load %arg6[%get3A, %get3A_738] {strides = array<i32>} : memref<768x128xf32, #tpu.memory_space<vmem>>, vector<1x16xf32>,
        %get3A_740 = vector.shape_cast %get3A_739 : vector<1x16xf32> to vector<16xf32>
        %mul3A_741 = arith.constant 11.3137083 : f32
        %mul3A_742 = vector.broadcast %mul3A_741 : f32 to vector<16xf32>
        %mul3A_743 = arith.mulf %get3A_740, %mul3A_742 : vector<16xf32>
        %add3A_744 = arith.constant 128 : i32
        %add3A_745 = arith.addi %add3A_744, %scan3A_735 : i32
        %swap3A = arith.index_cast %add3A_745 : i32 to index
        %swap3A_746 = arith.constant 0 : index
        %swap3A_747 = tpu.vector_load %arg6[%swap3A, %swap3A_746] {strides = array<i32>} : memref<768x128xf32, #tpu.memory_space<vmem>>, vector<1x16xf32>,
        %swap3A_748 = vector.shape_cast %swap3A_747 : vector<1x16xf32> to vector<16xf32>
        %swap3A_749 = vector.shape_cast %mul3A_743 : vector<16xf32> to vector<1x16xf32>
        tpu.vector_store %arg6[%swap3A, %swap3A_746], %swap3A_749 {strides = array<i32>} : memref<768x128xf32, #tpu.memory_space<vmem>>, vector<1x16xf32>,
        %add3A_750 = arith.constant 128 : i32
        %add3A_751 = arith.addi %add3A_750, %scan3A_735 : i32
        %get3A_752 = arith.index_cast %add3A_751 : i32 to index
        %get3A_753 = arith.constant 16 : index
        %get3A_754 = tpu.vector_load %arg6[%get3A_752, %get3A_753] {strides = array<i32>} : memref<768x128xf32, #tpu.memory_space<vmem>>, vector<1x16xf32>,
        %get3A_755 = vector.shape_cast %get3A_754 : vector<1x16xf32> to vector<16xf32>
        %mul3A_756 = arith.constant 11.3137083 : f32
        %mul3A_757 = vector.broadcast %mul3A_756 : f32 to vector<16xf32>
        %mul3A_758 = arith.mulf %get3A_755, %mul3A_757 : vector<16xf32>
        %add3A_759 = arith.constant 128 : i32
        %add3A_760 = arith.addi %add3A_759, %scan3A_735 : i32
        %swap3A_761 = arith.index_cast %add3A_760 : i32 to index
        %swap3A_762 = arith.constant 16 : index
        %swap3A_763 = tpu.vector_load %arg6[%swap3A_761, %swap3A_762] {strides = array<i32>} : memref<768x128xf32, #tpu.memory_space<vmem>>, vector<1x16xf32>,
        %swap3A_764 = vector.shape_cast %swap3A_763 : vector<1x16xf32> to vector<16xf32>
        %swap3A_765 = vector.shape_cast %mul3A_758 : vector<16xf32> to vector<1x16xf32>
        tpu.vector_store %arg6[%swap3A_761, %swap3A_762], %swap3A_765 {strides = array<i32>} : memref<768x128xf32, #tpu.memory_space<vmem>>, vector<1x16xf32>,
        %add3A_766 = arith.constant 128 : i32
        %add3A_767 = arith.addi %add3A_766, %scan3A_735 : i32
        %get3A_768 = arith.index_cast %add3A_767 : i32 to index
        %get3A_769 = arith.constant 32 : index
        %get3A_770 = tpu.vector_load %arg6[%get3A_768, %get3A_769] {strides = array<i32>} : memref<768x128xf32, #tpu.memory_space<vmem>>, vector<1x16xf32>,
        %get3A_771 = vector.shape_cast %get3A_770 : vector<1x16xf32> to vector<16xf32>
        %mul3A_772 = arith.constant 11.3137083 : f32
        %mul3A_773 = vector.broadcast %mul3A_772 : f32 to vector<16xf32>
        %mul3A_774 = arith.mulf %get3A_771, %mul3A_773 : vector<16xf32>
        %add3A_775 = arith.constant 128 : i32
        %add3A_776 = arith.addi %add3A_775, %scan3A_735 : i32
        %swap3A_777 = arith.index_cast %add3A_776 : i32 to index
        %swap3A_778 = arith.constant 32 : index
        %swap3A_779 = tpu.vector_load %arg6[%swap3A_777, %swap3A_778] {strides = array<i32>} : memref<768x128xf32, #tpu.memory_space<vmem>>, vector<1x16xf32>,
        %swap3A_780 = vector.shape_cast %swap3A_779 : vector<1x16xf32> to vector<16xf32>
        %swap3A_781 = vector.shape_cast %mul3A_774 : vector<16xf32> to vector<1x16xf32>
        tpu.vector_store %arg6[%swap3A_777, %swap3A_778], %swap3A_781 {strides = array<i32>} : memref<768x128xf32, #tpu.memory_space<vmem>>, vector<1x16xf32>,
        %add3A_782 = arith.constant 128 : i32
        %add3A_783 = arith.addi %add3A_782, %scan3A_735 : i32
        %get3A_784 = arith.index_cast %add3A_783 : i32 to index
        %get3A_785 = arith.constant 48 : index
        %get3A_786 = tpu.vector_load %arg6[%get3A_784, %get3A_785] {strides = array<i32>} : memref<768x128xf32, #tpu.memory_space<vmem>>, vector<1x16xf32>,
        %get3A_787 = vector.shape_cast %get3A_786 : vector<1x16xf32> to vector<16xf32>
        %mul3A_788 = arith.constant 11.3137083 : f32
        %mul3A_789 = vector.broadcast %mul3A_788 : f32 to vector<16xf32>
        %mul3A_790 = arith.mulf %get3A_787, %mul3A_789 : vector<16xf32>
        %add3A_791 = arith.constant 128 : i32
        %add3A_792 = arith.addi %add3A_791, %scan3A_735 : i32
        %swap3A_793 = arith.index_cast %add3A_792 : i32 to index
        %swap3A_794 = arith.constant 48 : index
        %swap3A_795 = tpu.vector_load %arg6[%swap3A_793, %swap3A_794] {strides = array<i32>} : memref<768x128xf32, #tpu.memory_space<vmem>>, vector<1x16xf32>,
        %swap3A_796 = vector.shape_cast %swap3A_795 : vector<1x16xf32> to vector<16xf32>
        %swap3A_797 = vector.shape_cast %mul3A_790 : vector<16xf32> to vector<1x16xf32>
        tpu.vector_store %arg6[%swap3A_793, %swap3A_794], %swap3A_797 {strides = array<i32>} : memref<768x128xf32, #tpu.memory_space<vmem>>, vector<1x16xf32>,
        %add3A_798 = arith.constant 128 : i32
        %add3A_799 = arith.addi %add3A_798, %scan3A_735 : i32
        %get3A_800 = arith.index_cast %add3A_799 : i32 to index
        %get3A_801 = arith.constant 64 : index
        %get3A_802 = tpu.vector_load %arg6[%get3A_800, %get3A_801] {strides = array<i32>} : memref<768x128xf32, #tpu.memory_space<vmem>>, vector<1x16xf32>,
        %get3A_803 = vector.shape_cast %get3A_802 : vector<1x16xf32> to vector<16xf32>
        %mul3A_804 = arith.constant 11.3137083 : f32
        %mul3A_805 = vector.broadcast %mul3A_804 : f32 to vector<16xf32>
        %mul3A_806 = arith.mulf %get3A_803, %mul3A_805 : vector<16xf32>
        %add3A_807 = arith.constant 128 : i32
        %add3A_808 = arith.addi %add3A_807, %scan3A_735 : i32
        %swap3A_809 = arith.index_cast %add3A_808 : i32 to index
        %swap3A_810 = arith.constant 64 : index
        %swap3A_811 = tpu.vector_load %arg6[%swap3A_809, %swap3A_810] {strides = array<i32>} : memref<768x128xf32, #tpu.memory_space<vmem>>, vector<1x16xf32>,
        %swap3A_812 = vector.shape_cast %swap3A_811 : vector<1x16xf32> to vector<16xf32>
        %swap3A_813 = vector.shape_cast %mul3A_806 : vector<16xf32> to vector<1x16xf32>
        tpu.vector_store %arg6[%swap3A_809, %swap3A_810], %swap3A_813 {strides = array<i32>} : memref<768x128xf32, #tpu.memory_space<vmem>>, vector<1x16xf32>,
        %add3A_814 = arith.constant 128 : i32
        %add3A_815 = arith.addi %add3A_814, %scan3A_735 : i32
        %get3A_816 = arith.index_cast %add3A_815 : i32 to index
        %get3A_817 = arith.constant 80 : index
        %get3A_818 = tpu.vector_load %arg6[%get3A_816, %get3A_817] {strides = array<i32>} : memref<768x128xf32, #tpu.memory_space<vmem>>, vector<1x16xf32>,
        %get3A_819 = vector.shape_cast %get3A_818 : vector<1x16xf32> to vector<16xf32>
        %mul3A_820 = arith.constant 11.3137083 : f32
        %mul3A_821 = vector.broadcast %mul3A_820 : f32 to vector<16xf32>
        %mul3A_822 = arith.mulf %get3A_819, %mul3A_821 : vector<16xf32>
        %add3A_823 = arith.constant 128 : i32
        %add3A_824 = arith.addi %add3A_823, %scan3A_735 : i32
        %swap3A_825 = arith.index_cast %add3A_824 : i32 to index
        %swap3A_826 = arith.constant 80 : index
        %swap3A_827 = tpu.vector_load %arg6[%swap3A_825, %swap3A_826] {strides = array<i32>} : memref<768x128xf32, #tpu.memory_space<vmem>>, vector<1x16xf32>,
        %swap3A_828 = vector.shape_cast %swap3A_827 : vector<1x16xf32> to vector<16xf32>
        %swap3A_829 = vector.shape_cast %mul3A_822 : vector<16xf32> to vector<1x16xf32>
        tpu.vector_store %arg6[%swap3A_825, %swap3A_826], %swap3A_829 {strides = array<i32>} : memref<768x128xf32, #tpu.memory_space<vmem>>, vector<1x16xf32>,
        %add3A_830 = arith.constant 128 : i32
        %add3A_831 = arith.addi %add3A_830, %scan3A_735 : i32
        %get3A_832 = arith.index_cast %add3A_831 : i32 to index
        %get3A_833 = arith.constant 96 : index
        %get3A_834 = tpu.vector_load %arg6[%get3A_832, %get3A_833] {strides = array<i32>} : memref<768x128xf32, #tpu.memory_space<vmem>>, vector<1x16xf32>,
        %get3A_835 = vector.shape_cast %get3A_834 : vector<1x16xf32> to vector<16xf32>
        %mul3A_836 = arith.constant 11.3137083 : f32
        %mul3A_837 = vector.broadcast %mul3A_836 : f32 to vector<16xf32>
        %mul3A_838 = arith.mulf %get3A_835, %mul3A_837 : vector<16xf32>
        %add3A_839 = arith.constant 128 : i32
        %add3A_840 = arith.addi %add3A_839, %scan3A_735 : i32
        %swap3A_841 = arith.index_cast %add3A_840 : i32 to index
        %swap3A_842 = arith.constant 96 : index
        %swap3A_843 = tpu.vector_load %arg6[%swap3A_841, %swap3A_842] {strides = array<i32>} : memref<768x128xf32, #tpu.memory_space<vmem>>, vector<1x16xf32>,
        %swap3A_844 = vector.shape_cast %swap3A_843 : vector<1x16xf32> to vector<16xf32>
        %swap3A_845 = vector.shape_cast %mul3A_838 : vector<16xf32> to vector<1x16xf32>
        tpu.vector_store %arg6[%swap3A_841, %swap3A_842], %swap3A_845 {strides = array<i32>} : memref<768x128xf32, #tpu.memory_space<vmem>>, vector<1x16xf32>,
        %add3A_846 = arith.constant 128 : i32
        %add3A_847 = arith.addi %add3A_846, %scan3A_735 : i32
        %get3A_848 = arith.index_cast %add3A_847 : i32 to index
        %get3A_849 = arith.constant 112 : index
        %get3A_850 = tpu.vector_load %arg6[%get3A_848, %get3A_849] {strides = array<i32>} : memref<768x128xf32, #tpu.memory_space<vmem>>, vector<1x16xf32>,
        %get3A_851 = vector.shape_cast %get3A_850 : vector<1x16xf32> to vector<16xf32>
        %mul3A_852 = arith.constant 11.3137083 : f32
        %mul3A_853 = vector.broadcast %mul3A_852 : f32 to vector<16xf32>
        %mul3A_854 = arith.mulf %get3A_851, %mul3A_853 : vector<16xf32>
        %add3A_855 = arith.constant 128 : i32
        %add3A_856 = arith.addi %add3A_855, %scan3A_735 : i32
        %swap3A_857 = arith.index_cast %add3A_856 : i32 to index
        %swap3A_858 = arith.constant 112 : index
        %swap3A_859 = tpu.vector_load %arg6[%swap3A_857, %swap3A_858] {strides = array<i32>} : memref<768x128xf32, #tpu.memory_space<vmem>>, vector<1x16xf32>,
        %swap3A_860 = vector.shape_cast %swap3A_859 : vector<1x16xf32> to vector<16xf32>
        %swap3A_861 = vector.shape_cast %mul3A_854 : vector<16xf32> to vector<1x16xf32>
        tpu.vector_store %arg6[%swap3A_857, %swap3A_858], %swap3A_861 {strides = array<i32>} : memref<768x128xf32, #tpu.memory_space<vmem>>, vector<1x16xf32>,
        %scan3A_862 = arith.constant 1 : i32
        %scan3A_863 = arith.addi %scan3A_735, %scan3A_862 : i32
        %add3A_864 = arith.constant 128 : i32
        %add3A_865 = arith.addi %add3A_864, %scan3A_863 : i32
        %get3A_866 = arith.index_cast %add3A_865 : i32 to index
        %get3A_867 = arith.constant 0 : index
        %get3A_868 = tpu.vector_load %arg6[%get3A_866, %get3A_867] {strides = array<i32>} : memref<768x128xf32, #tpu.memory_space<vmem>>, vector<1x16xf32>,
        %get3A_869 = vector.shape_cast %get3A_868 : vector<1x16xf32> to vector<16xf32>
        %mul3A_870 = arith.constant 11.3137083 : f32
        %mul3A_871 = vector.broadcast %mul3A_870 : f32 to vector<16xf32>
        %mul3A_872 = arith.mulf %get3A_869, %mul3A_871 : vector<16xf32>
        %add3A_873 = arith.constant 128 : i32
        %add3A_874 = arith.addi %add3A_873, %scan3A_863 : i32
        %swap3A_875 = arith.index_cast %add3A_874 : i32 to index
        %swap3A_876 = arith.constant 0 : index
        %swap3A_877 = tpu.vector_load %arg6[%swap3A_875, %swap3A_876] {strides = array<i32>} : memref<768x128xf32, #tpu.memory_space<vmem>>, vector<1x16xf32>,
        %swap3A_878 = vector.shape_cast %swap3A_877 : vector<1x16xf32> to vector<16xf32>
        %swap3A_879 = vector.shape_cast %mul3A_872 : vector<16xf32> to vector<1x16xf32>
        tpu.vector_store %arg6[%swap3A_875, %swap3A_876], %swap3A_879 {strides = array<i32>} : memref<768x128xf32, #tpu.memory_space<vmem>>, vector<1x16xf32>,
        %add3A_880 = arith.constant 128 : i32
        %add3A_881 = arith.addi %add3A_880, %scan3A_863 : i32
        %get3A_882 = arith.index_cast %add3A_881 : i32 to index
        %get3A_883 = arith.constant 16 : index
        %get3A_884 = tpu.vector_load %arg6[%get3A_882, %get3A_883] {strides = array<i32>} : memref<768x128xf32, #tpu.memory_space<vmem>>, vector<1x16xf32>,
        %get3A_885 = vector.shape_cast %get3A_884 : vector<1x16xf32> to vector<16xf32>
        %mul3A_886 = arith.constant 11.3137083 : f32
        %mul3A_887 = vector.broadcast %mul3A_886 : f32 to vector<16xf32>
        %mul3A_888 = arith.mulf %get3A_885, %mul3A_887 : vector<16xf32>
        %add3A_889 = arith.constant 128 : i32
        %add3A_890 = arith.addi %add3A_889, %scan3A_863 : i32
        %swap3A_891 = arith.index_cast %add3A_890 : i32 to index
        %swap3A_892 = arith.constant 16 : index
        %swap3A_893 = tpu.vector_load %arg6[%swap3A_891, %swap3A_892] {strides = array<i32>} : memref<768x128xf32, #tpu.memory_space<vmem>>, vector<1x16xf32>,
        %swap3A_894 = vector.shape_cast %swap3A_893 : vector<1x16xf32> to vector<16xf32>
        %swap3A_895 = vector.shape_cast %mul3A_888 : vector<16xf32> to vector<1x16xf32>
        tpu.vector_store %arg6[%swap3A_891, %swap3A_892], %swap3A_895 {strides = array<i32>} : memref<768x128xf32, #tpu.memory_space<vmem>>, vector<1x16xf32>,
        %add3A_896 = arith.constant 128 : i32
        %add3A_897 = arith.addi %add3A_896, %scan3A_863 : i32
        %get3A_898 = arith.index_cast %add3A_897 : i32 to index
        %get3A_899 = arith.constant 32 : index
        %get3A_900 = tpu.vector_load %arg6[%get3A_898, %get3A_899] {strides = array<i32>} : memref<768x128xf32, #tpu.memory_space<vmem>>, vector<1x16xf32>,
        %get3A_901 = vector.shape_cast %get3A_900 : vector<1x16xf32> to vector<16xf32>
        %mul3A_902 = arith.constant 11.3137083 : f32
        %mul3A_903 = vector.broadcast %mul3A_902 : f32 to vector<16xf32>
        %mul3A_904 = arith.mulf %get3A_901, %mul3A_903 : vector<16xf32>
        %add3A_905 = arith.constant 128 : i32
        %add3A_906 = arith.addi %add3A_905, %scan3A_863 : i32
        %swap3A_907 = arith.index_cast %add3A_906 : i32 to index
        %swap3A_908 = arith.constant 32 : index
        %swap3A_909 = tpu.vector_load %arg6[%swap3A_907, %swap3A_908] {strides = array<i32>} : memref<768x128xf32, #tpu.memory_space<vmem>>, vector<1x16xf32>,
        %swap3A_910 = vector.shape_cast %swap3A_909 : vector<1x16xf32> to vector<16xf32>
        %swap3A_911 = vector.shape_cast %mul3A_904 : vector<16xf32> to vector<1x16xf32>
        tpu.vector_store %arg6[%swap3A_907, %swap3A_908], %swap3A_911 {strides = array<i32>} : memref<768x128xf32, #tpu.memory_space<vmem>>, vector<1x16xf32>,
        %add3A_912 = arith.constant 128 : i32
        %add3A_913 = arith.addi %add3A_912, %scan3A_863 : i32
        %get3A_914 = arith.index_cast %add3A_913 : i32 to index
        %get3A_915 = arith.constant 48 : index
        %get3A_916 = tpu.vector_load %arg6[%get3A_914, %get3A_915] {strides = array<i32>} : memref<768x128xf32, #tpu.memory_space<vmem>>, vector<1x16xf32>,
        %get3A_917 = vector.shape_cast %get3A_916 : vector<1x16xf32> to vector<16xf32>
        %mul3A_918 = arith.constant 11.3137083 : f32
        %mul3A_919 = vector.broadcast %mul3A_918 : f32 to vector<16xf32>
        %mul3A_920 = arith.mulf %get3A_917, %mul3A_919 : vector<16xf32>
        %add3A_921 = arith.constant 128 : i32
        %add3A_922 = arith.addi %add3A_921, %scan3A_863 : i32
        %swap3A_923 = arith.index_cast %add3A_922 : i32 to index
        %swap3A_924 = arith.constant 48 : index
        %swap3A_925 = tpu.vector_load %arg6[%swap3A_923, %swap3A_924] {strides = array<i32>} : memref<768x128xf32, #tpu.memory_space<vmem>>, vector<1x16xf32>,
        %swap3A_926 = vector.shape_cast %swap3A_925 : vector<1x16xf32> to vector<16xf32>
        %swap3A_927 = vector.shape_cast %mul3A_920 : vector<16xf32> to vector<1x16xf32>
        tpu.vector_store %arg6[%swap3A_923, %swap3A_924], %swap3A_927 {strides = array<i32>} : memref<768x128xf32, #tpu.memory_space<vmem>>, vector<1x16xf32>,
        %add3A_928 = arith.constant 128 : i32
        %add3A_929 = arith.addi %add3A_928, %scan3A_863 : i32
        %get3A_930 = arith.index_cast %add3A_929 : i32 to index
        %get3A_931 = arith.constant 64 : index
        %get3A_932 = tpu.vector_load %arg6[%get3A_930, %get3A_931] {strides = array<i32>} : memref<768x128xf32, #tpu.memory_space<vmem>>, vector<1x16xf32>,
        %get3A_933 = vector.shape_cast %get3A_932 : vector<1x16xf32> to vector<16xf32>
        %mul3A_934 = arith.constant 11.3137083 : f32
        %mul3A_935 = vector.broadcast %mul3A_934 : f32 to vector<16xf32>
        %mul3A_936 = arith.mulf %get3A_933, %mul3A_935 : vector<16xf32>
        %add3A_937 = arith.constant 128 : i32
        %add3A_938 = arith.addi %add3A_937, %scan3A_863 : i32
        %swap3A_939 = arith.index_cast %add3A_938 : i32 to index
        %swap3A_940 = arith.constant 64 : index
        %swap3A_941 = tpu.vector_load %arg6[%swap3A_939, %swap3A_940] {strides = array<i32>} : memref<768x128xf32, #tpu.memory_space<vmem>>, vector<1x16xf32>,
        %swap3A_942 = vector.shape_cast %swap3A_941 : vector<1x16xf32> to vector<16xf32>
        %swap3A_943 = vector.shape_cast %mul3A_936 : vector<16xf32> to vector<1x16xf32>
        tpu.vector_store %arg6[%swap3A_939, %swap3A_940], %swap3A_943 {strides = array<i32>} : memref<768x128xf32, #tpu.memory_space<vmem>>, vector<1x16xf32>,
        %add3A_944 = arith.constant 128 : i32
        %add3A_945 = arith.addi %add3A_944, %scan3A_863 : i32
        %get3A_946 = arith.index_cast %add3A_945 : i32 to index
        %get3A_947 = arith.constant 80 : index
        %get3A_948 = tpu.vector_load %arg6[%get3A_946, %get3A_947] {strides = array<i32>} : memref<768x128xf32, #tpu.memory_space<vmem>>, vector<1x16xf32>,
        %get3A_949 = vector.shape_cast %get3A_948 : vector<1x16xf32> to vector<16xf32>
        %mul3A_950 = arith.constant 11.3137083 : f32
        %mul3A_951 = vector.broadcast %mul3A_950 : f32 to vector<16xf32>
        %mul3A_952 = arith.mulf %get3A_949, %mul3A_951 : vector<16xf32>
        %add3A_953 = arith.constant 128 : i32
        %add3A_954 = arith.addi %add3A_953, %scan3A_863 : i32
        %swap3A_955 = arith.index_cast %add3A_954 : i32 to index
        %swap3A_956 = arith.constant 80 : index
        %swap3A_957 = tpu.vector_load %arg6[%swap3A_955, %swap3A_956] {strides = array<i32>} : memref<768x128xf32, #tpu.memory_space<vmem>>, vector<1x16xf32>,
        %swap3A_958 = vector.shape_cast %swap3A_957 : vector<1x16xf32> to vector<16xf32>
        %swap3A_959 = vector.shape_cast %mul3A_952 : vector<16xf32> to vector<1x16xf32>
        tpu.vector_store %arg6[%swap3A_955, %swap3A_956], %swap3A_959 {strides = array<i32>} : memref<768x128xf32, #tpu.memory_space<vmem>>, vector<1x16xf32>,
        %add3A_960 = arith.constant 128 : i32
        %add3A_961 = arith.addi %add3A_960, %scan3A_863 : i32
        %get3A_962 = arith.index_cast %add3A_961 : i32 to index
        %get3A_963 = arith.constant 96 : index
        %get3A_964 = tpu.vector_load %arg6[%get3A_962, %get3A_963] {strides = array<i32>} : memref<768x128xf32, #tpu.memory_space<vmem>>, vector<1x16xf32>,
        %get3A_965 = vector.shape_cast %get3A_964 : vector<1x16xf32> to vector<16xf32>
        %mul3A_966 = arith.constant 11.3137083 : f32
        %mul3A_967 = vector.broadcast %mul3A_966 : f32 to vector<16xf32>
        %mul3A_968 = arith.mulf %get3A_965, %mul3A_967 : vector<16xf32>
        %add3A_969 = arith.constant 128 : i32
        %add3A_970 = arith.addi %add3A_969, %scan3A_863 : i32
        %swap3A_971 = arith.index_cast %add3A_970 : i32 to index
        %swap3A_972 = arith.constant 96 : index
        %swap3A_973 = tpu.vector_load %arg6[%swap3A_971, %swap3A_972] {strides = array<i32>} : memref<768x128xf32, #tpu.memory_space<vmem>>, vector<1x16xf32>,
        %swap3A_974 = vector.shape_cast %swap3A_973 : vector<1x16xf32> to vector<16xf32>
        %swap3A_975 = vector.shape_cast %mul3A_968 : vector<16xf32> to vector<1x16xf32>
        tpu.vector_store %arg6[%swap3A_971, %swap3A_972], %swap3A_975 {strides = array<i32>} : memref<768x128xf32, #tpu.memory_space<vmem>>, vector<1x16xf32>,
        %add3A_976 = arith.constant 128 : i32
        %add3A_977 = arith.addi %add3A_976, %scan3A_863 : i32
        %get3A_978 = arith.index_cast %add3A_977 : i32 to index
        %get3A_979 = arith.constant 112 : index
        %get3A_980 = tpu.vector_load %arg6[%get3A_978, %get3A_979] {strides = array<i32>} : memref<768x128xf32, #tpu.memory_space<vmem>>, vector<1x16xf32>,
        %get3A_981 = vector.shape_cast %get3A_980 : vector<1x16xf32> to vector<16xf32>
        %mul3A_982 = arith.constant 11.3137083 : f32
        %mul3A_983 = vector.broadcast %mul3A_982 : f32 to vector<16xf32>
        %mul3A_984 = arith.mulf %get3A_981, %mul3A_983 : vector<16xf32>
        %add3A_985 = arith.constant 128 : i32
        %add3A_986 = arith.addi %add3A_985, %scan3A_863 : i32
        %swap3A_987 = arith.index_cast %add3A_986 : i32 to index
        %swap3A_988 = arith.constant 112 : index
        %swap3A_989 = tpu.vector_load %arg6[%swap3A_987, %swap3A_988] {strides = array<i32>} : memref<768x128xf32, #tpu.memory_space<vmem>>, vector<1x16xf32>,
        %swap3A_990 = vector.shape_cast %swap3A_989 : vector<1x16xf32> to vector<16xf32>
        %swap3A_991 = vector.shape_cast %mul3A_984 : vector<16xf32> to vector<1x16xf32>
        tpu.vector_store %arg6[%swap3A_987, %swap3A_988], %swap3A_991 {strides = array<i32>} : memref<768x128xf32, #tpu.memory_space<vmem>>, vector<1x16xf32>,
      }
      %scan3A_697 = arith.constant 128 : i32
      %dma_start3A_698 = arith.constant 128 : i32
      %dma_start3A_699 = arith.constant 0 : i32
      %dma_start3A_700 = tpu.memref_slice %arg6[%dma_start3A_698, %dma_start3A_699] : memref<768x128xf32, #tpu.memory_space<vmem>> -> memref<128x128xf32, #tpu.memory_space<vmem>>
      %dma_start3A_701 = arith.constant 0 : i32
      %dma_start3A_702 = tpu.memref_slice %arg4[%add3A_683, %mul3A_2, %dma_start3A_701] : memref<50x4096x128xf32, #tpu.memory_space<hbm>> -> memref<1x128x128xf32, #tpu.memory_space<hbm>>
      %dma_start3A_703 = tpu.memref_squeeze %dma_start3A_702 : memref<1x128x128xf32, #tpu.memory_space<hbm>> -> memref<128x128xf32, #tpu.memory_space<hbm>>
      %dma_start3A_704 = arith.constant 0 : i32
      %dma_start3A_705 = tpu.memref_slice %arg4[%add3A_683, %mul3A_2, %dma_start3A_704] : memref<50x4096x128xf32, #tpu.memory_space<hbm>> -> memref<1x128x128xf32, #tpu.memory_space<hbm>>
      %dma_start3A_706 = tpu.memref_squeeze %dma_start3A_705 : memref<1x128x128xf32, #tpu.memory_space<hbm>> -> memref<128x128xf32, #tpu.memory_space<hbm>>
      %dma_start3A_707 = arith.constant 128 : i32
      %dma_start3A_708 = arith.constant 0 : i32
      %dma_start3A_709 = tpu.memref_slice %arg6[%dma_start3A_707, %dma_start3A_708] : memref<768x128xf32, #tpu.memory_space<vmem>> -> memref<128x128xf32, #tpu.memory_space<vmem>>
      tpu.enqueue_dma source(%dma_start3A_709 : memref<128x128xf32, #tpu.memory_space<vmem>>) target(%dma_start3A_706 : memref<128x128xf32, #tpu.memory_space<hbm>>) target_semaphore(%arg14 : memref<!tpu.dma_semaphore, #tpu.memory_space<semaphore_mem>>)
      %sub3A_710 = arith.constant 2 : i32
      %sub3A_711 = arith.subi %add3A_683, %sub3A_710 : i32
      %dma_wait3A_712 = arith.constant 640 : i32
      %dma_wait3A_713 = arith.constant 0 : i32
      %dma_wait3A_714 = tpu.memref_slice %arg6[%dma_wait3A_712, %dma_wait3A_713] : memref<768x128xf32, #tpu.memory_space<vmem>> -> memref<128x128xf32, #tpu.memory_space<vmem>>
      %dma_wait3A_715 = arith.constant 0 : i32
      %dma_wait3A_716 = tpu.memref_slice %arg4[%sub3A_711, %mul3A_2, %dma_wait3A_715] : memref<50x4096x128xf32, #tpu.memory_space<hbm>> -> memref<1x128x128xf32, #tpu.memory_space<hbm>>
      %dma_wait3A_717 = tpu.memref_squeeze %dma_wait3A_716 : memref<1x128x128xf32, #tpu.memory_space<hbm>> -> memref<128x128xf32, #tpu.memory_space<hbm>>
      %dma_wait3A_718 = arith.constant 0 : i32
      %dma_wait3A_719 = tpu.memref_slice %arg4[%sub3A_711, %mul3A_2, %dma_wait3A_718] : memref<50x4096x128xf32, #tpu.memory_space<hbm>> -> memref<1x128x128xf32, #tpu.memory_space<hbm>>
      %dma_wait3A_720 = tpu.memref_squeeze %dma_wait3A_719 : memref<1x128x128xf32, #tpu.memory_space<hbm>> -> memref<128x128xf32, #tpu.memory_space<hbm>>
      %dma_wait3A_721 = arith.constant 640 : i32
      %dma_wait3A_722 = arith.constant 0 : i32
      %dma_wait3A_723 = tpu.memref_slice %arg6[%dma_wait3A_721, %dma_wait3A_722] : memref<768x128xf32, #tpu.memory_space<vmem>> -> memref<128x128xf32, #tpu.memory_space<vmem>>
      tpu.wait_dma2 semaphore(%arg18 : memref<!tpu.dma_semaphore, #tpu.memory_space<semaphore_mem>>) src(%dma_wait3A_723 : memref<128x128xf32, #tpu.memory_space<vmem>>) dst(%dma_wait3A_720 : memref<128x128xf32, #tpu.memory_space<hbm>>)
      %add3A_724 = arith.constant 4 : i32
      %add3A_725 = arith.addi %add3A_683, %add3A_724 : i32
      %dma_start3A_726 = arith.constant 640 : i32
      %dma_start3A_727 = arith.constant 0 : i32
      %dma_start3A_728 = tpu.memref_slice %arg6[%dma_start3A_726, %dma_start3A_727] : memref<768x128xf32, #tpu.memory_space<vmem>> -> memref<128x128xf32, #tpu.memory_space<vmem>>
      %dma_start3A_729 = arith.constant 0 : i32
      %dma_start3A_730 = tpu.memref_slice %arg5[%add3A_725, %dma_start3A_729] : memref<50x128xi32, #tpu.memory_space<vmem>> -> memref<1x128xi32, #tpu.memory_space<vmem>>
      %dma_start3A_731 = tpu.memref_squeeze %dma_start3A_730 : memref<1x128xi32, #tpu.memory_space<vmem>> -> memref<128xi32, #tpu.memory_space<vmem>>
      %dma_start3A_732 = arith.constant 0 : i32
      %dma_start3A_733 = arith.constant 0 : i32
      %dma_start3A_734 = tpu.memref_slice %arg3[%dma_start3A_732, %dma_start3A_733] : memref<100000x128xf32, #tpu.memory_space<hbm>> -> memref<100000x128xf32, #tpu.memory_space<hbm>>
      tpu.enqueue_indirect_dma source(%dma_start3A_734 : memref<100000x128xf32, #tpu.memory_space<hbm>>) target(%dma_start3A_728 : memref<128x128xf32, #tpu.memory_space<vmem>>) offsets(%dma_start3A_731 : memref<128xi32, #tpu.memory_space<vmem>>) semaphore(%arg12 : memref<!tpu.dma_semaphore, #tpu.memory_space<semaphore_mem>>)
    }
    %scan3A_120 = arith.constant 7 : i32
    %dma_wait3A_121 = arith.constant 44 : i32
    %dma_wait3A_122 = arith.constant 256 : i32
    %dma_wait3A_123 = arith.constant 0 : i32
    %dma_wait3A_124 = tpu.memref_slice %arg6[%dma_wait3A_122, %dma_wait3A_123] : memref<768x128xf32, #tpu.memory_space<vmem>> -> memref<128x128xf32, #tpu.memory_space<vmem>>
    %dma_wait3A_125 = arith.constant 0 : i32
    %dma_wait3A_126 = tpu.memref_slice %arg5[%dma_wait3A_121, %dma_wait3A_125] : memref<50x128xi32, #tpu.memory_space<vmem>> -> memref<1x128xi32, #tpu.memory_space<vmem>>
    %dma_wait3A_127 = tpu.memref_squeeze %dma_wait3A_126 : memref<1x128xi32, #tpu.memory_space<vmem>> -> memref<128xi32, #tpu.memory_space<vmem>>
    %dma_wait3A_128 = arith.constant 0 : i32
    %dma_wait3A_129 = arith.constant 0 : i32
    %dma_wait3A_130 = tpu.memref_slice %arg3[%dma_wait3A_128, %dma_wait3A_129] : memref<100000x128xf32, #tpu.memory_space<hbm>> -> memref<100000x128xf32, #tpu.memory_space<hbm>>
    tpu.wait_indirect_dma semaphore(%arg9 : memref<!tpu.dma_semaphore, #tpu.memory_space<semaphore_mem>>) src(%dma_wait3A_130 : memref<100000x128xf32, #tpu.memory_space<hbm>>) dst(%dma_wait3A_124 : memref<128x128xf32, #tpu.memory_space<vmem>>)
    %scan3A_131 = arith.constant 0 : i32
    %scan3A_132 = arith.constant 128 : i32
    %scan3A_133 = arith.addi %scan3A_131, %scan3A_132 : i32
    %scan3A_134 = arith.constant 2 : i32
    scf.for %scan3A_413 = %scan3A_131 to %scan3A_133 step %scan3A_134  : i32 {
      %add3A_414 = arith.constant 256 : i32
      %add3A_415 = arith.addi %add3A_414, %scan3A_413 : i32
      %get3A = arith.index_cast %add3A_415 : i32 to index
      %get3A_416 = arith.constant 0 : index
      %get3A_417 = tpu.vector_load %arg6[%get3A, %get3A_416] {strides = array<i32>} : memref<768x128xf32, #tpu.memory_space<vmem>>, vector<1x16xf32>,
      %get3A_418 = vector.shape_cast %get3A_417 : vector<1x16xf32> to vector<16xf32>
      %mul3A_419 = arith.constant 11.3137083 : f32
      %mul3A_420 = vector.broadcast %mul3A_419 : f32 to vector<16xf32>
      %mul3A_421 = arith.mulf %get3A_418, %mul3A_420 : vector<16xf32>
      %add3A_422 = arith.constant 256 : i32
      %add3A_423 = arith.addi %add3A_422, %scan3A_413 : i32
      %swap3A = arith.index_cast %add3A_423 : i32 to index
      %swap3A_424 = arith.constant 0 : index
      %swap3A_425 = tpu.vector_load %arg6[%swap3A, %swap3A_424] {strides = array<i32>} : memref<768x128xf32, #tpu.memory_space<vmem>>, vector<1x16xf32>,
      %swap3A_426 = vector.shape_cast %swap3A_425 : vector<1x16xf32> to vector<16xf32>
      %swap3A_427 = vector.shape_cast %mul3A_421 : vector<16xf32> to vector<1x16xf32>
      tpu.vector_store %arg6[%swap3A, %swap3A_424], %swap3A_427 {strides = array<i32>} : memref<768x128xf32, #tpu.memory_space<vmem>>, vector<1x16xf32>,
      %add3A_428 = arith.constant 256 : i32
      %add3A_429 = arith.addi %add3A_428, %scan3A_413 : i32
      %get3A_430 = arith.index_cast %add3A_429 : i32 to index
      %get3A_431 = arith.constant 16 : index
      %get3A_432 = tpu.vector_load %arg6[%get3A_430, %get3A_431] {strides = array<i32>} : memref<768x128xf32, #tpu.memory_space<vmem>>, vector<1x16xf32>,
      %get3A_433 = vector.shape_cast %get3A_432 : vector<1x16xf32> to vector<16xf32>
      %mul3A_434 = arith.constant 11.3137083 : f32
      %mul3A_435 = vector.broadcast %mul3A_434 : f32 to vector<16xf32>
      %mul3A_436 = arith.mulf %get3A_433, %mul3A_435 : vector<16xf32>
      %add3A_437 = arith.constant 256 : i32
      %add3A_438 = arith.addi %add3A_437, %scan3A_413 : i32
      %swap3A_439 = arith.index_cast %add3A_438 : i32 to index
      %swap3A_440 = arith.constant 16 : index
      %swap3A_441 = tpu.vector_load %arg6[%swap3A_439, %swap3A_440] {strides = array<i32>} : memref<768x128xf32, #tpu.memory_space<vmem>>, vector<1x16xf32>,
      %swap3A_442 = vector.shape_cast %swap3A_441 : vector<1x16xf32> to vector<16xf32>
      %swap3A_443 = vector.shape_cast %mul3A_436 : vector<16xf32> to vector<1x16xf32>
      tpu.vector_store %arg6[%swap3A_439, %swap3A_440], %swap3A_443 {strides = array<i32>} : memref<768x128xf32, #tpu.memory_space<vmem>>, vector<1x16xf32>,
      %add3A_444 = arith.constant 256 : i32
      %add3A_445 = arith.addi %add3A_444, %scan3A_413 : i32
      %get3A_446 = arith.index_cast %add3A_445 : i32 to index
      %get3A_447 = arith.constant 32 : index
      %get3A_448 = tpu.vector_load %arg6[%get3A_446, %get3A_447] {strides = array<i32>} : memref<768x128xf32, #tpu.memory_space<vmem>>, vector<1x16xf32>,
      %get3A_449 = vector.shape_cast %get3A_448 : vector<1x16xf32> to vector<16xf32>
      %mul3A_450 = arith.constant 11.3137083 : f32
      %mul3A_451 = vector.broadcast %mul3A_450 : f32 to vector<16xf32>
      %mul3A_452 = arith.mulf %get3A_449, %mul3A_451 : vector<16xf32>
      %add3A_453 = arith.constant 256 : i32
      %add3A_454 = arith.addi %add3A_453, %scan3A_413 : i32
      %swap3A_455 = arith.index_cast %add3A_454 : i32 to index
      %swap3A_456 = arith.constant 32 : index
      %swap3A_457 = tpu.vector_load %arg6[%swap3A_455, %swap3A_456] {strides = array<i32>} : memref<768x128xf32, #tpu.memory_space<vmem>>, vector<1x16xf32>,
      %swap3A_458 = vector.shape_cast %swap3A_457 : vector<1x16xf32> to vector<16xf32>
      %swap3A_459 = vector.shape_cast %mul3A_452 : vector<16xf32> to vector<1x16xf32>
      tpu.vector_store %arg6[%swap3A_455, %swap3A_456], %swap3A_459 {strides = array<i32>} : memref<768x128xf32, #tpu.memory_space<vmem>>, vector<1x16xf32>,
      %add3A_460 = arith.constant 256 : i32
      %add3A_461 = arith.addi %add3A_460, %scan3A_413 : i32
      %get3A_462 = arith.index_cast %add3A_461 : i32 to index
      %get3A_463 = arith.constant 48 : index
      %get3A_464 = tpu.vector_load %arg6[%get3A_462, %get3A_463] {strides = array<i32>} : memref<768x128xf32, #tpu.memory_space<vmem>>, vector<1x16xf32>,
      %get3A_465 = vector.shape_cast %get3A_464 : vector<1x16xf32> to vector<16xf32>
      %mul3A_466 = arith.constant 11.3137083 : f32
      %mul3A_467 = vector.broadcast %mul3A_466 : f32 to vector<16xf32>
      %mul3A_468 = arith.mulf %get3A_465, %mul3A_467 : vector<16xf32>
      %add3A_469 = arith.constant 256 : i32
      %add3A_470 = arith.addi %add3A_469, %scan3A_413 : i32
      %swap3A_471 = arith.index_cast %add3A_470 : i32 to index
      %swap3A_472 = arith.constant 48 : index
      %swap3A_473 = tpu.vector_load %arg6[%swap3A_471, %swap3A_472] {strides = array<i32>} : memref<768x128xf32, #tpu.memory_space<vmem>>, vector<1x16xf32>,
      %swap3A_474 = vector.shape_cast %swap3A_473 : vector<1x16xf32> to vector<16xf32>
      %swap3A_475 = vector.shape_cast %mul3A_468 : vector<16xf32> to vector<1x16xf32>
      tpu.vector_store %arg6[%swap3A_471, %swap3A_472], %swap3A_475 {strides = array<i32>} : memref<768x128xf32, #tpu.memory_space<vmem>>, vector<1x16xf32>,
      %add3A_476 = arith.constant 256 : i32
      %add3A_477 = arith.addi %add3A_476, %scan3A_413 : i32
      %get3A_478 = arith.index_cast %add3A_477 : i32 to index
      %get3A_479 = arith.constant 64 : index
      %get3A_480 = tpu.vector_load %arg6[%get3A_478, %get3A_479] {strides = array<i32>} : memref<768x128xf32, #tpu.memory_space<vmem>>, vector<1x16xf32>,
      %get3A_481 = vector.shape_cast %get3A_480 : vector<1x16xf32> to vector<16xf32>
      %mul3A_482 = arith.constant 11.3137083 : f32
      %mul3A_483 = vector.broadcast %mul3A_482 : f32 to vector<16xf32>
      %mul3A_484 = arith.mulf %get3A_481, %mul3A_483 : vector<16xf32>
      %add3A_485 = arith.constant 256 : i32
      %add3A_486 = arith.addi %add3A_485, %scan3A_413 : i32
      %swap3A_487 = arith.index_cast %add3A_486 : i32 to index
      %swap3A_488 = arith.constant 64 : index
      %swap3A_489 = tpu.vector_load %arg6[%swap3A_487, %swap3A_488] {strides = array<i32>} : memref<768x128xf32, #tpu.memory_space<vmem>>, vector<1x16xf32>,
      %swap3A_490 = vector.shape_cast %swap3A_489 : vector<1x16xf32> to vector<16xf32>
      %swap3A_491 = vector.shape_cast %mul3A_484 : vector<16xf32> to vector<1x16xf32>
      tpu.vector_store %arg6[%swap3A_487, %swap3A_488], %swap3A_491 {strides = array<i32>} : memref<768x128xf32, #tpu.memory_space<vmem>>, vector<1x16xf32>,
      %add3A_492 = arith.constant 256 : i32
      %add3A_493 = arith.addi %add3A_492, %scan3A_413 : i32
      %get3A_494 = arith.index_cast %add3A_493 : i32 to index
      %get3A_495 = arith.constant 80 : index
      %get3A_496 = tpu.vector_load %arg6[%get3A_494, %get3A_495] {strides = array<i32>} : memref<768x128xf32, #tpu.memory_space<vmem>>, vector<1x16xf32>,
      %get3A_497 = vector.shape_cast %get3A_496 : vector<1x16xf32> to vector<16xf32>
      %mul3A_498 = arith.constant 11.3137083 : f32
      %mul3A_499 = vector.broadcast %mul3A_498 : f32 to vector<16xf32>
      %mul3A_500 = arith.mulf %get3A_497, %mul3A_499 : vector<16xf32>
      %add3A_501 = arith.constant 256 : i32
      %add3A_502 = arith.addi %add3A_501, %scan3A_413 : i32
      %swap3A_503 = arith.index_cast %add3A_502 : i32 to index
      %swap3A_504 = arith.constant 80 : index
      %swap3A_505 = tpu.vector_load %arg6[%swap3A_503, %swap3A_504] {strides = array<i32>} : memref<768x128xf32, #tpu.memory_space<vmem>>, vector<1x16xf32>,
      %swap3A_506 = vector.shape_cast %swap3A_505 : vector<1x16xf32> to vector<16xf32>
      %swap3A_507 = vector.shape_cast %mul3A_500 : vector<16xf32> to vector<1x16xf32>
      tpu.vector_store %arg6[%swap3A_503, %swap3A_504], %swap3A_507 {strides = array<i32>} : memref<768x128xf32, #tpu.memory_space<vmem>>, vector<1x16xf32>,
      %add3A_508 = arith.constant 256 : i32
      %add3A_509 = arith.addi %add3A_508, %scan3A_413 : i32
      %get3A_510 = arith.index_cast %add3A_509 : i32 to index
      %get3A_511 = arith.constant 96 : index
      %get3A_512 = tpu.vector_load %arg6[%get3A_510, %get3A_511] {strides = array<i32>} : memref<768x128xf32, #tpu.memory_space<vmem>>, vector<1x16xf32>,
      %get3A_513 = vector.shape_cast %get3A_512 : vector<1x16xf32> to vector<16xf32>
      %mul3A_514 = arith.constant 11.3137083 : f32
      %mul3A_515 = vector.broadcast %mul3A_514 : f32 to vector<16xf32>
      %mul3A_516 = arith.mulf %get3A_513, %mul3A_515 : vector<16xf32>
      %add3A_517 = arith.constant 256 : i32
      %add3A_518 = arith.addi %add3A_517, %scan3A_413 : i32
      %swap3A_519 = arith.index_cast %add3A_518 : i32 to index
      %swap3A_520 = arith.constant 96 : index
      %swap3A_521 = tpu.vector_load %arg6[%swap3A_519, %swap3A_520] {strides = array<i32>} : memref<768x128xf32, #tpu.memory_space<vmem>>, vector<1x16xf32>,
      %swap3A_522 = vector.shape_cast %swap3A_521 : vector<1x16xf32> to vector<16xf32>
      %swap3A_523 = vector.shape_cast %mul3A_516 : vector<16xf32> to vector<1x16xf32>
      tpu.vector_store %arg6[%swap3A_519, %swap3A_520], %swap3A_523 {strides = array<i32>} : memref<768x128xf32, #tpu.memory_space<vmem>>, vector<1x16xf32>,
      %add3A_524 = arith.constant 256 : i32
      %add3A_525 = arith.addi %add3A_524, %scan3A_413 : i32
      %get3A_526 = arith.index_cast %add3A_525 : i32 to index
      %get3A_527 = arith.constant 112 : index
      %get3A_528 = tpu.vector_load %arg6[%get3A_526, %get3A_527] {strides = array<i32>} : memref<768x128xf32, #tpu.memory_space<vmem>>, vector<1x16xf32>,
      %get3A_529 = vector.shape_cast %get3A_528 : vector<1x16xf32> to vector<16xf32>
      %mul3A_530 = arith.constant 11.3137083 : f32
      %mul3A_531 = vector.broadcast %mul3A_530 : f32 to vector<16xf32>
      %mul3A_532 = arith.mulf %get3A_529, %mul3A_531 : vector<16xf32>
      %add3A_533 = arith.constant 256 : i32
      %add3A_534 = arith.addi %add3A_533, %scan3A_413 : i32
      %swap3A_535 = arith.index_cast %add3A_534 : i32 to index
      %swap3A_536 = arith.constant 112 : index
      %swap3A_537 = tpu.vector_load %arg6[%swap3A_535, %swap3A_536] {strides = array<i32>} : memref<768x128xf32, #tpu.memory_space<vmem>>, vector<1x16xf32>,
      %swap3A_538 = vector.shape_cast %swap3A_537 : vector<1x16xf32> to vector<16xf32>
      %swap3A_539 = vector.shape_cast %mul3A_532 : vector<16xf32> to vector<1x16xf32>
      tpu.vector_store %arg6[%swap3A_535, %swap3A_536], %swap3A_539 {strides = array<i32>} : memref<768x128xf32, #tpu.memory_space<vmem>>, vector<1x16xf32>,
      %scan3A_540 = arith.constant 1 : i32
      %scan3A_541 = arith.addi %scan3A_413, %scan3A_540 : i32
      %add3A_542 = arith.constant 256 : i32
      %add3A_543 = arith.addi %add3A_542, %scan3A_541 : i32
      %get3A_544 = arith.index_cast %add3A_543 : i32 to index
      %get3A_545 = arith.constant 0 : index
      %get3A_546 = tpu.vector_load %arg6[%get3A_544, %get3A_545] {strides = array<i32>} : memref<768x128xf32, #tpu.memory_space<vmem>>, vector<1x16xf32>,
      %get3A_547 = vector.shape_cast %get3A_546 : vector<1x16xf32> to vector<16xf32>
      %mul3A_548 = arith.constant 11.3137083 : f32
      %mul3A_549 = vector.broadcast %mul3A_548 : f32 to vector<16xf32>
      %mul3A_550 = arith.mulf %get3A_547, %mul3A_549 : vector<16xf32>
      %add3A_551 = arith.constant 256 : i32
      %add3A_552 = arith.addi %add3A_551, %scan3A_541 : i32
      %swap3A_553 = arith.index_cast %add3A_552 : i32 to index
      %swap3A_554 = arith.constant 0 : index
      %swap3A_555 = tpu.vector_load %arg6[%swap3A_553, %swap3A_554] {strides = array<i32>} : memref<768x128xf32, #tpu.memory_space<vmem>>, vector<1x16xf32>,
      %swap3A_556 = vector.shape_cast %swap3A_555 : vector<1x16xf32> to vector<16xf32>
      %swap3A_557 = vector.shape_cast %mul3A_550 : vector<16xf32> to vector<1x16xf32>
      tpu.vector_store %arg6[%swap3A_553, %swap3A_554], %swap3A_557 {strides = array<i32>} : memref<768x128xf32, #tpu.memory_space<vmem>>, vector<1x16xf32>,
      %add3A_558 = arith.constant 256 : i32
      %add3A_559 = arith.addi %add3A_558, %scan3A_541 : i32
      %get3A_560 = arith.index_cast %add3A_559 : i32 to index
      %get3A_561 = arith.constant 16 : index
      %get3A_562 = tpu.vector_load %arg6[%get3A_560, %get3A_561] {strides = array<i32>} : memref<768x128xf32, #tpu.memory_space<vmem>>, vector<1x16xf32>,
      %get3A_563 = vector.shape_cast %get3A_562 : vector<1x16xf32> to vector<16xf32>
      %mul3A_564 = arith.constant 11.3137083 : f32
      %mul3A_565 = vector.broadcast %mul3A_564 : f32 to vector<16xf32>
      %mul3A_566 = arith.mulf %get3A_563, %mul3A_565 : vector<16xf32>
      %add3A_567 = arith.constant 256 : i32
      %add3A_568 = arith.addi %add3A_567, %scan3A_541 : i32
      %swap3A_569 = arith.index_cast %add3A_568 : i32 to index
      %swap3A_570 = arith.constant 16 : index
      %swap3A_571 = tpu.vector_load %arg6[%swap3A_569, %swap3A_570] {strides = array<i32>} : memref<768x128xf32, #tpu.memory_space<vmem>>, vector<1x16xf32>,
      %swap3A_572 = vector.shape_cast %swap3A_571 : vector<1x16xf32> to vector<16xf32>
      %swap3A_573 = vector.shape_cast %mul3A_566 : vector<16xf32> to vector<1x16xf32>
      tpu.vector_store %arg6[%swap3A_569, %swap3A_570], %swap3A_573 {strides = array<i32>} : memref<768x128xf32, #tpu.memory_space<vmem>>, vector<1x16xf32>,
      %add3A_574 = arith.constant 256 : i32
      %add3A_575 = arith.addi %add3A_574, %scan3A_541 : i32
      %get3A_576 = arith.index_cast %add3A_575 : i32 to index
      %get3A_577 = arith.constant 32 : index
      %get3A_578 = tpu.vector_load %arg6[%get3A_576, %get3A_577] {strides = array<i32>} : memref<768x128xf32, #tpu.memory_space<vmem>>, vector<1x16xf32>,
      %get3A_579 = vector.shape_cast %get3A_578 : vector<1x16xf32> to vector<16xf32>
      %mul3A_580 = arith.constant 11.3137083 : f32
      %mul3A_581 = vector.broadcast %mul3A_580 : f32 to vector<16xf32>
      %mul3A_582 = arith.mulf %get3A_579, %mul3A_581 : vector<16xf32>
      %add3A_583 = arith.constant 256 : i32
      %add3A_584 = arith.addi %add3A_583, %scan3A_541 : i32
      %swap3A_585 = arith.index_cast %add3A_584 : i32 to index
      %swap3A_586 = arith.constant 32 : index
      %swap3A_587 = tpu.vector_load %arg6[%swap3A_585, %swap3A_586] {strides = array<i32>} : memref<768x128xf32, #tpu.memory_space<vmem>>, vector<1x16xf32>,
      %swap3A_588 = vector.shape_cast %swap3A_587 : vector<1x16xf32> to vector<16xf32>
      %swap3A_589 = vector.shape_cast %mul3A_582 : vector<16xf32> to vector<1x16xf32>
      tpu.vector_store %arg6[%swap3A_585, %swap3A_586], %swap3A_589 {strides = array<i32>} : memref<768x128xf32, #tpu.memory_space<vmem>>, vector<1x16xf32>,
      %add3A_590 = arith.constant 256 : i32
      %add3A_591 = arith.addi %add3A_590, %scan3A_541 : i32
      %get3A_592 = arith.index_cast %add3A_591 : i32 to index
      %get3A_593 = arith.constant 48 : index
      %get3A_594 = tpu.vector_load %arg6[%get3A_592, %get3A_593] {strides = array<i32>} : memref<768x128xf32, #tpu.memory_space<vmem>>, vector<1x16xf32>,
      %get3A_595 = vector.shape_cast %get3A_594 : vector<1x16xf32> to vector<16xf32>
      %mul3A_596 = arith.constant 11.3137083 : f32
      %mul3A_597 = vector.broadcast %mul3A_596 : f32 to vector<16xf32>
      %mul3A_598 = arith.mulf %get3A_595, %mul3A_597 : vector<16xf32>
      %add3A_599 = arith.constant 256 : i32
      %add3A_600 = arith.addi %add3A_599, %scan3A_541 : i32
      %swap3A_601 = arith.index_cast %add3A_600 : i32 to index
      %swap3A_602 = arith.constant 48 : index
      %swap3A_603 = tpu.vector_load %arg6[%swap3A_601, %swap3A_602] {strides = array<i32>} : memref<768x128xf32, #tpu.memory_space<vmem>>, vector<1x16xf32>,
      %swap3A_604 = vector.shape_cast %swap3A_603 : vector<1x16xf32> to vector<16xf32>
      %swap3A_605 = vector.shape_cast %mul3A_598 : vector<16xf32> to vector<1x16xf32>
      tpu.vector_store %arg6[%swap3A_601, %swap3A_602], %swap3A_605 {strides = array<i32>} : memref<768x128xf32, #tpu.memory_space<vmem>>, vector<1x16xf32>,
      %add3A_606 = arith.constant 256 : i32
      %add3A_607 = arith.addi %add3A_606, %scan3A_541 : i32
      %get3A_608 = arith.index_cast %add3A_607 : i32 to index
      %get3A_609 = arith.constant 64 : index
      %get3A_610 = tpu.vector_load %arg6[%get3A_608, %get3A_609] {strides = array<i32>} : memref<768x128xf32, #tpu.memory_space<vmem>>, vector<1x16xf32>,
      %get3A_611 = vector.shape_cast %get3A_610 : vector<1x16xf32> to vector<16xf32>
      %mul3A_612 = arith.constant 11.3137083 : f32
      %mul3A_613 = vector.broadcast %mul3A_612 : f32 to vector<16xf32>
      %mul3A_614 = arith.mulf %get3A_611, %mul3A_613 : vector<16xf32>
      %add3A_615 = arith.constant 256 : i32
      %add3A_616 = arith.addi %add3A_615, %scan3A_541 : i32
      %swap3A_617 = arith.index_cast %add3A_616 : i32 to index
      %swap3A_618 = arith.constant 64 : index
      %swap3A_619 = tpu.vector_load %arg6[%swap3A_617, %swap3A_618] {strides = array<i32>} : memref<768x128xf32, #tpu.memory_space<vmem>>, vector<1x16xf32>,
      %swap3A_620 = vector.shape_cast %swap3A_619 : vector<1x16xf32> to vector<16xf32>
      %swap3A_621 = vector.shape_cast %mul3A_614 : vector<16xf32> to vector<1x16xf32>
      tpu.vector_store %arg6[%swap3A_617, %swap3A_618], %swap3A_621 {strides = array<i32>} : memref<768x128xf32, #tpu.memory_space<vmem>>, vector<1x16xf32>,
      %add3A_622 = arith.constant 256 : i32
      %add3A_623 = arith.addi %add3A_622, %scan3A_541 : i32
      %get3A_624 = arith.index_cast %add3A_623 : i32 to index
      %get3A_625 = arith.constant 80 : index
      %get3A_626 = tpu.vector_load %arg6[%get3A_624, %get3A_625] {strides = array<i32>} : memref<768x128xf32, #tpu.memory_space<vmem>>, vector<1x16xf32>,
      %get3A_627 = vector.shape_cast %get3A_626 : vector<1x16xf32> to vector<16xf32>
      %mul3A_628 = arith.constant 11.3137083 : f32
      %mul3A_629 = vector.broadcast %mul3A_628 : f32 to vector<16xf32>
      %mul3A_630 = arith.mulf %get3A_627, %mul3A_629 : vector<16xf32>
      %add3A_631 = arith.constant 256 : i32
      %add3A_632 = arith.addi %add3A_631, %scan3A_541 : i32
      %swap3A_633 = arith.index_cast %add3A_632 : i32 to index
      %swap3A_634 = arith.constant 80 : index
      %swap3A_635 = tpu.vector_load %arg6[%swap3A_633, %swap3A_634] {strides = array<i32>} : memref<768x128xf32, #tpu.memory_space<vmem>>, vector<1x16xf32>,
      %swap3A_636 = vector.shape_cast %swap3A_635 : vector<1x16xf32> to vector<16xf32>
      %swap3A_637 = vector.shape_cast %mul3A_630 : vector<16xf32> to vector<1x16xf32>
      tpu.vector_store %arg6[%swap3A_633, %swap3A_634], %swap3A_637 {strides = array<i32>} : memref<768x128xf32, #tpu.memory_space<vmem>>, vector<1x16xf32>,
      %add3A_638 = arith.constant 256 : i32
      %add3A_639 = arith.addi %add3A_638, %scan3A_541 : i32
      %get3A_640 = arith.index_cast %add3A_639 : i32 to index
      %get3A_641 = arith.constant 96 : index
      %get3A_642 = tpu.vector_load %arg6[%get3A_640, %get3A_641] {strides = array<i32>} : memref<768x128xf32, #tpu.memory_space<vmem>>, vector<1x16xf32>,
      %get3A_643 = vector.shape_cast %get3A_642 : vector<1x16xf32> to vector<16xf32>
      %mul3A_644 = arith.constant 11.3137083 : f32
      %mul3A_645 = vector.broadcast %mul3A_644 : f32 to vector<16xf32>
      %mul3A_646 = arith.mulf %get3A_643, %mul3A_645 : vector<16xf32>
      %add3A_647 = arith.constant 256 : i32
      %add3A_648 = arith.addi %add3A_647, %scan3A_541 : i32
      %swap3A_649 = arith.index_cast %add3A_648 : i32 to index
      %swap3A_650 = arith.constant 96 : index
      %swap3A_651 = tpu.vector_load %arg6[%swap3A_649, %swap3A_650] {strides = array<i32>} : memref<768x128xf32, #tpu.memory_space<vmem>>, vector<1x16xf32>,
      %swap3A_652 = vector.shape_cast %swap3A_651 : vector<1x16xf32> to vector<16xf32>
      %swap3A_653 = vector.shape_cast %mul3A_646 : vector<16xf32> to vector<1x16xf32>
      tpu.vector_store %arg6[%swap3A_649, %swap3A_650], %swap3A_653 {strides = array<i32>} : memref<768x128xf32, #tpu.memory_space<vmem>>, vector<1x16xf32>,
      %add3A_654 = arith.constant 256 : i32
      %add3A_655 = arith.addi %add3A_654, %scan3A_541 : i32
      %get3A_656 = arith.index_cast %add3A_655 : i32 to index
      %get3A_657 = arith.constant 112 : index
      %get3A_658 = tpu.vector_load %arg6[%get3A_656, %get3A_657] {strides = array<i32>} : memref<768x128xf32, #tpu.memory_space<vmem>>, vector<1x16xf32>,
      %get3A_659 = vector.shape_cast %get3A_658 : vector<1x16xf32> to vector<16xf32>
      %mul3A_660 = arith.constant 11.3137083 : f32
      %mul3A_661 = vector.broadcast %mul3A_660 : f32 to vector<16xf32>
      %mul3A_662 = arith.mulf %get3A_659, %mul3A_661 : vector<16xf32>
      %add3A_663 = arith.constant 256 : i32
      %add3A_664 = arith.addi %add3A_663, %scan3A_541 : i32
      %swap3A_665 = arith.index_cast %add3A_664 : i32 to index
      %swap3A_666 = arith.constant 112 : index
      %swap3A_667 = tpu.vector_load %arg6[%swap3A_665, %swap3A_666] {strides = array<i32>} : memref<768x128xf32, #tpu.memory_space<vmem>>, vector<1x16xf32>,
      %swap3A_668 = vector.shape_cast %swap3A_667 : vector<1x16xf32> to vector<16xf32>
      %swap3A_669 = vector.shape_cast %mul3A_662 : vector<16xf32> to vector<1x16xf32>
      tpu.vector_store %arg6[%swap3A_665, %swap3A_666], %swap3A_669 {strides = array<i32>} : memref<768x128xf32, #tpu.memory_space<vmem>>, vector<1x16xf32>,
    }
    %scan3A_135 = arith.constant 128 : i32
    %dma_start3A_136 = arith.constant 44 : i32
    %dma_start3A_137 = arith.constant 256 : i32
    %dma_start3A_138 = arith.constant 0 : i32
    %dma_start3A_139 = tpu.memref_slice %arg6[%dma_start3A_137, %dma_start3A_138] : memref<768x128xf32, #tpu.memory_space<vmem>> -> memref<128x128xf32, #tpu.memory_space<vmem>>
    %dma_start3A_140 = arith.constant 0 : i32
    %dma_start3A_141 = tpu.memref_slice %arg4[%dma_start3A_136, %mul3A_2, %dma_start3A_140] : memref<50x4096x128xf32, #tpu.memory_space<hbm>> -> memref<1x128x128xf32, #tpu.memory_space<hbm>>
    %dma_start3A_142 = tpu.memref_squeeze %dma_start3A_141 : memref<1x128x128xf32, #tpu.memory_space<hbm>> -> memref<128x128xf32, #tpu.memory_space<hbm>>
    %dma_start3A_143 = arith.constant 0 : i32
    %dma_start3A_144 = tpu.memref_slice %arg4[%dma_start3A_136, %mul3A_2, %dma_start3A_143] : memref<50x4096x128xf32, #tpu.memory_space<hbm>> -> memref<1x128x128xf32, #tpu.memory_space<hbm>>
    %dma_start3A_145 = tpu.memref_squeeze %dma_start3A_144 : memref<1x128x128xf32, #tpu.memory_space<hbm>> -> memref<128x128xf32, #tpu.memory_space<hbm>>
    %dma_start3A_146 = arith.constant 256 : i32
    %dma_start3A_147 = arith.constant 0 : i32
    %dma_start3A_148 = tpu.memref_slice %arg6[%dma_start3A_146, %dma_start3A_147] : memref<768x128xf32, #tpu.memory_space<vmem>> -> memref<128x128xf32, #tpu.memory_space<vmem>>
    tpu.enqueue_dma source(%dma_start3A_148 : memref<128x128xf32, #tpu.memory_space<vmem>>) target(%dma_start3A_145 : memref<128x128xf32, #tpu.memory_space<hbm>>) target_semaphore(%arg15 : memref<!tpu.dma_semaphore, #tpu.memory_space<semaphore_mem>>)
    %dma_wait3A_149 = arith.constant 42 : i32
    %dma_wait3A_150 = arith.constant 0 : i32
    %dma_wait3A_151 = arith.constant 0 : i32
    %dma_wait3A_152 = tpu.memref_slice %arg6[%dma_wait3A_150, %dma_wait3A_151] : memref<768x128xf32, #tpu.memory_space<vmem>> -> memref<128x128xf32, #tpu.memory_space<vmem>>
    %dma_wait3A_153 = arith.constant 0 : i32
    %dma_wait3A_154 = tpu.memref_slice %arg4[%dma_wait3A_149, %mul3A_2, %dma_wait3A_153] : memref<50x4096x128xf32, #tpu.memory_space<hbm>> -> memref<1x128x128xf32, #tpu.memory_space<hbm>>
    %dma_wait3A_155 = tpu.memref_squeeze %dma_wait3A_154 : memref<1x128x128xf32, #tpu.memory_space<hbm>> -> memref<128x128xf32, #tpu.memory_space<hbm>>
    %dma_wait3A_156 = arith.constant 0 : i32
    %dma_wait3A_157 = tpu.memref_slice %arg4[%dma_wait3A_149, %mul3A_2, %dma_wait3A_156] : memref<50x4096x128xf32, #tpu.memory_space<hbm>> -> memref<1x128x128xf32, #tpu.memory_space<hbm>>
    %dma_wait3A_158 = tpu.memref_squeeze %dma_wait3A_157 : memref<1x128x128xf32, #tpu.memory_space<hbm>> -> memref<128x128xf32, #tpu.memory_space<hbm>>
    %dma_wait3A_159 = arith.constant 0 : i32
    %dma_wait3A_160 = arith.constant 0 : i32
    %dma_wait3A_161 = tpu.memref_slice %arg6[%dma_wait3A_159, %dma_wait3A_160] : memref<768x128xf32, #tpu.memory_space<vmem>> -> memref<128x128xf32, #tpu.memory_space<vmem>>
    tpu.wait_dma2 semaphore(%arg13 : memref<!tpu.dma_semaphore, #tpu.memory_space<semaphore_mem>>) src(%dma_wait3A_161 : memref<128x128xf32, #tpu.memory_space<vmem>>) dst(%dma_wait3A_158 : memref<128x128xf32, #tpu.memory_space<hbm>>)
    %dma_start3A_162 = arith.constant 48 : i32
    %dma_start3A_163 = arith.constant 0 : i32
    %dma_start3A_164 = arith.constant 0 : i32
    %dma_start3A_165 = tpu.memref_slice %arg6[%dma_start3A_163, %dma_start3A_164] : memref<768x128xf32, #tpu.memory_space<vmem>> -> memref<128x128xf32, #tpu.memory_space<vmem>>
    %dma_start3A_166 = arith.constant 0 : i32
    %dma_start3A_167 = tpu.memref_slice %arg5[%dma_start3A_162, %dma_start3A_166] : memref<50x128xi32, #tpu.memory_space<vmem>> -> memref<1x128xi32, #tpu.memory_space<vmem>>
    %dma_start3A_168 = tpu.memref_squeeze %dma_start3A_167 : memref<1x128xi32, #tpu.memory_space<vmem>> -> memref<128xi32, #tpu.memory_space<vmem>>
    %dma_start3A_169 = arith.constant 0 : i32
    %dma_start3A_170 = arith.constant 0 : i32
    %dma_start3A_171 = tpu.memref_slice %arg3[%dma_start3A_169, %dma_start3A_170] : memref<100000x128xf32, #tpu.memory_space<hbm>> -> memref<100000x128xf32, #tpu.memory_space<hbm>>
    tpu.enqueue_indirect_dma source(%dma_start3A_171 : memref<100000x128xf32, #tpu.memory_space<hbm>>) target(%dma_start3A_165 : memref<128x128xf32, #tpu.memory_space<vmem>>) offsets(%dma_start3A_168 : memref<128xi32, #tpu.memory_space<vmem>>) semaphore(%arg7 : memref<!tpu.dma_semaphore, #tpu.memory_space<semaphore_mem>>)
    %dma_wait3A_172 = arith.constant 45 : i32
    %dma_wait3A_173 = arith.constant 384 : i32
    %dma_wait3A_174 = arith.constant 0 : i32
    %dma_wait3A_175 = tpu.memref_slice %arg6[%dma_wait3A_173, %dma_wait3A_174] : memref<768x128xf32, #tpu.memory_space<vmem>> -> memref<128x128xf32, #tpu.memory_space<vmem>>
    %dma_wait3A_176 = arith.constant 0 : i32
    %dma_wait3A_177 = tpu.memref_slice %arg5[%dma_wait3A_172, %dma_wait3A_176] : memref<50x128xi32, #tpu.memory_space<vmem>> -> memref<1x128xi32, #tpu.memory_space<vmem>>
    %dma_wait3A_178 = tpu.memref_squeeze %dma_wait3A_177 : memref<1x128xi32, #tpu.memory_space<vmem>> -> memref<128xi32, #tpu.memory_space<vmem>>
    %dma_wait3A_179 = arith.constant 0 : i32
    %dma_wait3A_180 = arith.constant 0 : i32
    %dma_wait3A_181 = tpu.memref_slice %arg3[%dma_wait3A_179, %dma_wait3A_180] : memref<100000x128xf32, #tpu.memory_space<hbm>> -> memref<100000x128xf32, #tpu.memory_space<hbm>>
    tpu.wait_indirect_dma semaphore(%arg10 : memref<!tpu.dma_semaphore, #tpu.memory_space<semaphore_mem>>) src(%dma_wait3A_181 : memref<100000x128xf32, #tpu.memory_space<hbm>>) dst(%dma_wait3A_175 : memref<128x128xf32, #tpu.memory_space<vmem>>)
    %scan3A_182 = arith.constant 0 : i32
    %scan3A_183 = arith.constant 128 : i32
    %scan3A_184 = arith.addi %scan3A_182, %scan3A_183 : i32
    %scan3A_185 = arith.constant 2 : i32
    scf.for %scan3A_413 = %scan3A_182 to %scan3A_184 step %scan3A_185  : i32 {
      %add3A_414 = arith.constant 384 : i32
      %add3A_415 = arith.addi %add3A_414, %scan3A_413 : i32
      %get3A = arith.index_cast %add3A_415 : i32 to index
      %get3A_416 = arith.constant 0 : index
      %get3A_417 = tpu.vector_load %arg6[%get3A, %get3A_416] {strides = array<i32>} : memref<768x128xf32, #tpu.memory_space<vmem>>, vector<1x16xf32>,
      %get3A_418 = vector.shape_cast %get3A_417 : vector<1x16xf32> to vector<16xf32>
      %mul3A_419 = arith.constant 11.3137083 : f32
      %mul3A_420 = vector.broadcast %mul3A_419 : f32 to vector<16xf32>
      %mul3A_421 = arith.mulf %get3A_418, %mul3A_420 : vector<16xf32>
      %add3A_422 = arith.constant 384 : i32
      %add3A_423 = arith.addi %add3A_422, %scan3A_413 : i32
      %swap3A = arith.index_cast %add3A_423 : i32 to index
      %swap3A_424 = arith.constant 0 : index
      %swap3A_425 = tpu.vector_load %arg6[%swap3A, %swap3A_424] {strides = array<i32>} : memref<768x128xf32, #tpu.memory_space<vmem>>, vector<1x16xf32>,
      %swap3A_426 = vector.shape_cast %swap3A_425 : vector<1x16xf32> to vector<16xf32>
      %swap3A_427 = vector.shape_cast %mul3A_421 : vector<16xf32> to vector<1x16xf32>
      tpu.vector_store %arg6[%swap3A, %swap3A_424], %swap3A_427 {strides = array<i32>} : memref<768x128xf32, #tpu.memory_space<vmem>>, vector<1x16xf32>,
      %add3A_428 = arith.constant 384 : i32
      %add3A_429 = arith.addi %add3A_428, %scan3A_413 : i32
      %get3A_430 = arith.index_cast %add3A_429 : i32 to index
      %get3A_431 = arith.constant 16 : index
      %get3A_432 = tpu.vector_load %arg6[%get3A_430, %get3A_431] {strides = array<i32>} : memref<768x128xf32, #tpu.memory_space<vmem>>, vector<1x16xf32>,
      %get3A_433 = vector.shape_cast %get3A_432 : vector<1x16xf32> to vector<16xf32>
      %mul3A_434 = arith.constant 11.3137083 : f32
      %mul3A_435 = vector.broadcast %mul3A_434 : f32 to vector<16xf32>
      %mul3A_436 = arith.mulf %get3A_433, %mul3A_435 : vector<16xf32>
      %add3A_437 = arith.constant 384 : i32
      %add3A_438 = arith.addi %add3A_437, %scan3A_413 : i32
      %swap3A_439 = arith.index_cast %add3A_438 : i32 to index
      %swap3A_440 = arith.constant 16 : index
      %swap3A_441 = tpu.vector_load %arg6[%swap3A_439, %swap3A_440] {strides = array<i32>} : memref<768x128xf32, #tpu.memory_space<vmem>>, vector<1x16xf32>,
      %swap3A_442 = vector.shape_cast %swap3A_441 : vector<1x16xf32> to vector<16xf32>
      %swap3A_443 = vector.shape_cast %mul3A_436 : vector<16xf32> to vector<1x16xf32>
      tpu.vector_store %arg6[%swap3A_439, %swap3A_440], %swap3A_443 {strides = array<i32>} : memref<768x128xf32, #tpu.memory_space<vmem>>, vector<1x16xf32>,
      %add3A_444 = arith.constant 384 : i32
      %add3A_445 = arith.addi %add3A_444, %scan3A_413 : i32
      %get3A_446 = arith.index_cast %add3A_445 : i32 to index
      %get3A_447 = arith.constant 32 : index
      %get3A_448 = tpu.vector_load %arg6[%get3A_446, %get3A_447] {strides = array<i32>} : memref<768x128xf32, #tpu.memory_space<vmem>>, vector<1x16xf32>,
      %get3A_449 = vector.shape_cast %get3A_448 : vector<1x16xf32> to vector<16xf32>
      %mul3A_450 = arith.constant 11.3137083 : f32
      %mul3A_451 = vector.broadcast %mul3A_450 : f32 to vector<16xf32>
      %mul3A_452 = arith.mulf %get3A_449, %mul3A_451 : vector<16xf32>
      %add3A_453 = arith.constant 384 : i32
      %add3A_454 = arith.addi %add3A_453, %scan3A_413 : i32
      %swap3A_455 = arith.index_cast %add3A_454 : i32 to index
      %swap3A_456 = arith.constant 32 : index
      %swap3A_457 = tpu.vector_load %arg6[%swap3A_455, %swap3A_456] {strides = array<i32>} : memref<768x128xf32, #tpu.memory_space<vmem>>, vector<1x16xf32>,
      %swap3A_458 = vector.shape_cast %swap3A_457 : vector<1x16xf32> to vector<16xf32>
      %swap3A_459 = vector.shape_cast %mul3A_452 : vector<16xf32> to vector<1x16xf32>
      tpu.vector_store %arg6[%swap3A_455, %swap3A_456], %swap3A_459 {strides = array<i32>} : memref<768x128xf32, #tpu.memory_space<vmem>>, vector<1x16xf32>,
      %add3A_460 = arith.constant 384 : i32
      %add3A_461 = arith.addi %add3A_460, %scan3A_413 : i32
      %get3A_462 = arith.index_cast %add3A_461 : i32 to index
      %get3A_463 = arith.constant 48 : index
      %get3A_464 = tpu.vector_load %arg6[%get3A_462, %get3A_463] {strides = array<i32>} : memref<768x128xf32, #tpu.memory_space<vmem>>, vector<1x16xf32>,
      %get3A_465 = vector.shape_cast %get3A_464 : vector<1x16xf32> to vector<16xf32>
      %mul3A_466 = arith.constant 11.3137083 : f32
      %mul3A_467 = vector.broadcast %mul3A_466 : f32 to vector<16xf32>
      %mul3A_468 = arith.mulf %get3A_465, %mul3A_467 : vector<16xf32>
      %add3A_469 = arith.constant 384 : i32
      %add3A_470 = arith.addi %add3A_469, %scan3A_413 : i32
      %swap3A_471 = arith.index_cast %add3A_470 : i32 to index
      %swap3A_472 = arith.constant 48 : index
      %swap3A_473 = tpu.vector_load %arg6[%swap3A_471, %swap3A_472] {strides = array<i32>} : memref<768x128xf32, #tpu.memory_space<vmem>>, vector<1x16xf32>,
      %swap3A_474 = vector.shape_cast %swap3A_473 : vector<1x16xf32> to vector<16xf32>
      %swap3A_475 = vector.shape_cast %mul3A_468 : vector<16xf32> to vector<1x16xf32>
      tpu.vector_store %arg6[%swap3A_471, %swap3A_472], %swap3A_475 {strides = array<i32>} : memref<768x128xf32, #tpu.memory_space<vmem>>, vector<1x16xf32>,
      %add3A_476 = arith.constant 384 : i32
      %add3A_477 = arith.addi %add3A_476, %scan3A_413 : i32
      %get3A_478 = arith.index_cast %add3A_477 : i32 to index
      %get3A_479 = arith.constant 64 : index
      %get3A_480 = tpu.vector_load %arg6[%get3A_478, %get3A_479] {strides = array<i32>} : memref<768x128xf32, #tpu.memory_space<vmem>>, vector<1x16xf32>,
      %get3A_481 = vector.shape_cast %get3A_480 : vector<1x16xf32> to vector<16xf32>
      %mul3A_482 = arith.constant 11.3137083 : f32
      %mul3A_483 = vector.broadcast %mul3A_482 : f32 to vector<16xf32>
      %mul3A_484 = arith.mulf %get3A_481, %mul3A_483 : vector<16xf32>
      %add3A_485 = arith.constant 384 : i32
      %add3A_486 = arith.addi %add3A_485, %scan3A_413 : i32
      %swap3A_487 = arith.index_cast %add3A_486 : i32 to index
      %swap3A_488 = arith.constant 64 : index
      %swap3A_489 = tpu.vector_load %arg6[%swap3A_487, %swap3A_488] {strides = array<i32>} : memref<768x128xf32, #tpu.memory_space<vmem>>, vector<1x16xf32>,
      %swap3A_490 = vector.shape_cast %swap3A_489 : vector<1x16xf32> to vector<16xf32>
      %swap3A_491 = vector.shape_cast %mul3A_484 : vector<16xf32> to vector<1x16xf32>
      tpu.vector_store %arg6[%swap3A_487, %swap3A_488], %swap3A_491 {strides = array<i32>} : memref<768x128xf32, #tpu.memory_space<vmem>>, vector<1x16xf32>,
      %add3A_492 = arith.constant 384 : i32
      %add3A_493 = arith.addi %add3A_492, %scan3A_413 : i32
      %get3A_494 = arith.index_cast %add3A_493 : i32 to index
      %get3A_495 = arith.constant 80 : index
      %get3A_496 = tpu.vector_load %arg6[%get3A_494, %get3A_495] {strides = array<i32>} : memref<768x128xf32, #tpu.memory_space<vmem>>, vector<1x16xf32>,
      %get3A_497 = vector.shape_cast %get3A_496 : vector<1x16xf32> to vector<16xf32>
      %mul3A_498 = arith.constant 11.3137083 : f32
      %mul3A_499 = vector.broadcast %mul3A_498 : f32 to vector<16xf32>
      %mul3A_500 = arith.mulf %get3A_497, %mul3A_499 : vector<16xf32>
      %add3A_501 = arith.constant 384 : i32
      %add3A_502 = arith.addi %add3A_501, %scan3A_413 : i32
      %swap3A_503 = arith.index_cast %add3A_502 : i32 to index
      %swap3A_504 = arith.constant 80 : index
      %swap3A_505 = tpu.vector_load %arg6[%swap3A_503, %swap3A_504] {strides = array<i32>} : memref<768x128xf32, #tpu.memory_space<vmem>>, vector<1x16xf32>,
      %swap3A_506 = vector.shape_cast %swap3A_505 : vector<1x16xf32> to vector<16xf32>
      %swap3A_507 = vector.shape_cast %mul3A_500 : vector<16xf32> to vector<1x16xf32>
      tpu.vector_store %arg6[%swap3A_503, %swap3A_504], %swap3A_507 {strides = array<i32>} : memref<768x128xf32, #tpu.memory_space<vmem>>, vector<1x16xf32>,
      %add3A_508 = arith.constant 384 : i32
      %add3A_509 = arith.addi %add3A_508, %scan3A_413 : i32
      %get3A_510 = arith.index_cast %add3A_509 : i32 to index
      %get3A_511 = arith.constant 96 : index
      %get3A_512 = tpu.vector_load %arg6[%get3A_510, %get3A_511] {strides = array<i32>} : memref<768x128xf32, #tpu.memory_space<vmem>>, vector<1x16xf32>,
      %get3A_513 = vector.shape_cast %get3A_512 : vector<1x16xf32> to vector<16xf32>
      %mul3A_514 = arith.constant 11.3137083 : f32
      %mul3A_515 = vector.broadcast %mul3A_514 : f32 to vector<16xf32>
      %mul3A_516 = arith.mulf %get3A_513, %mul3A_515 : vector<16xf32>
      %add3A_517 = arith.constant 384 : i32
      %add3A_518 = arith.addi %add3A_517, %scan3A_413 : i32
      %swap3A_519 = arith.index_cast %add3A_518 : i32 to index
      %swap3A_520 = arith.constant 96 : index
      %swap3A_521 = tpu.vector_load %arg6[%swap3A_519, %swap3A_520] {strides = array<i32>} : memref<768x128xf32, #tpu.memory_space<vmem>>, vector<1x16xf32>,
      %swap3A_522 = vector.shape_cast %swap3A_521 : vector<1x16xf32> to vector<16xf32>
      %swap3A_523 = vector.shape_cast %mul3A_516 : vector<16xf32> to vector<1x16xf32>
      tpu.vector_store %arg6[%swap3A_519, %swap3A_520], %swap3A_523 {strides = array<i32>} : memref<768x128xf32, #tpu.memory_space<vmem>>, vector<1x16xf32>,
      %add3A_524 = arith.constant 384 : i32
      %add3A_525 = arith.addi %add3A_524, %scan3A_413 : i32
      %get3A_526 = arith.index_cast %add3A_525 : i32 to index
      %get3A_527 = arith.constant 112 : index
      %get3A_528 = tpu.vector_load %arg6[%get3A_526, %get3A_527] {strides = array<i32>} : memref<768x128xf32, #tpu.memory_space<vmem>>, vector<1x16xf32>,
      %get3A_529 = vector.shape_cast %get3A_528 : vector<1x16xf32> to vector<16xf32>
      %mul3A_530 = arith.constant 11.3137083 : f32
      %mul3A_531 = vector.broadcast %mul3A_530 : f32 to vector<16xf32>
      %mul3A_532 = arith.mulf %get3A_529, %mul3A_531 : vector<16xf32>
      %add3A_533 = arith.constant 384 : i32
      %add3A_534 = arith.addi %add3A_533, %scan3A_413 : i32
      %swap3A_535 = arith.index_cast %add3A_534 : i32 to index
      %swap3A_536 = arith.constant 112 : index
      %swap3A_537 = tpu.vector_load %arg6[%swap3A_535, %swap3A_536] {strides = array<i32>} : memref<768x128xf32, #tpu.memory_space<vmem>>, vector<1x16xf32>,
      %swap3A_538 = vector.shape_cast %swap3A_537 : vector<1x16xf32> to vector<16xf32>
      %swap3A_539 = vector.shape_cast %mul3A_532 : vector<16xf32> to vector<1x16xf32>
      tpu.vector_store %arg6[%swap3A_535, %swap3A_536], %swap3A_539 {strides = array<i32>} : memref<768x128xf32, #tpu.memory_space<vmem>>, vector<1x16xf32>,
      %scan3A_540 = arith.constant 1 : i32
      %scan3A_541 = arith.addi %scan3A_413, %scan3A_540 : i32
      %add3A_542 = arith.constant 384 : i32
      %add3A_543 = arith.addi %add3A_542, %scan3A_541 : i32
      %get3A_544 = arith.index_cast %add3A_543 : i32 to index
      %get3A_545 = arith.constant 0 : index
      %get3A_546 = tpu.vector_load %arg6[%get3A_544, %get3A_545] {strides = array<i32>} : memref<768x128xf32, #tpu.memory_space<vmem>>, vector<1x16xf32>,
      %get3A_547 = vector.shape_cast %get3A_546 : vector<1x16xf32> to vector<16xf32>
      %mul3A_548 = arith.constant 11.3137083 : f32
      %mul3A_549 = vector.broadcast %mul3A_548 : f32 to vector<16xf32>
      %mul3A_550 = arith.mulf %get3A_547, %mul3A_549 : vector<16xf32>
      %add3A_551 = arith.constant 384 : i32
      %add3A_552 = arith.addi %add3A_551, %scan3A_541 : i32
      %swap3A_553 = arith.index_cast %add3A_552 : i32 to index
      %swap3A_554 = arith.constant 0 : index
      %swap3A_555 = tpu.vector_load %arg6[%swap3A_553, %swap3A_554] {strides = array<i32>} : memref<768x128xf32, #tpu.memory_space<vmem>>, vector<1x16xf32>,
      %swap3A_556 = vector.shape_cast %swap3A_555 : vector<1x16xf32> to vector<16xf32>
      %swap3A_557 = vector.shape_cast %mul3A_550 : vector<16xf32> to vector<1x16xf32>
      tpu.vector_store %arg6[%swap3A_553, %swap3A_554], %swap3A_557 {strides = array<i32>} : memref<768x128xf32, #tpu.memory_space<vmem>>, vector<1x16xf32>,
      %add3A_558 = arith.constant 384 : i32
      %add3A_559 = arith.addi %add3A_558, %scan3A_541 : i32
      %get3A_560 = arith.index_cast %add3A_559 : i32 to index
      %get3A_561 = arith.constant 16 : index
      %get3A_562 = tpu.vector_load %arg6[%get3A_560, %get3A_561] {strides = array<i32>} : memref<768x128xf32, #tpu.memory_space<vmem>>, vector<1x16xf32>,
      %get3A_563 = vector.shape_cast %get3A_562 : vector<1x16xf32> to vector<16xf32>
      %mul3A_564 = arith.constant 11.3137083 : f32
      %mul3A_565 = vector.broadcast %mul3A_564 : f32 to vector<16xf32>
      %mul3A_566 = arith.mulf %get3A_563, %mul3A_565 : vector<16xf32>
      %add3A_567 = arith.constant 384 : i32
      %add3A_568 = arith.addi %add3A_567, %scan3A_541 : i32
      %swap3A_569 = arith.index_cast %add3A_568 : i32 to index
      %swap3A_570 = arith.constant 16 : index
      %swap3A_571 = tpu.vector_load %arg6[%swap3A_569, %swap3A_570] {strides = array<i32>} : memref<768x128xf32, #tpu.memory_space<vmem>>, vector<1x16xf32>,
      %swap3A_572 = vector.shape_cast %swap3A_571 : vector<1x16xf32> to vector<16xf32>
      %swap3A_573 = vector.shape_cast %mul3A_566 : vector<16xf32> to vector<1x16xf32>
      tpu.vector_store %arg6[%swap3A_569, %swap3A_570], %swap3A_573 {strides = array<i32>} : memref<768x128xf32, #tpu.memory_space<vmem>>, vector<1x16xf32>,
      %add3A_574 = arith.constant 384 : i32
      %add3A_575 = arith.addi %add3A_574, %scan3A_541 : i32
      %get3A_576 = arith.index_cast %add3A_575 : i32 to index
      %get3A_577 = arith.constant 32 : index
      %get3A_578 = tpu.vector_load %arg6[%get3A_576, %get3A_577] {strides = array<i32>} : memref<768x128xf32, #tpu.memory_space<vmem>>, vector<1x16xf32>,
      %get3A_579 = vector.shape_cast %get3A_578 : vector<1x16xf32> to vector<16xf32>
      %mul3A_580 = arith.constant 11.3137083 : f32
      %mul3A_581 = vector.broadcast %mul3A_580 : f32 to vector<16xf32>
      %mul3A_582 = arith.mulf %get3A_579, %mul3A_581 : vector<16xf32>
      %add3A_583 = arith.constant 384 : i32
      %add3A_584 = arith.addi %add3A_583, %scan3A_541 : i32
      %swap3A_585 = arith.index_cast %add3A_584 : i32 to index
      %swap3A_586 = arith.constant 32 : index
      %swap3A_587 = tpu.vector_load %arg6[%swap3A_585, %swap3A_586] {strides = array<i32>} : memref<768x128xf32, #tpu.memory_space<vmem>>, vector<1x16xf32>,
      %swap3A_588 = vector.shape_cast %swap3A_587 : vector<1x16xf32> to vector<16xf32>
      %swap3A_589 = vector.shape_cast %mul3A_582 : vector<16xf32> to vector<1x16xf32>
      tpu.vector_store %arg6[%swap3A_585, %swap3A_586], %swap3A_589 {strides = array<i32>} : memref<768x128xf32, #tpu.memory_space<vmem>>, vector<1x16xf32>,
      %add3A_590 = arith.constant 384 : i32
      %add3A_591 = arith.addi %add3A_590, %scan3A_541 : i32
      %get3A_592 = arith.index_cast %add3A_591 : i32 to index
      %get3A_593 = arith.constant 48 : index
      %get3A_594 = tpu.vector_load %arg6[%get3A_592, %get3A_593] {strides = array<i32>} : memref<768x128xf32, #tpu.memory_space<vmem>>, vector<1x16xf32>,
      %get3A_595 = vector.shape_cast %get3A_594 : vector<1x16xf32> to vector<16xf32>
      %mul3A_596 = arith.constant 11.3137083 : f32
      %mul3A_597 = vector.broadcast %mul3A_596 : f32 to vector<16xf32>
      %mul3A_598 = arith.mulf %get3A_595, %mul3A_597 : vector<16xf32>
      %add3A_599 = arith.constant 384 : i32
      %add3A_600 = arith.addi %add3A_599, %scan3A_541 : i32
      %swap3A_601 = arith.index_cast %add3A_600 : i32 to index
      %swap3A_602 = arith.constant 48 : index
      %swap3A_603 = tpu.vector_load %arg6[%swap3A_601, %swap3A_602] {strides = array<i32>} : memref<768x128xf32, #tpu.memory_space<vmem>>, vector<1x16xf32>,
      %swap3A_604 = vector.shape_cast %swap3A_603 : vector<1x16xf32> to vector<16xf32>
      %swap3A_605 = vector.shape_cast %mul3A_598 : vector<16xf32> to vector<1x16xf32>
      tpu.vector_store %arg6[%swap3A_601, %swap3A_602], %swap3A_605 {strides = array<i32>} : memref<768x128xf32, #tpu.memory_space<vmem>>, vector<1x16xf32>,
      %add3A_606 = arith.constant 384 : i32
      %add3A_607 = arith.addi %add3A_606, %scan3A_541 : i32
      %get3A_608 = arith.index_cast %add3A_607 : i32 to index
      %get3A_609 = arith.constant 64 : index
      %get3A_610 = tpu.vector_load %arg6[%get3A_608, %get3A_609] {strides = array<i32>} : memref<768x128xf32, #tpu.memory_space<vmem>>, vector<1x16xf32>,
      %get3A_611 = vector.shape_cast %get3A_610 : vector<1x16xf32> to vector<16xf32>
      %mul3A_612 = arith.constant 11.3137083 : f32
      %mul3A_613 = vector.broadcast %mul3A_612 : f32 to vector<16xf32>
      %mul3A_614 = arith.mulf %get3A_611, %mul3A_613 : vector<16xf32>
      %add3A_615 = arith.constant 384 : i32
      %add3A_616 = arith.addi %add3A_615, %scan3A_541 : i32
      %swap3A_617 = arith.index_cast %add3A_616 : i32 to index
      %swap3A_618 = arith.constant 64 : index
      %swap3A_619 = tpu.vector_load %arg6[%swap3A_617, %swap3A_618] {strides = array<i32>} : memref<768x128xf32, #tpu.memory_space<vmem>>, vector<1x16xf32>,
      %swap3A_620 = vector.shape_cast %swap3A_619 : vector<1x16xf32> to vector<16xf32>
      %swap3A_621 = vector.shape_cast %mul3A_614 : vector<16xf32> to vector<1x16xf32>
      tpu.vector_store %arg6[%swap3A_617, %swap3A_618], %swap3A_621 {strides = array<i32>} : memref<768x128xf32, #tpu.memory_space<vmem>>, vector<1x16xf32>,
      %add3A_622 = arith.constant 384 : i32
      %add3A_623 = arith.addi %add3A_622, %scan3A_541 : i32
      %get3A_624 = arith.index_cast %add3A_623 : i32 to index
      %get3A_625 = arith.constant 80 : index
      %get3A_626 = tpu.vector_load %arg6[%get3A_624, %get3A_625] {strides = array<i32>} : memref<768x128xf32, #tpu.memory_space<vmem>>, vector<1x16xf32>,
      %get3A_627 = vector.shape_cast %get3A_626 : vector<1x16xf32> to vector<16xf32>
      %mul3A_628 = arith.constant 11.3137083 : f32
      %mul3A_629 = vector.broadcast %mul3A_628 : f32 to vector<16xf32>
      %mul3A_630 = arith.mulf %get3A_627, %mul3A_629 : vector<16xf32>
      %add3A_631 = arith.constant 384 : i32
      %add3A_632 = arith.addi %add3A_631, %scan3A_541 : i32
      %swap3A_633 = arith.index_cast %add3A_632 : i32 to index
      %swap3A_634 = arith.constant 80 : index
      %swap3A_635 = tpu.vector_load %arg6[%swap3A_633, %swap3A_634] {strides = array<i32>} : memref<768x128xf32, #tpu.memory_space<vmem>>, vector<1x16xf32>,
      %swap3A_636 = vector.shape_cast %swap3A_635 : vector<1x16xf32> to vector<16xf32>
      %swap3A_637 = vector.shape_cast %mul3A_630 : vector<16xf32> to vector<1x16xf32>
      tpu.vector_store %arg6[%swap3A_633, %swap3A_634], %swap3A_637 {strides = array<i32>} : memref<768x128xf32, #tpu.memory_space<vmem>>, vector<1x16xf32>,
      %add3A_638 = arith.constant 384 : i32
      %add3A_639 = arith.addi %add3A_638, %scan3A_541 : i32
      %get3A_640 = arith.index_cast %add3A_639 : i32 to index
      %get3A_641 = arith.constant 96 : index
      %get3A_642 = tpu.vector_load %arg6[%get3A_640, %get3A_641] {strides = array<i32>} : memref<768x128xf32, #tpu.memory_space<vmem>>, vector<1x16xf32>,
      %get3A_643 = vector.shape_cast %get3A_642 : vector<1x16xf32> to vector<16xf32>
      %mul3A_644 = arith.constant 11.3137083 : f32
      %mul3A_645 = vector.broadcast %mul3A_644 : f32 to vector<16xf32>
      %mul3A_646 = arith.mulf %get3A_643, %mul3A_645 : vector<16xf32>
      %add3A_647 = arith.constant 384 : i32
      %add3A_648 = arith.addi %add3A_647, %scan3A_541 : i32
      %swap3A_649 = arith.index_cast %add3A_648 : i32 to index
      %swap3A_650 = arith.constant 96 : index
      %swap3A_651 = tpu.vector_load %arg6[%swap3A_649, %swap3A_650] {strides = array<i32>} : memref<768x128xf32, #tpu.memory_space<vmem>>, vector<1x16xf32>,
      %swap3A_652 = vector.shape_cast %swap3A_651 : vector<1x16xf32> to vector<16xf32>
      %swap3A_653 = vector.shape_cast %mul3A_646 : vector<16xf32> to vector<1x16xf32>
      tpu.vector_store %arg6[%swap3A_649, %swap3A_650], %swap3A_653 {strides = array<i32>} : memref<768x128xf32, #tpu.memory_space<vmem>>, vector<1x16xf32>,
      %add3A_654 = arith.constant 384 : i32
      %add3A_655 = arith.addi %add3A_654, %scan3A_541 : i32
      %get3A_656 = arith.index_cast %add3A_655 : i32 to index
      %get3A_657 = arith.constant 112 : index
      %get3A_658 = tpu.vector_load %arg6[%get3A_656, %get3A_657] {strides = array<i32>} : memref<768x128xf32, #tpu.memory_space<vmem>>, vector<1x16xf32>,
      %get3A_659 = vector.shape_cast %get3A_658 : vector<1x16xf32> to vector<16xf32>
      %mul3A_660 = arith.constant 11.3137083 : f32
      %mul3A_661 = vector.broadcast %mul3A_660 : f32 to vector<16xf32>
      %mul3A_662 = arith.mulf %get3A_659, %mul3A_661 : vector<16xf32>
      %add3A_663 = arith.constant 384 : i32
      %add3A_664 = arith.addi %add3A_663, %scan3A_541 : i32
      %swap3A_665 = arith.index_cast %add3A_664 : i32 to index
      %swap3A_666 = arith.constant 112 : index
      %swap3A_667 = tpu.vector_load %arg6[%swap3A_665, %swap3A_666] {strides = array<i32>} : memref<768x128xf32, #tpu.memory_space<vmem>>, vector<1x16xf32>,
      %swap3A_668 = vector.shape_cast %swap3A_667 : vector<1x16xf32> to vector<16xf32>
      %swap3A_669 = vector.shape_cast %mul3A_662 : vector<16xf32> to vector<1x16xf32>
      tpu.vector_store %arg6[%swap3A_665, %swap3A_666], %swap3A_669 {strides = array<i32>} : memref<768x128xf32, #tpu.memory_space<vmem>>, vector<1x16xf32>,
    }
    %scan3A_186 = arith.constant 128 : i32
    %dma_start3A_187 = arith.constant 45 : i32
    %dma_start3A_188 = arith.constant 384 : i32
    %dma_start3A_189 = arith.constant 0 : i32
    %dma_start3A_190 = tpu.memref_slice %arg6[%dma_start3A_188, %dma_start3A_189] : memref<768x128xf32, #tpu.memory_space<vmem>> -> memref<128x128xf32, #tpu.memory_space<vmem>>
    %dma_start3A_191 = arith.constant 0 : i32
    %dma_start3A_192 = tpu.memref_slice %arg4[%dma_start3A_187, %mul3A_2, %dma_start3A_191] : memref<50x4096x128xf32, #tpu.memory_space<hbm>> -> memref<1x128x128xf32, #tpu.memory_space<hbm>>
    %dma_start3A_193 = tpu.memref_squeeze %dma_start3A_192 : memref<1x128x128xf32, #tpu.memory_space<hbm>> -> memref<128x128xf32, #tpu.memory_space<hbm>>
    %dma_start3A_194 = arith.constant 0 : i32
    %dma_start3A_195 = tpu.memref_slice %arg4[%dma_start3A_187, %mul3A_2, %dma_start3A_194] : memref<50x4096x128xf32, #tpu.memory_space<hbm>> -> memref<1x128x128xf32, #tpu.memory_space<hbm>>
    %dma_start3A_196 = tpu.memref_squeeze %dma_start3A_195 : memref<1x128x128xf32, #tpu.memory_space<hbm>> -> memref<128x128xf32, #tpu.memory_space<hbm>>
    %dma_start3A_197 = arith.constant 384 : i32
    %dma_start3A_198 = arith.constant 0 : i32
    %dma_start3A_199 = tpu.memref_slice %arg6[%dma_start3A_197, %dma_start3A_198] : memref<768x128xf32, #tpu.memory_space<vmem>> -> memref<128x128xf32, #tpu.memory_space<vmem>>
    tpu.enqueue_dma source(%dma_start3A_199 : memref<128x128xf32, #tpu.memory_space<vmem>>) target(%dma_start3A_196 : memref<128x128xf32, #tpu.memory_space<hbm>>) target_semaphore(%arg16 : memref<!tpu.dma_semaphore, #tpu.memory_space<semaphore_mem>>)
    %dma_wait3A_200 = arith.constant 43 : i32
    %dma_wait3A_201 = arith.constant 128 : i32
    %dma_wait3A_202 = arith.constant 0 : i32
    %dma_wait3A_203 = tpu.memref_slice %arg6[%dma_wait3A_201, %dma_wait3A_202] : memref<768x128xf32, #tpu.memory_space<vmem>> -> memref<128x128xf32, #tpu.memory_space<vmem>>
    %dma_wait3A_204 = arith.constant 0 : i32
    %dma_wait3A_205 = tpu.memref_slice %arg4[%dma_wait3A_200, %mul3A_2, %dma_wait3A_204] : memref<50x4096x128xf32, #tpu.memory_space<hbm>> -> memref<1x128x128xf32, #tpu.memory_space<hbm>>
    %dma_wait3A_206 = tpu.memref_squeeze %dma_wait3A_205 : memref<1x128x128xf32, #tpu.memory_space<hbm>> -> memref<128x128xf32, #tpu.memory_space<hbm>>
    %dma_wait3A_207 = arith.constant 0 : i32
    %dma_wait3A_208 = tpu.memref_slice %arg4[%dma_wait3A_200, %mul3A_2, %dma_wait3A_207] : memref<50x4096x128xf32, #tpu.memory_space<hbm>> -> memref<1x128x128xf32, #tpu.memory_space<hbm>>
    %dma_wait3A_209 = tpu.memref_squeeze %dma_wait3A_208 : memref<1x128x128xf32, #tpu.memory_space<hbm>> -> memref<128x128xf32, #tpu.memory_space<hbm>>
    %dma_wait3A_210 = arith.constant 128 : i32
    %dma_wait3A_211 = arith.constant 0 : i32
    %dma_wait3A_212 = tpu.memref_slice %arg6[%dma_wait3A_210, %dma_wait3A_211] : memref<768x128xf32, #tpu.memory_space<vmem>> -> memref<128x128xf32, #tpu.memory_space<vmem>>
    tpu.wait_dma2 semaphore(%arg14 : memref<!tpu.dma_semaphore, #tpu.memory_space<semaphore_mem>>) src(%dma_wait3A_212 : memref<128x128xf32, #tpu.memory_space<vmem>>) dst(%dma_wait3A_209 : memref<128x128xf32, #tpu.memory_space<hbm>>)
    %dma_start3A_213 = arith.constant 49 : i32
    %dma_start3A_214 = arith.constant 128 : i32
    %dma_start3A_215 = arith.constant 0 : i32
    %dma_start3A_216 = tpu.memref_slice %arg6[%dma_start3A_214, %dma_start3A_215] : memref<768x128xf32, #tpu.memory_space<vmem>> -> memref<128x128xf32, #tpu.memory_space<vmem>>
    %dma_start3A_217 = arith.constant 0 : i32
    %dma_start3A_218 = tpu.memref_slice %arg5[%dma_start3A_213, %dma_start3A_217] : memref<50x128xi32, #tpu.memory_space<vmem>> -> memref<1x128xi32, #tpu.memory_space<vmem>>
    %dma_start3A_219 = tpu.memref_squeeze %dma_start3A_218 : memref<1x128xi32, #tpu.memory_space<vmem>> -> memref<128xi32, #tpu.memory_space<vmem>>
    %dma_start3A_220 = arith.constant 0 : i32
    %dma_start3A_221 = arith.constant 0 : i32
    %dma_start3A_222 = tpu.memref_slice %arg3[%dma_start3A_220, %dma_start3A_221] : memref<100000x128xf32, #tpu.memory_space<hbm>> -> memref<100000x128xf32, #tpu.memory_space<hbm>>
    tpu.enqueue_indirect_dma source(%dma_start3A_222 : memref<100000x128xf32, #tpu.memory_space<hbm>>) target(%dma_start3A_216 : memref<128x128xf32, #tpu.memory_space<vmem>>) offsets(%dma_start3A_219 : memref<128xi32, #tpu.memory_space<vmem>>) semaphore(%arg8 : memref<!tpu.dma_semaphore, #tpu.memory_space<semaphore_mem>>)
    %dma_wait3A_223 = arith.constant 46 : i32
    %dma_wait3A_224 = arith.constant 512 : i32
    %dma_wait3A_225 = arith.constant 0 : i32
    %dma_wait3A_226 = tpu.memref_slice %arg6[%dma_wait3A_224, %dma_wait3A_225] : memref<768x128xf32, #tpu.memory_space<vmem>> -> memref<128x128xf32, #tpu.memory_space<vmem>>
    %dma_wait3A_227 = arith.constant 0 : i32
    %dma_wait3A_228 = tpu.memref_slice %arg5[%dma_wait3A_223, %dma_wait3A_227] : memref<50x128xi32, #tpu.memory_space<vmem>> -> memref<1x128xi32, #tpu.memory_space<vmem>>
    %dma_wait3A_229 = tpu.memref_squeeze %dma_wait3A_228 : memref<1x128xi32, #tpu.memory_space<vmem>> -> memref<128xi32, #tpu.memory_space<vmem>>
    %dma_wait3A_230 = arith.constant 0 : i32
    %dma_wait3A_231 = arith.constant 0 : i32
    %dma_wait3A_232 = tpu.memref_slice %arg3[%dma_wait3A_230, %dma_wait3A_231] : memref<100000x128xf32, #tpu.memory_space<hbm>> -> memref<100000x128xf32, #tpu.memory_space<hbm>>
    tpu.wait_indirect_dma semaphore(%arg11 : memref<!tpu.dma_semaphore, #tpu.memory_space<semaphore_mem>>) src(%dma_wait3A_232 : memref<100000x128xf32, #tpu.memory_space<hbm>>) dst(%dma_wait3A_226 : memref<128x128xf32, #tpu.memory_space<vmem>>)
    %scan3A_233 = arith.constant 0 : i32
    %scan3A_234 = arith.constant 128 : i32
    %scan3A_235 = arith.addi %scan3A_233, %scan3A_234 : i32
    %scan3A_236 = arith.constant 2 : i32
    scf.for %scan3A_413 = %scan3A_233 to %scan3A_235 step %scan3A_236  : i32 {
      %add3A_414 = arith.constant 512 : i32
      %add3A_415 = arith.addi %add3A_414, %scan3A_413 : i32
      %get3A = arith.index_cast %add3A_415 : i32 to index
      %get3A_416 = arith.constant 0 : index
      %get3A_417 = tpu.vector_load %arg6[%get3A, %get3A_416] {strides = array<i32>} : memref<768x128xf32, #tpu.memory_space<vmem>>, vector<1x16xf32>,
      %get3A_418 = vector.shape_cast %get3A_417 : vector<1x16xf32> to vector<16xf32>
      %mul3A_419 = arith.constant 11.3137083 : f32
      %mul3A_420 = vector.broadcast %mul3A_419 : f32 to vector<16xf32>
      %mul3A_421 = arith.mulf %get3A_418, %mul3A_420 : vector<16xf32>
      %add3A_422 = arith.constant 512 : i32
      %add3A_423 = arith.addi %add3A_422, %scan3A_413 : i32
      %swap3A = arith.index_cast %add3A_423 : i32 to index
      %swap3A_424 = arith.constant 0 : index
      %swap3A_425 = tpu.vector_load %arg6[%swap3A, %swap3A_424] {strides = array<i32>} : memref<768x128xf32, #tpu.memory_space<vmem>>, vector<1x16xf32>,
      %swap3A_426 = vector.shape_cast %swap3A_425 : vector<1x16xf32> to vector<16xf32>
      %swap3A_427 = vector.shape_cast %mul3A_421 : vector<16xf32> to vector<1x16xf32>
      tpu.vector_store %arg6[%swap3A, %swap3A_424], %swap3A_427 {strides = array<i32>} : memref<768x128xf32, #tpu.memory_space<vmem>>, vector<1x16xf32>,
      %add3A_428 = arith.constant 512 : i32
      %add3A_429 = arith.addi %add3A_428, %scan3A_413 : i32
      %get3A_430 = arith.index_cast %add3A_429 : i32 to index
      %get3A_431 = arith.constant 16 : index
      %get3A_432 = tpu.vector_load %arg6[%get3A_430, %get3A_431] {strides = array<i32>} : memref<768x128xf32, #tpu.memory_space<vmem>>, vector<1x16xf32>,
      %get3A_433 = vector.shape_cast %get3A_432 : vector<1x16xf32> to vector<16xf32>
      %mul3A_434 = arith.constant 11.3137083 : f32
      %mul3A_435 = vector.broadcast %mul3A_434 : f32 to vector<16xf32>
      %mul3A_436 = arith.mulf %get3A_433, %mul3A_435 : vector<16xf32>
      %add3A_437 = arith.constant 512 : i32
      %add3A_438 = arith.addi %add3A_437, %scan3A_413 : i32
      %swap3A_439 = arith.index_cast %add3A_438 : i32 to index
      %swap3A_440 = arith.constant 16 : index
      %swap3A_441 = tpu.vector_load %arg6[%swap3A_439, %swap3A_440] {strides = array<i32>} : memref<768x128xf32, #tpu.memory_space<vmem>>, vector<1x16xf32>,
      %swap3A_442 = vector.shape_cast %swap3A_441 : vector<1x16xf32> to vector<16xf32>
      %swap3A_443 = vector.shape_cast %mul3A_436 : vector<16xf32> to vector<1x16xf32>
      tpu.vector_store %arg6[%swap3A_439, %swap3A_440], %swap3A_443 {strides = array<i32>} : memref<768x128xf32, #tpu.memory_space<vmem>>, vector<1x16xf32>,
      %add3A_444 = arith.constant 512 : i32
      %add3A_445 = arith.addi %add3A_444, %scan3A_413 : i32
      %get3A_446 = arith.index_cast %add3A_445 : i32 to index
      %get3A_447 = arith.constant 32 : index
      %get3A_448 = tpu.vector_load %arg6[%get3A_446, %get3A_447] {strides = array<i32>} : memref<768x128xf32, #tpu.memory_space<vmem>>, vector<1x16xf32>,
      %get3A_449 = vector.shape_cast %get3A_448 : vector<1x16xf32> to vector<16xf32>
      %mul3A_450 = arith.constant 11.3137083 : f32
      %mul3A_451 = vector.broadcast %mul3A_450 : f32 to vector<16xf32>
      %mul3A_452 = arith.mulf %get3A_449, %mul3A_451 : vector<16xf32>
      %add3A_453 = arith.constant 512 : i32
      %add3A_454 = arith.addi %add3A_453, %scan3A_413 : i32
      %swap3A_455 = arith.index_cast %add3A_454 : i32 to index
      %swap3A_456 = arith.constant 32 : index
      %swap3A_457 = tpu.vector_load %arg6[%swap3A_455, %swap3A_456] {strides = array<i32>} : memref<768x128xf32, #tpu.memory_space<vmem>>, vector<1x16xf32>,
      %swap3A_458 = vector.shape_cast %swap3A_457 : vector<1x16xf32> to vector<16xf32>
      %swap3A_459 = vector.shape_cast %mul3A_452 : vector<16xf32> to vector<1x16xf32>
      tpu.vector_store %arg6[%swap3A_455, %swap3A_456], %swap3A_459 {strides = array<i32>} : memref<768x128xf32, #tpu.memory_space<vmem>>, vector<1x16xf32>,
      %add3A_460 = arith.constant 512 : i32
      %add3A_461 = arith.addi %add3A_460, %scan3A_413 : i32
      %get3A_462 = arith.index_cast %add3A_461 : i32 to index
      %get3A_463 = arith.constant 48 : index
      %get3A_464 = tpu.vector_load %arg6[%get3A_462, %get3A_463] {strides = array<i32>} : memref<768x128xf32, #tpu.memory_space<vmem>>, vector<1x16xf32>,
      %get3A_465 = vector.shape_cast %get3A_464 : vector<1x16xf32> to vector<16xf32>
      %mul3A_466 = arith.constant 11.3137083 : f32
      %mul3A_467 = vector.broadcast %mul3A_466 : f32 to vector<16xf32>
      %mul3A_468 = arith.mulf %get3A_465, %mul3A_467 : vector<16xf32>
      %add3A_469 = arith.constant 512 : i32
      %add3A_470 = arith.addi %add3A_469, %scan3A_413 : i32
      %swap3A_471 = arith.index_cast %add3A_470 : i32 to index
      %swap3A_472 = arith.constant 48 : index
      %swap3A_473 = tpu.vector_load %arg6[%swap3A_471, %swap3A_472] {strides = array<i32>} : memref<768x128xf32, #tpu.memory_space<vmem>>, vector<1x16xf32>,
      %swap3A_474 = vector.shape_cast %swap3A_473 : vector<1x16xf32> to vector<16xf32>
      %swap3A_475 = vector.shape_cast %mul3A_468 : vector<16xf32> to vector<1x16xf32>
      tpu.vector_store %arg6[%swap3A_471, %swap3A_472], %swap3A_475 {strides = array<i32>} : memref<768x128xf32, #tpu.memory_space<vmem>>, vector<1x16xf32>,
      %add3A_476 = arith.constant 512 : i32
      %add3A_477 = arith.addi %add3A_476, %scan3A_413 : i32
      %get3A_478 = arith.index_cast %add3A_477 : i32 to index
      %get3A_479 = arith.constant 64 : index
      %get3A_480 = tpu.vector_load %arg6[%get3A_478, %get3A_479] {strides = array<i32>} : memref<768x128xf32, #tpu.memory_space<vmem>>, vector<1x16xf32>,
      %get3A_481 = vector.shape_cast %get3A_480 : vector<1x16xf32> to vector<16xf32>
      %mul3A_482 = arith.constant 11.3137083 : f32
      %mul3A_483 = vector.broadcast %mul3A_482 : f32 to vector<16xf32>
      %mul3A_484 = arith.mulf %get3A_481, %mul3A_483 : vector<16xf32>
      %add3A_485 = arith.constant 512 : i32
      %add3A_486 = arith.addi %add3A_485, %scan3A_413 : i32
      %swap3A_487 = arith.index_cast %add3A_486 : i32 to index
      %swap3A_488 = arith.constant 64 : index
      %swap3A_489 = tpu.vector_load %arg6[%swap3A_487, %swap3A_488] {strides = array<i32>} : memref<768x128xf32, #tpu.memory_space<vmem>>, vector<1x16xf32>,
      %swap3A_490 = vector.shape_cast %swap3A_489 : vector<1x16xf32> to vector<16xf32>
      %swap3A_491 = vector.shape_cast %mul3A_484 : vector<16xf32> to vector<1x16xf32>
      tpu.vector_store %arg6[%swap3A_487, %swap3A_488], %swap3A_491 {strides = array<i32>} : memref<768x128xf32, #tpu.memory_space<vmem>>, vector<1x16xf32>,
      %add3A_492 = arith.constant 512 : i32
      %add3A_493 = arith.addi %add3A_492, %scan3A_413 : i32
      %get3A_494 = arith.index_cast %add3A_493 : i32 to index
      %get3A_495 = arith.constant 80 : index
      %get3A_496 = tpu.vector_load %arg6[%get3A_494, %get3A_495] {strides = array<i32>} : memref<768x128xf32, #tpu.memory_space<vmem>>, vector<1x16xf32>,
      %get3A_497 = vector.shape_cast %get3A_496 : vector<1x16xf32> to vector<16xf32>
      %mul3A_498 = arith.constant 11.3137083 : f32
      %mul3A_499 = vector.broadcast %mul3A_498 : f32 to vector<16xf32>
      %mul3A_500 = arith.mulf %get3A_497, %mul3A_499 : vector<16xf32>
      %add3A_501 = arith.constant 512 : i32
      %add3A_502 = arith.addi %add3A_501, %scan3A_413 : i32
      %swap3A_503 = arith.index_cast %add3A_502 : i32 to index
      %swap3A_504 = arith.constant 80 : index
      %swap3A_505 = tpu.vector_load %arg6[%swap3A_503, %swap3A_504] {strides = array<i32>} : memref<768x128xf32, #tpu.memory_space<vmem>>, vector<1x16xf32>,
      %swap3A_506 = vector.shape_cast %swap3A_505 : vector<1x16xf32> to vector<16xf32>
      %swap3A_507 = vector.shape_cast %mul3A_500 : vector<16xf32> to vector<1x16xf32>
      tpu.vector_store %arg6[%swap3A_503, %swap3A_504], %swap3A_507 {strides = array<i32>} : memref<768x128xf32, #tpu.memory_space<vmem>>, vector<1x16xf32>,
      %add3A_508 = arith.constant 512 : i32
      %add3A_509 = arith.addi %add3A_508, %scan3A_413 : i32
      %get3A_510 = arith.index_cast %add3A_509 : i32 to index
      %get3A_511 = arith.constant 96 : index
      %get3A_512 = tpu.vector_load %arg6[%get3A_510, %get3A_511] {strides = array<i32>} : memref<768x128xf32, #tpu.memory_space<vmem>>, vector<1x16xf32>,
      %get3A_513 = vector.shape_cast %get3A_512 : vector<1x16xf32> to vector<16xf32>
      %mul3A_514 = arith.constant 11.3137083 : f32
      %mul3A_515 = vector.broadcast %mul3A_514 : f32 to vector<16xf32>
      %mul3A_516 = arith.mulf %get3A_513, %mul3A_515 : vector<16xf32>
      %add3A_517 = arith.constant 512 : i32
      %add3A_518 = arith.addi %add3A_517, %scan3A_413 : i32
      %swap3A_519 = arith.index_cast %add3A_518 : i32 to index
      %swap3A_520 = arith.constant 96 : index
      %swap3A_521 = tpu.vector_load %arg6[%swap3A_519, %swap3A_520] {strides = array<i32>} : memref<768x128xf32, #tpu.memory_space<vmem>>, vector<1x16xf32>,
      %swap3A_522 = vector.shape_cast %swap3A_521 : vector<1x16xf32> to vector<16xf32>
      %swap3A_523 = vector.shape_cast %mul3A_516 : vector<16xf32> to vector<1x16xf32>
      tpu.vector_store %arg6[%swap3A_519, %swap3A_520], %swap3A_523 {strides = array<i32>} : memref<768x128xf32, #tpu.memory_space<vmem>>, vector<1x16xf32>,
      %add3A_524 = arith.constant 512 : i32
      %add3A_525 = arith.addi %add3A_524, %scan3A_413 : i32
      %get3A_526 = arith.index_cast %add3A_525 : i32 to index
      %get3A_527 = arith.constant 112 : index
      %get3A_528 = tpu.vector_load %arg6[%get3A_526, %get3A_527] {strides = array<i32>} : memref<768x128xf32, #tpu.memory_space<vmem>>, vector<1x16xf32>,
      %get3A_529 = vector.shape_cast %get3A_528 : vector<1x16xf32> to vector<16xf32>
      %mul3A_530 = arith.constant 11.3137083 : f32
      %mul3A_531 = vector.broadcast %mul3A_530 : f32 to vector<16xf32>
      %mul3A_532 = arith.mulf %get3A_529, %mul3A_531 : vector<16xf32>
      %add3A_533 = arith.constant 512 : i32
      %add3A_534 = arith.addi %add3A_533, %scan3A_413 : i32
      %swap3A_535 = arith.index_cast %add3A_534 : i32 to index
      %swap3A_536 = arith.constant 112 : index
      %swap3A_537 = tpu.vector_load %arg6[%swap3A_535, %swap3A_536] {strides = array<i32>} : memref<768x128xf32, #tpu.memory_space<vmem>>, vector<1x16xf32>,
      %swap3A_538 = vector.shape_cast %swap3A_537 : vector<1x16xf32> to vector<16xf32>
      %swap3A_539 = vector.shape_cast %mul3A_532 : vector<16xf32> to vector<1x16xf32>
      tpu.vector_store %arg6[%swap3A_535, %swap3A_536], %swap3A_539 {strides = array<i32>} : memref<768x128xf32, #tpu.memory_space<vmem>>, vector<1x16xf32>,
      %scan3A_540 = arith.constant 1 : i32
      %scan3A_541 = arith.addi %scan3A_413, %scan3A_540 : i32
      %add3A_542 = arith.constant 512 : i32
      %add3A_543 = arith.addi %add3A_542, %scan3A_541 : i32
      %get3A_544 = arith.index_cast %add3A_543 : i32 to index
      %get3A_545 = arith.constant 0 : index
      %get3A_546 = tpu.vector_load %arg6[%get3A_544, %get3A_545] {strides = array<i32>} : memref<768x128xf32, #tpu.memory_space<vmem>>, vector<1x16xf32>,
      %get3A_547 = vector.shape_cast %get3A_546 : vector<1x16xf32> to vector<16xf32>
      %mul3A_548 = arith.constant 11.3137083 : f32
      %mul3A_549 = vector.broadcast %mul3A_548 : f32 to vector<16xf32>
      %mul3A_550 = arith.mulf %get3A_547, %mul3A_549 : vector<16xf32>
      %add3A_551 = arith.constant 512 : i32
      %add3A_552 = arith.addi %add3A_551, %scan3A_541 : i32
      %swap3A_553 = arith.index_cast %add3A_552 : i32 to index
      %swap3A_554 = arith.constant 0 : index
      %swap3A_555 = tpu.vector_load %arg6[%swap3A_553, %swap3A_554] {strides = array<i32>} : memref<768x128xf32, #tpu.memory_space<vmem>>, vector<1x16xf32>,
      %swap3A_556 = vector.shape_cast %swap3A_555 : vector<1x16xf32> to vector<16xf32>
      %swap3A_557 = vector.shape_cast %mul3A_550 : vector<16xf32> to vector<1x16xf32>
      tpu.vector_store %arg6[%swap3A_553, %swap3A_554], %swap3A_557 {strides = array<i32>} : memref<768x128xf32, #tpu.memory_space<vmem>>, vector<1x16xf32>,
      %add3A_558 = arith.constant 512 : i32
      %add3A_559 = arith.addi %add3A_558, %scan3A_541 : i32
      %get3A_560 = arith.index_cast %add3A_559 : i32 to index
      %get3A_561 = arith.constant 16 : index
      %get3A_562 = tpu.vector_load %arg6[%get3A_560, %get3A_561] {strides = array<i32>} : memref<768x128xf32, #tpu.memory_space<vmem>>, vector<1x16xf32>,
      %get3A_563 = vector.shape_cast %get3A_562 : vector<1x16xf32> to vector<16xf32>
      %mul3A_564 = arith.constant 11.3137083 : f32
      %mul3A_565 = vector.broadcast %mul3A_564 : f32 to vector<16xf32>
      %mul3A_566 = arith.mulf %get3A_563, %mul3A_565 : vector<16xf32>
      %add3A_567 = arith.constant 512 : i32
      %add3A_568 = arith.addi %add3A_567, %scan3A_541 : i32
      %swap3A_569 = arith.index_cast %add3A_568 : i32 to index
      %swap3A_570 = arith.constant 16 : index
      %swap3A_571 = tpu.vector_load %arg6[%swap3A_569, %swap3A_570] {strides = array<i32>} : memref<768x128xf32, #tpu.memory_space<vmem>>, vector<1x16xf32>,
      %swap3A_572 = vector.shape_cast %swap3A_571 : vector<1x16xf32> to vector<16xf32>
      %swap3A_573 = vector.shape_cast %mul3A_566 : vector<16xf32> to vector<1x16xf32>
      tpu.vector_store %arg6[%swap3A_569, %swap3A_570], %swap3A_573 {strides = array<i32>} : memref<768x128xf32, #tpu.memory_space<vmem>>, vector<1x16xf32>,
      %add3A_574 = arith.constant 512 : i32
      %add3A_575 = arith.addi %add3A_574, %scan3A_541 : i32
      %get3A_576 = arith.index_cast %add3A_575 : i32 to index
      %get3A_577 = arith.constant 32 : index
      %get3A_578 = tpu.vector_load %arg6[%get3A_576, %get3A_577] {strides = array<i32>} : memref<768x128xf32, #tpu.memory_space<vmem>>, vector<1x16xf32>,
      %get3A_579 = vector.shape_cast %get3A_578 : vector<1x16xf32> to vector<16xf32>
      %mul3A_580 = arith.constant 11.3137083 : f32
      %mul3A_581 = vector.broadcast %mul3A_580 : f32 to vector<16xf32>
      %mul3A_582 = arith.mulf %get3A_579, %mul3A_581 : vector<16xf32>
      %add3A_583 = arith.constant 512 : i32
      %add3A_584 = arith.addi %add3A_583, %scan3A_541 : i32
      %swap3A_585 = arith.index_cast %add3A_584 : i32 to index
      %swap3A_586 = arith.constant 32 : index
      %swap3A_587 = tpu.vector_load %arg6[%swap3A_585, %swap3A_586] {strides = array<i32>} : memref<768x128xf32, #tpu.memory_space<vmem>>, vector<1x16xf32>,
      %swap3A_588 = vector.shape_cast %swap3A_587 : vector<1x16xf32> to vector<16xf32>
      %swap3A_589 = vector.shape_cast %mul3A_582 : vector<16xf32> to vector<1x16xf32>
      tpu.vector_store %arg6[%swap3A_585, %swap3A_586], %swap3A_589 {strides = array<i32>} : memref<768x128xf32, #tpu.memory_space<vmem>>, vector<1x16xf32>,
      %add3A_590 = arith.constant 512 : i32
      %add3A_591 = arith.addi %add3A_590, %scan3A_541 : i32
      %get3A_592 = arith.index_cast %add3A_591 : i32 to index
      %get3A_593 = arith.constant 48 : index
      %get3A_594 = tpu.vector_load %arg6[%get3A_592, %get3A_593] {strides = array<i32>} : memref<768x128xf32, #tpu.memory_space<vmem>>, vector<1x16xf32>,
      %get3A_595 = vector.shape_cast %get3A_594 : vector<1x16xf32> to vector<16xf32>
      %mul3A_596 = arith.constant 11.3137083 : f32
      %mul3A_597 = vector.broadcast %mul3A_596 : f32 to vector<16xf32>
      %mul3A_598 = arith.mulf %get3A_595, %mul3A_597 : vector<16xf32>
      %add3A_599 = arith.constant 512 : i32
      %add3A_600 = arith.addi %add3A_599, %scan3A_541 : i32
      %swap3A_601 = arith.index_cast %add3A_600 : i32 to index
      %swap3A_602 = arith.constant 48 : index
      %swap3A_603 = tpu.vector_load %arg6[%swap3A_601, %swap3A_602] {strides = array<i32>} : memref<768x128xf32, #tpu.memory_space<vmem>>, vector<1x16xf32>,
      %swap3A_604 = vector.shape_cast %swap3A_603 : vector<1x16xf32> to vector<16xf32>
      %swap3A_605 = vector.shape_cast %mul3A_598 : vector<16xf32> to vector<1x16xf32>
      tpu.vector_store %arg6[%swap3A_601, %swap3A_602], %swap3A_605 {strides = array<i32>} : memref<768x128xf32, #tpu.memory_space<vmem>>, vector<1x16xf32>,
      %add3A_606 = arith.constant 512 : i32
      %add3A_607 = arith.addi %add3A_606, %scan3A_541 : i32
      %get3A_608 = arith.index_cast %add3A_607 : i32 to index
      %get3A_609 = arith.constant 64 : index
      %get3A_610 = tpu.vector_load %arg6[%get3A_608, %get3A_609] {strides = array<i32>} : memref<768x128xf32, #tpu.memory_space<vmem>>, vector<1x16xf32>,
      %get3A_611 = vector.shape_cast %get3A_610 : vector<1x16xf32> to vector<16xf32>
      %mul3A_612 = arith.constant 11.3137083 : f32
      %mul3A_613 = vector.broadcast %mul3A_612 : f32 to vector<16xf32>
      %mul3A_614 = arith.mulf %get3A_611, %mul3A_613 : vector<16xf32>
      %add3A_615 = arith.constant 512 : i32
      %add3A_616 = arith.addi %add3A_615, %scan3A_541 : i32
      %swap3A_617 = arith.index_cast %add3A_616 : i32 to index
      %swap3A_618 = arith.constant 64 : index
      %swap3A_619 = tpu.vector_load %arg6[%swap3A_617, %swap3A_618] {strides = array<i32>} : memref<768x128xf32, #tpu.memory_space<vmem>>, vector<1x16xf32>,
      %swap3A_620 = vector.shape_cast %swap3A_619 : vector<1x16xf32> to vector<16xf32>
      %swap3A_621 = vector.shape_cast %mul3A_614 : vector<16xf32> to vector<1x16xf32>
      tpu.vector_store %arg6[%swap3A_617, %swap3A_618], %swap3A_621 {strides = array<i32>} : memref<768x128xf32, #tpu.memory_space<vmem>>, vector<1x16xf32>,
      %add3A_622 = arith.constant 512 : i32
      %add3A_623 = arith.addi %add3A_622, %scan3A_541 : i32
      %get3A_624 = arith.index_cast %add3A_623 : i32 to index
      %get3A_625 = arith.constant 80 : index
      %get3A_626 = tpu.vector_load %arg6[%get3A_624, %get3A_625] {strides = array<i32>} : memref<768x128xf32, #tpu.memory_space<vmem>>, vector<1x16xf32>,
      %get3A_627 = vector.shape_cast %get3A_626 : vector<1x16xf32> to vector<16xf32>
      %mul3A_628 = arith.constant 11.3137083 : f32
      %mul3A_629 = vector.broadcast %mul3A_628 : f32 to vector<16xf32>
      %mul3A_630 = arith.mulf %get3A_627, %mul3A_629 : vector<16xf32>
      %add3A_631 = arith.constant 512 : i32
      %add3A_632 = arith.addi %add3A_631, %scan3A_541 : i32
      %swap3A_633 = arith.index_cast %add3A_632 : i32 to index
      %swap3A_634 = arith.constant 80 : index
      %swap3A_635 = tpu.vector_load %arg6[%swap3A_633, %swap3A_634] {strides = array<i32>} : memref<768x128xf32, #tpu.memory_space<vmem>>, vector<1x16xf32>,
      %swap3A_636 = vector.shape_cast %swap3A_635 : vector<1x16xf32> to vector<16xf32>
      %swap3A_637 = vector.shape_cast %mul3A_630 : vector<16xf32> to vector<1x16xf32>
      tpu.vector_store %arg6[%swap3A_633, %swap3A_634], %swap3A_637 {strides = array<i32>} : memref<768x128xf32, #tpu.memory_space<vmem>>, vector<1x16xf32>,
      %add3A_638 = arith.constant 512 : i32
      %add3A_639 = arith.addi %add3A_638, %scan3A_541 : i32
      %get3A_640 = arith.index_cast %add3A_639 : i32 to index
      %get3A_641 = arith.constant 96 : index
      %get3A_642 = tpu.vector_load %arg6[%get3A_640, %get3A_641] {strides = array<i32>} : memref<768x128xf32, #tpu.memory_space<vmem>>, vector<1x16xf32>,
      %get3A_643 = vector.shape_cast %get3A_642 : vector<1x16xf32> to vector<16xf32>
      %mul3A_644 = arith.constant 11.3137083 : f32
      %mul3A_645 = vector.broadcast %mul3A_644 : f32 to vector<16xf32>
      %mul3A_646 = arith.mulf %get3A_643, %mul3A_645 : vector<16xf32>
      %add3A_647 = arith.constant 512 : i32
      %add3A_648 = arith.addi %add3A_647, %scan3A_541 : i32
      %swap3A_649 = arith.index_cast %add3A_648 : i32 to index
      %swap3A_650 = arith.constant 96 : index
      %swap3A_651 = tpu.vector_load %arg6[%swap3A_649, %swap3A_650] {strides = array<i32>} : memref<768x128xf32, #tpu.memory_space<vmem>>, vector<1x16xf32>,
      %swap3A_652 = vector.shape_cast %swap3A_651 : vector<1x16xf32> to vector<16xf32>
      %swap3A_653 = vector.shape_cast %mul3A_646 : vector<16xf32> to vector<1x16xf32>
      tpu.vector_store %arg6[%swap3A_649, %swap3A_650], %swap3A_653 {strides = array<i32>} : memref<768x128xf32, #tpu.memory_space<vmem>>, vector<1x16xf32>,
      %add3A_654 = arith.constant 512 : i32
      %add3A_655 = arith.addi %add3A_654, %scan3A_541 : i32
      %get3A_656 = arith.index_cast %add3A_655 : i32 to index
      %get3A_657 = arith.constant 112 : index
      %get3A_658 = tpu.vector_load %arg6[%get3A_656, %get3A_657] {strides = array<i32>} : memref<768x128xf32, #tpu.memory_space<vmem>>, vector<1x16xf32>,
      %get3A_659 = vector.shape_cast %get3A_658 : vector<1x16xf32> to vector<16xf32>
      %mul3A_660 = arith.constant 11.3137083 : f32
      %mul3A_661 = vector.broadcast %mul3A_660 : f32 to vector<16xf32>
      %mul3A_662 = arith.mulf %get3A_659, %mul3A_661 : vector<16xf32>
      %add3A_663 = arith.constant 512 : i32
      %add3A_664 = arith.addi %add3A_663, %scan3A_541 : i32
      %swap3A_665 = arith.index_cast %add3A_664 : i32 to index
      %swap3A_666 = arith.constant 112 : index
      %swap3A_667 = tpu.vector_load %arg6[%swap3A_665, %swap3A_666] {strides = array<i32>} : memref<768x128xf32, #tpu.memory_space<vmem>>, vector<1x16xf32>,
      %swap3A_668 = vector.shape_cast %swap3A_667 : vector<1x16xf32> to vector<16xf32>
      %swap3A_669 = vector.shape_cast %mul3A_662 : vector<16xf32> to vector<1x16xf32>
      tpu.vector_store %arg6[%swap3A_665, %swap3A_666], %swap3A_669 {strides = array<i32>} : memref<768x128xf32, #tpu.memory_space<vmem>>, vector<1x16xf32>,
    }
    %scan3A_237 = arith.constant 128 : i32
    %dma_start3A_238 = arith.constant 46 : i32
    %dma_start3A_239 = arith.constant 512 : i32
    %dma_start3A_240 = arith.constant 0 : i32
    %dma_start3A_241 = tpu.memref_slice %arg6[%dma_start3A_239, %dma_start3A_240] : memref<768x128xf32, #tpu.memory_space<vmem>> -> memref<128x128xf32, #tpu.memory_space<vmem>>
    %dma_start3A_242 = arith.constant 0 : i32
    %dma_start3A_243 = tpu.memref_slice %arg4[%dma_start3A_238, %mul3A_2, %dma_start3A_242] : memref<50x4096x128xf32, #tpu.memory_space<hbm>> -> memref<1x128x128xf32, #tpu.memory_space<hbm>>
    %dma_start3A_244 = tpu.memref_squeeze %dma_start3A_243 : memref<1x128x128xf32, #tpu.memory_space<hbm>> -> memref<128x128xf32, #tpu.memory_space<hbm>>
    %dma_start3A_245 = arith.constant 0 : i32
    %dma_start3A_246 = tpu.memref_slice %arg4[%dma_start3A_238, %mul3A_2, %dma_start3A_245] : memref<50x4096x128xf32, #tpu.memory_space<hbm>> -> memref<1x128x128xf32, #tpu.memory_space<hbm>>
    %dma_start3A_247 = tpu.memref_squeeze %dma_start3A_246 : memref<1x128x128xf32, #tpu.memory_space<hbm>> -> memref<128x128xf32, #tpu.memory_space<hbm>>
    %dma_start3A_248 = arith.constant 512 : i32
    %dma_start3A_249 = arith.constant 0 : i32
    %dma_start3A_250 = tpu.memref_slice %arg6[%dma_start3A_248, %dma_start3A_249] : memref<768x128xf32, #tpu.memory_space<vmem>> -> memref<128x128xf32, #tpu.memory_space<vmem>>
    tpu.enqueue_dma source(%dma_start3A_250 : memref<128x128xf32, #tpu.memory_space<vmem>>) target(%dma_start3A_247 : memref<128x128xf32, #tpu.memory_space<hbm>>) target_semaphore(%arg17 : memref<!tpu.dma_semaphore, #tpu.memory_space<semaphore_mem>>)
    %dma_wait3A_251 = arith.constant 44 : i32
    %dma_wait3A_252 = arith.constant 256 : i32
    %dma_wait3A_253 = arith.constant 0 : i32
    %dma_wait3A_254 = tpu.memref_slice %arg6[%dma_wait3A_252, %dma_wait3A_253] : memref<768x128xf32, #tpu.memory_space<vmem>> -> memref<128x128xf32, #tpu.memory_space<vmem>>
    %dma_wait3A_255 = arith.constant 0 : i32
    %dma_wait3A_256 = tpu.memref_slice %arg4[%dma_wait3A_251, %mul3A_2, %dma_wait3A_255] : memref<50x4096x128xf32, #tpu.memory_space<hbm>> -> memref<1x128x128xf32, #tpu.memory_space<hbm>>
    %dma_wait3A_257 = tpu.memref_squeeze %dma_wait3A_256 : memref<1x128x128xf32, #tpu.memory_space<hbm>> -> memref<128x128xf32, #tpu.memory_space<hbm>>
    %dma_wait3A_258 = arith.constant 0 : i32
    %dma_wait3A_259 = tpu.memref_slice %arg4[%dma_wait3A_251, %mul3A_2, %dma_wait3A_258] : memref<50x4096x128xf32, #tpu.memory_space<hbm>> -> memref<1x128x128xf32, #tpu.memory_space<hbm>>
    %dma_wait3A_260 = tpu.memref_squeeze %dma_wait3A_259 : memref<1x128x128xf32, #tpu.memory_space<hbm>> -> memref<128x128xf32, #tpu.memory_space<hbm>>
    %dma_wait3A_261 = arith.constant 256 : i32
    %dma_wait3A_262 = arith.constant 0 : i32
    %dma_wait3A_263 = tpu.memref_slice %arg6[%dma_wait3A_261, %dma_wait3A_262] : memref<768x128xf32, #tpu.memory_space<vmem>> -> memref<128x128xf32, #tpu.memory_space<vmem>>
    tpu.wait_dma2 semaphore(%arg15 : memref<!tpu.dma_semaphore, #tpu.memory_space<semaphore_mem>>) src(%dma_wait3A_263 : memref<128x128xf32, #tpu.memory_space<vmem>>) dst(%dma_wait3A_260 : memref<128x128xf32, #tpu.memory_space<hbm>>)
    %dma_wait3A_264 = arith.constant 47 : i32
    %dma_wait3A_265 = arith.constant 640 : i32
    %dma_wait3A_266 = arith.constant 0 : i32
    %dma_wait3A_267 = tpu.memref_slice %arg6[%dma_wait3A_265, %dma_wait3A_266] : memref<768x128xf32, #tpu.memory_space<vmem>> -> memref<128x128xf32, #tpu.memory_space<vmem>>
    %dma_wait3A_268 = arith.constant 0 : i32
    %dma_wait3A_269 = tpu.memref_slice %arg5[%dma_wait3A_264, %dma_wait3A_268] : memref<50x128xi32, #tpu.memory_space<vmem>> -> memref<1x128xi32, #tpu.memory_space<vmem>>
    %dma_wait3A_270 = tpu.memref_squeeze %dma_wait3A_269 : memref<1x128xi32, #tpu.memory_space<vmem>> -> memref<128xi32, #tpu.memory_space<vmem>>
    %dma_wait3A_271 = arith.constant 0 : i32
    %dma_wait3A_272 = arith.constant 0 : i32
    %dma_wait3A_273 = tpu.memref_slice %arg3[%dma_wait3A_271, %dma_wait3A_272] : memref<100000x128xf32, #tpu.memory_space<hbm>> -> memref<100000x128xf32, #tpu.memory_space<hbm>>
    tpu.wait_indirect_dma semaphore(%arg12 : memref<!tpu.dma_semaphore, #tpu.memory_space<semaphore_mem>>) src(%dma_wait3A_273 : memref<100000x128xf32, #tpu.memory_space<hbm>>) dst(%dma_wait3A_267 : memref<128x128xf32, #tpu.memory_space<vmem>>)
    %scan3A_274 = arith.constant 0 : i32
    %scan3A_275 = arith.constant 128 : i32
    %scan3A_276 = arith.addi %scan3A_274, %scan3A_275 : i32
    %scan3A_277 = arith.constant 2 : i32
    scf.for %scan3A_413 = %scan3A_274 to %scan3A_276 step %scan3A_277  : i32 {
      %add3A_414 = arith.constant 640 : i32
      %add3A_415 = arith.addi %add3A_414, %scan3A_413 : i32
      %get3A = arith.index_cast %add3A_415 : i32 to index
      %get3A_416 = arith.constant 0 : index
      %get3A_417 = tpu.vector_load %arg6[%get3A, %get3A_416] {strides = array<i32>} : memref<768x128xf32, #tpu.memory_space<vmem>>, vector<1x16xf32>,
      %get3A_418 = vector.shape_cast %get3A_417 : vector<1x16xf32> to vector<16xf32>
      %mul3A_419 = arith.constant 11.3137083 : f32
      %mul3A_420 = vector.broadcast %mul3A_419 : f32 to vector<16xf32>
      %mul3A_421 = arith.mulf %get3A_418, %mul3A_420 : vector<16xf32>
      %add3A_422 = arith.constant 640 : i32
      %add3A_423 = arith.addi %add3A_422, %scan3A_413 : i32
      %swap3A = arith.index_cast %add3A_423 : i32 to index
      %swap3A_424 = arith.constant 0 : index
      %swap3A_425 = tpu.vector_load %arg6[%swap3A, %swap3A_424] {strides = array<i32>} : memref<768x128xf32, #tpu.memory_space<vmem>>, vector<1x16xf32>,
      %swap3A_426 = vector.shape_cast %swap3A_425 : vector<1x16xf32> to vector<16xf32>
      %swap3A_427 = vector.shape_cast %mul3A_421 : vector<16xf32> to vector<1x16xf32>
      tpu.vector_store %arg6[%swap3A, %swap3A_424], %swap3A_427 {strides = array<i32>} : memref<768x128xf32, #tpu.memory_space<vmem>>, vector<1x16xf32>,
      %add3A_428 = arith.constant 640 : i32
      %add3A_429 = arith.addi %add3A_428, %scan3A_413 : i32
      %get3A_430 = arith.index_cast %add3A_429 : i32 to index
      %get3A_431 = arith.constant 16 : index
      %get3A_432 = tpu.vector_load %arg6[%get3A_430, %get3A_431] {strides = array<i32>} : memref<768x128xf32, #tpu.memory_space<vmem>>, vector<1x16xf32>,
      %get3A_433 = vector.shape_cast %get3A_432 : vector<1x16xf32> to vector<16xf32>
      %mul3A_434 = arith.constant 11.3137083 : f32
      %mul3A_435 = vector.broadcast %mul3A_434 : f32 to vector<16xf32>
      %mul3A_436 = arith.mulf %get3A_433, %mul3A_435 : vector<16xf32>
      %add3A_437 = arith.constant 640 : i32
      %add3A_438 = arith.addi %add3A_437, %scan3A_413 : i32
      %swap3A_439 = arith.index_cast %add3A_438 : i32 to index
      %swap3A_440 = arith.constant 16 : index
      %swap3A_441 = tpu.vector_load %arg6[%swap3A_439, %swap3A_440] {strides = array<i32>} : memref<768x128xf32, #tpu.memory_space<vmem>>, vector<1x16xf32>,
      %swap3A_442 = vector.shape_cast %swap3A_441 : vector<1x16xf32> to vector<16xf32>
      %swap3A_443 = vector.shape_cast %mul3A_436 : vector<16xf32> to vector<1x16xf32>
      tpu.vector_store %arg6[%swap3A_439, %swap3A_440], %swap3A_443 {strides = array<i32>} : memref<768x128xf32, #tpu.memory_space<vmem>>, vector<1x16xf32>,
      %add3A_444 = arith.constant 640 : i32
      %add3A_445 = arith.addi %add3A_444, %scan3A_413 : i32
      %get3A_446 = arith.index_cast %add3A_445 : i32 to index
      %get3A_447 = arith.constant 32 : index
      %get3A_448 = tpu.vector_load %arg6[%get3A_446, %get3A_447] {strides = array<i32>} : memref<768x128xf32, #tpu.memory_space<vmem>>, vector<1x16xf32>,
      %get3A_449 = vector.shape_cast %get3A_448 : vector<1x16xf32> to vector<16xf32>
      %mul3A_450 = arith.constant 11.3137083 : f32
      %mul3A_451 = vector.broadcast %mul3A_450 : f32 to vector<16xf32>
      %mul3A_452 = arith.mulf %get3A_449, %mul3A_451 : vector<16xf32>
      %add3A_453 = arith.constant 640 : i32
      %add3A_454 = arith.addi %add3A_453, %scan3A_413 : i32
      %swap3A_455 = arith.index_cast %add3A_454 : i32 to index
      %swap3A_456 = arith.constant 32 : index
      %swap3A_457 = tpu.vector_load %arg6[%swap3A_455, %swap3A_456] {strides = array<i32>} : memref<768x128xf32, #tpu.memory_space<vmem>>, vector<1x16xf32>,
      %swap3A_458 = vector.shape_cast %swap3A_457 : vector<1x16xf32> to vector<16xf32>
      %swap3A_459 = vector.shape_cast %mul3A_452 : vector<16xf32> to vector<1x16xf32>
      tpu.vector_store %arg6[%swap3A_455, %swap3A_456], %swap3A_459 {strides = array<i32>} : memref<768x128xf32, #tpu.memory_space<vmem>>, vector<1x16xf32>,
      %add3A_460 = arith.constant 640 : i32
      %add3A_461 = arith.addi %add3A_460, %scan3A_413 : i32
      %get3A_462 = arith.index_cast %add3A_461 : i32 to index
      %get3A_463 = arith.constant 48 : index
      %get3A_464 = tpu.vector_load %arg6[%get3A_462, %get3A_463] {strides = array<i32>} : memref<768x128xf32, #tpu.memory_space<vmem>>, vector<1x16xf32>,
      %get3A_465 = vector.shape_cast %get3A_464 : vector<1x16xf32> to vector<16xf32>
      %mul3A_466 = arith.constant 11.3137083 : f32
      %mul3A_467 = vector.broadcast %mul3A_466 : f32 to vector<16xf32>
      %mul3A_468 = arith.mulf %get3A_465, %mul3A_467 : vector<16xf32>
      %add3A_469 = arith.constant 640 : i32
      %add3A_470 = arith.addi %add3A_469, %scan3A_413 : i32
      %swap3A_471 = arith.index_cast %add3A_470 : i32 to index
      %swap3A_472 = arith.constant 48 : index
      %swap3A_473 = tpu.vector_load %arg6[%swap3A_471, %swap3A_472] {strides = array<i32>} : memref<768x128xf32, #tpu.memory_space<vmem>>, vector<1x16xf32>,
      %swap3A_474 = vector.shape_cast %swap3A_473 : vector<1x16xf32> to vector<16xf32>
      %swap3A_475 = vector.shape_cast %mul3A_468 : vector<16xf32> to vector<1x16xf32>
      tpu.vector_store %arg6[%swap3A_471, %swap3A_472], %swap3A_475 {strides = array<i32>} : memref<768x128xf32, #tpu.memory_space<vmem>>, vector<1x16xf32>,
      %add3A_476 = arith.constant 640 : i32
      %add3A_477 = arith.addi %add3A_476, %scan3A_413 : i32
      %get3A_478 = arith.index_cast %add3A_477 : i32 to index
      %get3A_479 = arith.constant 64 : index
      %get3A_480 = tpu.vector_load %arg6[%get3A_478, %get3A_479] {strides = array<i32>} : memref<768x128xf32, #tpu.memory_space<vmem>>, vector<1x16xf32>,
      %get3A_481 = vector.shape_cast %get3A_480 : vector<1x16xf32> to vector<16xf32>
      %mul3A_482 = arith.constant 11.3137083 : f32
      %mul3A_483 = vector.broadcast %mul3A_482 : f32 to vector<16xf32>
      %mul3A_484 = arith.mulf %get3A_481, %mul3A_483 : vector<16xf32>
      %add3A_485 = arith.constant 640 : i32
      %add3A_486 = arith.addi %add3A_485, %scan3A_413 : i32
      %swap3A_487 = arith.index_cast %add3A_486 : i32 to index
      %swap3A_488 = arith.constant 64 : index
      %swap3A_489 = tpu.vector_load %arg6[%swap3A_487, %swap3A_488] {strides = array<i32>} : memref<768x128xf32, #tpu.memory_space<vmem>>, vector<1x16xf32>,
      %swap3A_490 = vector.shape_cast %swap3A_489 : vector<1x16xf32> to vector<16xf32>
      %swap3A_491 = vector.shape_cast %mul3A_484 : vector<16xf32> to vector<1x16xf32>
      tpu.vector_store %arg6[%swap3A_487, %swap3A_488], %swap3A_491 {strides = array<i32>} : memref<768x128xf32, #tpu.memory_space<vmem>>, vector<1x16xf32>,
      %add3A_492 = arith.constant 640 : i32
      %add3A_493 = arith.addi %add3A_492, %scan3A_413 : i32
      %get3A_494 = arith.index_cast %add3A_493 : i32 to index
      %get3A_495 = arith.constant 80 : index
      %get3A_496 = tpu.vector_load %arg6[%get3A_494, %get3A_495] {strides = array<i32>} : memref<768x128xf32, #tpu.memory_space<vmem>>, vector<1x16xf32>,
      %get3A_497 = vector.shape_cast %get3A_496 : vector<1x16xf32> to vector<16xf32>
      %mul3A_498 = arith.constant 11.3137083 : f32
      %mul3A_499 = vector.broadcast %mul3A_498 : f32 to vector<16xf32>
      %mul3A_500 = arith.mulf %get3A_497, %mul3A_499 : vector<16xf32>
      %add3A_501 = arith.constant 640 : i32
      %add3A_502 = arith.addi %add3A_501, %scan3A_413 : i32
      %swap3A_503 = arith.index_cast %add3A_502 : i32 to index
      %swap3A_504 = arith.constant 80 : index
      %swap3A_505 = tpu.vector_load %arg6[%swap3A_503, %swap3A_504] {strides = array<i32>} : memref<768x128xf32, #tpu.memory_space<vmem>>, vector<1x16xf32>,
      %swap3A_506 = vector.shape_cast %swap3A_505 : vector<1x16xf32> to vector<16xf32>
      %swap3A_507 = vector.shape_cast %mul3A_500 : vector<16xf32> to vector<1x16xf32>
      tpu.vector_store %arg6[%swap3A_503, %swap3A_504], %swap3A_507 {strides = array<i32>} : memref<768x128xf32, #tpu.memory_space<vmem>>, vector<1x16xf32>,
      %add3A_508 = arith.constant 640 : i32
      %add3A_509 = arith.addi %add3A_508, %scan3A_413 : i32
      %get3A_510 = arith.index_cast %add3A_509 : i32 to index
      %get3A_511 = arith.constant 96 : index
      %get3A_512 = tpu.vector_load %arg6[%get3A_510, %get3A_511] {strides = array<i32>} : memref<768x128xf32, #tpu.memory_space<vmem>>, vector<1x16xf32>,
      %get3A_513 = vector.shape_cast %get3A_512 : vector<1x16xf32> to vector<16xf32>
      %mul3A_514 = arith.constant 11.3137083 : f32
      %mul3A_515 = vector.broadcast %mul3A_514 : f32 to vector<16xf32>
      %mul3A_516 = arith.mulf %get3A_513, %mul3A_515 : vector<16xf32>
      %add3A_517 = arith.constant 640 : i32
      %add3A_518 = arith.addi %add3A_517, %scan3A_413 : i32
      %swap3A_519 = arith.index_cast %add3A_518 : i32 to index
      %swap3A_520 = arith.constant 96 : index
      %swap3A_521 = tpu.vector_load %arg6[%swap3A_519, %swap3A_520] {strides = array<i32>} : memref<768x128xf32, #tpu.memory_space<vmem>>, vector<1x16xf32>,
      %swap3A_522 = vector.shape_cast %swap3A_521 : vector<1x16xf32> to vector<16xf32>
      %swap3A_523 = vector.shape_cast %mul3A_516 : vector<16xf32> to vector<1x16xf32>
      tpu.vector_store %arg6[%swap3A_519, %swap3A_520], %swap3A_523 {strides = array<i32>} : memref<768x128xf32, #tpu.memory_space<vmem>>, vector<1x16xf32>,
      %add3A_524 = arith.constant 640 : i32
      %add3A_525 = arith.addi %add3A_524, %scan3A_413 : i32
      %get3A_526 = arith.index_cast %add3A_525 : i32 to index
      %get3A_527 = arith.constant 112 : index
      %get3A_528 = tpu.vector_load %arg6[%get3A_526, %get3A_527] {strides = array<i32>} : memref<768x128xf32, #tpu.memory_space<vmem>>, vector<1x16xf32>,
      %get3A_529 = vector.shape_cast %get3A_528 : vector<1x16xf32> to vector<16xf32>
      %mul3A_530 = arith.constant 11.3137083 : f32
      %mul3A_531 = vector.broadcast %mul3A_530 : f32 to vector<16xf32>
      %mul3A_532 = arith.mulf %get3A_529, %mul3A_531 : vector<16xf32>
      %add3A_533 = arith.constant 640 : i32
      %add3A_534 = arith.addi %add3A_533, %scan3A_413 : i32
      %swap3A_535 = arith.index_cast %add3A_534 : i32 to index
      %swap3A_536 = arith.constant 112 : index
      %swap3A_537 = tpu.vector_load %arg6[%swap3A_535, %swap3A_536] {strides = array<i32>} : memref<768x128xf32, #tpu.memory_space<vmem>>, vector<1x16xf32>,
      %swap3A_538 = vector.shape_cast %swap3A_537 : vector<1x16xf32> to vector<16xf32>
      %swap3A_539 = vector.shape_cast %mul3A_532 : vector<16xf32> to vector<1x16xf32>
      tpu.vector_store %arg6[%swap3A_535, %swap3A_536], %swap3A_539 {strides = array<i32>} : memref<768x128xf32, #tpu.memory_space<vmem>>, vector<1x16xf32>,
      %scan3A_540 = arith.constant 1 : i32
      %scan3A_541 = arith.addi %scan3A_413, %scan3A_540 : i32
      %add3A_542 = arith.constant 640 : i32
      %add3A_543 = arith.addi %add3A_542, %scan3A_541 : i32
      %get3A_544 = arith.index_cast %add3A_543 : i32 to index
      %get3A_545 = arith.constant 0 : index
      %get3A_546 = tpu.vector_load %arg6[%get3A_544, %get3A_545] {strides = array<i32>} : memref<768x128xf32, #tpu.memory_space<vmem>>, vector<1x16xf32>,
      %get3A_547 = vector.shape_cast %get3A_546 : vector<1x16xf32> to vector<16xf32>
      %mul3A_548 = arith.constant 11.3137083 : f32
      %mul3A_549 = vector.broadcast %mul3A_548 : f32 to vector<16xf32>
      %mul3A_550 = arith.mulf %get3A_547, %mul3A_549 : vector<16xf32>
      %add3A_551 = arith.constant 640 : i32
      %add3A_552 = arith.addi %add3A_551, %scan3A_541 : i32
      %swap3A_553 = arith.index_cast %add3A_552 : i32 to index
      %swap3A_554 = arith.constant 0 : index
      %swap3A_555 = tpu.vector_load %arg6[%swap3A_553, %swap3A_554] {strides = array<i32>} : memref<768x128xf32, #tpu.memory_space<vmem>>, vector<1x16xf32>,
      %swap3A_556 = vector.shape_cast %swap3A_555 : vector<1x16xf32> to vector<16xf32>
      %swap3A_557 = vector.shape_cast %mul3A_550 : vector<16xf32> to vector<1x16xf32>
      tpu.vector_store %arg6[%swap3A_553, %swap3A_554], %swap3A_557 {strides = array<i32>} : memref<768x128xf32, #tpu.memory_space<vmem>>, vector<1x16xf32>,
      %add3A_558 = arith.constant 640 : i32
      %add3A_559 = arith.addi %add3A_558, %scan3A_541 : i32
      %get3A_560 = arith.index_cast %add3A_559 : i32 to index
      %get3A_561 = arith.constant 16 : index
      %get3A_562 = tpu.vector_load %arg6[%get3A_560, %get3A_561] {strides = array<i32>} : memref<768x128xf32, #tpu.memory_space<vmem>>, vector<1x16xf32>,
      %get3A_563 = vector.shape_cast %get3A_562 : vector<1x16xf32> to vector<16xf32>
      %mul3A_564 = arith.constant 11.3137083 : f32
      %mul3A_565 = vector.broadcast %mul3A_564 : f32 to vector<16xf32>
      %mul3A_566 = arith.mulf %get3A_563, %mul3A_565 : vector<16xf32>
      %add3A_567 = arith.constant 640 : i32
      %add3A_568 = arith.addi %add3A_567, %scan3A_541 : i32
      %swap3A_569 = arith.index_cast %add3A_568 : i32 to index
      %swap3A_570 = arith.constant 16 : index
      %swap3A_571 = tpu.vector_load %arg6[%swap3A_569, %swap3A_570] {strides = array<i32>} : memref<768x128xf32, #tpu.memory_space<vmem>>, vector<1x16xf32>,
      %swap3A_572 = vector.shape_cast %swap3A_571 : vector<1x16xf32> to vector<16xf32>
      %swap3A_573 = vector.shape_cast %mul3A_566 : vector<16xf32> to vector<1x16xf32>
      tpu.vector_store %arg6[%swap3A_569, %swap3A_570], %swap3A_573 {strides = array<i32>} : memref<768x128xf32, #tpu.memory_space<vmem>>, vector<1x16xf32>,
      %add3A_574 = arith.constant 640 : i32
      %add3A_575 = arith.addi %add3A_574, %scan3A_541 : i32
      %get3A_576 = arith.index_cast %add3A_575 : i32 to index
      %get3A_577 = arith.constant 32 : index
      %get3A_578 = tpu.vector_load %arg6[%get3A_576, %get3A_577] {strides = array<i32>} : memref<768x128xf32, #tpu.memory_space<vmem>>, vector<1x16xf32>,
      %get3A_579 = vector.shape_cast %get3A_578 : vector<1x16xf32> to vector<16xf32>
      %mul3A_580 = arith.constant 11.3137083 : f32
      %mul3A_581 = vector.broadcast %mul3A_580 : f32 to vector<16xf32>
      %mul3A_582 = arith.mulf %get3A_579, %mul3A_581 : vector<16xf32>
      %add3A_583 = arith.constant 640 : i32
      %add3A_584 = arith.addi %add3A_583, %scan3A_541 : i32
      %swap3A_585 = arith.index_cast %add3A_584 : i32 to index
      %swap3A_586 = arith.constant 32 : index
      %swap3A_587 = tpu.vector_load %arg6[%swap3A_585, %swap3A_586] {strides = array<i32>} : memref<768x128xf32, #tpu.memory_space<vmem>>, vector<1x16xf32>,
      %swap3A_588 = vector.shape_cast %swap3A_587 : vector<1x16xf32> to vector<16xf32>
      %swap3A_589 = vector.shape_cast %mul3A_582 : vector<16xf32> to vector<1x16xf32>
      tpu.vector_store %arg6[%swap3A_585, %swap3A_586], %swap3A_589 {strides = array<i32>} : memref<768x128xf32, #tpu.memory_space<vmem>>, vector<1x16xf32>,
      %add3A_590 = arith.constant 640 : i32
      %add3A_591 = arith.addi %add3A_590, %scan3A_541 : i32
      %get3A_592 = arith.index_cast %add3A_591 : i32 to index
      %get3A_593 = arith.constant 48 : index
      %get3A_594 = tpu.vector_load %arg6[%get3A_592, %get3A_593] {strides = array<i32>} : memref<768x128xf32, #tpu.memory_space<vmem>>, vector<1x16xf32>,
      %get3A_595 = vector.shape_cast %get3A_594 : vector<1x16xf32> to vector<16xf32>
      %mul3A_596 = arith.constant 11.3137083 : f32
      %mul3A_597 = vector.broadcast %mul3A_596 : f32 to vector<16xf32>
      %mul3A_598 = arith.mulf %get3A_595, %mul3A_597 : vector<16xf32>
      %add3A_599 = arith.constant 640 : i32
      %add3A_600 = arith.addi %add3A_599, %scan3A_541 : i32
      %swap3A_601 = arith.index_cast %add3A_600 : i32 to index
      %swap3A_602 = arith.constant 48 : index
      %swap3A_603 = tpu.vector_load %arg6[%swap3A_601, %swap3A_602] {strides = array<i32>} : memref<768x128xf32, #tpu.memory_space<vmem>>, vector<1x16xf32>,
      %swap3A_604 = vector.shape_cast %swap3A_603 : vector<1x16xf32> to vector<16xf32>
      %swap3A_605 = vector.shape_cast %mul3A_598 : vector<16xf32> to vector<1x16xf32>
      tpu.vector_store %arg6[%swap3A_601, %swap3A_602], %swap3A_605 {strides = array<i32>} : memref<768x128xf32, #tpu.memory_space<vmem>>, vector<1x16xf32>,
      %add3A_606 = arith.constant 640 : i32
      %add3A_607 = arith.addi %add3A_606, %scan3A_541 : i32
      %get3A_608 = arith.index_cast %add3A_607 : i32 to index
      %get3A_609 = arith.constant 64 : index
      %get3A_610 = tpu.vector_load %arg6[%get3A_608, %get3A_609] {strides = array<i32>} : memref<768x128xf32, #tpu.memory_space<vmem>>, vector<1x16xf32>,
      %get3A_611 = vector.shape_cast %get3A_610 : vector<1x16xf32> to vector<16xf32>
      %mul3A_612 = arith.constant 11.3137083 : f32
      %mul3A_613 = vector.broadcast %mul3A_612 : f32 to vector<16xf32>
      %mul3A_614 = arith.mulf %get3A_611, %mul3A_613 : vector<16xf32>
      %add3A_615 = arith.constant 640 : i32
      %add3A_616 = arith.addi %add3A_615, %scan3A_541 : i32
      %swap3A_617 = arith.index_cast %add3A_616 : i32 to index
      %swap3A_618 = arith.constant 64 : index
      %swap3A_619 = tpu.vector_load %arg6[%swap3A_617, %swap3A_618] {strides = array<i32>} : memref<768x128xf32, #tpu.memory_space<vmem>>, vector<1x16xf32>,
      %swap3A_620 = vector.shape_cast %swap3A_619 : vector<1x16xf32> to vector<16xf32>
      %swap3A_621 = vector.shape_cast %mul3A_614 : vector<16xf32> to vector<1x16xf32>
      tpu.vector_store %arg6[%swap3A_617, %swap3A_618], %swap3A_621 {strides = array<i32>} : memref<768x128xf32, #tpu.memory_space<vmem>>, vector<1x16xf32>,
      %add3A_622 = arith.constant 640 : i32
      %add3A_623 = arith.addi %add3A_622, %scan3A_541 : i32
      %get3A_624 = arith.index_cast %add3A_623 : i32 to index
      %get3A_625 = arith.constant 80 : index
      %get3A_626 = tpu.vector_load %arg6[%get3A_624, %get3A_625] {strides = array<i32>} : memref<768x128xf32, #tpu.memory_space<vmem>>, vector<1x16xf32>,
      %get3A_627 = vector.shape_cast %get3A_626 : vector<1x16xf32> to vector<16xf32>
      %mul3A_628 = arith.constant 11.3137083 : f32
      %mul3A_629 = vector.broadcast %mul3A_628 : f32 to vector<16xf32>
      %mul3A_630 = arith.mulf %get3A_627, %mul3A_629 : vector<16xf32>
      %add3A_631 = arith.constant 640 : i32
      %add3A_632 = arith.addi %add3A_631, %scan3A_541 : i32
      %swap3A_633 = arith.index_cast %add3A_632 : i32 to index
      %swap3A_634 = arith.constant 80 : index
      %swap3A_635 = tpu.vector_load %arg6[%swap3A_633, %swap3A_634] {strides = array<i32>} : memref<768x128xf32, #tpu.memory_space<vmem>>, vector<1x16xf32>,
      %swap3A_636 = vector.shape_cast %swap3A_635 : vector<1x16xf32> to vector<16xf32>
      %swap3A_637 = vector.shape_cast %mul3A_630 : vector<16xf32> to vector<1x16xf32>
      tpu.vector_store %arg6[%swap3A_633, %swap3A_634], %swap3A_637 {strides = array<i32>} : memref<768x128xf32, #tpu.memory_space<vmem>>, vector<1x16xf32>,
      %add3A_638 = arith.constant 640 : i32
      %add3A_639 = arith.addi %add3A_638, %scan3A_541 : i32
      %get3A_640 = arith.index_cast %add3A_639 : i32 to index
      %get3A_641 = arith.constant 96 : index
      %get3A_642 = tpu.vector_load %arg6[%get3A_640, %get3A_641] {strides = array<i32>} : memref<768x128xf32, #tpu.memory_space<vmem>>, vector<1x16xf32>,
      %get3A_643 = vector.shape_cast %get3A_642 : vector<1x16xf32> to vector<16xf32>
      %mul3A_644 = arith.constant 11.3137083 : f32
      %mul3A_645 = vector.broadcast %mul3A_644 : f32 to vector<16xf32>
      %mul3A_646 = arith.mulf %get3A_643, %mul3A_645 : vector<16xf32>
      %add3A_647 = arith.constant 640 : i32
      %add3A_648 = arith.addi %add3A_647, %scan3A_541 : i32
      %swap3A_649 = arith.index_cast %add3A_648 : i32 to index
      %swap3A_650 = arith.constant 96 : index
      %swap3A_651 = tpu.vector_load %arg6[%swap3A_649, %swap3A_650] {strides = array<i32>} : memref<768x128xf32, #tpu.memory_space<vmem>>, vector<1x16xf32>,
      %swap3A_652 = vector.shape_cast %swap3A_651 : vector<1x16xf32> to vector<16xf32>
      %swap3A_653 = vector.shape_cast %mul3A_646 : vector<16xf32> to vector<1x16xf32>
      tpu.vector_store %arg6[%swap3A_649, %swap3A_650], %swap3A_653 {strides = array<i32>} : memref<768x128xf32, #tpu.memory_space<vmem>>, vector<1x16xf32>,
      %add3A_654 = arith.constant 640 : i32
      %add3A_655 = arith.addi %add3A_654, %scan3A_541 : i32
      %get3A_656 = arith.index_cast %add3A_655 : i32 to index
      %get3A_657 = arith.constant 112 : index
      %get3A_658 = tpu.vector_load %arg6[%get3A_656, %get3A_657] {strides = array<i32>} : memref<768x128xf32, #tpu.memory_space<vmem>>, vector<1x16xf32>,
      %get3A_659 = vector.shape_cast %get3A_658 : vector<1x16xf32> to vector<16xf32>
      %mul3A_660 = arith.constant 11.3137083 : f32
      %mul3A_661 = vector.broadcast %mul3A_660 : f32 to vector<16xf32>
      %mul3A_662 = arith.mulf %get3A_659, %mul3A_661 : vector<16xf32>
      %add3A_663 = arith.constant 640 : i32
      %add3A_664 = arith.addi %add3A_663, %scan3A_541 : i32
      %swap3A_665 = arith.index_cast %add3A_664 : i32 to index
      %swap3A_666 = arith.constant 112 : index
      %swap3A_667 = tpu.vector_load %arg6[%swap3A_665, %swap3A_666] {strides = array<i32>} : memref<768x128xf32, #tpu.memory_space<vmem>>, vector<1x16xf32>,
      %swap3A_668 = vector.shape_cast %swap3A_667 : vector<1x16xf32> to vector<16xf32>
      %swap3A_669 = vector.shape_cast %mul3A_662 : vector<16xf32> to vector<1x16xf32>
      tpu.vector_store %arg6[%swap3A_665, %swap3A_666], %swap3A_669 {strides = array<i32>} : memref<768x128xf32, #tpu.memory_space<vmem>>, vector<1x16xf32>,
    }
    %scan3A_278 = arith.constant 128 : i32
    %dma_start3A_279 = arith.constant 47 : i32
    %dma_start3A_280 = arith.constant 640 : i32
    %dma_start3A_281 = arith.constant 0 : i32
    %dma_start3A_282 = tpu.memref_slice %arg6[%dma_start3A_280, %dma_start3A_281] : memref<768x128xf32, #tpu.memory_space<vmem>> -> memref<128x128xf32, #tpu.memory_space<vmem>>
    %dma_start3A_283 = arith.constant 0 : i32
    %dma_start3A_284 = tpu.memref_slice %arg4[%dma_start3A_279, %mul3A_2, %dma_start3A_283] : memref<50x4096x128xf32, #tpu.memory_space<hbm>> -> memref<1x128x128xf32, #tpu.memory_space<hbm>>
    %dma_start3A_285 = tpu.memref_squeeze %dma_start3A_284 : memref<1x128x128xf32, #tpu.memory_space<hbm>> -> memref<128x128xf32, #tpu.memory_space<hbm>>
    %dma_start3A_286 = arith.constant 0 : i32
    %dma_start3A_287 = tpu.memref_slice %arg4[%dma_start3A_279, %mul3A_2, %dma_start3A_286] : memref<50x4096x128xf32, #tpu.memory_space<hbm>> -> memref<1x128x128xf32, #tpu.memory_space<hbm>>
    %dma_start3A_288 = tpu.memref_squeeze %dma_start3A_287 : memref<1x128x128xf32, #tpu.memory_space<hbm>> -> memref<128x128xf32, #tpu.memory_space<hbm>>
    %dma_start3A_289 = arith.constant 640 : i32
    %dma_start3A_290 = arith.constant 0 : i32
    %dma_start3A_291 = tpu.memref_slice %arg6[%dma_start3A_289, %dma_start3A_290] : memref<768x128xf32, #tpu.memory_space<vmem>> -> memref<128x128xf32, #tpu.memory_space<vmem>>
    tpu.enqueue_dma source(%dma_start3A_291 : memref<128x128xf32, #tpu.memory_space<vmem>>) target(%dma_start3A_288 : memref<128x128xf32, #tpu.memory_space<hbm>>) target_semaphore(%arg18 : memref<!tpu.dma_semaphore, #tpu.memory_space<semaphore_mem>>)
    %dma_wait3A_292 = arith.constant 45 : i32
    %dma_wait3A_293 = arith.constant 384 : i32
    %dma_wait3A_294 = arith.constant 0 : i32
    %dma_wait3A_295 = tpu.memref_slice %arg6[%dma_wait3A_293, %dma_wait3A_294] : memref<768x128xf32, #tpu.memory_space<vmem>> -> memref<128x128xf32, #tpu.memory_space<vmem>>
    %dma_wait3A_296 = arith.constant 0 : i32
    %dma_wait3A_297 = tpu.memref_slice %arg4[%dma_wait3A_292, %mul3A_2, %dma_wait3A_296] : memref<50x4096x128xf32, #tpu.memory_space<hbm>> -> memref<1x128x128xf32, #tpu.memory_space<hbm>>
    %dma_wait3A_298 = tpu.memref_squeeze %dma_wait3A_297 : memref<1x128x128xf32, #tpu.memory_space<hbm>> -> memref<128x128xf32, #tpu.memory_space<hbm>>
    %dma_wait3A_299 = arith.constant 0 : i32
    %dma_wait3A_300 = tpu.memref_slice %arg4[%dma_wait3A_292, %mul3A_2, %dma_wait3A_299] : memref<50x4096x128xf32, #tpu.memory_space<hbm>> -> memref<1x128x128xf32, #tpu.memory_space<hbm>>
    %dma_wait3A_301 = tpu.memref_squeeze %dma_wait3A_300 : memref<1x128x128xf32, #tpu.memory_space<hbm>> -> memref<128x128xf32, #tpu.memory_space<hbm>>
    %dma_wait3A_302 = arith.constant 384 : i32
    %dma_wait3A_303 = arith.constant 0 : i32
    %dma_wait3A_304 = tpu.memref_slice %arg6[%dma_wait3A_302, %dma_wait3A_303] : memref<768x128xf32, #tpu.memory_space<vmem>> -> memref<128x128xf32, #tpu.memory_space<vmem>>
    tpu.wait_dma2 semaphore(%arg16 : memref<!tpu.dma_semaphore, #tpu.memory_space<semaphore_mem>>) src(%dma_wait3A_304 : memref<128x128xf32, #tpu.memory_space<vmem>>) dst(%dma_wait3A_301 : memref<128x128xf32, #tpu.memory_space<hbm>>)
    %dma_wait3A_305 = arith.constant 48 : i32
    %dma_wait3A_306 = arith.constant 0 : i32
    %dma_wait3A_307 = arith.constant 0 : i32
    %dma_wait3A_308 = tpu.memref_slice %arg6[%dma_wait3A_306, %dma_wait3A_307] : memref<768x128xf32, #tpu.memory_space<vmem>> -> memref<128x128xf32, #tpu.memory_space<vmem>>
    %dma_wait3A_309 = arith.constant 0 : i32
    %dma_wait3A_310 = tpu.memref_slice %arg5[%dma_wait3A_305, %dma_wait3A_309] : memref<50x128xi32, #tpu.memory_space<vmem>> -> memref<1x128xi32, #tpu.memory_space<vmem>>
    %dma_wait3A_311 = tpu.memref_squeeze %dma_wait3A_310 : memref<1x128xi32, #tpu.memory_space<vmem>> -> memref<128xi32, #tpu.memory_space<vmem>>
    %dma_wait3A_312 = arith.constant 0 : i32
    %dma_wait3A_313 = arith.constant 0 : i32
    %dma_wait3A_314 = tpu.memref_slice %arg3[%dma_wait3A_312, %dma_wait3A_313] : memref<100000x128xf32, #tpu.memory_space<hbm>> -> memref<100000x128xf32, #tpu.memory_space<hbm>>
    tpu.wait_indirect_dma semaphore(%arg7 : memref<!tpu.dma_semaphore, #tpu.memory_space<semaphore_mem>>) src(%dma_wait3A_314 : memref<100000x128xf32, #tpu.memory_space<hbm>>) dst(%dma_wait3A_308 : memref<128x128xf32, #tpu.memory_space<vmem>>)
    %scan3A_315 = arith.constant 0 : i32
    %scan3A_316 = arith.constant 128 : i32
    %scan3A_317 = arith.addi %scan3A_315, %scan3A_316 : i32
    %scan3A_318 = arith.constant 2 : i32
    scf.for %scan3A_413 = %scan3A_315 to %scan3A_317 step %scan3A_318  : i32 {
      %add3A_414 = arith.constant 0 : i32
      %add3A_415 = arith.addi %add3A_414, %scan3A_413 : i32
      %get3A = arith.index_cast %add3A_415 : i32 to index
      %get3A_416 = arith.constant 0 : index
      %get3A_417 = tpu.vector_load %arg6[%get3A, %get3A_416] {strides = array<i32>} : memref<768x128xf32, #tpu.memory_space<vmem>>, vector<1x16xf32>,
      %get3A_418 = vector.shape_cast %get3A_417 : vector<1x16xf32> to vector<16xf32>
      %mul3A_419 = arith.constant 11.3137083 : f32
      %mul3A_420 = vector.broadcast %mul3A_419 : f32 to vector<16xf32>
      %mul3A_421 = arith.mulf %get3A_418, %mul3A_420 : vector<16xf32>
      %add3A_422 = arith.constant 0 : i32
      %add3A_423 = arith.addi %add3A_422, %scan3A_413 : i32
      %swap3A = arith.index_cast %add3A_423 : i32 to index
      %swap3A_424 = arith.constant 0 : index
      %swap3A_425 = tpu.vector_load %arg6[%swap3A, %swap3A_424] {strides = array<i32>} : memref<768x128xf32, #tpu.memory_space<vmem>>, vector<1x16xf32>,
      %swap3A_426 = vector.shape_cast %swap3A_425 : vector<1x16xf32> to vector<16xf32>
      %swap3A_427 = vector.shape_cast %mul3A_421 : vector<16xf32> to vector<1x16xf32>
      tpu.vector_store %arg6[%swap3A, %swap3A_424], %swap3A_427 {strides = array<i32>} : memref<768x128xf32, #tpu.memory_space<vmem>>, vector<1x16xf32>,
      %add3A_428 = arith.constant 0 : i32
      %add3A_429 = arith.addi %add3A_428, %scan3A_413 : i32
      %get3A_430 = arith.index_cast %add3A_429 : i32 to index
      %get3A_431 = arith.constant 16 : index
      %get3A_432 = tpu.vector_load %arg6[%get3A_430, %get3A_431] {strides = array<i32>} : memref<768x128xf32, #tpu.memory_space<vmem>>, vector<1x16xf32>,
      %get3A_433 = vector.shape_cast %get3A_432 : vector<1x16xf32> to vector<16xf32>
      %mul3A_434 = arith.constant 11.3137083 : f32
      %mul3A_435 = vector.broadcast %mul3A_434 : f32 to vector<16xf32>
      %mul3A_436 = arith.mulf %get3A_433, %mul3A_435 : vector<16xf32>
      %add3A_437 = arith.constant 0 : i32
      %add3A_438 = arith.addi %add3A_437, %scan3A_413 : i32
      %swap3A_439 = arith.index_cast %add3A_438 : i32 to index
      %swap3A_440 = arith.constant 16 : index
      %swap3A_441 = tpu.vector_load %arg6[%swap3A_439, %swap3A_440] {strides = array<i32>} : memref<768x128xf32, #tpu.memory_space<vmem>>, vector<1x16xf32>,
      %swap3A_442 = vector.shape_cast %swap3A_441 : vector<1x16xf32> to vector<16xf32>
      %swap3A_443 = vector.shape_cast %mul3A_436 : vector<16xf32> to vector<1x16xf32>
      tpu.vector_store %arg6[%swap3A_439, %swap3A_440], %swap3A_443 {strides = array<i32>} : memref<768x128xf32, #tpu.memory_space<vmem>>, vector<1x16xf32>,
      %add3A_444 = arith.constant 0 : i32
      %add3A_445 = arith.addi %add3A_444, %scan3A_413 : i32
      %get3A_446 = arith.index_cast %add3A_445 : i32 to index
      %get3A_447 = arith.constant 32 : index
      %get3A_448 = tpu.vector_load %arg6[%get3A_446, %get3A_447] {strides = array<i32>} : memref<768x128xf32, #tpu.memory_space<vmem>>, vector<1x16xf32>,
      %get3A_449 = vector.shape_cast %get3A_448 : vector<1x16xf32> to vector<16xf32>
      %mul3A_450 = arith.constant 11.3137083 : f32
      %mul3A_451 = vector.broadcast %mul3A_450 : f32 to vector<16xf32>
      %mul3A_452 = arith.mulf %get3A_449, %mul3A_451 : vector<16xf32>
      %add3A_453 = arith.constant 0 : i32
      %add3A_454 = arith.addi %add3A_453, %scan3A_413 : i32
      %swap3A_455 = arith.index_cast %add3A_454 : i32 to index
      %swap3A_456 = arith.constant 32 : index
      %swap3A_457 = tpu.vector_load %arg6[%swap3A_455, %swap3A_456] {strides = array<i32>} : memref<768x128xf32, #tpu.memory_space<vmem>>, vector<1x16xf32>,
      %swap3A_458 = vector.shape_cast %swap3A_457 : vector<1x16xf32> to vector<16xf32>
      %swap3A_459 = vector.shape_cast %mul3A_452 : vector<16xf32> to vector<1x16xf32>
      tpu.vector_store %arg6[%swap3A_455, %swap3A_456], %swap3A_459 {strides = array<i32>} : memref<768x128xf32, #tpu.memory_space<vmem>>, vector<1x16xf32>,
      %add3A_460 = arith.constant 0 : i32
      %add3A_461 = arith.addi %add3A_460, %scan3A_413 : i32
      %get3A_462 = arith.index_cast %add3A_461 : i32 to index
      %get3A_463 = arith.constant 48 : index
      %get3A_464 = tpu.vector_load %arg6[%get3A_462, %get3A_463] {strides = array<i32>} : memref<768x128xf32, #tpu.memory_space<vmem>>, vector<1x16xf32>,
      %get3A_465 = vector.shape_cast %get3A_464 : vector<1x16xf32> to vector<16xf32>
      %mul3A_466 = arith.constant 11.3137083 : f32
      %mul3A_467 = vector.broadcast %mul3A_466 : f32 to vector<16xf32>
      %mul3A_468 = arith.mulf %get3A_465, %mul3A_467 : vector<16xf32>
      %add3A_469 = arith.constant 0 : i32
      %add3A_470 = arith.addi %add3A_469, %scan3A_413 : i32
      %swap3A_471 = arith.index_cast %add3A_470 : i32 to index
      %swap3A_472 = arith.constant 48 : index
      %swap3A_473 = tpu.vector_load %arg6[%swap3A_471, %swap3A_472] {strides = array<i32>} : memref<768x128xf32, #tpu.memory_space<vmem>>, vector<1x16xf32>,
      %swap3A_474 = vector.shape_cast %swap3A_473 : vector<1x16xf32> to vector<16xf32>
      %swap3A_475 = vector.shape_cast %mul3A_468 : vector<16xf32> to vector<1x16xf32>
      tpu.vector_store %arg6[%swap3A_471, %swap3A_472], %swap3A_475 {strides = array<i32>} : memref<768x128xf32, #tpu.memory_space<vmem>>, vector<1x16xf32>,
      %add3A_476 = arith.constant 0 : i32
      %add3A_477 = arith.addi %add3A_476, %scan3A_413 : i32
      %get3A_478 = arith.index_cast %add3A_477 : i32 to index
      %get3A_479 = arith.constant 64 : index
      %get3A_480 = tpu.vector_load %arg6[%get3A_478, %get3A_479] {strides = array<i32>} : memref<768x128xf32, #tpu.memory_space<vmem>>, vector<1x16xf32>,
      %get3A_481 = vector.shape_cast %get3A_480 : vector<1x16xf32> to vector<16xf32>
      %mul3A_482 = arith.constant 11.3137083 : f32
      %mul3A_483 = vector.broadcast %mul3A_482 : f32 to vector<16xf32>
      %mul3A_484 = arith.mulf %get3A_481, %mul3A_483 : vector<16xf32>
      %add3A_485 = arith.constant 0 : i32
      %add3A_486 = arith.addi %add3A_485, %scan3A_413 : i32
      %swap3A_487 = arith.index_cast %add3A_486 : i32 to index
      %swap3A_488 = arith.constant 64 : index
      %swap3A_489 = tpu.vector_load %arg6[%swap3A_487, %swap3A_488] {strides = array<i32>} : memref<768x128xf32, #tpu.memory_space<vmem>>, vector<1x16xf32>,
      %swap3A_490 = vector.shape_cast %swap3A_489 : vector<1x16xf32> to vector<16xf32>
      %swap3A_491 = vector.shape_cast %mul3A_484 : vector<16xf32> to vector<1x16xf32>
      tpu.vector_store %arg6[%swap3A_487, %swap3A_488], %swap3A_491 {strides = array<i32>} : memref<768x128xf32, #tpu.memory_space<vmem>>, vector<1x16xf32>,
      %add3A_492 = arith.constant 0 : i32
      %add3A_493 = arith.addi %add3A_492, %scan3A_413 : i32
      %get3A_494 = arith.index_cast %add3A_493 : i32 to index
      %get3A_495 = arith.constant 80 : index
      %get3A_496 = tpu.vector_load %arg6[%get3A_494, %get3A_495] {strides = array<i32>} : memref<768x128xf32, #tpu.memory_space<vmem>>, vector<1x16xf32>,
      %get3A_497 = vector.shape_cast %get3A_496 : vector<1x16xf32> to vector<16xf32>
      %mul3A_498 = arith.constant 11.3137083 : f32
      %mul3A_499 = vector.broadcast %mul3A_498 : f32 to vector<16xf32>
      %mul3A_500 = arith.mulf %get3A_497, %mul3A_499 : vector<16xf32>
      %add3A_501 = arith.constant 0 : i32
      %add3A_502 = arith.addi %add3A_501, %scan3A_413 : i32
      %swap3A_503 = arith.index_cast %add3A_502 : i32 to index
      %swap3A_504 = arith.constant 80 : index
      %swap3A_505 = tpu.vector_load %arg6[%swap3A_503, %swap3A_504] {strides = array<i32>} : memref<768x128xf32, #tpu.memory_space<vmem>>, vector<1x16xf32>,
      %swap3A_506 = vector.shape_cast %swap3A_505 : vector<1x16xf32> to vector<16xf32>
      %swap3A_507 = vector.shape_cast %mul3A_500 : vector<16xf32> to vector<1x16xf32>
      tpu.vector_store %arg6[%swap3A_503, %swap3A_504], %swap3A_507 {strides = array<i32>} : memref<768x128xf32, #tpu.memory_space<vmem>>, vector<1x16xf32>,
      %add3A_508 = arith.constant 0 : i32
      %add3A_509 = arith.addi %add3A_508, %scan3A_413 : i32
      %get3A_510 = arith.index_cast %add3A_509 : i32 to index
      %get3A_511 = arith.constant 96 : index
      %get3A_512 = tpu.vector_load %arg6[%get3A_510, %get3A_511] {strides = array<i32>} : memref<768x128xf32, #tpu.memory_space<vmem>>, vector<1x16xf32>,
      %get3A_513 = vector.shape_cast %get3A_512 : vector<1x16xf32> to vector<16xf32>
      %mul3A_514 = arith.constant 11.3137083 : f32
      %mul3A_515 = vector.broadcast %mul3A_514 : f32 to vector<16xf32>
      %mul3A_516 = arith.mulf %get3A_513, %mul3A_515 : vector<16xf32>
      %add3A_517 = arith.constant 0 : i32
      %add3A_518 = arith.addi %add3A_517, %scan3A_413 : i32
      %swap3A_519 = arith.index_cast %add3A_518 : i32 to index
      %swap3A_520 = arith.constant 96 : index
      %swap3A_521 = tpu.vector_load %arg6[%swap3A_519, %swap3A_520] {strides = array<i32>} : memref<768x128xf32, #tpu.memory_space<vmem>>, vector<1x16xf32>,
      %swap3A_522 = vector.shape_cast %swap3A_521 : vector<1x16xf32> to vector<16xf32>
      %swap3A_523 = vector.shape_cast %mul3A_516 : vector<16xf32> to vector<1x16xf32>
      tpu.vector_store %arg6[%swap3A_519, %swap3A_520], %swap3A_523 {strides = array<i32>} : memref<768x128xf32, #tpu.memory_space<vmem>>, vector<1x16xf32>,
      %add3A_524 = arith.constant 0 : i32
      %add3A_525 = arith.addi %add3A_524, %scan3A_413 : i32
      %get3A_526 = arith.index_cast %add3A_525 : i32 to index
      %get3A_527 = arith.constant 112 : index
      %get3A_528 = tpu.vector_load %arg6[%get3A_526, %get3A_527] {strides = array<i32>} : memref<768x128xf32, #tpu.memory_space<vmem>>, vector<1x16xf32>,
      %get3A_529 = vector.shape_cast %get3A_528 : vector<1x16xf32> to vector<16xf32>
      %mul3A_530 = arith.constant 11.3137083 : f32
      %mul3A_531 = vector.broadcast %mul3A_530 : f32 to vector<16xf32>
      %mul3A_532 = arith.mulf %get3A_529, %mul3A_531 : vector<16xf32>
      %add3A_533 = arith.constant 0 : i32
      %add3A_534 = arith.addi %add3A_533, %scan3A_413 : i32
      %swap3A_535 = arith.index_cast %add3A_534 : i32 to index
      %swap3A_536 = arith.constant 112 : index
      %swap3A_537 = tpu.vector_load %arg6[%swap3A_535, %swap3A_536] {strides = array<i32>} : memref<768x128xf32, #tpu.memory_space<vmem>>, vector<1x16xf32>,
      %swap3A_538 = vector.shape_cast %swap3A_537 : vector<1x16xf32> to vector<16xf32>
      %swap3A_539 = vector.shape_cast %mul3A_532 : vector<16xf32> to vector<1x16xf32>
      tpu.vector_store %arg6[%swap3A_535, %swap3A_536], %swap3A_539 {strides = array<i32>} : memref<768x128xf32, #tpu.memory_space<vmem>>, vector<1x16xf32>,
      %scan3A_540 = arith.constant 1 : i32
      %scan3A_541 = arith.addi %scan3A_413, %scan3A_540 : i32
      %add3A_542 = arith.constant 0 : i32
      %add3A_543 = arith.addi %add3A_542, %scan3A_541 : i32
      %get3A_544 = arith.index_cast %add3A_543 : i32 to index
      %get3A_545 = arith.constant 0 : index
      %get3A_546 = tpu.vector_load %arg6[%get3A_544, %get3A_545] {strides = array<i32>} : memref<768x128xf32, #tpu.memory_space<vmem>>, vector<1x16xf32>,
      %get3A_547 = vector.shape_cast %get3A_546 : vector<1x16xf32> to vector<16xf32>
      %mul3A_548 = arith.constant 11.3137083 : f32
      %mul3A_549 = vector.broadcast %mul3A_548 : f32 to vector<16xf32>
      %mul3A_550 = arith.mulf %get3A_547, %mul3A_549 : vector<16xf32>
      %add3A_551 = arith.constant 0 : i32
      %add3A_552 = arith.addi %add3A_551, %scan3A_541 : i32
      %swap3A_553 = arith.index_cast %add3A_552 : i32 to index
      %swap3A_554 = arith.constant 0 : index
      %swap3A_555 = tpu.vector_load %arg6[%swap3A_553, %swap3A_554] {strides = array<i32>} : memref<768x128xf32, #tpu.memory_space<vmem>>, vector<1x16xf32>,
      %swap3A_556 = vector.shape_cast %swap3A_555 : vector<1x16xf32> to vector<16xf32>
      %swap3A_557 = vector.shape_cast %mul3A_550 : vector<16xf32> to vector<1x16xf32>
      tpu.vector_store %arg6[%swap3A_553, %swap3A_554], %swap3A_557 {strides = array<i32>} : memref<768x128xf32, #tpu.memory_space<vmem>>, vector<1x16xf32>,
      %add3A_558 = arith.constant 0 : i32
      %add3A_559 = arith.addi %add3A_558, %scan3A_541 : i32
      %get3A_560 = arith.index_cast %add3A_559 : i32 to index
      %get3A_561 = arith.constant 16 : index
      %get3A_562 = tpu.vector_load %arg6[%get3A_560, %get3A_561] {strides = array<i32>} : memref<768x128xf32, #tpu.memory_space<vmem>>, vector<1x16xf32>,
      %get3A_563 = vector.shape_cast %get3A_562 : vector<1x16xf32> to vector<16xf32>
      %mul3A_564 = arith.constant 11.3137083 : f32
      %mul3A_565 = vector.broadcast %mul3A_564 : f32 to vector<16xf32>
      %mul3A_566 = arith.mulf %get3A_563, %mul3A_565 : vector<16xf32>
      %add3A_567 = arith.constant 0 : i32
      %add3A_568 = arith.addi %add3A_567, %scan3A_541 : i32
      %swap3A_569 = arith.index_cast %add3A_568 : i32 to index
      %swap3A_570 = arith.constant 16 : index
      %swap3A_571 = tpu.vector_load %arg6[%swap3A_569, %swap3A_570] {strides = array<i32>} : memref<768x128xf32, #tpu.memory_space<vmem>>, vector<1x16xf32>,
      %swap3A_572 = vector.shape_cast %swap3A_571 : vector<1x16xf32> to vector<16xf32>
      %swap3A_573 = vector.shape_cast %mul3A_566 : vector<16xf32> to vector<1x16xf32>
      tpu.vector_store %arg6[%swap3A_569, %swap3A_570], %swap3A_573 {strides = array<i32>} : memref<768x128xf32, #tpu.memory_space<vmem>>, vector<1x16xf32>,
      %add3A_574 = arith.constant 0 : i32
      %add3A_575 = arith.addi %add3A_574, %scan3A_541 : i32
      %get3A_576 = arith.index_cast %add3A_575 : i32 to index
      %get3A_577 = arith.constant 32 : index
      %get3A_578 = tpu.vector_load %arg6[%get3A_576, %get3A_577] {strides = array<i32>} : memref<768x128xf32, #tpu.memory_space<vmem>>, vector<1x16xf32>,
      %get3A_579 = vector.shape_cast %get3A_578 : vector<1x16xf32> to vector<16xf32>
      %mul3A_580 = arith.constant 11.3137083 : f32
      %mul3A_581 = vector.broadcast %mul3A_580 : f32 to vector<16xf32>
      %mul3A_582 = arith.mulf %get3A_579, %mul3A_581 : vector<16xf32>
      %add3A_583 = arith.constant 0 : i32
      %add3A_584 = arith.addi %add3A_583, %scan3A_541 : i32
      %swap3A_585 = arith.index_cast %add3A_584 : i32 to index
      %swap3A_586 = arith.constant 32 : index
      %swap3A_587 = tpu.vector_load %arg6[%swap3A_585, %swap3A_586] {strides = array<i32>} : memref<768x128xf32, #tpu.memory_space<vmem>>, vector<1x16xf32>,
      %swap3A_588 = vector.shape_cast %swap3A_587 : vector<1x16xf32> to vector<16xf32>
      %swap3A_589 = vector.shape_cast %mul3A_582 : vector<16xf32> to vector<1x16xf32>
      tpu.vector_store %arg6[%swap3A_585, %swap3A_586], %swap3A_589 {strides = array<i32>} : memref<768x128xf32, #tpu.memory_space<vmem>>, vector<1x16xf32>,
      %add3A_590 = arith.constant 0 : i32
      %add3A_591 = arith.addi %add3A_590, %scan3A_541 : i32
      %get3A_592 = arith.index_cast %add3A_591 : i32 to index
      %get3A_593 = arith.constant 48 : index
      %get3A_594 = tpu.vector_load %arg6[%get3A_592, %get3A_593] {strides = array<i32>} : memref<768x128xf32, #tpu.memory_space<vmem>>, vector<1x16xf32>,
      %get3A_595 = vector.shape_cast %get3A_594 : vector<1x16xf32> to vector<16xf32>
      %mul3A_596 = arith.constant 11.3137083 : f32
      %mul3A_597 = vector.broadcast %mul3A_596 : f32 to vector<16xf32>
      %mul3A_598 = arith.mulf %get3A_595, %mul3A_597 : vector<16xf32>
      %add3A_599 = arith.constant 0 : i32
      %add3A_600 = arith.addi %add3A_599, %scan3A_541 : i32
      %swap3A_601 = arith.index_cast %add3A_600 : i32 to index
      %swap3A_602 = arith.constant 48 : index
      %swap3A_603 = tpu.vector_load %arg6[%swap3A_601, %swap3A_602] {strides = array<i32>} : memref<768x128xf32, #tpu.memory_space<vmem>>, vector<1x16xf32>,
      %swap3A_604 = vector.shape_cast %swap3A_603 : vector<1x16xf32> to vector<16xf32>
      %swap3A_605 = vector.shape_cast %mul3A_598 : vector<16xf32> to vector<1x16xf32>
      tpu.vector_store %arg6[%swap3A_601, %swap3A_602], %swap3A_605 {strides = array<i32>} : memref<768x128xf32, #tpu.memory_space<vmem>>, vector<1x16xf32>,
      %add3A_606 = arith.constant 0 : i32
      %add3A_607 = arith.addi %add3A_606, %scan3A_541 : i32
      %get3A_608 = arith.index_cast %add3A_607 : i32 to index
      %get3A_609 = arith.constant 64 : index
      %get3A_610 = tpu.vector_load %arg6[%get3A_608, %get3A_609] {strides = array<i32>} : memref<768x128xf32, #tpu.memory_space<vmem>>, vector<1x16xf32>,
      %get3A_611 = vector.shape_cast %get3A_610 : vector<1x16xf32> to vector<16xf32>
      %mul3A_612 = arith.constant 11.3137083 : f32
      %mul3A_613 = vector.broadcast %mul3A_612 : f32 to vector<16xf32>
      %mul3A_614 = arith.mulf %get3A_611, %mul3A_613 : vector<16xf32>
      %add3A_615 = arith.constant 0 : i32
      %add3A_616 = arith.addi %add3A_615, %scan3A_541 : i32
      %swap3A_617 = arith.index_cast %add3A_616 : i32 to index
      %swap3A_618 = arith.constant 64 : index
      %swap3A_619 = tpu.vector_load %arg6[%swap3A_617, %swap3A_618] {strides = array<i32>} : memref<768x128xf32, #tpu.memory_space<vmem>>, vector<1x16xf32>,
      %swap3A_620 = vector.shape_cast %swap3A_619 : vector<1x16xf32> to vector<16xf32>
      %swap3A_621 = vector.shape_cast %mul3A_614 : vector<16xf32> to vector<1x16xf32>
      tpu.vector_store %arg6[%swap3A_617, %swap3A_618], %swap3A_621 {strides = array<i32>} : memref<768x128xf32, #tpu.memory_space<vmem>>, vector<1x16xf32>,
      %add3A_622 = arith.constant 0 : i32
      %add3A_623 = arith.addi %add3A_622, %scan3A_541 : i32
      %get3A_624 = arith.index_cast %add3A_623 : i32 to index
      %get3A_625 = arith.constant 80 : index
      %get3A_626 = tpu.vector_load %arg6[%get3A_624, %get3A_625] {strides = array<i32>} : memref<768x128xf32, #tpu.memory_space<vmem>>, vector<1x16xf32>,
      %get3A_627 = vector.shape_cast %get3A_626 : vector<1x16xf32> to vector<16xf32>
      %mul3A_628 = arith.constant 11.3137083 : f32
      %mul3A_629 = vector.broadcast %mul3A_628 : f32 to vector<16xf32>
      %mul3A_630 = arith.mulf %get3A_627, %mul3A_629 : vector<16xf32>
      %add3A_631 = arith.constant 0 : i32
      %add3A_632 = arith.addi %add3A_631, %scan3A_541 : i32
      %swap3A_633 = arith.index_cast %add3A_632 : i32 to index
      %swap3A_634 = arith.constant 80 : index
      %swap3A_635 = tpu.vector_load %arg6[%swap3A_633, %swap3A_634] {strides = array<i32>} : memref<768x128xf32, #tpu.memory_space<vmem>>, vector<1x16xf32>,
      %swap3A_636 = vector.shape_cast %swap3A_635 : vector<1x16xf32> to vector<16xf32>
      %swap3A_637 = vector.shape_cast %mul3A_630 : vector<16xf32> to vector<1x16xf32>
      tpu.vector_store %arg6[%swap3A_633, %swap3A_634], %swap3A_637 {strides = array<i32>} : memref<768x128xf32, #tpu.memory_space<vmem>>, vector<1x16xf32>,
      %add3A_638 = arith.constant 0 : i32
      %add3A_639 = arith.addi %add3A_638, %scan3A_541 : i32
      %get3A_640 = arith.index_cast %add3A_639 : i32 to index
      %get3A_641 = arith.constant 96 : index
      %get3A_642 = tpu.vector_load %arg6[%get3A_640, %get3A_641] {strides = array<i32>} : memref<768x128xf32, #tpu.memory_space<vmem>>, vector<1x16xf32>,
      %get3A_643 = vector.shape_cast %get3A_642 : vector<1x16xf32> to vector<16xf32>
      %mul3A_644 = arith.constant 11.3137083 : f32
      %mul3A_645 = vector.broadcast %mul3A_644 : f32 to vector<16xf32>
      %mul3A_646 = arith.mulf %get3A_643, %mul3A_645 : vector<16xf32>
      %add3A_647 = arith.constant 0 : i32
      %add3A_648 = arith.addi %add3A_647, %scan3A_541 : i32
      %swap3A_649 = arith.index_cast %add3A_648 : i32 to index
      %swap3A_650 = arith.constant 96 : index
      %swap3A_651 = tpu.vector_load %arg6[%swap3A_649, %swap3A_650] {strides = array<i32>} : memref<768x128xf32, #tpu.memory_space<vmem>>, vector<1x16xf32>,
      %swap3A_652 = vector.shape_cast %swap3A_651 : vector<1x16xf32> to vector<16xf32>
      %swap3A_653 = vector.shape_cast %mul3A_646 : vector<16xf32> to vector<1x16xf32>
      tpu.vector_store %arg6[%swap3A_649, %swap3A_650], %swap3A_653 {strides = array<i32>} : memref<768x128xf32, #tpu.memory_space<vmem>>, vector<1x16xf32>,
      %add3A_654 = arith.constant 0 : i32
      %add3A_655 = arith.addi %add3A_654, %scan3A_541 : i32
      %get3A_656 = arith.index_cast %add3A_655 : i32 to index
      %get3A_657 = arith.constant 112 : index
      %get3A_658 = tpu.vector_load %arg6[%get3A_656, %get3A_657] {strides = array<i32>} : memref<768x128xf32, #tpu.memory_space<vmem>>, vector<1x16xf32>,
      %get3A_659 = vector.shape_cast %get3A_658 : vector<1x16xf32> to vector<16xf32>
      %mul3A_660 = arith.constant 11.3137083 : f32
      %mul3A_661 = vector.broadcast %mul3A_660 : f32 to vector<16xf32>
      %mul3A_662 = arith.mulf %get3A_659, %mul3A_661 : vector<16xf32>
      %add3A_663 = arith.constant 0 : i32
      %add3A_664 = arith.addi %add3A_663, %scan3A_541 : i32
      %swap3A_665 = arith.index_cast %add3A_664 : i32 to index
      %swap3A_666 = arith.constant 112 : index
      %swap3A_667 = tpu.vector_load %arg6[%swap3A_665, %swap3A_666] {strides = array<i32>} : memref<768x128xf32, #tpu.memory_space<vmem>>, vector<1x16xf32>,
      %swap3A_668 = vector.shape_cast %swap3A_667 : vector<1x16xf32> to vector<16xf32>
      %swap3A_669 = vector.shape_cast %mul3A_662 : vector<16xf32> to vector<1x16xf32>
      tpu.vector_store %arg6[%swap3A_665, %swap3A_666], %swap3A_669 {strides = array<i32>} : memref<768x128xf32, #tpu.memory_space<vmem>>, vector<1x16xf32>,
    }
    %scan3A_319 = arith.constant 128 : i32
    %dma_start3A_320 = arith.constant 48 : i32
    %dma_start3A_321 = arith.constant 0 : i32
    %dma_start3A_322 = arith.constant 0 : i32
    %dma_start3A_323 = tpu.memref_slice %arg6[%dma_start3A_321, %dma_start3A_322] : memref<768x128xf32, #tpu.memory_space<vmem>> -> memref<128x128xf32, #tpu.memory_space<vmem>>
    %dma_start3A_324 = arith.constant 0 : i32
    %dma_start3A_325 = tpu.memref_slice %arg4[%dma_start3A_320, %mul3A_2, %dma_start3A_324] : memref<50x4096x128xf32, #tpu.memory_space<hbm>> -> memref<1x128x128xf32, #tpu.memory_space<hbm>>
    %dma_start3A_326 = tpu.memref_squeeze %dma_start3A_325 : memref<1x128x128xf32, #tpu.memory_space<hbm>> -> memref<128x128xf32, #tpu.memory_space<hbm>>
    %dma_start3A_327 = arith.constant 0 : i32
    %dma_start3A_328 = tpu.memref_slice %arg4[%dma_start3A_320, %mul3A_2, %dma_start3A_327] : memref<50x4096x128xf32, #tpu.memory_space<hbm>> -> memref<1x128x128xf32, #tpu.memory_space<hbm>>
    %dma_start3A_329 = tpu.memref_squeeze %dma_start3A_328 : memref<1x128x128xf32, #tpu.memory_space<hbm>> -> memref<128x128xf32, #tpu.memory_space<hbm>>
    %dma_start3A_330 = arith.constant 0 : i32
    %dma_start3A_331 = arith.constant 0 : i32
    %dma_start3A_332 = tpu.memref_slice %arg6[%dma_start3A_330, %dma_start3A_331] : memref<768x128xf32, #tpu.memory_space<vmem>> -> memref<128x128xf32, #tpu.memory_space<vmem>>
    tpu.enqueue_dma source(%dma_start3A_332 : memref<128x128xf32, #tpu.memory_space<vmem>>) target(%dma_start3A_329 : memref<128x128xf32, #tpu.memory_space<hbm>>) target_semaphore(%arg13 : memref<!tpu.dma_semaphore, #tpu.memory_space<semaphore_mem>>)
    %dma_wait3A_333 = arith.constant 46 : i32
    %dma_wait3A_334 = arith.constant 512 : i32
    %dma_wait3A_335 = arith.constant 0 : i32
    %dma_wait3A_336 = tpu.memref_slice %arg6[%dma_wait3A_334, %dma_wait3A_335] : memref<768x128xf32, #tpu.memory_space<vmem>> -> memref<128x128xf32, #tpu.memory_space<vmem>>
    %dma_wait3A_337 = arith.constant 0 : i32
    %dma_wait3A_338 = tpu.memref_slice %arg4[%dma_wait3A_333, %mul3A_2, %dma_wait3A_337] : memref<50x4096x128xf32, #tpu.memory_space<hbm>> -> memref<1x128x128xf32, #tpu.memory_space<hbm>>
    %dma_wait3A_339 = tpu.memref_squeeze %dma_wait3A_338 : memref<1x128x128xf32, #tpu.memory_space<hbm>> -> memref<128x128xf32, #tpu.memory_space<hbm>>
    %dma_wait3A_340 = arith.constant 0 : i32
    %dma_wait3A_341 = tpu.memref_slice %arg4[%dma_wait3A_333, %mul3A_2, %dma_wait3A_340] : memref<50x4096x128xf32, #tpu.memory_space<hbm>> -> memref<1x128x128xf32, #tpu.memory_space<hbm>>
    %dma_wait3A_342 = tpu.memref_squeeze %dma_wait3A_341 : memref<1x128x128xf32, #tpu.memory_space<hbm>> -> memref<128x128xf32, #tpu.memory_space<hbm>>
    %dma_wait3A_343 = arith.constant 512 : i32
    %dma_wait3A_344 = arith.constant 0 : i32
    %dma_wait3A_345 = tpu.memref_slice %arg6[%dma_wait3A_343, %dma_wait3A_344] : memref<768x128xf32, #tpu.memory_space<vmem>> -> memref<128x128xf32, #tpu.memory_space<vmem>>
    tpu.wait_dma2 semaphore(%arg17 : memref<!tpu.dma_semaphore, #tpu.memory_space<semaphore_mem>>) src(%dma_wait3A_345 : memref<128x128xf32, #tpu.memory_space<vmem>>) dst(%dma_wait3A_342 : memref<128x128xf32, #tpu.memory_space<hbm>>)
    %dma_wait3A_346 = arith.constant 49 : i32
    %dma_wait3A_347 = arith.constant 128 : i32
    %dma_wait3A_348 = arith.constant 0 : i32
    %dma_wait3A_349 = tpu.memref_slice %arg6[%dma_wait3A_347, %dma_wait3A_348] : memref<768x128xf32, #tpu.memory_space<vmem>> -> memref<128x128xf32, #tpu.memory_space<vmem>>
    %dma_wait3A_350 = arith.constant 0 : i32
    %dma_wait3A_351 = tpu.memref_slice %arg5[%dma_wait3A_346, %dma_wait3A_350] : memref<50x128xi32, #tpu.memory_space<vmem>> -> memref<1x128xi32, #tpu.memory_space<vmem>>
    %dma_wait3A_352 = tpu.memref_squeeze %dma_wait3A_351 : memref<1x128xi32, #tpu.memory_space<vmem>> -> memref<128xi32, #tpu.memory_space<vmem>>
    %dma_wait3A_353 = arith.constant 0 : i32
    %dma_wait3A_354 = arith.constant 0 : i32
    %dma_wait3A_355 = tpu.memref_slice %arg3[%dma_wait3A_353, %dma_wait3A_354] : memref<100000x128xf32, #tpu.memory_space<hbm>> -> memref<100000x128xf32, #tpu.memory_space<hbm>>
    tpu.wait_indirect_dma semaphore(%arg8 : memref<!tpu.dma_semaphore, #tpu.memory_space<semaphore_mem>>) src(%dma_wait3A_355 : memref<100000x128xf32, #tpu.memory_space<hbm>>) dst(%dma_wait3A_349 : memref<128x128xf32, #tpu.memory_space<vmem>>)
    %scan3A_356 = arith.constant 0 : i32
    %scan3A_357 = arith.constant 128 : i32
    %scan3A_358 = arith.addi %scan3A_356, %scan3A_357 : i32
    %scan3A_359 = arith.constant 2 : i32
    scf.for %scan3A_413 = %scan3A_356 to %scan3A_358 step %scan3A_359  : i32 {
      %add3A_414 = arith.constant 128 : i32
      %add3A_415 = arith.addi %add3A_414, %scan3A_413 : i32
      %get3A = arith.index_cast %add3A_415 : i32 to index
      %get3A_416 = arith.constant 0 : index
      %get3A_417 = tpu.vector_load %arg6[%get3A, %get3A_416] {strides = array<i32>} : memref<768x128xf32, #tpu.memory_space<vmem>>, vector<1x16xf32>,
      %get3A_418 = vector.shape_cast %get3A_417 : vector<1x16xf32> to vector<16xf32>
      %mul3A_419 = arith.constant 11.3137083 : f32
      %mul3A_420 = vector.broadcast %mul3A_419 : f32 to vector<16xf32>
      %mul3A_421 = arith.mulf %get3A_418, %mul3A_420 : vector<16xf32>
      %add3A_422 = arith.constant 128 : i32
      %add3A_423 = arith.addi %add3A_422, %scan3A_413 : i32
      %swap3A = arith.index_cast %add3A_423 : i32 to index
      %swap3A_424 = arith.constant 0 : index
      %swap3A_425 = tpu.vector_load %arg6[%swap3A, %swap3A_424] {strides = array<i32>} : memref<768x128xf32, #tpu.memory_space<vmem>>, vector<1x16xf32>,
      %swap3A_426 = vector.shape_cast %swap3A_425 : vector<1x16xf32> to vector<16xf32>
      %swap3A_427 = vector.shape_cast %mul3A_421 : vector<16xf32> to vector<1x16xf32>
      tpu.vector_store %arg6[%swap3A, %swap3A_424], %swap3A_427 {strides = array<i32>} : memref<768x128xf32, #tpu.memory_space<vmem>>, vector<1x16xf32>,
      %add3A_428 = arith.constant 128 : i32
      %add3A_429 = arith.addi %add3A_428, %scan3A_413 : i32
      %get3A_430 = arith.index_cast %add3A_429 : i32 to index
      %get3A_431 = arith.constant 16 : index
      %get3A_432 = tpu.vector_load %arg6[%get3A_430, %get3A_431] {strides = array<i32>} : memref<768x128xf32, #tpu.memory_space<vmem>>, vector<1x16xf32>,
      %get3A_433 = vector.shape_cast %get3A_432 : vector<1x16xf32> to vector<16xf32>
      %mul3A_434 = arith.constant 11.3137083 : f32
      %mul3A_435 = vector.broadcast %mul3A_434 : f32 to vector<16xf32>
      %mul3A_436 = arith.mulf %get3A_433, %mul3A_435 : vector<16xf32>
      %add3A_437 = arith.constant 128 : i32
      %add3A_438 = arith.addi %add3A_437, %scan3A_413 : i32
      %swap3A_439 = arith.index_cast %add3A_438 : i32 to index
      %swap3A_440 = arith.constant 16 : index
      %swap3A_441 = tpu.vector_load %arg6[%swap3A_439, %swap3A_440] {strides = array<i32>} : memref<768x128xf32, #tpu.memory_space<vmem>>, vector<1x16xf32>,
      %swap3A_442 = vector.shape_cast %swap3A_441 : vector<1x16xf32> to vector<16xf32>
      %swap3A_443 = vector.shape_cast %mul3A_436 : vector<16xf32> to vector<1x16xf32>
      tpu.vector_store %arg6[%swap3A_439, %swap3A_440], %swap3A_443 {strides = array<i32>} : memref<768x128xf32, #tpu.memory_space<vmem>>, vector<1x16xf32>,
      %add3A_444 = arith.constant 128 : i32
      %add3A_445 = arith.addi %add3A_444, %scan3A_413 : i32
      %get3A_446 = arith.index_cast %add3A_445 : i32 to index
      %get3A_447 = arith.constant 32 : index
      %get3A_448 = tpu.vector_load %arg6[%get3A_446, %get3A_447] {strides = array<i32>} : memref<768x128xf32, #tpu.memory_space<vmem>>, vector<1x16xf32>,
      %get3A_449 = vector.shape_cast %get3A_448 : vector<1x16xf32> to vector<16xf32>
      %mul3A_450 = arith.constant 11.3137083 : f32
      %mul3A_451 = vector.broadcast %mul3A_450 : f32 to vector<16xf32>
      %mul3A_452 = arith.mulf %get3A_449, %mul3A_451 : vector<16xf32>
      %add3A_453 = arith.constant 128 : i32
      %add3A_454 = arith.addi %add3A_453, %scan3A_413 : i32
      %swap3A_455 = arith.index_cast %add3A_454 : i32 to index
      %swap3A_456 = arith.constant 32 : index
      %swap3A_457 = tpu.vector_load %arg6[%swap3A_455, %swap3A_456] {strides = array<i32>} : memref<768x128xf32, #tpu.memory_space<vmem>>, vector<1x16xf32>,
      %swap3A_458 = vector.shape_cast %swap3A_457 : vector<1x16xf32> to vector<16xf32>
      %swap3A_459 = vector.shape_cast %mul3A_452 : vector<16xf32> to vector<1x16xf32>
      tpu.vector_store %arg6[%swap3A_455, %swap3A_456], %swap3A_459 {strides = array<i32>} : memref<768x128xf32, #tpu.memory_space<vmem>>, vector<1x16xf32>,
      %add3A_460 = arith.constant 128 : i32
      %add3A_461 = arith.addi %add3A_460, %scan3A_413 : i32
      %get3A_462 = arith.index_cast %add3A_461 : i32 to index
      %get3A_463 = arith.constant 48 : index
      %get3A_464 = tpu.vector_load %arg6[%get3A_462, %get3A_463] {strides = array<i32>} : memref<768x128xf32, #tpu.memory_space<vmem>>, vector<1x16xf32>,
      %get3A_465 = vector.shape_cast %get3A_464 : vector<1x16xf32> to vector<16xf32>
      %mul3A_466 = arith.constant 11.3137083 : f32
      %mul3A_467 = vector.broadcast %mul3A_466 : f32 to vector<16xf32>
      %mul3A_468 = arith.mulf %get3A_465, %mul3A_467 : vector<16xf32>
      %add3A_469 = arith.constant 128 : i32
      %add3A_470 = arith.addi %add3A_469, %scan3A_413 : i32
      %swap3A_471 = arith.index_cast %add3A_470 : i32 to index
      %swap3A_472 = arith.constant 48 : index
      %swap3A_473 = tpu.vector_load %arg6[%swap3A_471, %swap3A_472] {strides = array<i32>} : memref<768x128xf32, #tpu.memory_space<vmem>>, vector<1x16xf32>,
      %swap3A_474 = vector.shape_cast %swap3A_473 : vector<1x16xf32> to vector<16xf32>
      %swap3A_475 = vector.shape_cast %mul3A_468 : vector<16xf32> to vector<1x16xf32>
      tpu.vector_store %arg6[%swap3A_471, %swap3A_472], %swap3A_475 {strides = array<i32>} : memref<768x128xf32, #tpu.memory_space<vmem>>, vector<1x16xf32>,
      %add3A_476 = arith.constant 128 : i32
      %add3A_477 = arith.addi %add3A_476, %scan3A_413 : i32
      %get3A_478 = arith.index_cast %add3A_477 : i32 to index
      %get3A_479 = arith.constant 64 : index
      %get3A_480 = tpu.vector_load %arg6[%get3A_478, %get3A_479] {strides = array<i32>} : memref<768x128xf32, #tpu.memory_space<vmem>>, vector<1x16xf32>,
      %get3A_481 = vector.shape_cast %get3A_480 : vector<1x16xf32> to vector<16xf32>
      %mul3A_482 = arith.constant 11.3137083 : f32
      %mul3A_483 = vector.broadcast %mul3A_482 : f32 to vector<16xf32>
      %mul3A_484 = arith.mulf %get3A_481, %mul3A_483 : vector<16xf32>
      %add3A_485 = arith.constant 128 : i32
      %add3A_486 = arith.addi %add3A_485, %scan3A_413 : i32
      %swap3A_487 = arith.index_cast %add3A_486 : i32 to index
      %swap3A_488 = arith.constant 64 : index
      %swap3A_489 = tpu.vector_load %arg6[%swap3A_487, %swap3A_488] {strides = array<i32>} : memref<768x128xf32, #tpu.memory_space<vmem>>, vector<1x16xf32>,
      %swap3A_490 = vector.shape_cast %swap3A_489 : vector<1x16xf32> to vector<16xf32>
      %swap3A_491 = vector.shape_cast %mul3A_484 : vector<16xf32> to vector<1x16xf32>
      tpu.vector_store %arg6[%swap3A_487, %swap3A_488], %swap3A_491 {strides = array<i32>} : memref<768x128xf32, #tpu.memory_space<vmem>>, vector<1x16xf32>,
      %add3A_492 = arith.constant 128 : i32
      %add3A_493 = arith.addi %add3A_492, %scan3A_413 : i32
      %get3A_494 = arith.index_cast %add3A_493 : i32 to index
      %get3A_495 = arith.constant 80 : index
      %get3A_496 = tpu.vector_load %arg6[%get3A_494, %get3A_495] {strides = array<i32>} : memref<768x128xf32, #tpu.memory_space<vmem>>, vector<1x16xf32>,
      %get3A_497 = vector.shape_cast %get3A_496 : vector<1x16xf32> to vector<16xf32>
      %mul3A_498 = arith.constant 11.3137083 : f32
      %mul3A_499 = vector.broadcast %mul3A_498 : f32 to vector<16xf32>
      %mul3A_500 = arith.mulf %get3A_497, %mul3A_499 : vector<16xf32>
      %add3A_501 = arith.constant 128 : i32
      %add3A_502 = arith.addi %add3A_501, %scan3A_413 : i32
      %swap3A_503 = arith.index_cast %add3A_502 : i32 to index
      %swap3A_504 = arith.constant 80 : index
      %swap3A_505 = tpu.vector_load %arg6[%swap3A_503, %swap3A_504] {strides = array<i32>} : memref<768x128xf32, #tpu.memory_space<vmem>>, vector<1x16xf32>,
      %swap3A_506 = vector.shape_cast %swap3A_505 : vector<1x16xf32> to vector<16xf32>
      %swap3A_507 = vector.shape_cast %mul3A_500 : vector<16xf32> to vector<1x16xf32>
      tpu.vector_store %arg6[%swap3A_503, %swap3A_504], %swap3A_507 {strides = array<i32>} : memref<768x128xf32, #tpu.memory_space<vmem>>, vector<1x16xf32>,
      %add3A_508 = arith.constant 128 : i32
      %add3A_509 = arith.addi %add3A_508, %scan3A_413 : i32
      %get3A_510 = arith.index_cast %add3A_509 : i32 to index
      %get3A_511 = arith.constant 96 : index
      %get3A_512 = tpu.vector_load %arg6[%get3A_510, %get3A_511] {strides = array<i32>} : memref<768x128xf32, #tpu.memory_space<vmem>>, vector<1x16xf32>,
      %get3A_513 = vector.shape_cast %get3A_512 : vector<1x16xf32> to vector<16xf32>
      %mul3A_514 = arith.constant 11.3137083 : f32
      %mul3A_515 = vector.broadcast %mul3A_514 : f32 to vector<16xf32>
      %mul3A_516 = arith.mulf %get3A_513, %mul3A_515 : vector<16xf32>
      %add3A_517 = arith.constant 128 : i32
      %add3A_518 = arith.addi %add3A_517, %scan3A_413 : i32
      %swap3A_519 = arith.index_cast %add3A_518 : i32 to index
      %swap3A_520 = arith.constant 96 : index
      %swap3A_521 = tpu.vector_load %arg6[%swap3A_519, %swap3A_520] {strides = array<i32>} : memref<768x128xf32, #tpu.memory_space<vmem>>, vector<1x16xf32>,
      %swap3A_522 = vector.shape_cast %swap3A_521 : vector<1x16xf32> to vector<16xf32>
      %swap3A_523 = vector.shape_cast %mul3A_516 : vector<16xf32> to vector<1x16xf32>
      tpu.vector_store %arg6[%swap3A_519, %swap3A_520], %swap3A_523 {strides = array<i32>} : memref<768x128xf32, #tpu.memory_space<vmem>>, vector<1x16xf32>,
      %add3A_524 = arith.constant 128 : i32
      %add3A_525 = arith.addi %add3A_524, %scan3A_413 : i32
      %get3A_526 = arith.index_cast %add3A_525 : i32 to index
      %get3A_527 = arith.constant 112 : index
      %get3A_528 = tpu.vector_load %arg6[%get3A_526, %get3A_527] {strides = array<i32>} : memref<768x128xf32, #tpu.memory_space<vmem>>, vector<1x16xf32>,
      %get3A_529 = vector.shape_cast %get3A_528 : vector<1x16xf32> to vector<16xf32>
      %mul3A_530 = arith.constant 11.3137083 : f32
      %mul3A_531 = vector.broadcast %mul3A_530 : f32 to vector<16xf32>
      %mul3A_532 = arith.mulf %get3A_529, %mul3A_531 : vector<16xf32>
      %add3A_533 = arith.constant 128 : i32
      %add3A_534 = arith.addi %add3A_533, %scan3A_413 : i32
      %swap3A_535 = arith.index_cast %add3A_534 : i32 to index
      %swap3A_536 = arith.constant 112 : index
      %swap3A_537 = tpu.vector_load %arg6[%swap3A_535, %swap3A_536] {strides = array<i32>} : memref<768x128xf32, #tpu.memory_space<vmem>>, vector<1x16xf32>,
      %swap3A_538 = vector.shape_cast %swap3A_537 : vector<1x16xf32> to vector<16xf32>
      %swap3A_539 = vector.shape_cast %mul3A_532 : vector<16xf32> to vector<1x16xf32>
      tpu.vector_store %arg6[%swap3A_535, %swap3A_536], %swap3A_539 {strides = array<i32>} : memref<768x128xf32, #tpu.memory_space<vmem>>, vector<1x16xf32>,
      %scan3A_540 = arith.constant 1 : i32
      %scan3A_541 = arith.addi %scan3A_413, %scan3A_540 : i32
      %add3A_542 = arith.constant 128 : i32
      %add3A_543 = arith.addi %add3A_542, %scan3A_541 : i32
      %get3A_544 = arith.index_cast %add3A_543 : i32 to index
      %get3A_545 = arith.constant 0 : index
      %get3A_546 = tpu.vector_load %arg6[%get3A_544, %get3A_545] {strides = array<i32>} : memref<768x128xf32, #tpu.memory_space<vmem>>, vector<1x16xf32>,
      %get3A_547 = vector.shape_cast %get3A_546 : vector<1x16xf32> to vector<16xf32>
      %mul3A_548 = arith.constant 11.3137083 : f32
      %mul3A_549 = vector.broadcast %mul3A_548 : f32 to vector<16xf32>
      %mul3A_550 = arith.mulf %get3A_547, %mul3A_549 : vector<16xf32>
      %add3A_551 = arith.constant 128 : i32
      %add3A_552 = arith.addi %add3A_551, %scan3A_541 : i32
      %swap3A_553 = arith.index_cast %add3A_552 : i32 to index
      %swap3A_554 = arith.constant 0 : index
      %swap3A_555 = tpu.vector_load %arg6[%swap3A_553, %swap3A_554] {strides = array<i32>} : memref<768x128xf32, #tpu.memory_space<vmem>>, vector<1x16xf32>,
      %swap3A_556 = vector.shape_cast %swap3A_555 : vector<1x16xf32> to vector<16xf32>
      %swap3A_557 = vector.shape_cast %mul3A_550 : vector<16xf32> to vector<1x16xf32>
      tpu.vector_store %arg6[%swap3A_553, %swap3A_554], %swap3A_557 {strides = array<i32>} : memref<768x128xf32, #tpu.memory_space<vmem>>, vector<1x16xf32>,
      %add3A_558 = arith.constant 128 : i32
      %add3A_559 = arith.addi %add3A_558, %scan3A_541 : i32
      %get3A_560 = arith.index_cast %add3A_559 : i32 to index
      %get3A_561 = arith.constant 16 : index
      %get3A_562 = tpu.vector_load %arg6[%get3A_560, %get3A_561] {strides = array<i32>} : memref<768x128xf32, #tpu.memory_space<vmem>>, vector<1x16xf32>,
      %get3A_563 = vector.shape_cast %get3A_562 : vector<1x16xf32> to vector<16xf32>
      %mul3A_564 = arith.constant 11.3137083 : f32
      %mul3A_565 = vector.broadcast %mul3A_564 : f32 to vector<16xf32>
      %mul3A_566 = arith.mulf %get3A_563, %mul3A_565 : vector<16xf32>
      %add3A_567 = arith.constant 128 : i32
      %add3A_568 = arith.addi %add3A_567, %scan3A_541 : i32
      %swap3A_569 = arith.index_cast %add3A_568 : i32 to index
      %swap3A_570 = arith.constant 16 : index
      %swap3A_571 = tpu.vector_load %arg6[%swap3A_569, %swap3A_570] {strides = array<i32>} : memref<768x128xf32, #tpu.memory_space<vmem>>, vector<1x16xf32>,
      %swap3A_572 = vector.shape_cast %swap3A_571 : vector<1x16xf32> to vector<16xf32>
      %swap3A_573 = vector.shape_cast %mul3A_566 : vector<16xf32> to vector<1x16xf32>
      tpu.vector_store %arg6[%swap3A_569, %swap3A_570], %swap3A_573 {strides = array<i32>} : memref<768x128xf32, #tpu.memory_space<vmem>>, vector<1x16xf32>,
      %add3A_574 = arith.constant 128 : i32
      %add3A_575 = arith.addi %add3A_574, %scan3A_541 : i32
      %get3A_576 = arith.index_cast %add3A_575 : i32 to index
      %get3A_577 = arith.constant 32 : index
      %get3A_578 = tpu.vector_load %arg6[%get3A_576, %get3A_577] {strides = array<i32>} : memref<768x128xf32, #tpu.memory_space<vmem>>, vector<1x16xf32>,
      %get3A_579 = vector.shape_cast %get3A_578 : vector<1x16xf32> to vector<16xf32>
      %mul3A_580 = arith.constant 11.3137083 : f32
      %mul3A_581 = vector.broadcast %mul3A_580 : f32 to vector<16xf32>
      %mul3A_582 = arith.mulf %get3A_579, %mul3A_581 : vector<16xf32>
      %add3A_583 = arith.constant 128 : i32
      %add3A_584 = arith.addi %add3A_583, %scan3A_541 : i32
      %swap3A_585 = arith.index_cast %add3A_584 : i32 to index
      %swap3A_586 = arith.constant 32 : index
      %swap3A_587 = tpu.vector_load %arg6[%swap3A_585, %swap3A_586] {strides = array<i32>} : memref<768x128xf32, #tpu.memory_space<vmem>>, vector<1x16xf32>,
      %swap3A_588 = vector.shape_cast %swap3A_587 : vector<1x16xf32> to vector<16xf32>
      %swap3A_589 = vector.shape_cast %mul3A_582 : vector<16xf32> to vector<1x16xf32>
      tpu.vector_store %arg6[%swap3A_585, %swap3A_586], %swap3A_589 {strides = array<i32>} : memref<768x128xf32, #tpu.memory_space<vmem>>, vector<1x16xf32>,
      %add3A_590 = arith.constant 128 : i32
      %add3A_591 = arith.addi %add3A_590, %scan3A_541 : i32
      %get3A_592 = arith.index_cast %add3A_591 : i32 to index
      %get3A_593 = arith.constant 48 : index
      %get3A_594 = tpu.vector_load %arg6[%get3A_592, %get3A_593] {strides = array<i32>} : memref<768x128xf32, #tpu.memory_space<vmem>>, vector<1x16xf32>,
      %get3A_595 = vector.shape_cast %get3A_594 : vector<1x16xf32> to vector<16xf32>
      %mul3A_596 = arith.constant 11.3137083 : f32
      %mul3A_597 = vector.broadcast %mul3A_596 : f32 to vector<16xf32>
      %mul3A_598 = arith.mulf %get3A_595, %mul3A_597 : vector<16xf32>
      %add3A_599 = arith.constant 128 : i32
      %add3A_600 = arith.addi %add3A_599, %scan3A_541 : i32
      %swap3A_601 = arith.index_cast %add3A_600 : i32 to index
      %swap3A_602 = arith.constant 48 : index
      %swap3A_603 = tpu.vector_load %arg6[%swap3A_601, %swap3A_602] {strides = array<i32>} : memref<768x128xf32, #tpu.memory_space<vmem>>, vector<1x16xf32>,
      %swap3A_604 = vector.shape_cast %swap3A_603 : vector<1x16xf32> to vector<16xf32>
      %swap3A_605 = vector.shape_cast %mul3A_598 : vector<16xf32> to vector<1x16xf32>
      tpu.vector_store %arg6[%swap3A_601, %swap3A_602], %swap3A_605 {strides = array<i32>} : memref<768x128xf32, #tpu.memory_space<vmem>>, vector<1x16xf32>,
      %add3A_606 = arith.constant 128 : i32
      %add3A_607 = arith.addi %add3A_606, %scan3A_541 : i32
      %get3A_608 = arith.index_cast %add3A_607 : i32 to index
      %get3A_609 = arith.constant 64 : index
      %get3A_610 = tpu.vector_load %arg6[%get3A_608, %get3A_609] {strides = array<i32>} : memref<768x128xf32, #tpu.memory_space<vmem>>, vector<1x16xf32>,
      %get3A_611 = vector.shape_cast %get3A_610 : vector<1x16xf32> to vector<16xf32>
      %mul3A_612 = arith.constant 11.3137083 : f32
      %mul3A_613 = vector.broadcast %mul3A_612 : f32 to vector<16xf32>
      %mul3A_614 = arith.mulf %get3A_611, %mul3A_613 : vector<16xf32>
      %add3A_615 = arith.constant 128 : i32
      %add3A_616 = arith.addi %add3A_615, %scan3A_541 : i32
      %swap3A_617 = arith.index_cast %add3A_616 : i32 to index
      %swap3A_618 = arith.constant 64 : index
      %swap3A_619 = tpu.vector_load %arg6[%swap3A_617, %swap3A_618] {strides = array<i32>} : memref<768x128xf32, #tpu.memory_space<vmem>>, vector<1x16xf32>,
      %swap3A_620 = vector.shape_cast %swap3A_619 : vector<1x16xf32> to vector<16xf32>
      %swap3A_621 = vector.shape_cast %mul3A_614 : vector<16xf32> to vector<1x16xf32>
      tpu.vector_store %arg6[%swap3A_617, %swap3A_618], %swap3A_621 {strides = array<i32>} : memref<768x128xf32, #tpu.memory_space<vmem>>, vector<1x16xf32>,
      %add3A_622 = arith.constant 128 : i32
      %add3A_623 = arith.addi %add3A_622, %scan3A_541 : i32
      %get3A_624 = arith.index_cast %add3A_623 : i32 to index
      %get3A_625 = arith.constant 80 : index
      %get3A_626 = tpu.vector_load %arg6[%get3A_624, %get3A_625] {strides = array<i32>} : memref<768x128xf32, #tpu.memory_space<vmem>>, vector<1x16xf32>,
      %get3A_627 = vector.shape_cast %get3A_626 : vector<1x16xf32> to vector<16xf32>
      %mul3A_628 = arith.constant 11.3137083 : f32
      %mul3A_629 = vector.broadcast %mul3A_628 : f32 to vector<16xf32>
      %mul3A_630 = arith.mulf %get3A_627, %mul3A_629 : vector<16xf32>
      %add3A_631 = arith.constant 128 : i32
      %add3A_632 = arith.addi %add3A_631, %scan3A_541 : i32
      %swap3A_633 = arith.index_cast %add3A_632 : i32 to index
      %swap3A_634 = arith.constant 80 : index
      %swap3A_635 = tpu.vector_load %arg6[%swap3A_633, %swap3A_634] {strides = array<i32>} : memref<768x128xf32, #tpu.memory_space<vmem>>, vector<1x16xf32>,
      %swap3A_636 = vector.shape_cast %swap3A_635 : vector<1x16xf32> to vector<16xf32>
      %swap3A_637 = vector.shape_cast %mul3A_630 : vector<16xf32> to vector<1x16xf32>
      tpu.vector_store %arg6[%swap3A_633, %swap3A_634], %swap3A_637 {strides = array<i32>} : memref<768x128xf32, #tpu.memory_space<vmem>>, vector<1x16xf32>,
      %add3A_638 = arith.constant 128 : i32
      %add3A_639 = arith.addi %add3A_638, %scan3A_541 : i32
      %get3A_640 = arith.index_cast %add3A_639 : i32 to index
      %get3A_641 = arith.constant 96 : index
      %get3A_642 = tpu.vector_load %arg6[%get3A_640, %get3A_641] {strides = array<i32>} : memref<768x128xf32, #tpu.memory_space<vmem>>, vector<1x16xf32>,
      %get3A_643 = vector.shape_cast %get3A_642 : vector<1x16xf32> to vector<16xf32>
      %mul3A_644 = arith.constant 11.3137083 : f32
      %mul3A_645 = vector.broadcast %mul3A_644 : f32 to vector<16xf32>
      %mul3A_646 = arith.mulf %get3A_643, %mul3A_645 : vector<16xf32>
      %add3A_647 = arith.constant 128 : i32
      %add3A_648 = arith.addi %add3A_647, %scan3A_541 : i32
      %swap3A_649 = arith.index_cast %add3A_648 : i32 to index
      %swap3A_650 = arith.constant 96 : index
      %swap3A_651 = tpu.vector_load %arg6[%swap3A_649, %swap3A_650] {strides = array<i32>} : memref<768x128xf32, #tpu.memory_space<vmem>>, vector<1x16xf32>,
      %swap3A_652 = vector.shape_cast %swap3A_651 : vector<1x16xf32> to vector<16xf32>
      %swap3A_653 = vector.shape_cast %mul3A_646 : vector<16xf32> to vector<1x16xf32>
      tpu.vector_store %arg6[%swap3A_649, %swap3A_650], %swap3A_653 {strides = array<i32>} : memref<768x128xf32, #tpu.memory_space<vmem>>, vector<1x16xf32>,
      %add3A_654 = arith.constant 128 : i32
      %add3A_655 = arith.addi %add3A_654, %scan3A_541 : i32
      %get3A_656 = arith.index_cast %add3A_655 : i32 to index
      %get3A_657 = arith.constant 112 : index
      %get3A_658 = tpu.vector_load %arg6[%get3A_656, %get3A_657] {strides = array<i32>} : memref<768x128xf32, #tpu.memory_space<vmem>>, vector<1x16xf32>,
      %get3A_659 = vector.shape_cast %get3A_658 : vector<1x16xf32> to vector<16xf32>
      %mul3A_660 = arith.constant 11.3137083 : f32
      %mul3A_661 = vector.broadcast %mul3A_660 : f32 to vector<16xf32>
      %mul3A_662 = arith.mulf %get3A_659, %mul3A_661 : vector<16xf32>
      %add3A_663 = arith.constant 128 : i32
      %add3A_664 = arith.addi %add3A_663, %scan3A_541 : i32
      %swap3A_665 = arith.index_cast %add3A_664 : i32 to index
      %swap3A_666 = arith.constant 112 : index
      %swap3A_667 = tpu.vector_load %arg6[%swap3A_665, %swap3A_666] {strides = array<i32>} : memref<768x128xf32, #tpu.memory_space<vmem>>, vector<1x16xf32>,
      %swap3A_668 = vector.shape_cast %swap3A_667 : vector<1x16xf32> to vector<16xf32>
      %swap3A_669 = vector.shape_cast %mul3A_662 : vector<16xf32> to vector<1x16xf32>
      tpu.vector_store %arg6[%swap3A_665, %swap3A_666], %swap3A_669 {strides = array<i32>} : memref<768x128xf32, #tpu.memory_space<vmem>>, vector<1x16xf32>,
    }
    %scan3A_360 = arith.constant 128 : i32
    %dma_start3A_361 = arith.constant 49 : i32
    %dma_start3A_362 = arith.constant 128 : i32
    %dma_start3A_363 = arith.constant 0 : i32
    %dma_start3A_364 = tpu.memref_slice %arg6[%dma_start3A_362, %dma_start3A_363] : memref<768x128xf32, #tpu.memory_space<vmem>> -> memref<128x128xf32, #tpu.memory_space<vmem>>
    %dma_start3A_365 = arith.constant 0 : i32
    %dma_start3A_366 = tpu.memref_slice %arg4[%dma_start3A_361, %mul3A_2, %dma_start3A_365] : memref<50x4096x128xf32, #tpu.memory_space<hbm>> -> memref<1x128x128xf32, #tpu.memory_space<hbm>>
    %dma_start3A_367 = tpu.memref_squeeze %dma_start3A_366 : memref<1x128x128xf32, #tpu.memory_space<hbm>> -> memref<128x128xf32, #tpu.memory_space<hbm>>
    %dma_start3A_368 = arith.constant 0 : i32
    %dma_start3A_369 = tpu.memref_slice %arg4[%dma_start3A_361, %mul3A_2, %dma_start3A_368] : memref<50x4096x128xf32, #tpu.memory_space<hbm>> -> memref<1x128x128xf32, #tpu.memory_space<hbm>>
    %dma_start3A_370 = tpu.memref_squeeze %dma_start3A_369 : memref<1x128x128xf32, #tpu.memory_space<hbm>> -> memref<128x128xf32, #tpu.memory_space<hbm>>
    %dma_start3A_371 = arith.constant 128 : i32
    %dma_start3A_372 = arith.constant 0 : i32
    %dma_start3A_373 = tpu.memref_slice %arg6[%dma_start3A_371, %dma_start3A_372] : memref<768x128xf32, #tpu.memory_space<vmem>> -> memref<128x128xf32, #tpu.memory_space<vmem>>
    tpu.enqueue_dma source(%dma_start3A_373 : memref<128x128xf32, #tpu.memory_space<vmem>>) target(%dma_start3A_370 : memref<128x128xf32, #tpu.memory_space<hbm>>) target_semaphore(%arg14 : memref<!tpu.dma_semaphore, #tpu.memory_space<semaphore_mem>>)
    %dma_wait3A_374 = arith.constant 47 : i32
    %dma_wait3A_375 = arith.constant 640 : i32
    %dma_wait3A_376 = arith.constant 0 : i32
    %dma_wait3A_377 = tpu.memref_slice %arg6[%dma_wait3A_375, %dma_wait3A_376] : memref<768x128xf32, #tpu.memory_space<vmem>> -> memref<128x128xf32, #tpu.memory_space<vmem>>
    %dma_wait3A_378 = arith.constant 0 : i32
    %dma_wait3A_379 = tpu.memref_slice %arg4[%dma_wait3A_374, %mul3A_2, %dma_wait3A_378] : memref<50x4096x128xf32, #tpu.memory_space<hbm>> -> memref<1x128x128xf32, #tpu.memory_space<hbm>>
    %dma_wait3A_380 = tpu.memref_squeeze %dma_wait3A_379 : memref<1x128x128xf32, #tpu.memory_space<hbm>> -> memref<128x128xf32, #tpu.memory_space<hbm>>
    %dma_wait3A_381 = arith.constant 0 : i32
    %dma_wait3A_382 = tpu.memref_slice %arg4[%dma_wait3A_374, %mul3A_2, %dma_wait3A_381] : memref<50x4096x128xf32, #tpu.memory_space<hbm>> -> memref<1x128x128xf32, #tpu.memory_space<hbm>>
    %dma_wait3A_383 = tpu.memref_squeeze %dma_wait3A_382 : memref<1x128x128xf32, #tpu.memory_space<hbm>> -> memref<128x128xf32, #tpu.memory_space<hbm>>
    %dma_wait3A_384 = arith.constant 640 : i32
    %dma_wait3A_385 = arith.constant 0 : i32
    %dma_wait3A_386 = tpu.memref_slice %arg6[%dma_wait3A_384, %dma_wait3A_385] : memref<768x128xf32, #tpu.memory_space<vmem>> -> memref<128x128xf32, #tpu.memory_space<vmem>>
    tpu.wait_dma2 semaphore(%arg18 : memref<!tpu.dma_semaphore, #tpu.memory_space<semaphore_mem>>) src(%dma_wait3A_386 : memref<128x128xf32, #tpu.memory_space<vmem>>) dst(%dma_wait3A_383 : memref<128x128xf32, #tpu.memory_space<hbm>>)
    %dma_wait3A_387 = arith.constant 48 : i32
    %dma_wait3A_388 = arith.constant 0 : i32
    %dma_wait3A_389 = arith.constant 0 : i32
    %dma_wait3A_390 = tpu.memref_slice %arg6[%dma_wait3A_388, %dma_wait3A_389] : memref<768x128xf32, #tpu.memory_space<vmem>> -> memref<128x128xf32, #tpu.memory_space<vmem>>
    %dma_wait3A_391 = arith.constant 0 : i32
    %dma_wait3A_392 = tpu.memref_slice %arg4[%dma_wait3A_387, %mul3A_2, %dma_wait3A_391] : memref<50x4096x128xf32, #tpu.memory_space<hbm>> -> memref<1x128x128xf32, #tpu.memory_space<hbm>>
    %dma_wait3A_393 = tpu.memref_squeeze %dma_wait3A_392 : memref<1x128x128xf32, #tpu.memory_space<hbm>> -> memref<128x128xf32, #tpu.memory_space<hbm>>
    %dma_wait3A_394 = arith.constant 0 : i32
    %dma_wait3A_395 = tpu.memref_slice %arg4[%dma_wait3A_387, %mul3A_2, %dma_wait3A_394] : memref<50x4096x128xf32, #tpu.memory_space<hbm>> -> memref<1x128x128xf32, #tpu.memory_space<hbm>>
    %dma_wait3A_396 = tpu.memref_squeeze %dma_wait3A_395 : memref<1x128x128xf32, #tpu.memory_space<hbm>> -> memref<128x128xf32, #tpu.memory_space<hbm>>
    %dma_wait3A_397 = arith.constant 0 : i32
    %dma_wait3A_398 = arith.constant 0 : i32
    %dma_wait3A_399 = tpu.memref_slice %arg6[%dma_wait3A_397, %dma_wait3A_398] : memref<768x128xf32, #tpu.memory_space<vmem>> -> memref<128x128xf32, #tpu.memory_space<vmem>>
    tpu.wait_dma2 semaphore(%arg13 : memref<!tpu.dma_semaphore, #tpu.memory_space<semaphore_mem>>) src(%dma_wait3A_399 : memref<128x128xf32, #tpu.memory_space<vmem>>) dst(%dma_wait3A_396 : memref<128x128xf32, #tpu.memory_space<hbm>>)
    %dma_wait3A_400 = arith.constant 49 : i32
    %dma_wait3A_401 = arith.constant 128 : i32
    %dma_wait3A_402 = arith.constant 0 : i32
    %dma_wait3A_403 = tpu.memref_slice %arg6[%dma_wait3A_401, %dma_wait3A_402] : memref<768x128xf32, #tpu.memory_space<vmem>> -> memref<128x128xf32, #tpu.memory_space<vmem>>
    %dma_wait3A_404 = arith.constant 0 : i32
    %dma_wait3A_405 = tpu.memref_slice %arg4[%dma_wait3A_400, %mul3A_2, %dma_wait3A_404] : memref<50x4096x128xf32, #tpu.memory_space<hbm>> -> memref<1x128x128xf32, #tpu.memory_space<hbm>>
    %dma_wait3A_406 = tpu.memref_squeeze %dma_wait3A_405 : memref<1x128x128xf32, #tpu.memory_space<hbm>> -> memref<128x128xf32, #tpu.memory_space<hbm>>
    %dma_wait3A_407 = arith.constant 0 : i32
    %dma_wait3A_408 = tpu.memref_slice %arg4[%dma_wait3A_400, %mul3A_2, %dma_wait3A_407] : memref<50x4096x128xf32, #tpu.memory_space<hbm>> -> memref<1x128x128xf32, #tpu.memory_space<hbm>>
    %dma_wait3A_409 = tpu.memref_squeeze %dma_wait3A_408 : memref<1x128x128xf32, #tpu.memory_space<hbm>> -> memref<128x128xf32, #tpu.memory_space<hbm>>
    %dma_wait3A_410 = arith.constant 128 : i32
    %dma_wait3A_411 = arith.constant 0 : i32
    %dma_wait3A_412 = tpu.memref_slice %arg6[%dma_wait3A_410, %dma_wait3A_411] : memref<768x128xf32, #tpu.memory_space<vmem>> -> memref<128x128xf32, #tpu.memory_space<vmem>>
    tpu.wait_dma2 semaphore(%arg14 : memref<!tpu.dma_semaphore, #tpu.memory_space<semaphore_mem>>) src(%dma_wait3A_412 : memref<128x128xf32, #tpu.memory_space<vmem>>) dst(%dma_wait3A_409 : memref<128x128xf32, #tpu.memory_space<hbm>>)
    return
  }
}

</mosaic_0001>

<sc_bundles>
// kernel: kernel.3.cloned.1.call-start
scs
__scs_entry_jumppad:
0x0: {  	(pc) =	sbr.rel $0x88, $3  }
0x1: {  	(tag) =	ssettag $0x0;
	lr =	simm.s32 $0x1  }
0x2: {  	[smem:$0x3F9F] =	sst lr;
	_ =	strace $0xD0000000  }
0x3: {  	_ = 	snop  }
0x4: {  	_ = 	snop  }
0x5: {  	_ = 	snop  }
0x6: {  	_ = 	snop  }
0x7: {  	_ = 	snop  }
__scs_overlays_trampoline_lowered:
0x8: {  	[smem:$0x3FAE] =	sst s0  }
0x9: {  	[smem:$0x3FAF] =	sst s1  }
0xa: {  	[smem:$0x3FB0] =	sst s2  }
0xb: {  	[smem:$0x3FB1] =	sst s3  }
0xc: {  	[smem:$0x3FB2] =	sst s4  }
0xd: {  	[smem:$0x3FB3] =	sst s5  }
0xe: {  	[smem:$0x3FB4] =	sst s6  }
0xf: {  	[smem:$0x3FB5] =	sst s7  }
0x10: {  	[smem:$0x3FB6] =	sst s8  }
0x11: {  	[smem:$0x3FB7] =	sst s9;
	s0 =	simm.s32 @!p0 $0x0  }
0x12: {  	s1 =	sld [smem:$0x3F9D];
	s0 =	simm.s32 @p0 $0x1  }
0x13: {  	[smem:$0x3FB8] =	sst s0;
	s0 =	simm.s32 @!p1 $0x0  }
0x14: {  	s2 =	sld [smem:$0x3F9C];
	s0 =	simm.s32 @p1 $0x1  }
0x15: {  	[smem:$0x3FB9] =	sst s0;
	s0 =	simm.s32 @!p2 $0x0  }
0x16: {  	s3 =	sld [smem:$0x3FDB];
	s0 =	simm.s32 @p2 $0x1  }
0x17: {  	s4 =	simm.s32 $0x1BF5;
	[smem:$0x3FBB] =	sst s0  }
0x18: {  	s0 =	sld [smem:$0x3F9E];
	_ =	swait.ge [sflag:s4], $0x0  }
0x19: {  	s7 =	sld [smem:$0x3F9F]  }
0x1a: {  	s8 =	sadd.s32 $0xFFFFE003, lr  }
0x1b: {  	s9 =	sadd.s32 $0xFFFFFEF7, lr;
	s5 =	simm.s32 $0xFFFFFFFF;
	p2 =	slt.u32 s8, $0xFFFFF086  }
0x1c: {  	p1 =	slt.u32 s9, $0xF7A;
	s5 =	simm.s32 @!p2 $0x0  }
0x1d: {  	s5 =	simm.s32 @p1 $0x1;
	p0 =	seq.s32 s7, s2  }
0x1e: {  	s7 =	smul.u32 @!p0 $0xF7A, s2;
	p2 =	seq.s32 @!p0 s5, $0x0  }
0x1f: {  	s9 =	smul.u32 $0xF7A, s1;
	s8 =	simm.s32 @!p0 $0x1BF5;
	p2 =	por !p2, p0  }
0x20: {  	[sflag:s8] =	ssyncset.s32 @!p0 $0xFFFFF086;
	s6 =	sadd.s32 @!p0 s3, s7;
	s7 =	simm.s32 @!p0 $0x108  }
0x21: {  	s3 =	sadd.s32 s3, s9;
	s6 =	sadd.s32 @!p0 $0x88, s6;
	s7 =	simm.s32 @p2 $0x1082  }
0x22: {  	[simem:s7], [sflag:s8] =	dma.local @!p0 [hbm:s6], $0xF7A  }
0x23: {  	s9 =	sor.u32 $0xD0000000, s2;
	s6 =	simm.s32 $0x108;
	_ =	swait.ge @!p0 [sflag:s8], $0x0  }
0x24: {  	s3 =	sadd.s32 $0x88, s3;
	s6 =	simm.s32 @!p1 $0x1082;
	[sflag:s4] =	ssyncset.s32 $0xFFFFF086  }
0x25: {  	[simem:s6], [sflag:s4] =	dma.local [hbm:s3], $0xF7A  }
0x26: {  	[smem:$0x3F9F] =	sst s1;
	(tag) =	ssettag s2;
	_ =	strace s9  }
0x27: {  	s1 =	sld [smem:$0x3FAF]  }
0x28: {  	s2 =	sld [smem:$0x3FB0]  }
0x29: {  	s4 =	sld [smem:$0x3FB2]  }
0x2a: {  	p0 =	seq.s32 s5, $0x0;
	s5 =	sld [smem:$0x3FB3]  }
0x2b: {  	s6 =	sld [smem:$0x3FB4]  }
0x2c: {  	s7 =	sld [smem:$0x3FB5]  }
0x2d: {  	s3 =	simm.s32 $0x108;
	s8 =	sld [smem:$0x3FB6]  }
0x2e: {  	s3 =	simm.s32 @!p0 $0x1082;
	s9 =	sld [smem:$0x3FB7]  }
0x2f: {  	lr =	sadd.s32 s0, s3;
	s0 =	sld [smem:$0x3FAE]  }
0x30: {  	s3 =	sld [smem:$0x3FB1]  }
0x31: {  	[smem:$0x3FBA] =	sst s10  }
0x32: {  	s10 =	sld [smem:$0x3FB8];
	_ =	sdelay $0x3  }
0x33: {  	p0 =	seq.s32 s10, $0x1;
	s10 =	sld [smem:$0x3FBA];
	_ =	sdelay $0x3  }
0x34: {  	[smem:$0x3FBA] =	sst s10  }
0x35: {  	s10 =	sld [smem:$0x3FB9];
	_ =	sdelay $0x3  }
0x36: {  	p1 =	seq.s32 s10, $0x1;
	s10 =	sld [smem:$0x3FBA];
	_ =	sdelay $0x3  }
0x37: {  	[smem:$0x3FBA] =	sst s10  }
0x38: {  	s10 =	sld [smem:$0x3FBB]  }
0x39: {  	_ = 	snop;
	(pc) =	sbr.ind lr, $3  }
0x3a: {  	_ = 	snop  }
0x3b: {  	_ = 	snop  }
0x3c: {  	p2 =	seq.s32 s10, $0x1;
	s10 =	sld [smem:$0x3FBA]  }
0x3d: {  	_ =	shalt  }
0x3e: {  	_ =	shalt  }
0x3f: {  	_ =	shalt  }
0x40: {  	_ =	shalt  }
0x41: {  	_ =	shalt  }
0x42: {  	_ =	shalt  }
0x43: {  	_ =	shalt  }
0x44: {  	_ =	shalt  }
0x45: {  	_ =	shalt  }
0x46: {  	_ =	shalt  }
0x47: {  	_ =	shalt  }
0x48: {  	_ =	shalt  }
0x49: {  	_ =	shalt  }
0x4a: {  	_ =	shalt  }
0x4b: {  	_ =	shalt  }
0x4c: {  	_ =	shalt  }
0x4d: {  	_ =	shalt  }
0x4e: {  	_ =	shalt  }
0x4f: {  	_ =	shalt  }
0x50: {  	_ =	shalt  }
0x51: {  	_ =	shalt  }
0x52: {  	_ =	shalt  }
0x53: {  	_ =	shalt  }
0x54: {  	_ =	shalt  }
0x55: {  	_ =	shalt  }
0x56: {  	_ =	shalt  }
0x57: {  	_ =	shalt  }
0x58: {  	_ =	shalt  }
0x59: {  	_ =	shalt  }
0x5a: {  	_ =	shalt  }
0x5b: {  	_ =	shalt  }
0x5c: {  	_ =	shalt  }
0x5d: {  	_ =	shalt  }
0x5e: {  	_ =	shalt  }
0x5f: {  	_ =	shalt  }
0x60: {  	_ =	shalt  }
0x61: {  	_ =	shalt  }
0x62: {  	_ =	shalt  }
0x63: {  	_ =	shalt  }
0x64: {  	_ =	shalt  }
0x65: {  	_ =	shalt  }
0x66: {  	_ =	shalt  }
0x67: {  	_ =	shalt  }
0x68: {  	_ =	shalt  }
0x69: {  	_ =	shalt  }
0x6a: {  	_ =	shalt  }
0x6b: {  	_ =	shalt  }
0x6c: {  	_ =	shalt  }
0x6d: {  	_ =	shalt  }
0x6e: {  	_ =	shalt  }
0x6f: {  	_ =	shalt  }
0x70: {  	_ =	shalt  }
0x71: {  	_ =	shalt  }
0x72: {  	_ =	shalt  }
0x73: {  	_ =	shalt  }
0x74: {  	_ =	shalt  }
0x75: {  	_ =	shalt  }
0x76: {  	_ =	shalt  }
0x77: {  	_ =	shalt  }
0x78: {  	_ =	shalt  }
0x79: {  	_ =	shalt  }
0x7a: {  	_ =	shalt  }
0x7b: {  	_ =	shalt  }
0x7c: {  	_ =	shalt  }
0x7d: {  	_ =	shalt  }
0x7e: {  	_ =	shalt  }
0x7f: {  	_ =	shalt  }
0x80: {  	_ =	shalt  }
0x81: {  	_ =	shalt  }
0x82: {  	_ =	shalt  }
0x83: {  	_ =	shalt  }
0x84: {  	_ =	shalt  }
0x85: {  	_ =	shalt  }
0x86: {  	_ =	shalt  }
0x87: {  	_ =	shalt  }
.Lfunc_end0:
.L_simem_size_0:
called_computation_lowered:
.L_overlay_start_0:
0x88: {  	s2 =	sld [smem:$0x3FD9]  }
0x89: {  	s3 =	sld [smem:$0x3FFE];
	_ =	sdelay $0x1  }
0x8a: {  	s1 =	srdreg.scid  }
0x8b: {  	s0 =	sand.u32 $0x1, s1  }
0x8c: {  	s17 =	sshll.u32 s0, $0xA;
	s2 =	sadd.s32 s3, s2  }
0x8d: {  	s2 =	sadd.s32 s2, s17  }
0x8e: {  	[smem:$0x3FC6] =	sst s2  }
0x8f: {  	_ = 	snop  }
0x90: {  	s2 =	sld [smem:$0x3FC8]  }
0x91: {  	s18 =	sld [smem:$0x3FD0];
	(tm) =	ssettm $0x1  }
0x92: {  	s4 =	sld [smem:$0x3FFB];
	_ =	sdelay $0x3  }
0x93: {  	_ =	strace s4  }
0x94: {  	s4 =	sld [smem:$0x3FFC];
	_ =	sdelay $0x3  }
0x95: {  	_ =	strace s4  }
0x96: {  	s4 =	sld [smem:$0x3FFD];
	_ =	sdelay $0x3  }
0x97: {  	_ =	strace s4  }
0x98: {  	_ =	strace $0x8FFFFFFF  }
0x99: {  	s19 =	sld [smem:$0x3FDB];
	_ =	sdelay $0x1  }
0x9a: {  	s5 =	simm.s32 $_scs_section_size  }
0x9b: {  	s6 =	simm.s32 $_size__tile_overlayer_lowered;
	s7 =	simm.s32 $_tile_overlayer_lowered  }
0x9c: {  	s22 =	simm.s32 $0x1BFF;
	s21 =	sshll.u32 s7, $0x1;
	s4 =	sadd.s32 s5, s19  }
0x9d: {  	s8 =	simm.s32 $0x0;
	s20 =	sshll.u32 s6, $0x1;
	s6 =	sadd.s32 s21, s4  }
0x9e: {  	[timem:s8], [sflag:s22] =	dma.local [hbm:s6], s20  }
0x9f: {  	_ =	swait.ge [sflag:s22], s20  }
0xa0: {  	s5 =	ssub.s32 $0x0, s20;
	[sflag:s22] =	ssyncset.done $0x0  }
0xa1: {  	[sflag:s22] =	ssyncadd.s32 s5;
	_ =	sdelay $0x1  }
0xa2: {  	s23 =	simm.s32 $0x1B8B  }
0xa3: {  	_ =	swait.ge [sflag:s23], $0x1  }
0xa4: {  	[sflag:s23] =	ssyncset.done $0x0  }
0xa5: {  	s25 =	simm.s32 $0x1B8E;
	s24 =	sld [smem:$0x3FFE];
	[sflag:s23] =	ssyncadd.s32 $0xFFFFFFFF  }
0xa6: {  	s26 =	simm.s32 $execute0_lowered;
	[smem:$0x3FD2] =	sst s25  }
0xa7: {  	s6 =	sshll.u32 s26, $0x1;
	_ =	strace $0x80000046;
	[dreg:$0x1] =	wrdreg $0xFFFFFFFF  }
0xa8: {  	s28 =	simm.s32 $_size_execute0_lowered;
	s4 =	sadd.s32 s4, s6;
	[dreg:$0x0] =	wrdreg $0x0  }
0xa9: {  	s6 =	sshll.u32 s28, $0x1;
	[dreg:$0x2] =	wrdreg s4  }
0xaa: {  	[dreg:$0x3] =	wrdreg s6  }
0xab: {  	[dreg:$0x4] =	wrdreg $0xC0  }
0xac: {  	_ =	task [dreg:s8], $0x5FFFF  }
0xad: {  	[dreg:$0x1] =	wrdreg $0xFFFFFFFF  }
0xae: {  	[dreg:$0x0] =	wrdreg $0x60  }
0xaf: {  	[dreg:$0x2] =	wrdreg s24  }
0xb0: {  	[dreg:$0x3] =	wrdreg s2  }
0xb1: {  	[dreg:$0x4] =	wrdreg s18  }
0xb2: {  	[dreg:$0x5] =	wrdreg $0x9  }
0xb3: {  	_ =	task.clear_ibuf [dreg:s8], $0x6FFFF;
	_ =	strace $0x90000046  }
0xb4: {  	s29 =	simm.s32 $0x9;
	_ =	strace $0x80000048  }
0xb5: {  	_ =	swait.ge [sflag:s29], $0x1  }
0xb6: {  	[sflag:s29] =	ssyncadd.s32 $0xFFFFFFFF  }
0xb7: {  	_ =	strace $0x90000048  }
0xb8: {  	_ =	sfence  }
0xb9: {  	s30 =	sld [smem:$0x0];
	_ =	sdelay $0x2  }
0xba: {  	s31 =	sshll.u32 s1, $0xD;
	s1 =	sshrl.u32 s1, $0x2  }
0xbb: {  	s3 =	sand.u32 $0x4000, s31;
	s1 =	sadd.s32 s1, s30  }
0xbc: {  	s0 =	sor.u32 s3, s0;
	s1 =	sshll.u32 s1, $0x11  }
0xbd: {  	s0 =	sor.u32 s1, s0  }
0xbe: {  	s0 =	sadd.s32 $0x8F2B, s0  }
0xbf: {  	[sflag:s0] =	ssyncadd.remote.s32 $0x1  }
0xc0: {  	_ =	sfence.sel $0xFFFF  }
0xc1: {  	[dreg:$0x0] =	wrdreg $0xFFFFFFFF;
	(pc) =	sbr.abs _section_cstart, $3  }
0xc2: {  	[dreg:$0x1] =	wrdreg $0xFFFFFFFF  }
0xc3: {  	_ =	task.clear_ibuf [dreg:s8], $0x2FFFF;
	_ =	strace $0x9FFFFFFF  }
0xc4: {  	(tm) =	ssettm $0x7FFFFFFF  }
0xc5: {  	_ =	shalt  }
tec
execute0_lowered:
.L_overlay_start_1:
0x0: {  	(tag) =	ssettag $0x1  }
0x1: {  	s0 =	rddreg [dreg:$0x0]  }
0x2: {  	s2 =	rddreg [dreg:$0x1];
	s1 =	srdreg.scid  }
0x3: {  	s4 =	stileid.u32;
	s3 =	rddreg [dreg:$0x2];
	s28 =	simm.s32 $0xDC00  }
0x4: {  	s29 =	simm.s32 $0x1;
	s31 =	simm.s32 $0x11C00;
	s30 =	simm.s32 $0x7  }
0x5: {  	s8 =	simm.s32 $0x5;
	s13 =	simm.s32 $0x9;
	s9 =	simm.s32 $0x0  }
0x6: {  	s1 =	sand.u32 $0x1, s1;
	s5 =	sshll.u32 s4, $0x1;
	s4 =	simm.s32 $0x0  }
0x7: {  	s5 =	sor.u32 s1, s5;
	[smem:$0x7FF] =	sst s4;
	s1 =	ssub.s32 $0x2, s1  }
0x8: {  	s6 =	smul.u32 $0x380, s5;
	s7 =	sshrl.u32 s1, $0x1;
	s14 =	sshll.u32 s5, $0xB  }
0x9: {  	_ =	strace $0x80000047;
	s1 =	ssub.s32 s1, s7;
	s15 =	sadd.s32 s3, s14  }
0xa: {  	s14 =	simm.s32 $0x6;
	s16 =	sadd.s32 $0x10000, s15;
	[dreg:$0x5] =	wrdreg s15  }
0xb: {  	s0 =	sadd.s32 s6, s0;
	s21 =	sadd.s32 $0x2C0000, s15;
	[dreg:$0x6] =	wrdreg s16  }
0xc: {  	s6 =	sshll.u32 s5, $0xE;
	s22 =	sadd.s32 $0x2D0000, s15;
	[dreg:$0xb] =	wrdreg s21  }
0xd: {  	s23 =	sadd.s32 $0x2E0000, s15;
	s24 =	sadd.s32 $0x2F0000, s15;
	[dreg:$0xc] =	wrdreg s22  }
0xe: {  	s25 =	sadd.s32 $0x300000, s15;
	s26 =	smax.u32 s1, $0x1;
	[dreg:$0xd] =	wrdreg s23  }
0xf: {  	s1 =	simm.s32 $0x2;
	s5 =	simm.s32 $0x8;
	[dreg:$0xe] =	wrdreg s24  }
0x10: {  	s0 =	sadd.s32 $0x400, s0;
	s17 =	sor.u32 $0x100000, s6;
	[dreg:$0xf] =	wrdreg s25  }
0x11: {  	s18 =	sor.u32 $0x180000, s6;
	s19 =	sor.u32 $0x200000, s6;
	[dreg:$0x11] =	wrdreg s26  }
0x12: {  	s20 =	sor.u32 $0x280000, s6;
	s21 =	simm.s32 $0x80;
	[dreg:$0x4] =	wrdreg s0  }
0x13: {  	s22 =	simm.s32 $0x1C00;
	s23 =	simm.s32 $0x5C00;
	[dreg:$0x7] =	wrdreg s17  }
0x14: {  	s25 =	simm.s32 $0x9C00;
	s24 =	simm.s32 $0x15C00;
	[dreg:$0x8] =	wrdreg s18  }
0x15: {  	s26 =	simm.s32 $0x3;
	s16 =	simm.s32 $0xB;
	[dreg:$0x9] =	wrdreg s19  }
0x16: {  	[dreg:$0xa] =	wrdreg s20;
	s0 =	sadd.s32 $0x310000, s15;
	s15 =	simm.s32 $0xA  }
0x17: {  	s17 =	simm.s32 $0xC;
	[dreg:$0x10] =	wrdreg s0;
	s0 =	simm.s32 $0x4  }
.LBB2_1:
0x18: {  	[dreg:$0x12] =	wrdreg s9  }
0x19: {  	s7 =	rddreg [dreg:$0x4];
	s18 =	simm.s32 $0xD  }
0x1a: {  	[tilespmem:s4], [sflag:$0xD] =	stream.linear.gather [hbm4b:s7+s4], $0x1900, $0x38;
	[tilespmem:$0x19C00] =	vst v63  }
0x1b: {  	_ =	swait.ge [sflag:s18], $0x1900  }
0x1c: {  	[sflag:s18] =	ssyncset.done $0x0  }
0x1d: {  	[sflag:s18] =	ssyncadd.s32 $0xFFFFE700  }
0x1e: {  	[tilespmem:s22], [sflag:$0x1] =	stream.indirect.gather [hbm4b:s2+s21], $0x80, s4, s21, $0xb8;
	[tilespmem:$0x19C00] =	vst v63  }
0x1f: {  	_ = 	snop  }
0x20: {  	[tilespmem:s23], [sflag:$0x2] =	stream.indirect.gather [hbm4b:s2+s21], $0x80, s21, s21, $0xb8;
	[tilespmem:$0x19C00] =	vst v63  }
0x21: {  	s19 =	simm.s32 $0x100  }
0x22: {  	[tilespmem:s25], [sflag:$0x3] =	stream.indirect.gather [hbm4b:s2+s21], $0x80, s19, s21, $0xb8;
	[tilespmem:$0x19C00] =	vst v63  }
0x23: {  	s20 =	simm.s32 $0x180  }
0x24: {  	[tilespmem:s28], [sflag:$0x4] =	stream.indirect.gather [hbm4b:s2+s21], $0x80, s20, s21, $0xb8;
	[tilespmem:$0x19C00] =	vst v63  }
0x25: {  	_ =	swait.ge [sflag:s29], $0x4000  }
0x26: {  	[sflag:s29] =	ssyncset.done $0x0  }
0x27: {  	s7 =	simm.s32 $0x1C80;
	[sflag:s29] =	ssyncadd.s32 $0xFFFFC000  }
0x28: {  	v0 =	vld [tilespmem:s7+$0xFFFFFF80]  }
0x29: {  	v1 =	vld [tilespmem:s7+$0xFFFFFF90]  }
0x2a: {  	v2 =	vld [tilespmem:s7+$0xFFFFFFA0]  }
0x2b: {  	v3 =	vld [tilespmem:s7+$0xFFFFFFB0]  }
0x2c: {  	v4 =	vld [tilespmem:s7+$0xFFFFFFC0]  }
0x2d: {  	v5 =	vld [tilespmem:s7+$0xFFFFFFD0];
	v0 =	vmul.f32 $1.131370830e+01, v0  }
0x2e: {  	v6 =	vld [tilespmem:s7+$0xFFFFFFE0];
	v1 =	vmul.f32 $1.131370830e+01, v1  }
0x2f: {  	[tilespmem:s7+$0xFFFFFF80] =	vst v0;
	v0 =	vmul.f32 $1.131370830e+01, v2;
	v2 =	vld [tilespmem:s7+$0x0]  }
0x30: {  	[tilespmem:s7+$0xFFFFFF90] =	vst v1;
	v1 =	vmul.f32 $1.131370830e+01, v3;
	v3 =	vld [tilespmem:s7+$0x10]  }
0x31: {  	[tilespmem:s7+$0xFFFFFFA0] =	vst v0;
	v0 =	vmul.f32 $1.131370830e+01, v4;
	v4 =	vld [tilespmem:s7+$0x20]  }
0x32: {  	v7 =	vld [tilespmem:s7+$0x30];
	[tilespmem:s7+$0xFFFFFFB0] =	vst v1;
	v1 =	vmul.f32 $1.131370830e+01, v5  }
0x33: {  	v5 =	vmul.f32 $1.131370830e+01, v6;
	[tilespmem:s7+$0xFFFFFFC0] =	vst v0;
	v0 =	vld [tilespmem:s7+$0x40]  }
0x34: {  	[tilespmem:s7+$0xFFFFFFD0] =	vst v1;
	v1 =	vld [tilespmem:s7+$0x50];
	v2 =	vmul.f32 $1.131370830e+01, v2  }
0x35: {  	[tilespmem:s7+$0xFFFFFFE0] =	vst v5;
	v6 =	vmul.f32 $1.131370830e+01, v3;
	v3 =	vld [tilespmem:s7+$0x60]  }
0x36: {  	[tilespmem:s7+$0x0] =	vst v2;
	v5 =	vmul.f32 $1.131370830e+01, v4;
	v4 =	vld [tilespmem:s7+$0x70]  }
0x37: {  	s9 =	simm.s32 $0x0;
	s10 =	simm.s32 $0x1D80;
	v2 =	vld [tilespmem:s7+$0xFFFFFFF0];
	[tilespmem:s7+$0x10] =	vst v6;
	v6 =	vmul.f32 $1.131370830e+01, v7  }
.LBB2_2:
0x38: {  	v7 =	vld [tilespmem:s10+$0xFFFFFF80];
	[tilespmem:s7+$0x20] =	vst v5;
	v0 =	vmul.f32 $1.131370830e+01, v0  }
0x39: {  	v5 =	vld [tilespmem:s10+$0xFFFFFF90];
	[tilespmem:s7+$0x30] =	vst v6;
	v1 =	vmul.f32 $1.131370830e+01, v1  }
0x3a: {  	v6 =	vld [tilespmem:s10+$0xFFFFFFA0];
	[tilespmem:s7+$0x40] =	vst v0;
	v0 =	vmul.f32 $1.131370830e+01, v3  }
0x3b: {  	v3 =	vld [tilespmem:s10+$0xFFFFFFB0];
	[tilespmem:s7+$0x50] =	vst v1;
	v1 =	vmul.f32 $1.131370830e+01, v4  }
0x3c: {  	v4 =	vld [tilespmem:s10+$0xFFFFFFC0];
	v2 =	vmul.f32 $1.131370830e+01, v2;
	[tilespmem:s7+$0x60] =	vst v0  }
0x3d: {  	v0 =	vmul.f32 $1.131370830e+01, v7;
	v7 =	vld [tilespmem:s10+$0xFFFFFFD0];
	[tilespmem:s7+$0x70] =	vst v1  }
0x3e: {  	v1 =	vmul.f32 $1.131370830e+01, v5;
	v5 =	vld [tilespmem:s10+$0xFFFFFFE0];
	[tilespmem:s7+$0xFFFFFFF0] =	vst v2;
	s7 =	smov.u32 s10  }
0x3f: {  	[tilespmem:s10+$0xFFFFFF80] =	vst v0;
	v0 =	vmul.f32 $1.131370830e+01, v6;
	v2 =	vld [tilespmem:s10+$0x0]  }
0x40: {  	[tilespmem:s10+$0xFFFFFF90] =	vst v1;
	v1 =	vmul.f32 $1.131370830e+01, v3;
	v3 =	vld [tilespmem:s10+$0x10]  }
0x41: {  	s9 =	sadd.s32 $0x2, s9;
	[tilespmem:s10+$0xFFFFFFA0] =	vst v0;
	v0 =	vmul.f32 $1.131370830e+01, v4;
	v4 =	vld [tilespmem:s10+$0x20]  }
0x42: {  	p0 =	slt.u32 s9, $0x7E;
	[tilespmem:s10+$0xFFFFFFB0] =	vst v1;
	v1 =	vmul.f32 $1.131370830e+01, v7;
	v6 =	vld [tilespmem:s10+$0x30]  }
.Ltmp0:
0x43: {  	[tilespmem:s10+$0xFFFFFFC0] =	vst v0;
	v5 =	vmul.f32 $1.131370830e+01, v5;
	v0 =	vld [tilespmem:s10+$0x40];
	(pc) =	sbr.rel @p0 .LBB2_2-.Ltmp0, $4  }
0x44: {  	[tilespmem:s10+$0xFFFFFFD0] =	vst v1;
	v2 =	vmul.f32 $1.131370830e+01, v2;
	v1 =	vld [tilespmem:s10+$0x50]  }
0x45: {  	[tilespmem:s10+$0xFFFFFFE0] =	vst v5;
	v7 =	vmul.f32 $1.131370830e+01, v3;
	v3 =	vld [tilespmem:s10+$0x60]  }
0x46: {  	[tilespmem:s10+$0x0] =	vst v2;
	v5 =	vmul.f32 $1.131370830e+01, v4;
	v4 =	vld [tilespmem:s10+$0x70]  }
0x47: {  	s10 =	sadd.s32 $0x100, s10;
	v2 =	vld [tilespmem:s7+$0xFFFFFFF0];
	[tilespmem:s7+$0x10] =	vst v7;
	v6 =	vmul.f32 $1.131370830e+01, v6  }
0x48: {  	[tilespmem:s7+$0x20] =	vst v5;
	v0 =	vmul.f32 $1.131370830e+01, v0  }
0x49: {  	[tilespmem:s7+$0x30] =	vst v6;
	v1 =	vmul.f32 $1.131370830e+01, v1  }
0x4a: {  	[tilespmem:s7+$0x40] =	vst v0;
	v0 =	vmul.f32 $1.131370830e+01, v3  }
0x4b: {  	[tilespmem:s7+$0x50] =	vst v1;
	v1 =	vmul.f32 $1.131370830e+01, v4  }
0x4c: {  	v2 =	vmul.f32 $1.131370830e+01, v2;
	[tilespmem:s7+$0x60] =	vst v0  }
0x4d: {  	[tilespmem:s7+$0x70] =	vst v1  }
0x4e: {  	s19 =	rddreg [dreg:$0x5];
	[tilespmem:s7+$0xFFFFFFF0] =	vst v2  }
0x4f: {  	[hbm4b:s19+s4] =	stream.linear.scatter [tilespmem:s22], [sflag:$0x7], $0x4000, $0x38;
	[tilespmem:$0x19C00] =	vst v63  }
0x50: {  	s20 =	simm.s32 $0x200  }
0x51: {  	[tilespmem:s31], [sflag:$0x5] =	stream.indirect.gather [hbm4b:s2+s21], $0x80, s20, s21, $0xb8;
	[tilespmem:$0x19C00] =	vst v63  }
0x52: {  	_ =	swait.ge [sflag:s1], $0x4000  }
0x53: {  	[sflag:s1] =	ssyncset.done $0x0  }
0x54: {  	s7 =	simm.s32 $0x5C00;
	[sflag:s1] =	ssyncadd.s32 $0xFFFFC000  }
0x55: {  	v1 =	vld [tilespmem:s7+$0xA0]  }
0x56: {  	v2 =	vld [tilespmem:s7+$0x40]  }
0x57: {  	v3 =	vld [tilespmem:s7+$0xE0]  }
0x58: {  	v4 =	vld [tilespmem:s7+$0xD0]  }
0x59: {  	v5 =	vld [tilespmem:s7+$0x20]  }
0x5a: {  	v0 =	vld [tilespmem:s7+$0x90]  }
0x5b: {  	v8 =	vld [tilespmem:s7+$0xC0]  }
0x5c: {  	v7 =	vld [tilespmem:s7+$0x10]  }
0x5d: {  	v9 =	vld [tilespmem:s7+$0x0];
	v1 =	vmul.f32 $1.131370830e+01, v1  }
0x5e: {  	v11 =	vld [tilespmem:s7+$0x50];
	v4 =	vmul.f32 $1.131370830e+01, v4  }
0x5f: {  	v10 =	vld [tilespmem:s7+$0xB0];
	v12 =	vmul.f32 $1.131370830e+01, v5;
	[tilespmem:s7+$0xA0] =	vst v1  }
0x60: {  	v6 =	vld [tilespmem:s7+$0xF0];
	v13 =	vmul.f32 $1.131370830e+01, v8;
	[tilespmem:s7+$0xD0] =	vst v4  }
0x61: {  	v1 =	vmul.f32 $1.131370830e+01, v2;
	v2 =	vmul.f32 $1.131370830e+01, v3;
	v3 =	vld [tilespmem:s7+$0x80];
	[tilespmem:s7+$0x20] =	vst v12  }
0x62: {  	v4 =	vld [tilespmem:s7+$0x70];
	[tilespmem:s7+$0xC0] =	vst v13  }
0x63: {  	v8 =	vmul.f32 $1.131370830e+01, v9;
	v5 =	vld [tilespmem:s7+$0x60];
	v9 =	vmul.f32 $1.131370830e+01, v11;
	[tilespmem:s7+$0x40] =	vst v1  }
0x64: {  	s9 =	simm.s32 $0x0;
	s10 =	simm.s32 $0x5D00;
	[tilespmem:s7+$0xE0] =	vst v2;
	v1 =	vmul.f32 $1.131370830e+01, v7;
	v7 =	vld [tilespmem:s7+$0x30];
	v2 =	vmul.f32 $1.131370830e+01, v10  }
.LBB2_4:
0x65: {  	v10 =	vld [tilespmem:s10+$0xA0];
	s9 =	sadd.s32 $0x2, s9;
	[tilespmem:s7+$0x0] =	vst v8;
	v0 =	vmul.f32 $1.131370830e+01, v0;
	v6 =	vmul.f32 $1.131370830e+01, v6  }
0x66: {  	v8 =	vld [tilespmem:s10+$0x40];
	p0 =	slt.u32 s9, $0x7E;
	[tilespmem:s7+$0x50] =	vst v9;
	v3 =	vmul.f32 $1.131370830e+01, v3  }
0x67: {  	v9 =	vld [tilespmem:s10+$0xE0];
	v4 =	vmul.f32 $1.131370830e+01, v4;
	[tilespmem:s7+$0xF0] =	vst v6  }
0x68: {  	v11 =	vld [tilespmem:s10+$0x20];
	v5 =	vmul.f32 $1.131370830e+01, v5;
	[tilespmem:s7+$0x80] =	vst v3  }
0x69: {  	v3 =	vld [tilespmem:s10+$0xD0];
	v6 =	vmul.f32 $1.131370830e+01, v7;
	[tilespmem:s7+$0x90] =	vst v0  }
0x6a: {  	v0 =	vld [tilespmem:s10+$0x90];
	v7 =	vmul.f32 $1.131370830e+01, v10;
	[tilespmem:s7+$0x10] =	vst v1  }
0x6b: {  	v1 =	vld [tilespmem:s10+$0x10];
	[tilespmem:s7+$0x30] =	vst v6  }
0x6c: {  	v10 =	vld [tilespmem:s10+$0xC0];
	v9 =	vmul.f32 $1.131370830e+01, v9;
	[tilespmem:s7+$0xB0] =	vst v2  }
0x6d: {  	v2 =	vld [tilespmem:s10+$0x0];
	[tilespmem:s7+$0x70] =	vst v4  }
0x6e: {  	v12 =	vld [tilespmem:s10+$0xB0];
	v3 =	vmul.f32 $1.131370830e+01, v3;
	[tilespmem:s7+$0x60] =	vst v5;
	s7 =	smov.u32 s10  }
0x6f: {  	v13 =	vld [tilespmem:s10+$0x50];
	[tilespmem:s10+$0xA0] =	vst v7  }
.Ltmp1:
0x70: {  	v4 =	vmul.f32 $1.131370830e+01, v8;
	[tilespmem:s10+$0xD0] =	vst v3;
	v6 =	vld [tilespmem:s10+$0xF0];
	(pc) =	sbr.rel @p0 .LBB2_4-.Ltmp1, $4  }
0x71: {  	v3 =	vld [tilespmem:s10+$0x80];
	v7 =	vmul.f32 $1.131370830e+01, v10;
	[tilespmem:s10+$0xE0] =	vst v9  }
0x72: {  	v9 =	vmul.f32 $1.131370830e+01, v11;
	[tilespmem:s10+$0x40] =	vst v4;
	v4 =	vld [tilespmem:s10+$0x70]  }
0x73: {  	v1 =	vmul.f32 $1.131370830e+01, v1;
	v8 =	vmul.f32 $1.131370830e+01, v2;
	v5 =	vld [tilespmem:s10+$0x60];
	[tilespmem:s10+$0xC0] =	vst v7  }
0x74: {  	v2 =	vmul.f32 $1.131370830e+01, v12;
	s10 =	sadd.s32 $0x100, s10;
	[tilespmem:s7+$0x20] =	vst v9;
	v7 =	vld [tilespmem:s7+$0x30];
	v9 =	vmul.f32 $1.131370830e+01, v13  }
0x75: {  	[tilespmem:s7+$0x0] =	vst v8  }
0x76: {  	[tilespmem:s7+$0x10] =	vst v1  }
0x77: {  	v6 =	vmul.f32 $1.131370830e+01, v6;
	[tilespmem:s7+$0x50] =	vst v9  }
0x78: {  	v0 =	vmul.f32 $1.131370830e+01, v0;
	[tilespmem:s7+$0xB0] =	vst v2  }
0x79: {  	v3 =	vmul.f32 $1.131370830e+01, v3;
	[tilespmem:s7+$0xF0] =	vst v6  }
0x7a: {  	[tilespmem:s7+$0x90] =	vst v0;
	v62 =	vmul.f32 $1.131370830e+01, v4  }
0x7b: {  	[tilespmem:s7+$0x80] =	vst v3;
	v63 =	vmul.f32 $1.131370830e+01, v5  }
0x7c: {  	v61 =	vmul.f32 $1.131370830e+01, v7;
	[tilespmem:s7+$0x70] =	vst v62  }
0x7d: {  	[tilespmem:s7+$0x60] =	vst v63  }
0x7e: {  	s19 =	simm.s32 $0x0;
	s18 =	rddreg [dreg:$0x6];
	[tilespmem:s7+$0x30] =	vst v61  }
0x7f: {  	[hbm4b:s18+s19] =	stream.linear.scatter [tilespmem:s23], [sflag:$0x8], $0x4000, $0x38;
	[tilespmem:$0x19C00] =	vst v63  }
0x80: {  	s20 =	simm.s32 $0x280  }
0x81: {  	[tilespmem:s24], [sflag:$0x6] =	stream.indirect.gather [hbm4b:s2+s21], $0x80, s20, s21, $0xb8;
	[tilespmem:$0x19C00] =	vst v63  }
.LBB2_6:
0x82: {  	_ =	swait.ge [sflag:s26], $0x4000  }
0x83: {  	[sflag:s26] =	ssyncset.done $0x0  }
0x84: {  	s7 =	simm.s32 $0x9C00;
	[sflag:s26] =	ssyncadd.s32 $0xFFFFC000  }
0x85: {  	v1 =	vld [tilespmem:s7+$0xA0]  }
0x86: {  	v2 =	vld [tilespmem:s7+$0x40]  }
0x87: {  	v3 =	vld [tilespmem:s7+$0xE0]  }
0x88: {  	v4 =	vld [tilespmem:s7+$0xD0]  }
0x89: {  	v5 =	vld [tilespmem:s7+$0x20]  }
0x8a: {  	v0 =	vld [tilespmem:s7+$0x90]  }
0x8b: {  	v8 =	vld [tilespmem:s7+$0xC0]  }
0x8c: {  	v7 =	vld [tilespmem:s7+$0x10]  }
0x8d: {  	v9 =	vld [tilespmem:s7+$0x0];
	v1 =	vmul.f32 $1.131370830e+01, v1  }
0x8e: {  	v11 =	vld [tilespmem:s7+$0x50];
	v4 =	vmul.f32 $1.131370830e+01, v4  }
0x8f: {  	v10 =	vld [tilespmem:s7+$0xB0];
	v12 =	vmul.f32 $1.131370830e+01, v5;
	[tilespmem:s7+$0xA0] =	vst v1  }
0x90: {  	v6 =	vld [tilespmem:s7+$0xF0];
	v13 =	vmul.f32 $1.131370830e+01, v8;
	[tilespmem:s7+$0xD0] =	vst v4  }
0x91: {  	v1 =	vmul.f32 $1.131370830e+01, v2;
	v2 =	vmul.f32 $1.131370830e+01, v3;
	v3 =	vld [tilespmem:s7+$0x80];
	[tilespmem:s7+$0x20] =	vst v12  }
0x92: {  	v4 =	vld [tilespmem:s7+$0x70];
	[tilespmem:s7+$0xC0] =	vst v13  }
0x93: {  	v8 =	vmul.f32 $1.131370830e+01, v9;
	v5 =	vld [tilespmem:s7+$0x60];
	v9 =	vmul.f32 $1.131370830e+01, v11;
	[tilespmem:s7+$0x40] =	vst v1  }
0x94: {  	s9 =	simm.s32 $0x0;
	s10 =	simm.s32 $0x9D00;
	[tilespmem:s7+$0xE0] =	vst v2;
	v1 =	vmul.f32 $1.131370830e+01, v7;
	v7 =	vld [tilespmem:s7+$0x30];
	v2 =	vmul.f32 $1.131370830e+01, v10  }
.LBB2_7:
0x95: {  	v10 =	vld [tilespmem:s10+$0xA0];
	s9 =	sadd.s32 $0x2, s9;
	[tilespmem:s7+$0x0] =	vst v8;
	v0 =	vmul.f32 $1.131370830e+01, v0;
	v6 =	vmul.f32 $1.131370830e+01, v6  }
0x96: {  	v8 =	vld [tilespmem:s10+$0x40];
	p0 =	slt.u32 s9, $0x7E;
	[tilespmem:s7+$0x50] =	vst v9;
	v3 =	vmul.f32 $1.131370830e+01, v3  }
0x97: {  	v9 =	vld [tilespmem:s10+$0xE0];
	v4 =	vmul.f32 $1.131370830e+01, v4;
	[tilespmem:s7+$0xF0] =	vst v6  }
0x98: {  	v11 =	vld [tilespmem:s10+$0x20];
	v5 =	vmul.f32 $1.131370830e+01, v5;
	[tilespmem:s7+$0x80] =	vst v3  }
0x99: {  	v3 =	vld [tilespmem:s10+$0xD0];
	v6 =	vmul.f32 $1.131370830e+01, v7;
	[tilespmem:s7+$0x90] =	vst v0  }
0x9a: {  	v0 =	vld [tilespmem:s10+$0x90];
	v7 =	vmul.f32 $1.131370830e+01, v10;
	[tilespmem:s7+$0x10] =	vst v1  }
0x9b: {  	v1 =	vld [tilespmem:s10+$0x10];
	[tilespmem:s7+$0x30] =	vst v6  }
0x9c: {  	v10 =	vld [tilespmem:s10+$0xC0];
	v9 =	vmul.f32 $1.131370830e+01, v9;
	[tilespmem:s7+$0xB0] =	vst v2  }
0x9d: {  	v2 =	vld [tilespmem:s10+$0x0];
	[tilespmem:s7+$0x70] =	vst v4  }
0x9e: {  	v12 =	vld [tilespmem:s10+$0xB0];
	v3 =	vmul.f32 $1.131370830e+01, v3;
	[tilespmem:s7+$0x60] =	vst v5;
	s7 =	smov.u32 s10  }
0x9f: {  	v13 =	vld [tilespmem:s10+$0x50];
	[tilespmem:s10+$0xA0] =	vst v7  }
.Ltmp2:
0xa0: {  	v4 =	vmul.f32 $1.131370830e+01, v8;
	[tilespmem:s10+$0xD0] =	vst v3;
	v6 =	vld [tilespmem:s10+$0xF0];
	(pc) =	sbr.rel @p0 .LBB2_7-.Ltmp2, $4  }
0xa1: {  	v3 =	vld [tilespmem:s10+$0x80];
	v7 =	vmul.f32 $1.131370830e+01, v10;
	[tilespmem:s10+$0xE0] =	vst v9  }
0xa2: {  	v9 =	vmul.f32 $1.131370830e+01, v11;
	[tilespmem:s10+$0x40] =	vst v4;
	v4 =	vld [tilespmem:s10+$0x70]  }
0xa3: {  	v1 =	vmul.f32 $1.131370830e+01, v1;
	v8 =	vmul.f32 $1.131370830e+01, v2;
	v5 =	vld [tilespmem:s10+$0x60];
	[tilespmem:s10+$0xC0] =	vst v7  }
0xa4: {  	v2 =	vmul.f32 $1.131370830e+01, v12;
	s10 =	sadd.s32 $0x100, s10;
	[tilespmem:s7+$0x20] =	vst v9;
	v7 =	vld [tilespmem:s7+$0x30];
	v9 =	vmul.f32 $1.131370830e+01, v13  }
0xa5: {  	[tilespmem:s7+$0x0] =	vst v8  }
0xa6: {  	[tilespmem:s7+$0x10] =	vst v1  }
0xa7: {  	v6 =	vmul.f32 $1.131370830e+01, v6;
	[tilespmem:s7+$0x50] =	vst v9  }
0xa8: {  	v0 =	vmul.f32 $1.131370830e+01, v0;
	[tilespmem:s7+$0xB0] =	vst v2  }
0xa9: {  	v3 =	vmul.f32 $1.131370830e+01, v3;
	[tilespmem:s7+$0xF0] =	vst v6  }
0xaa: {  	s18 =	smul.u32 $0x300000, s19;
	[tilespmem:s7+$0x90] =	vst v0;
	v0 =	vmul.f32 $1.131370830e+01, v4  }
0xab: {  	s9 =	rddreg [dreg:$0x7];
	[tilespmem:s7+$0x80] =	vst v3;
	v1 =	vmul.f32 $1.131370830e+01, v5  }
0xac: {  	s9 =	sadd.s32 s9, s18;
	v3 =	vmul.f32 $1.131370830e+01, v7;
	[tilespmem:s7+$0x70] =	vst v0  }
0xad: {  	s10 =	sshrl.u32 s9, $0x3;
	[tilespmem:s7+$0x60] =	vst v1  }
0xae: {  	s9 =	smul.u32 $0x6, s19;
	s12 =	sadd.s32 s3, s10;
	[tilespmem:s7+$0x30] =	vst v3  }
0xaf: {  	[hbm4b:s12+s4] =	stream.linear.scatter [tilespmem:s25], [sflag:$0x9], $0x4000, $0x38;
	[tilespmem:$0x19C00] =	vst v63  }
0xb0: {  	s7 =	sadd.s32 $0x6, s9;
	_ =	swait.ge [sflag:s30], $0x4000  }
0xb1: {  	s20 =	sshll.u32 s7, $0x7;
	[sflag:s30] =	ssyncset.done $0x0  }
0xb2: {  	s10 =	sand.u32 $0x3FFFFF00, s20;
	[sflag:s30] =	ssyncadd.s32 $0xFFFFC000  }
0xb3: {  	[tilespmem:s22], [sflag:$0x1] =	stream.indirect.gather [hbm4b:s2+s21], $0x80, s10, s21, $0xb8;
	[tilespmem:$0x19C00] =	vst v63  }
0xb4: {  	_ =	swait.ge [sflag:s0], $0x4000  }
0xb5: {  	[sflag:s0] =	ssyncset.done $0x0  }
0xb6: {  	s20 =	simm.s32 $0xDC00;
	[sflag:s0] =	ssyncadd.s32 $0xFFFFC000  }
0xb7: {  	v1 =	vld [tilespmem:s20+$0xA0]  }
0xb8: {  	v2 =	vld [tilespmem:s20+$0x40]  }
0xb9: {  	v3 =	vld [tilespmem:s20+$0xE0]  }
0xba: {  	v4 =	vld [tilespmem:s20+$0xD0]  }
0xbb: {  	v5 =	vld [tilespmem:s20+$0x20]  }
0xbc: {  	v0 =	vld [tilespmem:s20+$0x90]  }
0xbd: {  	v8 =	vld [tilespmem:s20+$0xC0]  }
0xbe: {  	v7 =	vld [tilespmem:s20+$0x10]  }
0xbf: {  	v9 =	vld [tilespmem:s20+$0x0];
	v1 =	vmul.f32 $1.131370830e+01, v1  }
0xc0: {  	v11 =	vld [tilespmem:s20+$0x50];
	v4 =	vmul.f32 $1.131370830e+01, v4  }
0xc1: {  	v10 =	vld [tilespmem:s20+$0xB0];
	v12 =	vmul.f32 $1.131370830e+01, v5;
	[tilespmem:s20+$0xA0] =	vst v1  }
0xc2: {  	v6 =	vld [tilespmem:s20+$0xF0];
	v13 =	vmul.f32 $1.131370830e+01, v8;
	[tilespmem:s20+$0xD0] =	vst v4  }
0xc3: {  	v1 =	vmul.f32 $1.131370830e+01, v2;
	v2 =	vmul.f32 $1.131370830e+01, v3;
	v3 =	vld [tilespmem:s20+$0x80];
	[tilespmem:s20+$0x20] =	vst v12  }
0xc4: {  	v4 =	vld [tilespmem:s20+$0x70];
	[tilespmem:s20+$0xC0] =	vst v13  }
0xc5: {  	v8 =	vmul.f32 $1.131370830e+01, v9;
	v5 =	vld [tilespmem:s20+$0x60];
	v9 =	vmul.f32 $1.131370830e+01, v11;
	[tilespmem:s20+$0x40] =	vst v1  }
0xc6: {  	s11 =	simm.s32 $0xDD00;
	s10 =	simm.s32 $0x0;
	[tilespmem:s20+$0xE0] =	vst v2;
	v1 =	vmul.f32 $1.131370830e+01, v7;
	v7 =	vld [tilespmem:s20+$0x30];
	v2 =	vmul.f32 $1.131370830e+01, v10  }
.LBB2_9:
0xc7: {  	v10 =	vld [tilespmem:s11+$0xA0];
	s10 =	sadd.s32 $0x2, s10;
	[tilespmem:s20+$0x0] =	vst v8;
	v0 =	vmul.f32 $1.131370830e+01, v0;
	v6 =	vmul.f32 $1.131370830e+01, v6  }
0xc8: {  	v8 =	vld [tilespmem:s11+$0x40];
	p0 =	slt.u32 s10, $0x7E;
	[tilespmem:s20+$0x50] =	vst v9;
	v3 =	vmul.f32 $1.131370830e+01, v3  }
0xc9: {  	v9 =	vld [tilespmem:s11+$0xE0];
	v4 =	vmul.f32 $1.131370830e+01, v4;
	[tilespmem:s20+$0xF0] =	vst v6  }
0xca: {  	v11 =	vld [tilespmem:s11+$0x20];
	v5 =	vmul.f32 $1.131370830e+01, v5;
	[tilespmem:s20+$0x80] =	vst v3  }
0xcb: {  	v3 =	vld [tilespmem:s11+$0xD0];
	v6 =	vmul.f32 $1.131370830e+01, v7;
	[tilespmem:s20+$0x90] =	vst v0  }
0xcc: {  	v0 =	vld [tilespmem:s11+$0x90];
	v7 =	vmul.f32 $1.131370830e+01, v10;
	[tilespmem:s20+$0x10] =	vst v1  }
0xcd: {  	v1 =	vld [tilespmem:s11+$0x10];
	[tilespmem:s20+$0x30] =	vst v6  }
0xce: {  	v10 =	vld [tilespmem:s11+$0xC0];
	v9 =	vmul.f32 $1.131370830e+01, v9;
	[tilespmem:s20+$0xB0] =	vst v2  }
0xcf: {  	v2 =	vld [tilespmem:s11+$0x0];
	[tilespmem:s20+$0x70] =	vst v4  }
0xd0: {  	v12 =	vld [tilespmem:s11+$0xB0];
	v3 =	vmul.f32 $1.131370830e+01, v3;
	[tilespmem:s20+$0x60] =	vst v5;
	s20 =	smov.u32 s11  }
0xd1: {  	v13 =	vld [tilespmem:s11+$0x50];
	[tilespmem:s11+$0xA0] =	vst v7  }
.Ltmp3:
0xd2: {  	v4 =	vmul.f32 $1.131370830e+01, v8;
	[tilespmem:s11+$0xD0] =	vst v3;
	v6 =	vld [tilespmem:s11+$0xF0];
	(pc) =	sbr.rel @p0 .LBB2_9-.Ltmp3, $4  }
0xd3: {  	v3 =	vld [tilespmem:s11+$0x80];
	v7 =	vmul.f32 $1.131370830e+01, v10;
	[tilespmem:s11+$0xE0] =	vst v9  }
0xd4: {  	v9 =	vmul.f32 $1.131370830e+01, v11;
	[tilespmem:s11+$0x40] =	vst v4;
	v4 =	vld [tilespmem:s11+$0x70]  }
0xd5: {  	v1 =	vmul.f32 $1.131370830e+01, v1;
	v8 =	vmul.f32 $1.131370830e+01, v2;
	v5 =	vld [tilespmem:s11+$0x60];
	[tilespmem:s11+$0xC0] =	vst v7  }
0xd6: {  	v2 =	vmul.f32 $1.131370830e+01, v12;
	s11 =	sadd.s32 $0x100, s11;
	[tilespmem:s20+$0x20] =	vst v9;
	v7 =	vld [tilespmem:s20+$0x30];
	v9 =	vmul.f32 $1.131370830e+01, v13  }
0xd7: {  	[tilespmem:s20+$0x0] =	vst v8  }
0xd8: {  	[tilespmem:s20+$0x10] =	vst v1  }
0xd9: {  	v6 =	vmul.f32 $1.131370830e+01, v6;
	[tilespmem:s20+$0x50] =	vst v9  }
0xda: {  	v0 =	vmul.f32 $1.131370830e+01, v0;
	[tilespmem:s20+$0xB0] =	vst v2  }
0xdb: {  	v3 =	vmul.f32 $1.131370830e+01, v3;
	[tilespmem:s20+$0xF0] =	vst v6  }
0xdc: {  	[tilespmem:s20+$0x90] =	vst v0;
	v0 =	vmul.f32 $1.131370830e+01, v4  }
0xdd: {  	s10 =	rddreg [dreg:$0x8];
	[tilespmem:s20+$0x80] =	vst v3;
	v1 =	vmul.f32 $1.131370830e+01, v5  }
0xde: {  	s10 =	sadd.s32 s10, s18;
	v3 =	vmul.f32 $1.131370830e+01, v7;
	[tilespmem:s20+$0x70] =	vst v0  }
0xdf: {  	s10 =	sshrl.u32 s10, $0x3;
	[tilespmem:s20+$0x60] =	vst v1  }
0xe0: {  	s10 =	sadd.s32 s3, s10;
	[tilespmem:s20+$0x30] =	vst v3  }
0xe1: {  	[hbm4b:s10+s4] =	stream.linear.scatter [tilespmem:s28], [sflag:$0xA], $0x4000, $0x38;
	[tilespmem:$0x19C00] =	vst v63  }
0xe2: {  	s20 =	sadd.s32 $0x7, s9;
	_ =	swait.ge [sflag:s5], $0x4000  }
0xe3: {  	s9 =	sshll.u32 s20, $0x7;
	[sflag:s5] =	ssyncset.done $0x0  }
0xe4: {  	s9 =	sand.u32 $0x3FFFFF80, s9;
	[sflag:s5] =	ssyncadd.s32 $0xFFFFC000  }
0xe5: {  	[tilespmem:s23], [sflag:$0x2] =	stream.indirect.gather [hbm4b:s2+s21], $0x80, s9, s21, $0xb8;
	[tilespmem:$0x19C00] =	vst v63  }
0xe6: {  	_ =	swait.ge [sflag:s8], $0x4000  }
0xe7: {  	[sflag:s8] =	ssyncset.done $0x0  }
0xe8: {  	s9 =	simm.s32 $0x11C00;
	[sflag:s8] =	ssyncadd.s32 $0xFFFFC000  }
0xe9: {  	v1 =	vld [tilespmem:s9+$0xA0]  }
0xea: {  	v2 =	vld [tilespmem:s9+$0x40]  }
0xeb: {  	v3 =	vld [tilespmem:s9+$0xE0]  }
0xec: {  	v4 =	vld [tilespmem:s9+$0xD0]  }
0xed: {  	v5 =	vld [tilespmem:s9+$0x20]  }
0xee: {  	v0 =	vld [tilespmem:s9+$0x90]  }
0xef: {  	v8 =	vld [tilespmem:s9+$0xC0]  }
0xf0: {  	v7 =	vld [tilespmem:s9+$0x10]  }
0xf1: {  	v9 =	vld [tilespmem:s9+$0x0];
	v1 =	vmul.f32 $1.131370830e+01, v1  }
0xf2: {  	v11 =	vld [tilespmem:s9+$0x50];
	v4 =	vmul.f32 $1.131370830e+01, v4  }
0xf3: {  	v10 =	vld [tilespmem:s9+$0xB0];
	v12 =	vmul.f32 $1.131370830e+01, v5;
	[tilespmem:s9+$0xA0] =	vst v1  }
0xf4: {  	v6 =	vld [tilespmem:s9+$0xF0];
	v13 =	vmul.f32 $1.131370830e+01, v8;
	[tilespmem:s9+$0xD0] =	vst v4  }
0xf5: {  	v1 =	vmul.f32 $1.131370830e+01, v2;
	v2 =	vmul.f32 $1.131370830e+01, v3;
	v3 =	vld [tilespmem:s9+$0x80];
	[tilespmem:s9+$0x20] =	vst v12  }
0xf6: {  	v4 =	vld [tilespmem:s9+$0x70];
	[tilespmem:s9+$0xC0] =	vst v13  }
0xf7: {  	v8 =	vmul.f32 $1.131370830e+01, v9;
	v5 =	vld [tilespmem:s9+$0x60];
	v9 =	vmul.f32 $1.131370830e+01, v11;
	[tilespmem:s9+$0x40] =	vst v1  }
0xf8: {  	s11 =	simm.s32 $0x11D00;
	s10 =	simm.s32 $0x0;
	[tilespmem:s9+$0xE0] =	vst v2;
	v1 =	vmul.f32 $1.131370830e+01, v7;
	v7 =	vld [tilespmem:s9+$0x30];
	v2 =	vmul.f32 $1.131370830e+01, v10  }
.LBB2_11:
0xf9: {  	v10 =	vld [tilespmem:s11+$0xA0];
	s10 =	sadd.s32 $0x2, s10;
	[tilespmem:s9+$0x0] =	vst v8;
	v0 =	vmul.f32 $1.131370830e+01, v0;
	v6 =	vmul.f32 $1.131370830e+01, v6  }
0xfa: {  	v8 =	vld [tilespmem:s11+$0x40];
	p0 =	slt.u32 s10, $0x7E;
	[tilespmem:s9+$0x50] =	vst v9;
	v3 =	vmul.f32 $1.131370830e+01, v3  }
0xfb: {  	v9 =	vld [tilespmem:s11+$0xE0];
	v4 =	vmul.f32 $1.131370830e+01, v4;
	[tilespmem:s9+$0xF0] =	vst v6  }
0xfc: {  	v11 =	vld [tilespmem:s11+$0x20];
	v5 =	vmul.f32 $1.131370830e+01, v5;
	[tilespmem:s9+$0x80] =	vst v3  }
0xfd: {  	v3 =	vld [tilespmem:s11+$0xD0];
	v6 =	vmul.f32 $1.131370830e+01, v7;
	[tilespmem:s9+$0x90] =	vst v0  }
0xfe: {  	v0 =	vld [tilespmem:s11+$0x90];
	v7 =	vmul.f32 $1.131370830e+01, v10;
	[tilespmem:s9+$0x10] =	vst v1  }
0xff: {  	v1 =	vld [tilespmem:s11+$0x10];
	[tilespmem:s9+$0x30] =	vst v6  }
0x100: {  	v10 =	vld [tilespmem:s11+$0xC0];
	v9 =	vmul.f32 $1.131370830e+01, v9;
	[tilespmem:s9+$0xB0] =	vst v2  }
0x101: {  	v2 =	vld [tilespmem:s11+$0x0];
	[tilespmem:s9+$0x70] =	vst v4  }
0x102: {  	v12 =	vld [tilespmem:s11+$0xB0];
	v3 =	vmul.f32 $1.131370830e+01, v3;
	[tilespmem:s9+$0x60] =	vst v5;
	s9 =	smov.u32 s11  }
0x103: {  	v13 =	vld [tilespmem:s11+$0x50];
	[tilespmem:s11+$0xA0] =	vst v7  }
.Ltmp4:
0x104: {  	v4 =	vmul.f32 $1.131370830e+01, v8;
	[tilespmem:s11+$0xD0] =	vst v3;
	v6 =	vld [tilespmem:s11+$0xF0];
	(pc) =	sbr.rel @p0 .LBB2_11-.Ltmp4, $4  }
0x105: {  	v3 =	vld [tilespmem:s11+$0x80];
	v7 =	vmul.f32 $1.131370830e+01, v10;
	[tilespmem:s11+$0xE0] =	vst v9  }
0x106: {  	v9 =	vmul.f32 $1.131370830e+01, v11;
	[tilespmem:s11+$0x40] =	vst v4;
	v4 =	vld [tilespmem:s11+$0x70]  }
0x107: {  	v1 =	vmul.f32 $1.131370830e+01, v1;
	v8 =	vmul.f32 $1.131370830e+01, v2;
	v5 =	vld [tilespmem:s11+$0x60];
	[tilespmem:s11+$0xC0] =	vst v7  }
0x108: {  	v2 =	vmul.f32 $1.131370830e+01, v12;
	s11 =	sadd.s32 $0x100, s11;
	[tilespmem:s9+$0x20] =	vst v9;
	v7 =	vld [tilespmem:s9+$0x30];
	v9 =	vmul.f32 $1.131370830e+01, v13  }
0x109: {  	[tilespmem:s9+$0x0] =	vst v8  }
0x10a: {  	[tilespmem:s9+$0x10] =	vst v1  }
0x10b: {  	v6 =	vmul.f32 $1.131370830e+01, v6;
	[tilespmem:s9+$0x50] =	vst v9  }
0x10c: {  	v0 =	vmul.f32 $1.131370830e+01, v0;
	[tilespmem:s9+$0xB0] =	vst v2  }
0x10d: {  	v3 =	vmul.f32 $1.131370830e+01, v3;
	[tilespmem:s9+$0xF0] =	vst v6  }
0x10e: {  	[tilespmem:s9+$0x90] =	vst v0;
	v0 =	vmul.f32 $1.131370830e+01, v4  }
0x10f: {  	s10 =	rddreg [dreg:$0x9];
	[tilespmem:s9+$0x80] =	vst v3;
	v1 =	vmul.f32 $1.131370830e+01, v5  }
0x110: {  	s10 =	sadd.s32 s10, s18;
	v3 =	vmul.f32 $1.131370830e+01, v7;
	[tilespmem:s9+$0x70] =	vst v0  }
0x111: {  	s10 =	sshrl.u32 s10, $0x3;
	[tilespmem:s9+$0x60] =	vst v1  }
0x112: {  	s11 =	smul.u32 $0xC00, s19;
	s10 =	sadd.s32 s3, s10;
	[tilespmem:s9+$0x30] =	vst v3  }
0x113: {  	[hbm4b:s10+s4] =	stream.linear.scatter [tilespmem:s31], [sflag:$0xB], $0x4000, $0x38;
	[tilespmem:$0x19C00] =	vst v63  }
0x114: {  	_ =	swait.ge [sflag:s13], $0x4000  }
0x115: {  	s9 =	sshra.s32 s11, $0x2;
	[sflag:s13] =	ssyncset.done $0x0  }
0x116: {  	s12 =	sadd.s32 $0x400, s9;
	[sflag:s13] =	ssyncadd.s32 $0xFFFFC000  }
0x117: {  	[tilespmem:s25], [sflag:$0x3] =	stream.indirect.gather [hbm4b:s2+s21], $0x80, s12, s21, $0xb8;
	[tilespmem:$0x19C00] =	vst v63  }
0x118: {  	_ =	swait.ge [sflag:s14], $0x4000  }
0x119: {  	[sflag:s14] =	ssyncset.done $0x0  }
0x11a: {  	s10 =	simm.s32 $0x15C00;
	[sflag:s14] =	ssyncadd.s32 $0xFFFFC000  }
0x11b: {  	v1 =	vld [tilespmem:s10+$0xA0]  }
0x11c: {  	v2 =	vld [tilespmem:s10+$0x40]  }
0x11d: {  	v3 =	vld [tilespmem:s10+$0xE0]  }
0x11e: {  	v4 =	vld [tilespmem:s10+$0xD0]  }
0x11f: {  	v5 =	vld [tilespmem:s10+$0x20]  }
0x120: {  	v0 =	vld [tilespmem:s10+$0x90]  }
0x121: {  	v8 =	vld [tilespmem:s10+$0xC0]  }
0x122: {  	v7 =	vld [tilespmem:s10+$0x10]  }
0x123: {  	v9 =	vld [tilespmem:s10+$0x0];
	v1 =	vmul.f32 $1.131370830e+01, v1  }
0x124: {  	v11 =	vld [tilespmem:s10+$0x50];
	v4 =	vmul.f32 $1.131370830e+01, v4  }
0x125: {  	v10 =	vld [tilespmem:s10+$0xB0];
	v12 =	vmul.f32 $1.131370830e+01, v5;
	[tilespmem:s10+$0xA0] =	vst v1  }
0x126: {  	v6 =	vld [tilespmem:s10+$0xF0];
	v13 =	vmul.f32 $1.131370830e+01, v8;
	[tilespmem:s10+$0xD0] =	vst v4  }
0x127: {  	v1 =	vmul.f32 $1.131370830e+01, v2;
	v2 =	vmul.f32 $1.131370830e+01, v3;
	v3 =	vld [tilespmem:s10+$0x80];
	[tilespmem:s10+$0x20] =	vst v12  }
0x128: {  	v4 =	vld [tilespmem:s10+$0x70];
	[tilespmem:s10+$0xC0] =	vst v13  }
0x129: {  	v8 =	vmul.f32 $1.131370830e+01, v9;
	v5 =	vld [tilespmem:s10+$0x60];
	v9 =	vmul.f32 $1.131370830e+01, v11;
	[tilespmem:s10+$0x40] =	vst v1  }
0x12a: {  	s11 =	simm.s32 $0x0;
	s12 =	simm.s32 $0x15D00;
	[tilespmem:s10+$0xE0] =	vst v2;
	v1 =	vmul.f32 $1.131370830e+01, v7;
	v7 =	vld [tilespmem:s10+$0x30];
	v2 =	vmul.f32 $1.131370830e+01, v10  }
.LBB2_13:
0x12b: {  	v10 =	vld [tilespmem:s12+$0xA0];
	s11 =	sadd.s32 $0x2, s11;
	[tilespmem:s10+$0x0] =	vst v8;
	v0 =	vmul.f32 $1.131370830e+01, v0;
	v6 =	vmul.f32 $1.131370830e+01, v6  }
0x12c: {  	v8 =	vld [tilespmem:s12+$0x40];
	p0 =	slt.u32 s11, $0x7E;
	[tilespmem:s10+$0x50] =	vst v9;
	v3 =	vmul.f32 $1.131370830e+01, v3  }
0x12d: {  	v9 =	vld [tilespmem:s12+$0xE0];
	v4 =	vmul.f32 $1.131370830e+01, v4;
	[tilespmem:s10+$0xF0] =	vst v6  }
0x12e: {  	v11 =	vld [tilespmem:s12+$0x20];
	v5 =	vmul.f32 $1.131370830e+01, v5;
	[tilespmem:s10+$0x80] =	vst v3  }
0x12f: {  	v3 =	vld [tilespmem:s12+$0xD0];
	v6 =	vmul.f32 $1.131370830e+01, v7;
	[tilespmem:s10+$0x90] =	vst v0  }
0x130: {  	v0 =	vld [tilespmem:s12+$0x90];
	v7 =	vmul.f32 $1.131370830e+01, v10;
	[tilespmem:s10+$0x10] =	vst v1  }
0x131: {  	v1 =	vld [tilespmem:s12+$0x10];
	[tilespmem:s10+$0x30] =	vst v6  }
0x132: {  	v10 =	vld [tilespmem:s12+$0xC0];
	v9 =	vmul.f32 $1.131370830e+01, v9;
	[tilespmem:s10+$0xB0] =	vst v2  }
0x133: {  	v2 =	vld [tilespmem:s12+$0x0];
	[tilespmem:s10+$0x70] =	vst v4  }
0x134: {  	v12 =	vld [tilespmem:s12+$0xB0];
	v3 =	vmul.f32 $1.131370830e+01, v3;
	[tilespmem:s10+$0x60] =	vst v5;
	s10 =	smov.u32 s12  }
0x135: {  	v13 =	vld [tilespmem:s12+$0x50];
	[tilespmem:s12+$0xA0] =	vst v7  }
.Ltmp5:
0x136: {  	v4 =	vmul.f32 $1.131370830e+01, v8;
	[tilespmem:s12+$0xD0] =	vst v3;
	v6 =	vld [tilespmem:s12+$0xF0];
	(pc) =	sbr.rel @p0 .LBB2_13-.Ltmp5, $4  }
0x137: {  	v3 =	vld [tilespmem:s12+$0x80];
	v7 =	vmul.f32 $1.131370830e+01, v10;
	[tilespmem:s12+$0xE0] =	vst v9  }
0x138: {  	v9 =	vmul.f32 $1.131370830e+01, v11;
	[tilespmem:s12+$0x40] =	vst v4;
	v4 =	vld [tilespmem:s12+$0x70]  }
0x139: {  	v1 =	vmul.f32 $1.131370830e+01, v1;
	v8 =	vmul.f32 $1.131370830e+01, v2;
	v5 =	vld [tilespmem:s12+$0x60];
	[tilespmem:s12+$0xC0] =	vst v7  }
0x13a: {  	v2 =	vmul.f32 $1.131370830e+01, v12;
	s12 =	sadd.s32 $0x100, s12;
	[tilespmem:s10+$0x20] =	vst v9;
	v7 =	vld [tilespmem:s10+$0x30];
	v9 =	vmul.f32 $1.131370830e+01, v13  }
0x13b: {  	[tilespmem:s10+$0x0] =	vst v8  }
0x13c: {  	[tilespmem:s10+$0x10] =	vst v1  }
0x13d: {  	v6 =	vmul.f32 $1.131370830e+01, v6;
	[tilespmem:s10+$0x50] =	vst v9  }
0x13e: {  	v0 =	vmul.f32 $1.131370830e+01, v0;
	[tilespmem:s10+$0xB0] =	vst v2  }
0x13f: {  	v3 =	vmul.f32 $1.131370830e+01, v3;
	[tilespmem:s10+$0xF0] =	vst v6  }
0x140: {  	[tilespmem:s10+$0x90] =	vst v0;
	v0 =	vmul.f32 $1.131370830e+01, v4  }
0x141: {  	s11 =	rddreg [dreg:$0xa];
	[tilespmem:s10+$0x80] =	vst v3;
	v1 =	vmul.f32 $1.131370830e+01, v5  }
0x142: {  	s11 =	sadd.s32 s11, s18;
	v3 =	vmul.f32 $1.131370830e+01, v7;
	[tilespmem:s10+$0x70] =	vst v0  }
0x143: {  	s11 =	sshrl.u32 s11, $0x3;
	[tilespmem:s10+$0x60] =	vst v1  }
0x144: {  	s12 =	sadd.s32 s3, s11;
	[tilespmem:s10+$0x30] =	vst v3  }
0x145: {  	[hbm4b:s12+s4] =	stream.linear.scatter [tilespmem:s24], [sflag:$0xC], $0x4000, $0x38;
	[tilespmem:$0x19C00] =	vst v63  }
0x146: {  	_ =	swait.ge [sflag:s15], $0x4000  }
0x147: {  	[sflag:s15] =	ssyncset.done $0x0  }
0x148: {  	s18 =	sadd.s32 $0x480, s9;
	[sflag:s15] =	ssyncadd.s32 $0xFFFFC000  }
0x149: {  	[tilespmem:s28], [sflag:$0x4] =	stream.indirect.gather [hbm4b:s2+s21], $0x80, s18, s21, $0xb8;
	[tilespmem:$0x19C00] =	vst v63  }
0x14a: {  	_ =	swait.ge [sflag:s29], $0x4000  }
0x14b: {  	[sflag:s29] =	ssyncset.done $0x0  }
0x14c: {  	s18 =	simm.s32 $0x1C80;
	[sflag:s29] =	ssyncadd.s32 $0xFFFFC000  }
0x14d: {  	v0 =	vld [tilespmem:s18+$0xFFFFFF80]  }
0x14e: {  	v1 =	vld [tilespmem:s18+$0xFFFFFF90]  }
0x14f: {  	v2 =	vld [tilespmem:s18+$0xFFFFFFA0]  }
0x150: {  	v3 =	vld [tilespmem:s18+$0xFFFFFFB0]  }
0x151: {  	v4 =	vld [tilespmem:s18+$0xFFFFFFC0]  }
0x152: {  	v5 =	vld [tilespmem:s18+$0xFFFFFFD0];
	v0 =	vmul.f32 $1.131370830e+01, v0  }
0x153: {  	v6 =	vld [tilespmem:s18+$0xFFFFFFE0];
	v1 =	vmul.f32 $1.131370830e+01, v1  }
0x154: {  	[tilespmem:s18+$0xFFFFFF80] =	vst v0;
	v0 =	vmul.f32 $1.131370830e+01, v2;
	v2 =	vld [tilespmem:s18+$0x0]  }
0x155: {  	[tilespmem:s18+$0xFFFFFF90] =	vst v1;
	v1 =	vmul.f32 $1.131370830e+01, v3;
	v3 =	vld [tilespmem:s18+$0x10]  }
0x156: {  	[tilespmem:s18+$0xFFFFFFA0] =	vst v0;
	v0 =	vmul.f32 $1.131370830e+01, v4;
	v4 =	vld [tilespmem:s18+$0x20]  }
0x157: {  	v7 =	vld [tilespmem:s18+$0x30];
	[tilespmem:s18+$0xFFFFFFB0] =	vst v1;
	v1 =	vmul.f32 $1.131370830e+01, v5  }
0x158: {  	v5 =	vmul.f32 $1.131370830e+01, v6;
	[tilespmem:s18+$0xFFFFFFC0] =	vst v0;
	v0 =	vld [tilespmem:s18+$0x40]  }
0x159: {  	[tilespmem:s18+$0xFFFFFFD0] =	vst v1;
	v1 =	vmul.f32 $1.131370830e+01, v2;
	v2 =	vld [tilespmem:s18+$0x50]  }
0x15a: {  	[tilespmem:s18+$0xFFFFFFE0] =	vst v5;
	v6 =	vmul.f32 $1.131370830e+01, v3;
	v3 =	vld [tilespmem:s18+$0x60]  }
0x15b: {  	[tilespmem:s18+$0x0] =	vst v1;
	v5 =	vmul.f32 $1.131370830e+01, v4;
	v4 =	vld [tilespmem:s18+$0x70]  }
0x15c: {  	s11 =	simm.s32 $0x1D80;
	s10 =	simm.s32 $0x0;
	v1 =	vld [tilespmem:s18+$0xFFFFFFF0];
	[tilespmem:s18+$0x10] =	vst v6;
	v6 =	vmul.f32 $1.131370830e+01, v7  }
.LBB2_15:
0x15d: {  	v7 =	vld [tilespmem:s11+$0xFFFFFF80];
	[tilespmem:s18+$0x20] =	vst v5;
	v0 =	vmul.f32 $1.131370830e+01, v0  }
0x15e: {  	v5 =	vld [tilespmem:s11+$0xFFFFFF90];
	[tilespmem:s18+$0x30] =	vst v6;
	v2 =	vmul.f32 $1.131370830e+01, v2  }
0x15f: {  	v6 =	vld [tilespmem:s11+$0xFFFFFFA0];
	[tilespmem:s18+$0x40] =	vst v0;
	v0 =	vmul.f32 $1.131370830e+01, v3  }
0x160: {  	v3 =	vld [tilespmem:s11+$0xFFFFFFB0];
	[tilespmem:s18+$0x50] =	vst v2;
	v2 =	vmul.f32 $1.131370830e+01, v4  }
0x161: {  	v4 =	vld [tilespmem:s11+$0xFFFFFFC0];
	v1 =	vmul.f32 $1.131370830e+01, v1;
	[tilespmem:s18+$0x60] =	vst v0  }
0x162: {  	v0 =	vmul.f32 $1.131370830e+01, v7;
	v7 =	vld [tilespmem:s11+$0xFFFFFFD0];
	[tilespmem:s18+$0x70] =	vst v2  }
0x163: {  	v2 =	vmul.f32 $1.131370830e+01, v5;
	v5 =	vld [tilespmem:s11+$0xFFFFFFE0];
	[tilespmem:s18+$0xFFFFFFF0] =	vst v1;
	s18 =	smov.u32 s11  }
0x164: {  	[tilespmem:s11+$0xFFFFFF80] =	vst v0;
	v0 =	vmul.f32 $1.131370830e+01, v6;
	v1 =	vld [tilespmem:s11+$0x0]  }
0x165: {  	[tilespmem:s11+$0xFFFFFF90] =	vst v2;
	v2 =	vmul.f32 $1.131370830e+01, v3;
	v3 =	vld [tilespmem:s11+$0x10]  }
0x166: {  	s10 =	sadd.s32 $0x2, s10;
	[tilespmem:s11+$0xFFFFFFA0] =	vst v0;
	v0 =	vmul.f32 $1.131370830e+01, v4;
	v4 =	vld [tilespmem:s11+$0x20]  }
0x167: {  	p0 =	slt.u32 s10, $0x7E;
	[tilespmem:s11+$0xFFFFFFB0] =	vst v2;
	v2 =	vmul.f32 $1.131370830e+01, v7;
	v6 =	vld [tilespmem:s11+$0x30]  }
.Ltmp6:
0x168: {  	[tilespmem:s11+$0xFFFFFFC0] =	vst v0;
	v5 =	vmul.f32 $1.131370830e+01, v5;
	v0 =	vld [tilespmem:s11+$0x40];
	(pc) =	sbr.rel @p0 .LBB2_15-.Ltmp6, $4  }
0x169: {  	[tilespmem:s11+$0xFFFFFFD0] =	vst v2;
	v1 =	vmul.f32 $1.131370830e+01, v1;
	v2 =	vld [tilespmem:s11+$0x50]  }
0x16a: {  	[tilespmem:s11+$0xFFFFFFE0] =	vst v5;
	v7 =	vmul.f32 $1.131370830e+01, v3;
	v3 =	vld [tilespmem:s11+$0x60]  }
0x16b: {  	[tilespmem:s11+$0x0] =	vst v1;
	v5 =	vmul.f32 $1.131370830e+01, v4;
	v4 =	vld [tilespmem:s11+$0x70]  }
0x16c: {  	s11 =	sadd.s32 $0x100, s11;
	v1 =	vld [tilespmem:s18+$0xFFFFFFF0];
	[tilespmem:s18+$0x10] =	vst v7;
	v6 =	vmul.f32 $1.131370830e+01, v6  }
0x16d: {  	[tilespmem:s18+$0x20] =	vst v5;
	v0 =	vmul.f32 $1.131370830e+01, v0  }
0x16e: {  	[tilespmem:s18+$0x30] =	vst v6;
	v2 =	vmul.f32 $1.131370830e+01, v2  }
0x16f: {  	[tilespmem:s18+$0x40] =	vst v0;
	v0 =	vmul.f32 $1.131370830e+01, v3  }
0x170: {  	s7 =	sshll.u32 s7, $0x13;
	[tilespmem:s18+$0x50] =	vst v2;
	v2 =	vmul.f32 $1.131370830e+01, v4  }
0x171: {  	s7 =	sor.u32 s6, s7;
	v1 =	vmul.f32 $1.131370830e+01, v1;
	[tilespmem:s18+$0x60] =	vst v0  }
0x172: {  	s7 =	sshrl.u32 s7, $0x3;
	[tilespmem:s18+$0x70] =	vst v2  }
0x173: {  	s7 =	sadd.s32 s3, s7;
	[tilespmem:s18+$0xFFFFFFF0] =	vst v1  }
0x174: {  	[hbm4b:s7+s4] =	stream.linear.scatter [tilespmem:s22], [sflag:$0x7], $0x4000, $0x38;
	[tilespmem:$0x19C00] =	vst v63  }
0x175: {  	_ =	swait.ge [sflag:s16], $0x4000  }
0x176: {  	[sflag:s16] =	ssyncset.done $0x0  }
0x177: {  	s18 =	sadd.s32 $0x500, s9;
	[sflag:s16] =	ssyncadd.s32 $0xFFFFC000  }
0x178: {  	[tilespmem:s31], [sflag:$0x5] =	stream.indirect.gather [hbm4b:s2+s21], $0x80, s18, s21, $0xb8;
	[tilespmem:$0x19C00] =	vst v63  }
0x179: {  	_ =	swait.ge [sflag:s1], $0x4000  }
0x17a: {  	[sflag:s1] =	ssyncset.done $0x0  }
0x17b: {  	s7 =	simm.s32 $0x5C00;
	[sflag:s1] =	ssyncadd.s32 $0xFFFFC000  }
0x17c: {  	v1 =	vld [tilespmem:s7+$0xA0]  }
0x17d: {  	v2 =	vld [tilespmem:s7+$0x40]  }
0x17e: {  	v3 =	vld [tilespmem:s7+$0xE0]  }
0x17f: {  	v4 =	vld [tilespmem:s7+$0xD0]  }
0x180: {  	v5 =	vld [tilespmem:s7+$0x20]  }
0x181: {  	v0 =	vld [tilespmem:s7+$0x90]  }
0x182: {  	v8 =	vld [tilespmem:s7+$0xC0]  }
0x183: {  	v7 =	vld [tilespmem:s7+$0x10]  }
0x184: {  	v9 =	vld [tilespmem:s7+$0x0];
	v1 =	vmul.f32 $1.131370830e+01, v1  }
0x185: {  	v11 =	vld [tilespmem:s7+$0x50];
	v4 =	vmul.f32 $1.131370830e+01, v4  }
0x186: {  	v10 =	vld [tilespmem:s7+$0xB0];
	v12 =	vmul.f32 $1.131370830e+01, v5;
	[tilespmem:s7+$0xA0] =	vst v1  }
0x187: {  	v6 =	vld [tilespmem:s7+$0xF0];
	v13 =	vmul.f32 $1.131370830e+01, v8;
	[tilespmem:s7+$0xD0] =	vst v4  }
0x188: {  	v1 =	vmul.f32 $1.131370830e+01, v2;
	v2 =	vmul.f32 $1.131370830e+01, v3;
	v3 =	vld [tilespmem:s7+$0x80];
	[tilespmem:s7+$0x20] =	vst v12  }
0x189: {  	v4 =	vld [tilespmem:s7+$0x70];
	[tilespmem:s7+$0xC0] =	vst v13  }
0x18a: {  	v8 =	vmul.f32 $1.131370830e+01, v9;
	v5 =	vld [tilespmem:s7+$0x60];
	v9 =	vmul.f32 $1.131370830e+01, v11;
	[tilespmem:s7+$0x40] =	vst v1  }
0x18b: {  	s10 =	simm.s32 $0x0;
	s11 =	simm.s32 $0x5D00;
	[tilespmem:s7+$0xE0] =	vst v2;
	v1 =	vmul.f32 $1.131370830e+01, v7;
	v7 =	vld [tilespmem:s7+$0x30];
	v2 =	vmul.f32 $1.131370830e+01, v10  }
.LBB2_17:
0x18c: {  	v10 =	vld [tilespmem:s11+$0xA0];
	s10 =	sadd.s32 $0x2, s10;
	[tilespmem:s7+$0x0] =	vst v8;
	v0 =	vmul.f32 $1.131370830e+01, v0;
	v6 =	vmul.f32 $1.131370830e+01, v6  }
0x18d: {  	v8 =	vld [tilespmem:s11+$0x40];
	p0 =	slt.u32 s10, $0x7E;
	[tilespmem:s7+$0x50] =	vst v9;
	v3 =	vmul.f32 $1.131370830e+01, v3  }
0x18e: {  	v9 =	vld [tilespmem:s11+$0xE0];
	v4 =	vmul.f32 $1.131370830e+01, v4;
	[tilespmem:s7+$0xF0] =	vst v6  }
0x18f: {  	v11 =	vld [tilespmem:s11+$0x20];
	v5 =	vmul.f32 $1.131370830e+01, v5;
	[tilespmem:s7+$0x80] =	vst v3  }
0x190: {  	v3 =	vld [tilespmem:s11+$0xD0];
	v6 =	vmul.f32 $1.131370830e+01, v7;
	[tilespmem:s7+$0x90] =	vst v0  }
0x191: {  	v0 =	vld [tilespmem:s11+$0x90];
	v7 =	vmul.f32 $1.131370830e+01, v10;
	[tilespmem:s7+$0x10] =	vst v1  }
0x192: {  	v1 =	vld [tilespmem:s11+$0x10];
	[tilespmem:s7+$0x30] =	vst v6  }
0x193: {  	v10 =	vld [tilespmem:s11+$0xC0];
	v9 =	vmul.f32 $1.131370830e+01, v9;
	[tilespmem:s7+$0xB0] =	vst v2  }
0x194: {  	v2 =	vld [tilespmem:s11+$0x0];
	[tilespmem:s7+$0x70] =	vst v4  }
0x195: {  	v12 =	vld [tilespmem:s11+$0xB0];
	v3 =	vmul.f32 $1.131370830e+01, v3;
	[tilespmem:s7+$0x60] =	vst v5;
	s7 =	smov.u32 s11  }
0x196: {  	v13 =	vld [tilespmem:s11+$0x50];
	[tilespmem:s11+$0xA0] =	vst v7  }
.Ltmp7:
0x197: {  	v4 =	vmul.f32 $1.131370830e+01, v8;
	[tilespmem:s11+$0xD0] =	vst v3;
	v6 =	vld [tilespmem:s11+$0xF0];
	(pc) =	sbr.rel @p0 .LBB2_17-.Ltmp7, $4  }
0x198: {  	v3 =	vld [tilespmem:s11+$0x80];
	v7 =	vmul.f32 $1.131370830e+01, v10;
	[tilespmem:s11+$0xE0] =	vst v9  }
0x199: {  	v9 =	vmul.f32 $1.131370830e+01, v11;
	[tilespmem:s11+$0x40] =	vst v4;
	v4 =	vld [tilespmem:s11+$0x70]  }
0x19a: {  	v1 =	vmul.f32 $1.131370830e+01, v1;
	v8 =	vmul.f32 $1.131370830e+01, v2;
	v5 =	vld [tilespmem:s11+$0x60];
	[tilespmem:s11+$0xC0] =	vst v7  }
0x19b: {  	v2 =	vmul.f32 $1.131370830e+01, v12;
	s11 =	sadd.s32 $0x100, s11;
	[tilespmem:s7+$0x20] =	vst v9;
	v7 =	vld [tilespmem:s7+$0x30];
	v9 =	vmul.f32 $1.131370830e+01, v13  }
0x19c: {  	[tilespmem:s7+$0x0] =	vst v8  }
0x19d: {  	[tilespmem:s7+$0x10] =	vst v1  }
0x19e: {  	v6 =	vmul.f32 $1.131370830e+01, v6;
	[tilespmem:s7+$0x50] =	vst v9  }
0x19f: {  	v0 =	vmul.f32 $1.131370830e+01, v0;
	[tilespmem:s7+$0xB0] =	vst v2  }
0x1a0: {  	v3 =	vmul.f32 $1.131370830e+01, v3;
	[tilespmem:s7+$0xF0] =	vst v6  }
0x1a1: {  	[tilespmem:s7+$0x90] =	vst v0;
	v62 =	vmul.f32 $1.131370830e+01, v4  }
0x1a2: {  	s10 =	sshll.u32 s20, $0x13;
	[tilespmem:s7+$0x80] =	vst v3;
	v63 =	vmul.f32 $1.131370830e+01, v5  }
0x1a3: {  	s10 =	sor.u32 s6, s10;
	v61 =	vmul.f32 $1.131370830e+01, v7;
	[tilespmem:s7+$0x70] =	vst v62  }
0x1a4: {  	s19 =	sadd.s32 $0x1, s19;
	s10 =	sshrl.u32 s10, $0x3;
	[tilespmem:s7+$0x60] =	vst v63  }
0x1a5: {  	p0 =	sne.s32 s19, $0x7;
	s18 =	sadd.s32 s3, s10;
	[tilespmem:s7+$0x30] =	vst v61  }
0x1a6: {  	[hbm4b:s18+s4] =	stream.linear.scatter [tilespmem:s23], [sflag:$0x8], $0x4000, $0x38;
	[tilespmem:$0x19C00] =	vst v63  }
.Ltmp8:
0x1a7: {  	_ = 	snop;
	(pc) =	sbr.rel @p0 .LBB2_6-.Ltmp8, $4  }
0x1a8: {  	_ =	swait.ge [sflag:s17], $0x4000  }
0x1a9: {  	[sflag:s17] =	ssyncset.done $0x0  }
0x1aa: {  	s20 =	sadd.s32 $0x580, s9;
	[sflag:s17] =	ssyncadd.s32 $0xFFFFC000  }
0x1ab: {  	[tilespmem:s24], [sflag:$0x6] =	stream.indirect.gather [hbm4b:s2+s21], $0x80, s20, s21, $0xb8;
	[tilespmem:$0x19C00] =	vst v63  }
0x1ac: {  	_ =	swait.ge [sflag:s26], $0x4000  }
0x1ad: {  	[sflag:s26] =	ssyncset.done $0x0  }
0x1ae: {  	s7 =	simm.s32 $0x9C00;
	[sflag:s26] =	ssyncadd.s32 $0xFFFFC000  }
0x1af: {  	v1 =	vld [tilespmem:s7+$0xA0]  }
0x1b0: {  	v2 =	vld [tilespmem:s7+$0x40]  }
0x1b1: {  	v3 =	vld [tilespmem:s7+$0xE0]  }
0x1b2: {  	v4 =	vld [tilespmem:s7+$0xD0]  }
0x1b3: {  	v5 =	vld [tilespmem:s7+$0x20]  }
0x1b4: {  	v0 =	vld [tilespmem:s7+$0x90]  }
0x1b5: {  	v8 =	vld [tilespmem:s7+$0xC0]  }
0x1b6: {  	v7 =	vld [tilespmem:s7+$0x10]  }
0x1b7: {  	v9 =	vld [tilespmem:s7+$0x0];
	v1 =	vmul.f32 $1.131370830e+01, v1  }
0x1b8: {  	v11 =	vld [tilespmem:s7+$0x50];
	v4 =	vmul.f32 $1.131370830e+01, v4  }
0x1b9: {  	v10 =	vld [tilespmem:s7+$0xB0];
	v12 =	vmul.f32 $1.131370830e+01, v5;
	[tilespmem:s7+$0xA0] =	vst v1  }
0x1ba: {  	v6 =	vld [tilespmem:s7+$0xF0];
	v13 =	vmul.f32 $1.131370830e+01, v8;
	[tilespmem:s7+$0xD0] =	vst v4  }
0x1bb: {  	v1 =	vmul.f32 $1.131370830e+01, v2;
	v2 =	vmul.f32 $1.131370830e+01, v3;
	v3 =	vld [tilespmem:s7+$0x80];
	[tilespmem:s7+$0x20] =	vst v12  }
0x1bc: {  	v4 =	vld [tilespmem:s7+$0x70];
	[tilespmem:s7+$0xC0] =	vst v13  }
0x1bd: {  	v8 =	vmul.f32 $1.131370830e+01, v9;
	v5 =	vld [tilespmem:s7+$0x60];
	v9 =	vmul.f32 $1.131370830e+01, v11;
	[tilespmem:s7+$0x40] =	vst v1  }
0x1be: {  	s9 =	simm.s32 $0x0;
	s10 =	simm.s32 $0x9D00;
	[tilespmem:s7+$0xE0] =	vst v2;
	v1 =	vmul.f32 $1.131370830e+01, v7;
	v7 =	vld [tilespmem:s7+$0x30];
	v2 =	vmul.f32 $1.131370830e+01, v10  }
.LBB2_20:
0x1bf: {  	v10 =	vld [tilespmem:s10+$0xA0];
	s9 =	sadd.s32 $0x2, s9;
	[tilespmem:s7+$0x0] =	vst v8;
	v0 =	vmul.f32 $1.131370830e+01, v0;
	v6 =	vmul.f32 $1.131370830e+01, v6  }
0x1c0: {  	v8 =	vld [tilespmem:s10+$0x40];
	p0 =	slt.u32 s9, $0x7E;
	[tilespmem:s7+$0x50] =	vst v9;
	v3 =	vmul.f32 $1.131370830e+01, v3  }
0x1c1: {  	v9 =	vld [tilespmem:s10+$0xE0];
	v4 =	vmul.f32 $1.131370830e+01, v4;
	[tilespmem:s7+$0xF0] =	vst v6  }
0x1c2: {  	v11 =	vld [tilespmem:s10+$0x20];
	v5 =	vmul.f32 $1.131370830e+01, v5;
	[tilespmem:s7+$0x80] =	vst v3  }
0x1c3: {  	v3 =	vld [tilespmem:s10+$0xD0];
	v6 =	vmul.f32 $1.131370830e+01, v7;
	[tilespmem:s7+$0x90] =	vst v0  }
0x1c4: {  	v0 =	vld [tilespmem:s10+$0x90];
	v7 =	vmul.f32 $1.131370830e+01, v10;
	[tilespmem:s7+$0x10] =	vst v1  }
0x1c5: {  	v1 =	vld [tilespmem:s10+$0x10];
	[tilespmem:s7+$0x30] =	vst v6  }
0x1c6: {  	v10 =	vld [tilespmem:s10+$0xC0];
	v9 =	vmul.f32 $1.131370830e+01, v9;
	[tilespmem:s7+$0xB0] =	vst v2  }
0x1c7: {  	v2 =	vld [tilespmem:s10+$0x0];
	[tilespmem:s7+$0x70] =	vst v4  }
0x1c8: {  	v12 =	vld [tilespmem:s10+$0xB0];
	v3 =	vmul.f32 $1.131370830e+01, v3;
	[tilespmem:s7+$0x60] =	vst v5;
	s7 =	smov.u32 s10  }
0x1c9: {  	v13 =	vld [tilespmem:s10+$0x50];
	[tilespmem:s10+$0xA0] =	vst v7  }
.Ltmp9:
0x1ca: {  	v4 =	vmul.f32 $1.131370830e+01, v8;
	[tilespmem:s10+$0xD0] =	vst v3;
	v6 =	vld [tilespmem:s10+$0xF0];
	(pc) =	sbr.rel @p0 .LBB2_20-.Ltmp9, $4  }
0x1cb: {  	v3 =	vld [tilespmem:s10+$0x80];
	v7 =	vmul.f32 $1.131370830e+01, v10;
	[tilespmem:s10+$0xE0] =	vst v9  }
0x1cc: {  	v9 =	vmul.f32 $1.131370830e+01, v11;
	[tilespmem:s10+$0x40] =	vst v4;
	v4 =	vld [tilespmem:s10+$0x70]  }
0x1cd: {  	v1 =	vmul.f32 $1.131370830e+01, v1;
	v8 =	vmul.f32 $1.131370830e+01, v2;
	v5 =	vld [tilespmem:s10+$0x60];
	[tilespmem:s10+$0xC0] =	vst v7  }
0x1ce: {  	v2 =	vmul.f32 $1.131370830e+01, v12;
	s10 =	sadd.s32 $0x100, s10;
	[tilespmem:s7+$0x20] =	vst v9;
	v7 =	vld [tilespmem:s7+$0x30];
	v9 =	vmul.f32 $1.131370830e+01, v13  }
0x1cf: {  	[tilespmem:s7+$0x0] =	vst v8  }
0x1d0: {  	[tilespmem:s7+$0x10] =	vst v1  }
0x1d1: {  	v6 =	vmul.f32 $1.131370830e+01, v6;
	[tilespmem:s7+$0x50] =	vst v9  }
0x1d2: {  	v0 =	vmul.f32 $1.131370830e+01, v0;
	[tilespmem:s7+$0xB0] =	vst v2  }
0x1d3: {  	v3 =	vmul.f32 $1.131370830e+01, v3;
	[tilespmem:s7+$0xF0] =	vst v6  }
0x1d4: {  	[tilespmem:s7+$0x90] =	vst v0;
	v0 =	vmul.f32 $1.131370830e+01, v4  }
0x1d5: {  	[tilespmem:s7+$0x80] =	vst v3;
	v1 =	vmul.f32 $1.131370830e+01, v5  }
0x1d6: {  	v3 =	vmul.f32 $1.131370830e+01, v7;
	[tilespmem:s7+$0x70] =	vst v0  }
0x1d7: {  	[tilespmem:s7+$0x60] =	vst v1  }
0x1d8: {  	s19 =	rddreg [dreg:$0xb];
	[tilespmem:s7+$0x30] =	vst v3  }
0x1d9: {  	[hbm4b:s19+s4] =	stream.linear.scatter [tilespmem:s25], [sflag:$0x9], $0x4000, $0x38;
	[tilespmem:$0x19C00] =	vst v63  }
0x1da: {  	_ =	swait.ge [sflag:s30], $0x4000  }
0x1db: {  	[sflag:s30] =	ssyncset.done $0x0  }
0x1dc: {  	s20 =	simm.s32 $0x1800;
	[sflag:s30] =	ssyncadd.s32 $0xFFFFC000  }
0x1dd: {  	[tilespmem:s22], [sflag:$0x1] =	stream.indirect.gather [hbm4b:s2+s21], $0x80, s20, s21, $0xb8;
	[tilespmem:$0x19C00] =	vst v63  }
0x1de: {  	_ =	swait.ge [sflag:s0], $0x4000  }
0x1df: {  	[sflag:s0] =	ssyncset.done $0x0  }
0x1e0: {  	s7 =	simm.s32 $0xDC00;
	[sflag:s0] =	ssyncadd.s32 $0xFFFFC000  }
0x1e1: {  	v1 =	vld [tilespmem:s7+$0xA0]  }
0x1e2: {  	v2 =	vld [tilespmem:s7+$0x40]  }
0x1e3: {  	v3 =	vld [tilespmem:s7+$0xE0]  }
0x1e4: {  	v4 =	vld [tilespmem:s7+$0xD0]  }
0x1e5: {  	v5 =	vld [tilespmem:s7+$0x20]  }
0x1e6: {  	v0 =	vld [tilespmem:s7+$0x90]  }
0x1e7: {  	v8 =	vld [tilespmem:s7+$0xC0]  }
0x1e8: {  	v7 =	vld [tilespmem:s7+$0x10]  }
0x1e9: {  	v9 =	vld [tilespmem:s7+$0x0];
	v1 =	vmul.f32 $1.131370830e+01, v1  }
0x1ea: {  	v11 =	vld [tilespmem:s7+$0x50];
	v4 =	vmul.f32 $1.131370830e+01, v4  }
0x1eb: {  	v10 =	vld [tilespmem:s7+$0xB0];
	v12 =	vmul.f32 $1.131370830e+01, v5;
	[tilespmem:s7+$0xA0] =	vst v1  }
0x1ec: {  	v6 =	vld [tilespmem:s7+$0xF0];
	v13 =	vmul.f32 $1.131370830e+01, v8;
	[tilespmem:s7+$0xD0] =	vst v4  }
0x1ed: {  	v1 =	vmul.f32 $1.131370830e+01, v2;
	v2 =	vmul.f32 $1.131370830e+01, v3;
	v3 =	vld [tilespmem:s7+$0x80];
	[tilespmem:s7+$0x20] =	vst v12  }
0x1ee: {  	v4 =	vld [tilespmem:s7+$0x70];
	[tilespmem:s7+$0xC0] =	vst v13  }
0x1ef: {  	v8 =	vmul.f32 $1.131370830e+01, v9;
	v5 =	vld [tilespmem:s7+$0x60];
	v9 =	vmul.f32 $1.131370830e+01, v11;
	[tilespmem:s7+$0x40] =	vst v1  }
0x1f0: {  	s9 =	simm.s32 $0x0;
	s10 =	simm.s32 $0xDD00;
	[tilespmem:s7+$0xE0] =	vst v2;
	v1 =	vmul.f32 $1.131370830e+01, v7;
	v7 =	vld [tilespmem:s7+$0x30];
	v2 =	vmul.f32 $1.131370830e+01, v10  }
.LBB2_22:
0x1f1: {  	v10 =	vld [tilespmem:s10+$0xA0];
	s9 =	sadd.s32 $0x2, s9;
	[tilespmem:s7+$0x0] =	vst v8;
	v0 =	vmul.f32 $1.131370830e+01, v0;
	v6 =	vmul.f32 $1.131370830e+01, v6  }
0x1f2: {  	v8 =	vld [tilespmem:s10+$0x40];
	p0 =	slt.u32 s9, $0x7E;
	[tilespmem:s7+$0x50] =	vst v9;
	v3 =	vmul.f32 $1.131370830e+01, v3  }
0x1f3: {  	v9 =	vld [tilespmem:s10+$0xE0];
	v4 =	vmul.f32 $1.131370830e+01, v4;
	[tilespmem:s7+$0xF0] =	vst v6  }
0x1f4: {  	v11 =	vld [tilespmem:s10+$0x20];
	v5 =	vmul.f32 $1.131370830e+01, v5;
	[tilespmem:s7+$0x80] =	vst v3  }
0x1f5: {  	v3 =	vld [tilespmem:s10+$0xD0];
	v6 =	vmul.f32 $1.131370830e+01, v7;
	[tilespmem:s7+$0x90] =	vst v0  }
0x1f6: {  	v0 =	vld [tilespmem:s10+$0x90];
	v7 =	vmul.f32 $1.131370830e+01, v10;
	[tilespmem:s7+$0x10] =	vst v1  }
0x1f7: {  	v1 =	vld [tilespmem:s10+$0x10];
	[tilespmem:s7+$0x30] =	vst v6  }
0x1f8: {  	v10 =	vld [tilespmem:s10+$0xC0];
	v9 =	vmul.f32 $1.131370830e+01, v9;
	[tilespmem:s7+$0xB0] =	vst v2  }
0x1f9: {  	v2 =	vld [tilespmem:s10+$0x0];
	[tilespmem:s7+$0x70] =	vst v4  }
0x1fa: {  	v12 =	vld [tilespmem:s10+$0xB0];
	v3 =	vmul.f32 $1.131370830e+01, v3;
	[tilespmem:s7+$0x60] =	vst v5;
	s7 =	smov.u32 s10  }
0x1fb: {  	v13 =	vld [tilespmem:s10+$0x50];
	[tilespmem:s10+$0xA0] =	vst v7  }
.Ltmp10:
0x1fc: {  	v4 =	vmul.f32 $1.131370830e+01, v8;
	[tilespmem:s10+$0xD0] =	vst v3;
	v6 =	vld [tilespmem:s10+$0xF0];
	(pc) =	sbr.rel @p0 .LBB2_22-.Ltmp10, $4  }
0x1fd: {  	v3 =	vld [tilespmem:s10+$0x80];
	v7 =	vmul.f32 $1.131370830e+01, v10;
	[tilespmem:s10+$0xE0] =	vst v9  }
0x1fe: {  	v9 =	vmul.f32 $1.131370830e+01, v11;
	[tilespmem:s10+$0x40] =	vst v4;
	v4 =	vld [tilespmem:s10+$0x70]  }
0x1ff: {  	v1 =	vmul.f32 $1.131370830e+01, v1;
	v8 =	vmul.f32 $1.131370830e+01, v2;
	v5 =	vld [tilespmem:s10+$0x60];
	[tilespmem:s10+$0xC0] =	vst v7  }
0x200: {  	v2 =	vmul.f32 $1.131370830e+01, v12;
	s10 =	sadd.s32 $0x100, s10;
	[tilespmem:s7+$0x20] =	vst v9;
	v7 =	vld [tilespmem:s7+$0x30];
	v9 =	vmul.f32 $1.131370830e+01, v13  }
0x201: {  	[tilespmem:s7+$0x0] =	vst v8  }
0x202: {  	[tilespmem:s7+$0x10] =	vst v1  }
0x203: {  	v6 =	vmul.f32 $1.131370830e+01, v6;
	[tilespmem:s7+$0x50] =	vst v9  }
0x204: {  	v0 =	vmul.f32 $1.131370830e+01, v0;
	[tilespmem:s7+$0xB0] =	vst v2  }
0x205: {  	v3 =	vmul.f32 $1.131370830e+01, v3;
	[tilespmem:s7+$0xF0] =	vst v6  }
0x206: {  	[tilespmem:s7+$0x90] =	vst v0;
	v0 =	vmul.f32 $1.131370830e+01, v4  }
0x207: {  	[tilespmem:s7+$0x80] =	vst v3;
	v1 =	vmul.f32 $1.131370830e+01, v5  }
0x208: {  	v3 =	vmul.f32 $1.131370830e+01, v7;
	[tilespmem:s7+$0x70] =	vst v0  }
0x209: {  	[tilespmem:s7+$0x60] =	vst v1  }
0x20a: {  	s19 =	rddreg [dreg:$0xc];
	[tilespmem:s7+$0x30] =	vst v3  }
0x20b: {  	[hbm4b:s19+s4] =	stream.linear.scatter [tilespmem:s28], [sflag:$0xA], $0x4000, $0x38;
	[tilespmem:$0x19C00] =	vst v63  }
0x20c: {  	_ =	swait.ge [sflag:s5], $0x4000  }
0x20d: {  	[sflag:s5] =	ssyncset.done $0x0  }
0x20e: {  	s20 =	simm.s32 $0x1880;
	[sflag:s5] =	ssyncadd.s32 $0xFFFFC000  }
0x20f: {  	[tilespmem:s23], [sflag:$0x2] =	stream.indirect.gather [hbm4b:s2+s21], $0x80, s20, s21, $0xb8;
	[tilespmem:$0x19C00] =	vst v63  }
0x210: {  	_ =	swait.ge [sflag:s8], $0x4000  }
0x211: {  	[sflag:s8] =	ssyncset.done $0x0  }
0x212: {  	s7 =	simm.s32 $0x11C00;
	[sflag:s8] =	ssyncadd.s32 $0xFFFFC000  }
0x213: {  	v1 =	vld [tilespmem:s7+$0xA0]  }
0x214: {  	v2 =	vld [tilespmem:s7+$0x40]  }
0x215: {  	v3 =	vld [tilespmem:s7+$0xE0]  }
0x216: {  	v4 =	vld [tilespmem:s7+$0xD0]  }
0x217: {  	v5 =	vld [tilespmem:s7+$0x20]  }
0x218: {  	v0 =	vld [tilespmem:s7+$0x90]  }
0x219: {  	v8 =	vld [tilespmem:s7+$0xC0]  }
0x21a: {  	v7 =	vld [tilespmem:s7+$0x10]  }
0x21b: {  	v9 =	vld [tilespmem:s7+$0x0];
	v1 =	vmul.f32 $1.131370830e+01, v1  }
0x21c: {  	v11 =	vld [tilespmem:s7+$0x50];
	v4 =	vmul.f32 $1.131370830e+01, v4  }
0x21d: {  	v10 =	vld [tilespmem:s7+$0xB0];
	v12 =	vmul.f32 $1.131370830e+01, v5;
	[tilespmem:s7+$0xA0] =	vst v1  }
0x21e: {  	v6 =	vld [tilespmem:s7+$0xF0];
	v13 =	vmul.f32 $1.131370830e+01, v8;
	[tilespmem:s7+$0xD0] =	vst v4  }
0x21f: {  	v1 =	vmul.f32 $1.131370830e+01, v2;
	v2 =	vmul.f32 $1.131370830e+01, v3;
	v3 =	vld [tilespmem:s7+$0x80];
	[tilespmem:s7+$0x20] =	vst v12  }
0x220: {  	v4 =	vld [tilespmem:s7+$0x70];
	[tilespmem:s7+$0xC0] =	vst v13  }
0x221: {  	v8 =	vmul.f32 $1.131370830e+01, v9;
	v5 =	vld [tilespmem:s7+$0x60];
	v9 =	vmul.f32 $1.131370830e+01, v11;
	[tilespmem:s7+$0x40] =	vst v1  }
0x222: {  	s9 =	simm.s32 $0x0;
	s10 =	simm.s32 $0x11D00;
	[tilespmem:s7+$0xE0] =	vst v2;
	v1 =	vmul.f32 $1.131370830e+01, v7;
	v7 =	vld [tilespmem:s7+$0x30];
	v2 =	vmul.f32 $1.131370830e+01, v10  }
.LBB2_24:
0x223: {  	v10 =	vld [tilespmem:s10+$0xA0];
	s9 =	sadd.s32 $0x2, s9;
	[tilespmem:s7+$0x0] =	vst v8;
	v0 =	vmul.f32 $1.131370830e+01, v0;
	v6 =	vmul.f32 $1.131370830e+01, v6  }
0x224: {  	v8 =	vld [tilespmem:s10+$0x40];
	p0 =	slt.u32 s9, $0x7E;
	[tilespmem:s7+$0x50] =	vst v9;
	v3 =	vmul.f32 $1.131370830e+01, v3  }
0x225: {  	v9 =	vld [tilespmem:s10+$0xE0];
	v4 =	vmul.f32 $1.131370830e+01, v4;
	[tilespmem:s7+$0xF0] =	vst v6  }
0x226: {  	v11 =	vld [tilespmem:s10+$0x20];
	v5 =	vmul.f32 $1.131370830e+01, v5;
	[tilespmem:s7+$0x80] =	vst v3  }
0x227: {  	v3 =	vld [tilespmem:s10+$0xD0];
	v6 =	vmul.f32 $1.131370830e+01, v7;
	[tilespmem:s7+$0x90] =	vst v0  }
0x228: {  	v0 =	vld [tilespmem:s10+$0x90];
	v7 =	vmul.f32 $1.131370830e+01, v10;
	[tilespmem:s7+$0x10] =	vst v1  }
0x229: {  	v1 =	vld [tilespmem:s10+$0x10];
	[tilespmem:s7+$0x30] =	vst v6  }
0x22a: {  	v10 =	vld [tilespmem:s10+$0xC0];
	v9 =	vmul.f32 $1.131370830e+01, v9;
	[tilespmem:s7+$0xB0] =	vst v2  }
0x22b: {  	v2 =	vld [tilespmem:s10+$0x0];
	[tilespmem:s7+$0x70] =	vst v4  }
0x22c: {  	v12 =	vld [tilespmem:s10+$0xB0];
	v3 =	vmul.f32 $1.131370830e+01, v3;
	[tilespmem:s7+$0x60] =	vst v5;
	s7 =	smov.u32 s10  }
0x22d: {  	v13 =	vld [tilespmem:s10+$0x50];
	[tilespmem:s10+$0xA0] =	vst v7  }
.Ltmp11:
0x22e: {  	v4 =	vmul.f32 $1.131370830e+01, v8;
	[tilespmem:s10+$0xD0] =	vst v3;
	v6 =	vld [tilespmem:s10+$0xF0];
	(pc) =	sbr.rel @p0 .LBB2_24-.Ltmp11, $4  }
0x22f: {  	v3 =	vld [tilespmem:s10+$0x80];
	v7 =	vmul.f32 $1.131370830e+01, v10;
	[tilespmem:s10+$0xE0] =	vst v9  }
0x230: {  	v9 =	vmul.f32 $1.131370830e+01, v11;
	[tilespmem:s10+$0x40] =	vst v4;
	v4 =	vld [tilespmem:s10+$0x70]  }
0x231: {  	v1 =	vmul.f32 $1.131370830e+01, v1;
	v8 =	vmul.f32 $1.131370830e+01, v2;
	v5 =	vld [tilespmem:s10+$0x60];
	[tilespmem:s10+$0xC0] =	vst v7  }
0x232: {  	v2 =	vmul.f32 $1.131370830e+01, v12;
	s10 =	sadd.s32 $0x100, s10;
	[tilespmem:s7+$0x20] =	vst v9;
	v7 =	vld [tilespmem:s7+$0x30];
	v9 =	vmul.f32 $1.131370830e+01, v13  }
0x233: {  	[tilespmem:s7+$0x0] =	vst v8  }
0x234: {  	[tilespmem:s7+$0x10] =	vst v1  }
0x235: {  	v6 =	vmul.f32 $1.131370830e+01, v6;
	[tilespmem:s7+$0x50] =	vst v9  }
0x236: {  	v0 =	vmul.f32 $1.131370830e+01, v0;
	[tilespmem:s7+$0xB0] =	vst v2  }
0x237: {  	v3 =	vmul.f32 $1.131370830e+01, v3;
	[tilespmem:s7+$0xF0] =	vst v6  }
0x238: {  	[tilespmem:s7+$0x90] =	vst v0;
	v0 =	vmul.f32 $1.131370830e+01, v4  }
0x239: {  	[tilespmem:s7+$0x80] =	vst v3;
	v1 =	vmul.f32 $1.131370830e+01, v5  }
0x23a: {  	v3 =	vmul.f32 $1.131370830e+01, v7;
	[tilespmem:s7+$0x70] =	vst v0  }
0x23b: {  	[tilespmem:s7+$0x60] =	vst v1  }
0x23c: {  	s20 =	rddreg [dreg:$0xd];
	[tilespmem:s7+$0x30] =	vst v3  }
0x23d: {  	[hbm4b:s20+s4] =	stream.linear.scatter [tilespmem:s31], [sflag:$0xB], $0x4000, $0x38;
	[tilespmem:$0x19C00] =	vst v63  }
0x23e: {  	_ =	swait.ge [sflag:s13], $0x4000  }
0x23f: {  	[sflag:s13] =	ssyncset.done $0x0  }
0x240: {  	[sflag:s13] =	ssyncadd.s32 $0xFFFFC000  }
0x241: {  	_ =	swait.ge [sflag:s14], $0x4000  }
0x242: {  	[sflag:s14] =	ssyncset.done $0x0  }
0x243: {  	s7 =	simm.s32 $0x15C00;
	[sflag:s14] =	ssyncadd.s32 $0xFFFFC000  }
0x244: {  	v1 =	vld [tilespmem:s7+$0xA0]  }
0x245: {  	v2 =	vld [tilespmem:s7+$0x40]  }
0x246: {  	v3 =	vld [tilespmem:s7+$0xE0]  }
0x247: {  	v4 =	vld [tilespmem:s7+$0xD0]  }
0x248: {  	v5 =	vld [tilespmem:s7+$0x20]  }
0x249: {  	v0 =	vld [tilespmem:s7+$0x90]  }
0x24a: {  	v8 =	vld [tilespmem:s7+$0xC0]  }
0x24b: {  	v7 =	vld [tilespmem:s7+$0x10]  }
0x24c: {  	v9 =	vld [tilespmem:s7+$0x0];
	v1 =	vmul.f32 $1.131370830e+01, v1  }
0x24d: {  	v11 =	vld [tilespmem:s7+$0x50];
	v4 =	vmul.f32 $1.131370830e+01, v4  }
0x24e: {  	v10 =	vld [tilespmem:s7+$0xB0];
	v12 =	vmul.f32 $1.131370830e+01, v5;
	[tilespmem:s7+$0xA0] =	vst v1  }
0x24f: {  	v6 =	vld [tilespmem:s7+$0xF0];
	v13 =	vmul.f32 $1.131370830e+01, v8;
	[tilespmem:s7+$0xD0] =	vst v4  }
0x250: {  	v1 =	vmul.f32 $1.131370830e+01, v2;
	v2 =	vmul.f32 $1.131370830e+01, v3;
	v3 =	vld [tilespmem:s7+$0x80];
	[tilespmem:s7+$0x20] =	vst v12  }
0x251: {  	v4 =	vld [tilespmem:s7+$0x70];
	[tilespmem:s7+$0xC0] =	vst v13  }
0x252: {  	v8 =	vmul.f32 $1.131370830e+01, v9;
	v5 =	vld [tilespmem:s7+$0x60];
	v9 =	vmul.f32 $1.131370830e+01, v11;
	[tilespmem:s7+$0x40] =	vst v1  }
0x253: {  	s9 =	simm.s32 $0x0;
	s10 =	simm.s32 $0x15D00;
	[tilespmem:s7+$0xE0] =	vst v2;
	v1 =	vmul.f32 $1.131370830e+01, v7;
	v7 =	vld [tilespmem:s7+$0x30];
	v2 =	vmul.f32 $1.131370830e+01, v10  }
.LBB2_26:
0x254: {  	v10 =	vld [tilespmem:s10+$0xA0];
	s9 =	sadd.s32 $0x2, s9;
	[tilespmem:s7+$0x0] =	vst v8;
	v0 =	vmul.f32 $1.131370830e+01, v0;
	v6 =	vmul.f32 $1.131370830e+01, v6  }
0x255: {  	v8 =	vld [tilespmem:s10+$0x40];
	p0 =	slt.u32 s9, $0x7E;
	[tilespmem:s7+$0x50] =	vst v9;
	v3 =	vmul.f32 $1.131370830e+01, v3  }
0x256: {  	v9 =	vld [tilespmem:s10+$0xE0];
	v4 =	vmul.f32 $1.131370830e+01, v4;
	[tilespmem:s7+$0xF0] =	vst v6  }
0x257: {  	v11 =	vld [tilespmem:s10+$0x20];
	v5 =	vmul.f32 $1.131370830e+01, v5;
	[tilespmem:s7+$0x80] =	vst v3  }
0x258: {  	v3 =	vld [tilespmem:s10+$0xD0];
	v6 =	vmul.f32 $1.131370830e+01, v7;
	[tilespmem:s7+$0x90] =	vst v0  }
0x259: {  	v0 =	vld [tilespmem:s10+$0x90];
	v7 =	vmul.f32 $1.131370830e+01, v10;
	[tilespmem:s7+$0x10] =	vst v1  }
0x25a: {  	v1 =	vld [tilespmem:s10+$0x10];
	[tilespmem:s7+$0x30] =	vst v6  }
0x25b: {  	v10 =	vld [tilespmem:s10+$0xC0];
	v9 =	vmul.f32 $1.131370830e+01, v9;
	[tilespmem:s7+$0xB0] =	vst v2  }
0x25c: {  	v2 =	vld [tilespmem:s10+$0x0];
	[tilespmem:s7+$0x70] =	vst v4  }
0x25d: {  	v12 =	vld [tilespmem:s10+$0xB0];
	v3 =	vmul.f32 $1.131370830e+01, v3;
	[tilespmem:s7+$0x60] =	vst v5;
	s7 =	smov.u32 s10  }
0x25e: {  	v13 =	vld [tilespmem:s10+$0x50];
	[tilespmem:s10+$0xA0] =	vst v7  }
.Ltmp12:
0x25f: {  	v4 =	vmul.f32 $1.131370830e+01, v8;
	[tilespmem:s10+$0xD0] =	vst v3;
	v6 =	vld [tilespmem:s10+$0xF0];
	(pc) =	sbr.rel @p0 .LBB2_26-.Ltmp12, $4  }
0x260: {  	v3 =	vld [tilespmem:s10+$0x80];
	v7 =	vmul.f32 $1.131370830e+01, v10;
	[tilespmem:s10+$0xE0] =	vst v9  }
0x261: {  	v9 =	vmul.f32 $1.131370830e+01, v11;
	[tilespmem:s10+$0x40] =	vst v4;
	v4 =	vld [tilespmem:s10+$0x70]  }
0x262: {  	v1 =	vmul.f32 $1.131370830e+01, v1;
	v8 =	vmul.f32 $1.131370830e+01, v2;
	v5 =	vld [tilespmem:s10+$0x60];
	[tilespmem:s10+$0xC0] =	vst v7  }
0x263: {  	v2 =	vmul.f32 $1.131370830e+01, v12;
	s10 =	sadd.s32 $0x100, s10;
	[tilespmem:s7+$0x20] =	vst v9;
	v7 =	vld [tilespmem:s7+$0x30];
	v9 =	vmul.f32 $1.131370830e+01, v13  }
0x264: {  	[tilespmem:s7+$0x0] =	vst v8  }
0x265: {  	[tilespmem:s7+$0x10] =	vst v1  }
0x266: {  	v6 =	vmul.f32 $1.131370830e+01, v6;
	[tilespmem:s7+$0x50] =	vst v9  }
0x267: {  	v0 =	vmul.f32 $1.131370830e+01, v0;
	[tilespmem:s7+$0xB0] =	vst v2  }
0x268: {  	v3 =	vmul.f32 $1.131370830e+01, v3;
	[tilespmem:s7+$0xF0] =	vst v6  }
0x269: {  	[tilespmem:s7+$0x90] =	vst v0;
	v0 =	vmul.f32 $1.131370830e+01, v4  }
0x26a: {  	[tilespmem:s7+$0x80] =	vst v3;
	v1 =	vmul.f32 $1.131370830e+01, v5  }
0x26b: {  	v3 =	vmul.f32 $1.131370830e+01, v7;
	[tilespmem:s7+$0x70] =	vst v0  }
0x26c: {  	[tilespmem:s7+$0x60] =	vst v1  }
0x26d: {  	s20 =	rddreg [dreg:$0xe];
	[tilespmem:s7+$0x30] =	vst v3  }
0x26e: {  	[hbm4b:s20+s4] =	stream.linear.scatter [tilespmem:s24], [sflag:$0xC], $0x4000, $0x38;
	[tilespmem:$0x19C00] =	vst v63  }
0x26f: {  	_ =	swait.ge [sflag:s15], $0x4000  }
0x270: {  	[sflag:s15] =	ssyncset.done $0x0  }
0x271: {  	[sflag:s15] =	ssyncadd.s32 $0xFFFFC000  }
0x272: {  	_ =	swait.ge [sflag:s29], $0x4000  }
0x273: {  	[sflag:s29] =	ssyncset.done $0x0  }
0x274: {  	s7 =	simm.s32 $0x1C80;
	[sflag:s29] =	ssyncadd.s32 $0xFFFFC000  }
0x275: {  	v0 =	vld [tilespmem:s7+$0xFFFFFF80]  }
0x276: {  	v1 =	vld [tilespmem:s7+$0xFFFFFF90]  }
0x277: {  	v2 =	vld [tilespmem:s7+$0xFFFFFFA0]  }
0x278: {  	v3 =	vld [tilespmem:s7+$0xFFFFFFB0]  }
0x279: {  	v4 =	vld [tilespmem:s7+$0xFFFFFFC0]  }
0x27a: {  	v5 =	vld [tilespmem:s7+$0xFFFFFFD0];
	v0 =	vmul.f32 $1.131370830e+01, v0  }
0x27b: {  	v6 =	vld [tilespmem:s7+$0xFFFFFFE0];
	v1 =	vmul.f32 $1.131370830e+01, v1  }
0x27c: {  	[tilespmem:s7+$0xFFFFFF80] =	vst v0;
	v0 =	vmul.f32 $1.131370830e+01, v2;
	v2 =	vld [tilespmem:s7+$0x0]  }
0x27d: {  	[tilespmem:s7+$0xFFFFFF90] =	vst v1;
	v1 =	vmul.f32 $1.131370830e+01, v3;
	v3 =	vld [tilespmem:s7+$0x10]  }
0x27e: {  	[tilespmem:s7+$0xFFFFFFA0] =	vst v0;
	v0 =	vmul.f32 $1.131370830e+01, v4;
	v4 =	vld [tilespmem:s7+$0x20]  }
0x27f: {  	v7 =	vld [tilespmem:s7+$0x30];
	[tilespmem:s7+$0xFFFFFFB0] =	vst v1;
	v1 =	vmul.f32 $1.131370830e+01, v5  }
0x280: {  	v5 =	vmul.f32 $1.131370830e+01, v6;
	[tilespmem:s7+$0xFFFFFFC0] =	vst v0;
	v0 =	vld [tilespmem:s7+$0x40]  }
0x281: {  	[tilespmem:s7+$0xFFFFFFD0] =	vst v1;
	v1 =	vld [tilespmem:s7+$0x50];
	v2 =	vmul.f32 $1.131370830e+01, v2  }
0x282: {  	[tilespmem:s7+$0xFFFFFFE0] =	vst v5;
	v6 =	vmul.f32 $1.131370830e+01, v3;
	v3 =	vld [tilespmem:s7+$0x60]  }
0x283: {  	[tilespmem:s7+$0x0] =	vst v2;
	v5 =	vmul.f32 $1.131370830e+01, v4;
	v4 =	vld [tilespmem:s7+$0x70]  }
0x284: {  	s9 =	simm.s32 $0x0;
	s10 =	simm.s32 $0x1D80;
	v2 =	vld [tilespmem:s7+$0xFFFFFFF0];
	[tilespmem:s7+$0x10] =	vst v6;
	v6 =	vmul.f32 $1.131370830e+01, v7  }
.LBB2_28:
0x285: {  	v7 =	vld [tilespmem:s10+$0xFFFFFF80];
	[tilespmem:s7+$0x20] =	vst v5;
	v0 =	vmul.f32 $1.131370830e+01, v0  }
0x286: {  	v5 =	vld [tilespmem:s10+$0xFFFFFF90];
	[tilespmem:s7+$0x30] =	vst v6;
	v1 =	vmul.f32 $1.131370830e+01, v1  }
0x287: {  	v6 =	vld [tilespmem:s10+$0xFFFFFFA0];
	[tilespmem:s7+$0x40] =	vst v0;
	v0 =	vmul.f32 $1.131370830e+01, v3  }
0x288: {  	v3 =	vld [tilespmem:s10+$0xFFFFFFB0];
	[tilespmem:s7+$0x50] =	vst v1;
	v1 =	vmul.f32 $1.131370830e+01, v4  }
0x289: {  	v4 =	vld [tilespmem:s10+$0xFFFFFFC0];
	v2 =	vmul.f32 $1.131370830e+01, v2;
	[tilespmem:s7+$0x60] =	vst v0  }
0x28a: {  	v0 =	vmul.f32 $1.131370830e+01, v7;
	v7 =	vld [tilespmem:s10+$0xFFFFFFD0];
	[tilespmem:s7+$0x70] =	vst v1  }
0x28b: {  	v1 =	vmul.f32 $1.131370830e+01, v5;
	v5 =	vld [tilespmem:s10+$0xFFFFFFE0];
	[tilespmem:s7+$0xFFFFFFF0] =	vst v2;
	s7 =	smov.u32 s10  }
0x28c: {  	[tilespmem:s10+$0xFFFFFF80] =	vst v0;
	v0 =	vmul.f32 $1.131370830e+01, v6;
	v2 =	vld [tilespmem:s10+$0x0]  }
0x28d: {  	[tilespmem:s10+$0xFFFFFF90] =	vst v1;
	v1 =	vmul.f32 $1.131370830e+01, v3;
	v3 =	vld [tilespmem:s10+$0x10]  }
0x28e: {  	s9 =	sadd.s32 $0x2, s9;
	[tilespmem:s10+$0xFFFFFFA0] =	vst v0;
	v0 =	vmul.f32 $1.131370830e+01, v4;
	v4 =	vld [tilespmem:s10+$0x20]  }
0x28f: {  	p0 =	slt.u32 s9, $0x7E;
	[tilespmem:s10+$0xFFFFFFB0] =	vst v1;
	v1 =	vmul.f32 $1.131370830e+01, v7;
	v6 =	vld [tilespmem:s10+$0x30]  }
.Ltmp13:
0x290: {  	[tilespmem:s10+$0xFFFFFFC0] =	vst v0;
	v5 =	vmul.f32 $1.131370830e+01, v5;
	v0 =	vld [tilespmem:s10+$0x40];
	(pc) =	sbr.rel @p0 .LBB2_28-.Ltmp13, $4  }
0x291: {  	[tilespmem:s10+$0xFFFFFFD0] =	vst v1;
	v2 =	vmul.f32 $1.131370830e+01, v2;
	v1 =	vld [tilespmem:s10+$0x50]  }
0x292: {  	[tilespmem:s10+$0xFFFFFFE0] =	vst v5;
	v7 =	vmul.f32 $1.131370830e+01, v3;
	v3 =	vld [tilespmem:s10+$0x60]  }
0x293: {  	[tilespmem:s10+$0x0] =	vst v2;
	v5 =	vmul.f32 $1.131370830e+01, v4;
	v4 =	vld [tilespmem:s10+$0x70]  }
0x294: {  	s10 =	sadd.s32 $0x100, s10;
	v2 =	vld [tilespmem:s7+$0xFFFFFFF0];
	[tilespmem:s7+$0x10] =	vst v7;
	v6 =	vmul.f32 $1.131370830e+01, v6  }
0x295: {  	[tilespmem:s7+$0x20] =	vst v5;
	v0 =	vmul.f32 $1.131370830e+01, v0  }
0x296: {  	[tilespmem:s7+$0x30] =	vst v6;
	v1 =	vmul.f32 $1.131370830e+01, v1  }
0x297: {  	[tilespmem:s7+$0x40] =	vst v0;
	v0 =	vmul.f32 $1.131370830e+01, v3  }
0x298: {  	[tilespmem:s7+$0x50] =	vst v1;
	v1 =	vmul.f32 $1.131370830e+01, v4  }
0x299: {  	v2 =	vmul.f32 $1.131370830e+01, v2;
	[tilespmem:s7+$0x60] =	vst v0  }
0x29a: {  	[tilespmem:s7+$0x70] =	vst v1  }
0x29b: {  	s20 =	rddreg [dreg:$0xf];
	[tilespmem:s7+$0xFFFFFFF0] =	vst v2  }
0x29c: {  	[hbm4b:s20+s4] =	stream.linear.scatter [tilespmem:s22], [sflag:$0x7], $0x4000, $0x38;
	[tilespmem:$0x19C00] =	vst v63  }
0x29d: {  	_ =	swait.ge [sflag:s16], $0x4000  }
0x29e: {  	[sflag:s16] =	ssyncset.done $0x0  }
0x29f: {  	[sflag:s16] =	ssyncadd.s32 $0xFFFFC000  }
0x2a0: {  	_ =	swait.ge [sflag:s1], $0x4000  }
0x2a1: {  	[sflag:s1] =	ssyncset.done $0x0  }
0x2a2: {  	s7 =	simm.s32 $0x5C00;
	[sflag:s1] =	ssyncadd.s32 $0xFFFFC000  }
0x2a3: {  	v1 =	vld [tilespmem:s7+$0xA0]  }
0x2a4: {  	v2 =	vld [tilespmem:s7+$0x40]  }
0x2a5: {  	v3 =	vld [tilespmem:s7+$0xE0]  }
0x2a6: {  	v4 =	vld [tilespmem:s7+$0xD0]  }
0x2a7: {  	v5 =	vld [tilespmem:s7+$0x20]  }
0x2a8: {  	v0 =	vld [tilespmem:s7+$0x90]  }
0x2a9: {  	v8 =	vld [tilespmem:s7+$0xC0]  }
0x2aa: {  	v7 =	vld [tilespmem:s7+$0x10]  }
0x2ab: {  	v9 =	vld [tilespmem:s7+$0x0];
	v1 =	vmul.f32 $1.131370830e+01, v1  }
0x2ac: {  	v11 =	vld [tilespmem:s7+$0x50];
	v4 =	vmul.f32 $1.131370830e+01, v4  }
0x2ad: {  	v10 =	vld [tilespmem:s7+$0xB0];
	v12 =	vmul.f32 $1.131370830e+01, v5;
	[tilespmem:s7+$0xA0] =	vst v1  }
0x2ae: {  	v6 =	vld [tilespmem:s7+$0xF0];
	v13 =	vmul.f32 $1.131370830e+01, v8;
	[tilespmem:s7+$0xD0] =	vst v4  }
0x2af: {  	v1 =	vmul.f32 $1.131370830e+01, v2;
	v2 =	vmul.f32 $1.131370830e+01, v3;
	v3 =	vld [tilespmem:s7+$0x80];
	[tilespmem:s7+$0x20] =	vst v12  }
0x2b0: {  	v4 =	vld [tilespmem:s7+$0x70];
	[tilespmem:s7+$0xC0] =	vst v13  }
0x2b1: {  	v8 =	vmul.f32 $1.131370830e+01, v9;
	v5 =	vld [tilespmem:s7+$0x60];
	v9 =	vmul.f32 $1.131370830e+01, v11;
	[tilespmem:s7+$0x40] =	vst v1  }
0x2b2: {  	s9 =	simm.s32 $0x0;
	s10 =	simm.s32 $0x5D00;
	[tilespmem:s7+$0xE0] =	vst v2;
	v1 =	vmul.f32 $1.131370830e+01, v7;
	v7 =	vld [tilespmem:s7+$0x30];
	v2 =	vmul.f32 $1.131370830e+01, v10  }
.LBB2_30:
0x2b3: {  	v10 =	vld [tilespmem:s10+$0xA0];
	s9 =	sadd.s32 $0x2, s9;
	[tilespmem:s7+$0x0] =	vst v8;
	v0 =	vmul.f32 $1.131370830e+01, v0;
	v6 =	vmul.f32 $1.131370830e+01, v6  }
0x2b4: {  	v8 =	vld [tilespmem:s10+$0x40];
	p0 =	slt.u32 s9, $0x7E;
	[tilespmem:s7+$0x50] =	vst v9;
	v3 =	vmul.f32 $1.131370830e+01, v3  }
0x2b5: {  	v9 =	vld [tilespmem:s10+$0xE0];
	v4 =	vmul.f32 $1.131370830e+01, v4;
	[tilespmem:s7+$0xF0] =	vst v6  }
0x2b6: {  	v11 =	vld [tilespmem:s10+$0x20];
	v5 =	vmul.f32 $1.131370830e+01, v5;
	[tilespmem:s7+$0x80] =	vst v3  }
0x2b7: {  	v3 =	vld [tilespmem:s10+$0xD0];
	v6 =	vmul.f32 $1.131370830e+01, v7;
	[tilespmem:s7+$0x90] =	vst v0  }
0x2b8: {  	v0 =	vld [tilespmem:s10+$0x90];
	v7 =	vmul.f32 $1.131370830e+01, v10;
	[tilespmem:s7+$0x10] =	vst v1  }
0x2b9: {  	v1 =	vld [tilespmem:s10+$0x10];
	[tilespmem:s7+$0x30] =	vst v6  }
0x2ba: {  	v10 =	vld [tilespmem:s10+$0xC0];
	v9 =	vmul.f32 $1.131370830e+01, v9;
	[tilespmem:s7+$0xB0] =	vst v2  }
0x2bb: {  	v2 =	vld [tilespmem:s10+$0x0];
	[tilespmem:s7+$0x70] =	vst v4  }
0x2bc: {  	v12 =	vld [tilespmem:s10+$0xB0];
	v3 =	vmul.f32 $1.131370830e+01, v3;
	[tilespmem:s7+$0x60] =	vst v5;
	s7 =	smov.u32 s10  }
0x2bd: {  	v13 =	vld [tilespmem:s10+$0x50];
	[tilespmem:s10+$0xA0] =	vst v7  }
.Ltmp14:
0x2be: {  	v4 =	vmul.f32 $1.131370830e+01, v8;
	[tilespmem:s10+$0xD0] =	vst v3;
	v6 =	vld [tilespmem:s10+$0xF0];
	(pc) =	sbr.rel @p0 .LBB2_30-.Ltmp14, $4  }
0x2bf: {  	v3 =	vld [tilespmem:s10+$0x80];
	v7 =	vmul.f32 $1.131370830e+01, v10;
	[tilespmem:s10+$0xE0] =	vst v9  }
0x2c0: {  	v9 =	vmul.f32 $1.131370830e+01, v11;
	[tilespmem:s10+$0x40] =	vst v4;
	v4 =	vld [tilespmem:s10+$0x70]  }
0x2c1: {  	v1 =	vmul.f32 $1.131370830e+01, v1;
	v8 =	vmul.f32 $1.131370830e+01, v2;
	v5 =	vld [tilespmem:s10+$0x60];
	[tilespmem:s10+$0xC0] =	vst v7  }
0x2c2: {  	v2 =	vmul.f32 $1.131370830e+01, v12;
	s10 =	sadd.s32 $0x100, s10;
	[tilespmem:s7+$0x20] =	vst v9;
	v7 =	vld [tilespmem:s7+$0x30];
	v9 =	vmul.f32 $1.131370830e+01, v13  }
0x2c3: {  	[tilespmem:s7+$0x0] =	vst v8  }
0x2c4: {  	[tilespmem:s7+$0x10] =	vst v1  }
0x2c5: {  	v6 =	vmul.f32 $1.131370830e+01, v6;
	[tilespmem:s7+$0x50] =	vst v9  }
0x2c6: {  	v0 =	vmul.f32 $1.131370830e+01, v0;
	[tilespmem:s7+$0xB0] =	vst v2  }
0x2c7: {  	v3 =	vmul.f32 $1.131370830e+01, v3;
	[tilespmem:s7+$0xF0] =	vst v6  }
0x2c8: {  	[tilespmem:s7+$0x90] =	vst v0;
	v62 =	vmul.f32 $1.131370830e+01, v4  }
0x2c9: {  	[tilespmem:s7+$0x80] =	vst v3;
	v63 =	vmul.f32 $1.131370830e+01, v5  }
0x2ca: {  	v61 =	vmul.f32 $1.131370830e+01, v7;
	[tilespmem:s7+$0x70] =	vst v62  }
0x2cb: {  	[tilespmem:s7+$0x60] =	vst v63  }
0x2cc: {  	s19 =	rddreg [dreg:$0x10];
	[tilespmem:s7+$0x30] =	vst v61  }
0x2cd: {  	[hbm4b:s19+s4] =	stream.linear.scatter [tilespmem:s23], [sflag:$0x8], $0x4000, $0x38;
	[tilespmem:$0x19C00] =	vst v63  }
0x2ce: {  	_ =	swait.ge [sflag:s17], $0x4000  }
0x2cf: {  	[sflag:s17] =	ssyncset.done $0x0  }
0x2d0: {  	[sflag:s17] =	ssyncadd.s32 $0xFFFFC000  }
0x2d1: {  	_ =	swait.ge [sflag:s30], $0x4000  }
0x2d2: {  	[sflag:s30] =	ssyncset.done $0x0  }
0x2d3: {  	[sflag:s30] =	ssyncadd.s32 $0xFFFFC000  }
0x2d4: {  	_ =	swait.ge [sflag:s5], $0x4000  }
0x2d5: {  	s9 =	rddreg [dreg:$0x12]  }
0x2d6: {  	s20 =	rddreg [dreg:$0x11];
	s9 =	sadd.s32 $0x1, s9  }
0x2d7: {  	p0 =	sne.s32 s9, s20  }
.Ltmp15:
0x2d8: {  	_ = 	snop;
	(pc) =	sbr.rel @p0 .LBB2_1-.Ltmp15, $3  }
0x2d9: {  	_ =	sdelay $0x1  }
0x2da: {  	[sflag:s5] =	ssyncset.done $0x0  }
0x2db: {  	[sflag:s5] =	ssyncadd.s32 $0xFFFFC000  }
0x2dc: {  	_ =	sfence.sel $0x180000  }
0x2dd: {  	[bflag:$0x0] =	sbarrier.arrive $0xFFFF  }
0x2de: {  	_ =	strace $0x90000047  }
0x2df: {  	s0 =	stileid.u32;
	[bflag:$0x2] =	sbarrier.arrive $0xFFFF  }
0x2e0: {  	p0 =	sne.s32 s0, $0x0;
	s0 =	rddreg [dreg:$0x3]  }
0x2e1: {  	s0 =	sadd.s32 @!p0 $0x100000, s0  }
0x2e2: {  	[sflag:s0] =	ssyncadd.tile.s32 @!p0 $0x1;
	_ =	shalt  }
.Lfunc_end2:
_tile_overlayer_lowered:
.L_overlay_start_2:
0x2e3: {  	(tag) =	ssettag $0x2  }
0x2e4: {  	s0 =	rddreg [dreg:$0x0];
	s2 =	stileid.u32  }
0x2e5: {  	s1 =	rddreg [dreg:$0x1];
	p0 =	sne.s32 s2, $0x0  }
0x2e6: {  	s3 =	rddreg [dreg:$0x2];
	[bflag:$0x3] =	sbarrier.arrive $0xFFFF;
	s2 =	simm.s32 @!p0 $0x1C0D  }
0x2e7: {  	[timem:s3], [sflag:s2] =	dma.local @!p0 [hbm:s0], s1  }
0x2e8: {  	s0 =	simm.s32 @!p0 $0xD  }
0x2e9: {  	_ =	swait.ge @!p0 [sflag:s0], s1  }
0x2ea: {  	s1 =	ssub.s32 @!p0 $0x0, s1;
	[sflag:s0] =	ssyncset.done @!p0 $0x0  }
0x2eb: {  	[sflag:s0] =	ssyncadd.s32 @!p0 s1  }
0x2ec: {  	[bflag:$0x3] =	sbarrier.arrive $0xFFFF  }
0x2ed: {  	_ =	shalt  }

</sc_bundles>
